<compile_context>
chip_gen: v7x
topology: tpu7x:2x2x1
jax: 0.10.2.dev20260603
libtpu: 0.0.44.dev20260713+nightly
codegen_flags: <defaults>
</compile_context>

<pallas_src>
import functools

import jax
import jax.numpy as jnp
from jax import lax
from jax.experimental import pallas as pl
from jax.experimental.pallas import tpu as pltpu
from jax.experimental.pallas import tpu_sc as plsc

B = 4096
L = 200
D = 128
V = 129
VP = 136
NW = 32
ROWS_PER_W = B // NW
TOK_PER_W = ROWS_PER_W * L
CH = 128
NCHUNK = TOK_PER_W // CH
NBUF = 5
NGROUP = NCHUNK // NBUF
PERIOD = 3200
NPAT = PERIOD // CH


def _build_body(table_ref, pe_ref, out_ref):
    t = jnp.concatenate(
        [table_ref[...], jnp.zeros((VP - V, D), jnp.float32)], axis=0
    )
    for j in range(L):
        out_ref[pl.ds(j * VP, VP)] = t + pe_ref[j]


_build_combined = pl.pallas_call(
    _build_body,
    grid=(1,),
    in_specs=[
        pl.BlockSpec((V, D), lambda i: (0, 0)),
        pl.BlockSpec((L, 1, D), lambda i: (0, 0, 0)),
    ],
    out_specs=pl.BlockSpec((L * VP, D), lambda i: (0, 0)),
    out_shape=jax.ShapeDtypeStruct((L * VP, D), jnp.float32),
)


@functools.partial(
    pl.kernel,
    out_type=jax.ShapeDtypeStruct((B * L, D), jnp.float32),
    mesh=plsc.VectorSubcoreMesh(core_axis_name="c", subcore_axis_name="s"),
    scratch_types=[
        pltpu.VMEM((TOK_PER_W,), jnp.int32),
        pltpu.VMEM((PERIOD,), jnp.int32),
        pltpu.VMEM((CH, D), jnp.float32),
        pltpu.VMEM((CH, D), jnp.float32),
        pltpu.VMEM((CH, D), jnp.float32),
        pltpu.VMEM((CH, D), jnp.float32),
        pltpu.VMEM((CH, D), jnp.float32),
        pltpu.SemaphoreType.DMA,
        pltpu.SemaphoreType.DMA,
        pltpu.SemaphoreType.DMA,
        pltpu.SemaphoreType.DMA,
        pltpu.SemaphoreType.DMA,
        pltpu.SemaphoreType.DMA,
        pltpu.SemaphoreType.DMA,
        pltpu.SemaphoreType.DMA,
        pltpu.SemaphoreType.DMA,
        pltpu.SemaphoreType.DMA,
    ],
)
def _embed_sc(seq_hbm, comb_hbm, pat_hbm, out_hbm,
              idx_all, pat_v, buf0, buf1, buf2, buf3, buf4,
              gsem0, gsem1, gsem2, gsem3, gsem4,
              ssem0, ssem1, ssem2, ssem3, ssem4):
    wid = lax.axis_index("s") * 2 + lax.axis_index("c")
    base_tok = wid * TOK_PER_W
    bufs = (buf0, buf1, buf2, buf3, buf4)
    gsems = (gsem0, gsem1, gsem2, gsem3, gsem4)
    ssems = (ssem0, ssem1, ssem2, ssem3, ssem4)

    pltpu.sync_copy(seq_hbm.at[pl.ds(base_tok, TOK_PER_W)], idx_all)
    pltpu.sync_copy(pat_hbm, pat_v)

    def fix_chunk(c):
        pb = lax.rem(c, NPAT) * CH
        cb = c * CH
        for k in range(CH // 16):
            sl = pl.ds(cb + k * 16, 16)
            idx_all[sl] = idx_all[sl] + pat_v[pl.ds(pb + k * 16, 16)]

    def start_g(c, b):
        pltpu.async_copy(
            comb_hbm.at[idx_all.at[pl.ds(c * CH, CH)]], bufs[b], gsems[b]
        )

    def wait_g(c, b):
        pltpu.make_async_copy(
            comb_hbm.at[idx_all.at[pl.ds(c * CH, CH)]], bufs[b], gsems[b]
        ).wait()

    def start_s(c, b):
        pltpu.async_copy(
            bufs[b], out_hbm.at[pl.ds(base_tok + c * CH, CH)], ssems[b]
        )

    def wait_s(c, b):
        pltpu.make_async_copy(
            bufs[b], out_hbm.at[pl.ds(base_tok + c * CH, CH)], ssems[b]
        ).wait()

    for b in range(NBUF):
        fix_chunk(b)
        start_g(b, b)

    def group(g, carry):
        c0 = NBUF * g
        for b in range(NBUF):
            wait_g(c0 + b, b)
            start_s(c0 + b, b)

        @pl.when(g < NGROUP - 1)
        def _prefetch():
            for b in range(NBUF):
                wait_s(c0 + b, b)
                fix_chunk(c0 + NBUF + b)
                start_g(c0 + NBUF + b, b)

        return carry

    lax.fori_loop(0, NGROUP, group, 0)
    for b in range(NBUF):
        wait_s(0, b)


def kernel(sequence, token_table, pe):
    pe_slice = pe[0, :L, :].reshape(L, 1, D)
    combined = _build_combined(token_table, pe_slice)
    seq = sequence.reshape(B * L).astype(jnp.int32)
    pat = (jnp.arange(PERIOD, dtype=jnp.int32) % L) * VP
    out = _embed_sc(seq, combined, pat)
    return out.reshape(B, L, D)

# --- scband reference (transcript-rebuilt; emitter-appended) ---
"""Pipeline reference for scband-bertembedding-13872744366185 (READ-ONLY COPY).

The authoritative reference and input builder live on the scoring server;
editing this copy changes nothing except your own understanding.
"""

import jax, jax.numpy as jnp
import numpy as np

EMBED_SIZE = 128
MAX_LEN = 512


def _make_token_table(embed_size):
    tok = np.concatenate([np.eye(embed_size, dtype=np.float32), -np.ones((1, embed_size), dtype=np.float32)], axis=0)
    return jnp.asarray(tok)


def _make_pe(d_model, max_len=MAX_LEN):
    position = np.arange(max_len, dtype=np.float32)[:, None]
    div_term = np.exp(np.arange(0, d_model, 2, dtype=np.float32) * -(np.log(10000.0) / d_model))
    pe = np.zeros((max_len, d_model), dtype=np.float32)
    pe[:, 0::2] = np.sin(position * div_term)
    pe[:, 1::2] = np.cos(position * div_term)
    return jnp.asarray(pe)[None, :, :]  # [1, max_len, d_model]


def setup_inputs(seed: int = 0) -> dict:
    key = jax.random.key(seed)
    sequence = jax.random.randint(key, (4096, 200), 0, EMBED_SIZE + 1, dtype=jnp.int64)
    token_table = _make_token_table(EMBED_SIZE)  # [embed_size+1, embed_size] buffer
    pe = _make_pe(EMBED_SIZE)  # [1, max_len, embed_size] buffer
    return {"sequence": sequence, "token_table": token_table, "pe": pe}


def reference(sequence, token_table, pe):
    # x = self._token[sequence.long()] + self.position(sequence)
    L = sequence.shape[1]
    tok = jnp.take(token_table, sequence, axis=0)          # [B, L, D] gather
    pos = pe[:, :L, :]                                      # [1, L, D], broadcasts over batch
    x = tok + pos
    # dropout in eval mode -> identity
    return x

if __name__ == "__main__":
    import jax
    _d = setup_inputs()
    print(jax.jit(kernel)(*tuple(_d.values())))

</pallas_src>

<mosaic_0001>
#map = affine_map<(d0, d1) -> (0)>
#map1 = affine_map<(d0, d1) -> (0, 0)>
module attributes {stable_mosaic.version = 14 : i64} {
  func.func @_embed_sc(%arg0: i32, %arg1: i32, %arg2: memref<819200xi32, #tpu.memory_space<hbm>>, %arg3: memref<27200x128xf32, #tpu.memory_space<hbm>>, %arg4: memref<3200xi32, #tpu.memory_space<hbm>>, %arg5: memref<819200x128xf32, #tpu.memory_space<hbm>>, %arg6: memref<25600xi32, #tpu.memory_space<vmem>>, %arg7: memref<3200xi32, #tpu.memory_space<vmem>>, %arg8: memref<128x128xf32, #tpu.memory_space<vmem>>, %arg9: memref<128x128xf32, #tpu.memory_space<vmem>>, %arg10: memref<128x128xf32, #tpu.memory_space<vmem>>, %arg11: memref<128x128xf32, #tpu.memory_space<vmem>>, %arg12: memref<128x128xf32, #tpu.memory_space<vmem>>, %arg13: memref<!tpu.dma_semaphore, #tpu.memory_space<semaphore_mem>>, %arg14: memref<!tpu.dma_semaphore, #tpu.memory_space<semaphore_mem>>, %arg15: memref<!tpu.dma_semaphore, #tpu.memory_space<semaphore_mem>>, %arg16: memref<!tpu.dma_semaphore, #tpu.memory_space<semaphore_mem>>, %arg17: memref<!tpu.dma_semaphore, #tpu.memory_space<semaphore_mem>>, %arg18: memref<!tpu.dma_semaphore, #tpu.memory_space<semaphore_mem>>, %arg19: memref<!tpu.dma_semaphore, #tpu.memory_space<semaphore_mem>>, %arg20: memref<!tpu.dma_semaphore, #tpu.memory_space<semaphore_mem>>, %arg21: memref<!tpu.dma_semaphore, #tpu.memory_space<semaphore_mem>>, %arg22: memref<!tpu.dma_semaphore, #tpu.memory_space<semaphore_mem>>) attributes {dimension_semantics = [#tpu.dimension_semantics<core_parallel>, #tpu.dimension_semantics<subcore_parallel>], iteration_bounds = array<i64: 2, 16>, scalar_prefetch = 0 : i64, scratch_operands = 17 : i64, tpu.core_type = #tpu.core_type<sc_vector_subcore>, window_params = [{transform_indices = #map}, {transform_indices = #map1}, {transform_indices = #map}, {transform_indices = #map1}]} {
    %mul3A = arith.constant 2 : i32
    %mul3A_0 = arith.muli %arg1, %mul3A : i32
    %add3A = arith.addi %mul3A_0, %arg0 : i32
    %mul3A_1 = arith.constant 25600 : i32
    %mul3A_2 = arith.muli %add3A, %mul3A_1 : i32
    "tpu.region"() ({
      %run_scoped3A = tpu.sem_alloc : memref<!tpu.dma_semaphore, #tpu.memory_space<semaphore_mem>>
      %dma_start3A_603 = tpu.memref_slice %arg2[%mul3A_2] : memref<819200xi32, #tpu.memory_space<hbm>> -> memref<25600xi32, #tpu.memory_space<hbm>>
      %dma_start3A_604 = tpu.memref_slice %arg2[%mul3A_2] : memref<819200xi32, #tpu.memory_space<hbm>> -> memref<25600xi32, #tpu.memory_space<hbm>>
      tpu.enqueue_dma source(%dma_start3A_604 : memref<25600xi32, #tpu.memory_space<hbm>>) target(%arg6 : memref<25600xi32, #tpu.memory_space<vmem>>) target_semaphore(%run_scoped3A : memref<!tpu.dma_semaphore, #tpu.memory_space<semaphore_mem>>)
      %dma_wait3A_605 = tpu.memref_slice %arg2[%mul3A_2] : memref<819200xi32, #tpu.memory_space<hbm>> -> memref<25600xi32, #tpu.memory_space<hbm>>
      %dma_wait3A_606 = tpu.memref_slice %arg2[%mul3A_2] : memref<819200xi32, #tpu.memory_space<hbm>> -> memref<25600xi32, #tpu.memory_space<hbm>>
      tpu.wait_dma2 semaphore(%run_scoped3A : memref<!tpu.dma_semaphore, #tpu.memory_space<semaphore_mem>>) src(%dma_wait3A_606 : memref<25600xi32, #tpu.memory_space<hbm>>) dst(%arg6 : memref<25600xi32, #tpu.memory_space<vmem>>)
      tpu.yield
    }) : () -> ()
    "tpu.region"() ({
      %run_scoped3A = tpu.sem_alloc : memref<!tpu.dma_semaphore, #tpu.memory_space<semaphore_mem>>
      tpu.enqueue_dma source(%arg4 : memref<3200xi32, #tpu.memory_space<hbm>>) target(%arg7 : memref<3200xi32, #tpu.memory_space<vmem>>) target_semaphore(%run_scoped3A : memref<!tpu.dma_semaphore, #tpu.memory_space<semaphore_mem>>)
      tpu.wait_dma2 semaphore(%run_scoped3A : memref<!tpu.dma_semaphore, #tpu.memory_space<semaphore_mem>>) src(%arg4 : memref<3200xi32, #tpu.memory_space<hbm>>) dst(%arg7 : memref<3200xi32, #tpu.memory_space<vmem>>)
      tpu.yield
    }) : () -> ()
    %rem3A = arith.constant 0 : i32
    %rem3A_3 = arith.constant 25 : i32
    %rem3A_4 = arith.remsi %rem3A, %rem3A_3 : i32
    %mul3A_5 = arith.constant 128 : i32
    %mul3A_6 = arith.muli %rem3A_4, %mul3A_5 : i32
    %get3A = arith.constant 0 : index
    %get3A_7 = tpu.vector_load %arg6[%get3A] {strides = array<i32>} : memref<25600xi32, #tpu.memory_space<vmem>>, vector<16xi32>,
    %get3A_8 = vector.shape_cast %get3A_7 : vector<16xi32> to vector<16xi32>
    %add3A_9 = arith.constant 0 : i32
    %add3A_10 = arith.addi %mul3A_6, %add3A_9 : i32
    %get3A_11 = arith.index_cast %add3A_10 : i32 to index
    %get3A_12 = tpu.vector_load %arg7[%get3A_11] {strides = array<i32>} : memref<3200xi32, #tpu.memory_space<vmem>>, vector<16xi32>,
    %get3A_13 = vector.shape_cast %get3A_12 : vector<16xi32> to vector<16xi32>
    %add3A_14 = arith.addi %get3A_8, %get3A_13 : vector<16xi32>
    %swap3A = arith.constant 0 : index
    %swap3A_15 = tpu.vector_load %arg6[%swap3A] {strides = array<i32>} : memref<25600xi32, #tpu.memory_space<vmem>>, vector<16xi32>,
    %swap3A_16 = vector.shape_cast %swap3A_15 : vector<16xi32> to vector<16xi32>
    %swap3A_17 = vector.shape_cast %add3A_14 : vector<16xi32> to vector<16xi32>
    tpu.vector_store %arg6[%swap3A], %swap3A_17 {strides = array<i32>} : memref<25600xi32, #tpu.memory_space<vmem>>, vector<16xi32>,
    %get3A_18 = arith.constant 16 : index
    %get3A_19 = tpu.vector_load %arg6[%get3A_18] {strides = array<i32>} : memref<25600xi32, #tpu.memory_space<vmem>>, vector<16xi32>,
    %get3A_20 = vector.shape_cast %get3A_19 : vector<16xi32> to vector<16xi32>
    %add3A_21 = arith.constant 16 : i32
    %add3A_22 = arith.addi %mul3A_6, %add3A_21 : i32
    %get3A_23 = arith.index_cast %add3A_22 : i32 to index
    %get3A_24 = tpu.vector_load %arg7[%get3A_23] {strides = array<i32>} : memref<3200xi32, #tpu.memory_space<vmem>>, vector<16xi32>,
    %get3A_25 = vector.shape_cast %get3A_24 : vector<16xi32> to vector<16xi32>
    %add3A_26 = arith.addi %get3A_20, %get3A_25 : vector<16xi32>
    %swap3A_27 = arith.constant 16 : index
    %swap3A_28 = tpu.vector_load %arg6[%swap3A_27] {strides = array<i32>} : memref<25600xi32, #tpu.memory_space<vmem>>, vector<16xi32>,
    %swap3A_29 = vector.shape_cast %swap3A_28 : vector<16xi32> to vector<16xi32>
    %swap3A_30 = vector.shape_cast %add3A_26 : vector<16xi32> to vector<16xi32>
    tpu.vector_store %arg6[%swap3A_27], %swap3A_30 {strides = array<i32>} : memref<25600xi32, #tpu.memory_space<vmem>>, vector<16xi32>,
    %get3A_31 = arith.constant 32 : index
    %get3A_32 = tpu.vector_load %arg6[%get3A_31] {strides = array<i32>} : memref<25600xi32, #tpu.memory_space<vmem>>, vector<16xi32>,
    %get3A_33 = vector.shape_cast %get3A_32 : vector<16xi32> to vector<16xi32>
    %add3A_34 = arith.constant 32 : i32
    %add3A_35 = arith.addi %mul3A_6, %add3A_34 : i32
    %get3A_36 = arith.index_cast %add3A_35 : i32 to index
    %get3A_37 = tpu.vector_load %arg7[%get3A_36] {strides = array<i32>} : memref<3200xi32, #tpu.memory_space<vmem>>, vector<16xi32>,
    %get3A_38 = vector.shape_cast %get3A_37 : vector<16xi32> to vector<16xi32>
    %add3A_39 = arith.addi %get3A_33, %get3A_38 : vector<16xi32>
    %swap3A_40 = arith.constant 32 : index
    %swap3A_41 = tpu.vector_load %arg6[%swap3A_40] {strides = array<i32>} : memref<25600xi32, #tpu.memory_space<vmem>>, vector<16xi32>,
    %swap3A_42 = vector.shape_cast %swap3A_41 : vector<16xi32> to vector<16xi32>
    %swap3A_43 = vector.shape_cast %add3A_39 : vector<16xi32> to vector<16xi32>
    tpu.vector_store %arg6[%swap3A_40], %swap3A_43 {strides = array<i32>} : memref<25600xi32, #tpu.memory_space<vmem>>, vector<16xi32>,
    %get3A_44 = arith.constant 48 : index
    %get3A_45 = tpu.vector_load %arg6[%get3A_44] {strides = array<i32>} : memref<25600xi32, #tpu.memory_space<vmem>>, vector<16xi32>,
    %get3A_46 = vector.shape_cast %get3A_45 : vector<16xi32> to vector<16xi32>
    %add3A_47 = arith.constant 48 : i32
    %add3A_48 = arith.addi %mul3A_6, %add3A_47 : i32
    %get3A_49 = arith.index_cast %add3A_48 : i32 to index
    %get3A_50 = tpu.vector_load %arg7[%get3A_49] {strides = array<i32>} : memref<3200xi32, #tpu.memory_space<vmem>>, vector<16xi32>,
    %get3A_51 = vector.shape_cast %get3A_50 : vector<16xi32> to vector<16xi32>
    %add3A_52 = arith.addi %get3A_46, %get3A_51 : vector<16xi32>
    %swap3A_53 = arith.constant 48 : index
    %swap3A_54 = tpu.vector_load %arg6[%swap3A_53] {strides = array<i32>} : memref<25600xi32, #tpu.memory_space<vmem>>, vector<16xi32>,
    %swap3A_55 = vector.shape_cast %swap3A_54 : vector<16xi32> to vector<16xi32>
    %swap3A_56 = vector.shape_cast %add3A_52 : vector<16xi32> to vector<16xi32>
    tpu.vector_store %arg6[%swap3A_53], %swap3A_56 {strides = array<i32>} : memref<25600xi32, #tpu.memory_space<vmem>>, vector<16xi32>,
    %get3A_57 = arith.constant 64 : index
    %get3A_58 = tpu.vector_load %arg6[%get3A_57] {strides = array<i32>} : memref<25600xi32, #tpu.memory_space<vmem>>, vector<16xi32>,
    %get3A_59 = vector.shape_cast %get3A_58 : vector<16xi32> to vector<16xi32>
    %add3A_60 = arith.constant 64 : i32
    %add3A_61 = arith.addi %mul3A_6, %add3A_60 : i32
    %get3A_62 = arith.index_cast %add3A_61 : i32 to index
    %get3A_63 = tpu.vector_load %arg7[%get3A_62] {strides = array<i32>} : memref<3200xi32, #tpu.memory_space<vmem>>, vector<16xi32>,
    %get3A_64 = vector.shape_cast %get3A_63 : vector<16xi32> to vector<16xi32>
    %add3A_65 = arith.addi %get3A_59, %get3A_64 : vector<16xi32>
    %swap3A_66 = arith.constant 64 : index
    %swap3A_67 = tpu.vector_load %arg6[%swap3A_66] {strides = array<i32>} : memref<25600xi32, #tpu.memory_space<vmem>>, vector<16xi32>,
    %swap3A_68 = vector.shape_cast %swap3A_67 : vector<16xi32> to vector<16xi32>
    %swap3A_69 = vector.shape_cast %add3A_65 : vector<16xi32> to vector<16xi32>
    tpu.vector_store %arg6[%swap3A_66], %swap3A_69 {strides = array<i32>} : memref<25600xi32, #tpu.memory_space<vmem>>, vector<16xi32>,
    %get3A_70 = arith.constant 80 : index
    %get3A_71 = tpu.vector_load %arg6[%get3A_70] {strides = array<i32>} : memref<25600xi32, #tpu.memory_space<vmem>>, vector<16xi32>,
    %get3A_72 = vector.shape_cast %get3A_71 : vector<16xi32> to vector<16xi32>
    %add3A_73 = arith.constant 80 : i32
    %add3A_74 = arith.addi %mul3A_6, %add3A_73 : i32
    %get3A_75 = arith.index_cast %add3A_74 : i32 to index
    %get3A_76 = tpu.vector_load %arg7[%get3A_75] {strides = array<i32>} : memref<3200xi32, #tpu.memory_space<vmem>>, vector<16xi32>,
    %get3A_77 = vector.shape_cast %get3A_76 : vector<16xi32> to vector<16xi32>
    %add3A_78 = arith.addi %get3A_72, %get3A_77 : vector<16xi32>
    %swap3A_79 = arith.constant 80 : index
    %swap3A_80 = tpu.vector_load %arg6[%swap3A_79] {strides = array<i32>} : memref<25600xi32, #tpu.memory_space<vmem>>, vector<16xi32>,
    %swap3A_81 = vector.shape_cast %swap3A_80 : vector<16xi32> to vector<16xi32>
    %swap3A_82 = vector.shape_cast %add3A_78 : vector<16xi32> to vector<16xi32>
    tpu.vector_store %arg6[%swap3A_79], %swap3A_82 {strides = array<i32>} : memref<25600xi32, #tpu.memory_space<vmem>>, vector<16xi32>,
    %get3A_83 = arith.constant 96 : index
    %get3A_84 = tpu.vector_load %arg6[%get3A_83] {strides = array<i32>} : memref<25600xi32, #tpu.memory_space<vmem>>, vector<16xi32>,
    %get3A_85 = vector.shape_cast %get3A_84 : vector<16xi32> to vector<16xi32>
    %add3A_86 = arith.constant 96 : i32
    %add3A_87 = arith.addi %mul3A_6, %add3A_86 : i32
    %get3A_88 = arith.index_cast %add3A_87 : i32 to index
    %get3A_89 = tpu.vector_load %arg7[%get3A_88] {strides = array<i32>} : memref<3200xi32, #tpu.memory_space<vmem>>, vector<16xi32>,
    %get3A_90 = vector.shape_cast %get3A_89 : vector<16xi32> to vector<16xi32>
    %add3A_91 = arith.addi %get3A_85, %get3A_90 : vector<16xi32>
    %swap3A_92 = arith.constant 96 : index
    %swap3A_93 = tpu.vector_load %arg6[%swap3A_92] {strides = array<i32>} : memref<25600xi32, #tpu.memory_space<vmem>>, vector<16xi32>,
    %swap3A_94 = vector.shape_cast %swap3A_93 : vector<16xi32> to vector<16xi32>
    %swap3A_95 = vector.shape_cast %add3A_91 : vector<16xi32> to vector<16xi32>
    tpu.vector_store %arg6[%swap3A_92], %swap3A_95 {strides = array<i32>} : memref<25600xi32, #tpu.memory_space<vmem>>, vector<16xi32>,
    %get3A_96 = arith.constant 112 : index
    %get3A_97 = tpu.vector_load %arg6[%get3A_96] {strides = array<i32>} : memref<25600xi32, #tpu.memory_space<vmem>>, vector<16xi32>,
    %get3A_98 = vector.shape_cast %get3A_97 : vector<16xi32> to vector<16xi32>
    %add3A_99 = arith.constant 112 : i32
    %add3A_100 = arith.addi %mul3A_6, %add3A_99 : i32
    %get3A_101 = arith.index_cast %add3A_100 : i32 to index
    %get3A_102 = tpu.vector_load %arg7[%get3A_101] {strides = array<i32>} : memref<3200xi32, #tpu.memory_space<vmem>>, vector<16xi32>,
    %get3A_103 = vector.shape_cast %get3A_102 : vector<16xi32> to vector<16xi32>
    %add3A_104 = arith.addi %get3A_98, %get3A_103 : vector<16xi32>
    %swap3A_105 = arith.constant 112 : index
    %swap3A_106 = tpu.vector_load %arg6[%swap3A_105] {strides = array<i32>} : memref<25600xi32, #tpu.memory_space<vmem>>, vector<16xi32>,
    %swap3A_107 = vector.shape_cast %swap3A_106 : vector<16xi32> to vector<16xi32>
    %swap3A_108 = vector.shape_cast %add3A_104 : vector<16xi32> to vector<16xi32>
    tpu.vector_store %arg6[%swap3A_105], %swap3A_108 {strides = array<i32>} : memref<25600xi32, #tpu.memory_space<vmem>>, vector<16xi32>,
    %dma_start3A = arith.constant 0 : i32
    %dma_start3A_109 = tpu.memref_slice %arg6[%dma_start3A] : memref<25600xi32, #tpu.memory_space<vmem>> -> memref<128xi32, #tpu.memory_space<vmem>>
    %dma_start3A_110 = arith.constant 0 : i32
    %dma_start3A_111 = arith.constant 0 : i32
    %dma_start3A_112 = tpu.memref_slice %arg3[%dma_start3A_110, %dma_start3A_111] : memref<27200x128xf32, #tpu.memory_space<hbm>> -> memref<27200x128xf32, #tpu.memory_space<hbm>>
    tpu.enqueue_indirect_dma source(%dma_start3A_112 : memref<27200x128xf32, #tpu.memory_space<hbm>>) target(%arg8 : memref<128x128xf32, #tpu.memory_space<vmem>>) offsets(%dma_start3A_109 : memref<128xi32, #tpu.memory_space<vmem>>) semaphore(%arg13 : memref<!tpu.dma_semaphore, #tpu.memory_space<semaphore_mem>>)
    %rem3A_113 = arith.constant 1 : i32
    %rem3A_114 = arith.constant 25 : i32
    %rem3A_115 = arith.remsi %rem3A_113, %rem3A_114 : i32
    %mul3A_116 = arith.constant 128 : i32
    %mul3A_117 = arith.muli %rem3A_115, %mul3A_116 : i32
    %get3A_118 = arith.constant 128 : index
    %get3A_119 = tpu.vector_load %arg6[%get3A_118] {strides = array<i32>} : memref<25600xi32, #tpu.memory_space<vmem>>, vector<16xi32>,
    %get3A_120 = vector.shape_cast %get3A_119 : vector<16xi32> to vector<16xi32>
    %add3A_121 = arith.constant 0 : i32
    %add3A_122 = arith.addi %mul3A_117, %add3A_121 : i32
    %get3A_123 = arith.index_cast %add3A_122 : i32 to index
    %get3A_124 = tpu.vector_load %arg7[%get3A_123] {strides = array<i32>} : memref<3200xi32, #tpu.memory_space<vmem>>, vector<16xi32>,
    %get3A_125 = vector.shape_cast %get3A_124 : vector<16xi32> to vector<16xi32>
    %add3A_126 = arith.addi %get3A_120, %get3A_125 : vector<16xi32>
    %swap3A_127 = arith.constant 128 : index
    %swap3A_128 = tpu.vector_load %arg6[%swap3A_127] {strides = array<i32>} : memref<25600xi32, #tpu.memory_space<vmem>>, vector<16xi32>,
    %swap3A_129 = vector.shape_cast %swap3A_128 : vector<16xi32> to vector<16xi32>
    %swap3A_130 = vector.shape_cast %add3A_126 : vector<16xi32> to vector<16xi32>
    tpu.vector_store %arg6[%swap3A_127], %swap3A_130 {strides = array<i32>} : memref<25600xi32, #tpu.memory_space<vmem>>, vector<16xi32>,
    %get3A_131 = arith.constant 144 : index
    %get3A_132 = tpu.vector_load %arg6[%get3A_131] {strides = array<i32>} : memref<25600xi32, #tpu.memory_space<vmem>>, vector<16xi32>,
    %get3A_133 = vector.shape_cast %get3A_132 : vector<16xi32> to vector<16xi32>
    %add3A_134 = arith.constant 16 : i32
    %add3A_135 = arith.addi %mul3A_117, %add3A_134 : i32
    %get3A_136 = arith.index_cast %add3A_135 : i32 to index
    %get3A_137 = tpu.vector_load %arg7[%get3A_136] {strides = array<i32>} : memref<3200xi32, #tpu.memory_space<vmem>>, vector<16xi32>,
    %get3A_138 = vector.shape_cast %get3A_137 : vector<16xi32> to vector<16xi32>
    %add3A_139 = arith.addi %get3A_133, %get3A_138 : vector<16xi32>
    %swap3A_140 = arith.constant 144 : index
    %swap3A_141 = tpu.vector_load %arg6[%swap3A_140] {strides = array<i32>} : memref<25600xi32, #tpu.memory_space<vmem>>, vector<16xi32>,
    %swap3A_142 = vector.shape_cast %swap3A_141 : vector<16xi32> to vector<16xi32>
    %swap3A_143 = vector.shape_cast %add3A_139 : vector<16xi32> to vector<16xi32>
    tpu.vector_store %arg6[%swap3A_140], %swap3A_143 {strides = array<i32>} : memref<25600xi32, #tpu.memory_space<vmem>>, vector<16xi32>,
    %get3A_144 = arith.constant 160 : index
    %get3A_145 = tpu.vector_load %arg6[%get3A_144] {strides = array<i32>} : memref<25600xi32, #tpu.memory_space<vmem>>, vector<16xi32>,
    %get3A_146 = vector.shape_cast %get3A_145 : vector<16xi32> to vector<16xi32>
    %add3A_147 = arith.constant 32 : i32
    %add3A_148 = arith.addi %mul3A_117, %add3A_147 : i32
    %get3A_149 = arith.index_cast %add3A_148 : i32 to index
    %get3A_150 = tpu.vector_load %arg7[%get3A_149] {strides = array<i32>} : memref<3200xi32, #tpu.memory_space<vmem>>, vector<16xi32>,
    %get3A_151 = vector.shape_cast %get3A_150 : vector<16xi32> to vector<16xi32>
    %add3A_152 = arith.addi %get3A_146, %get3A_151 : vector<16xi32>
    %swap3A_153 = arith.constant 160 : index
    %swap3A_154 = tpu.vector_load %arg6[%swap3A_153] {strides = array<i32>} : memref<25600xi32, #tpu.memory_space<vmem>>, vector<16xi32>,
    %swap3A_155 = vector.shape_cast %swap3A_154 : vector<16xi32> to vector<16xi32>
    %swap3A_156 = vector.shape_cast %add3A_152 : vector<16xi32> to vector<16xi32>
    tpu.vector_store %arg6[%swap3A_153], %swap3A_156 {strides = array<i32>} : memref<25600xi32, #tpu.memory_space<vmem>>, vector<16xi32>,
    %get3A_157 = arith.constant 176 : index
    %get3A_158 = tpu.vector_load %arg6[%get3A_157] {strides = array<i32>} : memref<25600xi32, #tpu.memory_space<vmem>>, vector<16xi32>,
    %get3A_159 = vector.shape_cast %get3A_158 : vector<16xi32> to vector<16xi32>
    %add3A_160 = arith.constant 48 : i32
    %add3A_161 = arith.addi %mul3A_117, %add3A_160 : i32
    %get3A_162 = arith.index_cast %add3A_161 : i32 to index
    %get3A_163 = tpu.vector_load %arg7[%get3A_162] {strides = array<i32>} : memref<3200xi32, #tpu.memory_space<vmem>>, vector<16xi32>,
    %get3A_164 = vector.shape_cast %get3A_163 : vector<16xi32> to vector<16xi32>
    %add3A_165 = arith.addi %get3A_159, %get3A_164 : vector<16xi32>
    %swap3A_166 = arith.constant 176 : index
    %swap3A_167 = tpu.vector_load %arg6[%swap3A_166] {strides = array<i32>} : memref<25600xi32, #tpu.memory_space<vmem>>, vector<16xi32>,
    %swap3A_168 = vector.shape_cast %swap3A_167 : vector<16xi32> to vector<16xi32>
    %swap3A_169 = vector.shape_cast %add3A_165 : vector<16xi32> to vector<16xi32>
    tpu.vector_store %arg6[%swap3A_166], %swap3A_169 {strides = array<i32>} : memref<25600xi32, #tpu.memory_space<vmem>>, vector<16xi32>,
    %get3A_170 = arith.constant 192 : index
    %get3A_171 = tpu.vector_load %arg6[%get3A_170] {strides = array<i32>} : memref<25600xi32, #tpu.memory_space<vmem>>, vector<16xi32>,
    %get3A_172 = vector.shape_cast %get3A_171 : vector<16xi32> to vector<16xi32>
    %add3A_173 = arith.constant 64 : i32
    %add3A_174 = arith.addi %mul3A_117, %add3A_173 : i32
    %get3A_175 = arith.index_cast %add3A_174 : i32 to index
    %get3A_176 = tpu.vector_load %arg7[%get3A_175] {strides = array<i32>} : memref<3200xi32, #tpu.memory_space<vmem>>, vector<16xi32>,
    %get3A_177 = vector.shape_cast %get3A_176 : vector<16xi32> to vector<16xi32>
    %add3A_178 = arith.addi %get3A_172, %get3A_177 : vector<16xi32>
    %swap3A_179 = arith.constant 192 : index
    %swap3A_180 = tpu.vector_load %arg6[%swap3A_179] {strides = array<i32>} : memref<25600xi32, #tpu.memory_space<vmem>>, vector<16xi32>,
    %swap3A_181 = vector.shape_cast %swap3A_180 : vector<16xi32> to vector<16xi32>
    %swap3A_182 = vector.shape_cast %add3A_178 : vector<16xi32> to vector<16xi32>
    tpu.vector_store %arg6[%swap3A_179], %swap3A_182 {strides = array<i32>} : memref<25600xi32, #tpu.memory_space<vmem>>, vector<16xi32>,
    %get3A_183 = arith.constant 208 : index
    %get3A_184 = tpu.vector_load %arg6[%get3A_183] {strides = array<i32>} : memref<25600xi32, #tpu.memory_space<vmem>>, vector<16xi32>,
    %get3A_185 = vector.shape_cast %get3A_184 : vector<16xi32> to vector<16xi32>
    %add3A_186 = arith.constant 80 : i32
    %add3A_187 = arith.addi %mul3A_117, %add3A_186 : i32
    %get3A_188 = arith.index_cast %add3A_187 : i32 to index
    %get3A_189 = tpu.vector_load %arg7[%get3A_188] {strides = array<i32>} : memref<3200xi32, #tpu.memory_space<vmem>>, vector<16xi32>,
    %get3A_190 = vector.shape_cast %get3A_189 : vector<16xi32> to vector<16xi32>
    %add3A_191 = arith.addi %get3A_185, %get3A_190 : vector<16xi32>
    %swap3A_192 = arith.constant 208 : index
    %swap3A_193 = tpu.vector_load %arg6[%swap3A_192] {strides = array<i32>} : memref<25600xi32, #tpu.memory_space<vmem>>, vector<16xi32>,
    %swap3A_194 = vector.shape_cast %swap3A_193 : vector<16xi32> to vector<16xi32>
    %swap3A_195 = vector.shape_cast %add3A_191 : vector<16xi32> to vector<16xi32>
    tpu.vector_store %arg6[%swap3A_192], %swap3A_195 {strides = array<i32>} : memref<25600xi32, #tpu.memory_space<vmem>>, vector<16xi32>,
    %get3A_196 = arith.constant 224 : index
    %get3A_197 = tpu.vector_load %arg6[%get3A_196] {strides = array<i32>} : memref<25600xi32, #tpu.memory_space<vmem>>, vector<16xi32>,
    %get3A_198 = vector.shape_cast %get3A_197 : vector<16xi32> to vector<16xi32>
    %add3A_199 = arith.constant 96 : i32
    %add3A_200 = arith.addi %mul3A_117, %add3A_199 : i32
    %get3A_201 = arith.index_cast %add3A_200 : i32 to index
    %get3A_202 = tpu.vector_load %arg7[%get3A_201] {strides = array<i32>} : memref<3200xi32, #tpu.memory_space<vmem>>, vector<16xi32>,
    %get3A_203 = vector.shape_cast %get3A_202 : vector<16xi32> to vector<16xi32>
    %add3A_204 = arith.addi %get3A_198, %get3A_203 : vector<16xi32>
    %swap3A_205 = arith.constant 224 : index
    %swap3A_206 = tpu.vector_load %arg6[%swap3A_205] {strides = array<i32>} : memref<25600xi32, #tpu.memory_space<vmem>>, vector<16xi32>,
    %swap3A_207 = vector.shape_cast %swap3A_206 : vector<16xi32> to vector<16xi32>
    %swap3A_208 = vector.shape_cast %add3A_204 : vector<16xi32> to vector<16xi32>
    tpu.vector_store %arg6[%swap3A_205], %swap3A_208 {strides = array<i32>} : memref<25600xi32, #tpu.memory_space<vmem>>, vector<16xi32>,
    %get3A_209 = arith.constant 240 : index
    %get3A_210 = tpu.vector_load %arg6[%get3A_209] {strides = array<i32>} : memref<25600xi32, #tpu.memory_space<vmem>>, vector<16xi32>,
    %get3A_211 = vector.shape_cast %get3A_210 : vector<16xi32> to vector<16xi32>
    %add3A_212 = arith.constant 112 : i32
    %add3A_213 = arith.addi %mul3A_117, %add3A_212 : i32
    %get3A_214 = arith.index_cast %add3A_213 : i32 to index
    %get3A_215 = tpu.vector_load %arg7[%get3A_214] {strides = array<i32>} : memref<3200xi32, #tpu.memory_space<vmem>>, vector<16xi32>,
    %get3A_216 = vector.shape_cast %get3A_215 : vector<16xi32> to vector<16xi32>
    %add3A_217 = arith.addi %get3A_211, %get3A_216 : vector<16xi32>
    %swap3A_218 = arith.constant 240 : index
    %swap3A_219 = tpu.vector_load %arg6[%swap3A_218] {strides = array<i32>} : memref<25600xi32, #tpu.memory_space<vmem>>, vector<16xi32>,
    %swap3A_220 = vector.shape_cast %swap3A_219 : vector<16xi32> to vector<16xi32>
    %swap3A_221 = vector.shape_cast %add3A_217 : vector<16xi32> to vector<16xi32>
    tpu.vector_store %arg6[%swap3A_218], %swap3A_221 {strides = array<i32>} : memref<25600xi32, #tpu.memory_space<vmem>>, vector<16xi32>,
    %dma_start3A_222 = arith.constant 128 : i32
    %dma_start3A_223 = tpu.memref_slice %arg6[%dma_start3A_222] : memref<25600xi32, #tpu.memory_space<vmem>> -> memref<128xi32, #tpu.memory_space<vmem>>
    %dma_start3A_224 = arith.constant 0 : i32
    %dma_start3A_225 = arith.constant 0 : i32
    %dma_start3A_226 = tpu.memref_slice %arg3[%dma_start3A_224, %dma_start3A_225] : memref<27200x128xf32, #tpu.memory_space<hbm>> -> memref<27200x128xf32, #tpu.memory_space<hbm>>
    tpu.enqueue_indirect_dma source(%dma_start3A_226 : memref<27200x128xf32, #tpu.memory_space<hbm>>) target(%arg9 : memref<128x128xf32, #tpu.memory_space<vmem>>) offsets(%dma_start3A_223 : memref<128xi32, #tpu.memory_space<vmem>>) semaphore(%arg14 : memref<!tpu.dma_semaphore, #tpu.memory_space<semaphore_mem>>)
    %rem3A_227 = arith.constant 2 : i32
    %rem3A_228 = arith.constant 25 : i32
    %rem3A_229 = arith.remsi %rem3A_227, %rem3A_228 : i32
    %mul3A_230 = arith.constant 128 : i32
    %mul3A_231 = arith.muli %rem3A_229, %mul3A_230 : i32
    %get3A_232 = arith.constant 256 : index
    %get3A_233 = tpu.vector_load %arg6[%get3A_232] {strides = array<i32>} : memref<25600xi32, #tpu.memory_space<vmem>>, vector<16xi32>,
    %get3A_234 = vector.shape_cast %get3A_233 : vector<16xi32> to vector<16xi32>
    %add3A_235 = arith.constant 0 : i32
    %add3A_236 = arith.addi %mul3A_231, %add3A_235 : i32
    %get3A_237 = arith.index_cast %add3A_236 : i32 to index
    %get3A_238 = tpu.vector_load %arg7[%get3A_237] {strides = array<i32>} : memref<3200xi32, #tpu.memory_space<vmem>>, vector<16xi32>,
    %get3A_239 = vector.shape_cast %get3A_238 : vector<16xi32> to vector<16xi32>
    %add3A_240 = arith.addi %get3A_234, %get3A_239 : vector<16xi32>
    %swap3A_241 = arith.constant 256 : index
    %swap3A_242 = tpu.vector_load %arg6[%swap3A_241] {strides = array<i32>} : memref<25600xi32, #tpu.memory_space<vmem>>, vector<16xi32>,
    %swap3A_243 = vector.shape_cast %swap3A_242 : vector<16xi32> to vector<16xi32>
    %swap3A_244 = vector.shape_cast %add3A_240 : vector<16xi32> to vector<16xi32>
    tpu.vector_store %arg6[%swap3A_241], %swap3A_244 {strides = array<i32>} : memref<25600xi32, #tpu.memory_space<vmem>>, vector<16xi32>,
    %get3A_245 = arith.constant 272 : index
    %get3A_246 = tpu.vector_load %arg6[%get3A_245] {strides = array<i32>} : memref<25600xi32, #tpu.memory_space<vmem>>, vector<16xi32>,
    %get3A_247 = vector.shape_cast %get3A_246 : vector<16xi32> to vector<16xi32>
    %add3A_248 = arith.constant 16 : i32
    %add3A_249 = arith.addi %mul3A_231, %add3A_248 : i32
    %get3A_250 = arith.index_cast %add3A_249 : i32 to index
    %get3A_251 = tpu.vector_load %arg7[%get3A_250] {strides = array<i32>} : memref<3200xi32, #tpu.memory_space<vmem>>, vector<16xi32>,
    %get3A_252 = vector.shape_cast %get3A_251 : vector<16xi32> to vector<16xi32>
    %add3A_253 = arith.addi %get3A_247, %get3A_252 : vector<16xi32>
    %swap3A_254 = arith.constant 272 : index
    %swap3A_255 = tpu.vector_load %arg6[%swap3A_254] {strides = array<i32>} : memref<25600xi32, #tpu.memory_space<vmem>>, vector<16xi32>,
    %swap3A_256 = vector.shape_cast %swap3A_255 : vector<16xi32> to vector<16xi32>
    %swap3A_257 = vector.shape_cast %add3A_253 : vector<16xi32> to vector<16xi32>
    tpu.vector_store %arg6[%swap3A_254], %swap3A_257 {strides = array<i32>} : memref<25600xi32, #tpu.memory_space<vmem>>, vector<16xi32>,
    %get3A_258 = arith.constant 288 : index
    %get3A_259 = tpu.vector_load %arg6[%get3A_258] {strides = array<i32>} : memref<25600xi32, #tpu.memory_space<vmem>>, vector<16xi32>,
    %get3A_260 = vector.shape_cast %get3A_259 : vector<16xi32> to vector<16xi32>
    %add3A_261 = arith.constant 32 : i32
    %add3A_262 = arith.addi %mul3A_231, %add3A_261 : i32
    %get3A_263 = arith.index_cast %add3A_262 : i32 to index
    %get3A_264 = tpu.vector_load %arg7[%get3A_263] {strides = array<i32>} : memref<3200xi32, #tpu.memory_space<vmem>>, vector<16xi32>,
    %get3A_265 = vector.shape_cast %get3A_264 : vector<16xi32> to vector<16xi32>
    %add3A_266 = arith.addi %get3A_260, %get3A_265 : vector<16xi32>
    %swap3A_267 = arith.constant 288 : index
    %swap3A_268 = tpu.vector_load %arg6[%swap3A_267] {strides = array<i32>} : memref<25600xi32, #tpu.memory_space<vmem>>, vector<16xi32>,
    %swap3A_269 = vector.shape_cast %swap3A_268 : vector<16xi32> to vector<16xi32>
    %swap3A_270 = vector.shape_cast %add3A_266 : vector<16xi32> to vector<16xi32>
    tpu.vector_store %arg6[%swap3A_267], %swap3A_270 {strides = array<i32>} : memref<25600xi32, #tpu.memory_space<vmem>>, vector<16xi32>,
    %get3A_271 = arith.constant 304 : index
    %get3A_272 = tpu.vector_load %arg6[%get3A_271] {strides = array<i32>} : memref<25600xi32, #tpu.memory_space<vmem>>, vector<16xi32>,
    %get3A_273 = vector.shape_cast %get3A_272 : vector<16xi32> to vector<16xi32>
    %add3A_274 = arith.constant 48 : i32
    %add3A_275 = arith.addi %mul3A_231, %add3A_274 : i32
    %get3A_276 = arith.index_cast %add3A_275 : i32 to index
    %get3A_277 = tpu.vector_load %arg7[%get3A_276] {strides = array<i32>} : memref<3200xi32, #tpu.memory_space<vmem>>, vector<16xi32>,
    %get3A_278 = vector.shape_cast %get3A_277 : vector<16xi32> to vector<16xi32>
    %add3A_279 = arith.addi %get3A_273, %get3A_278 : vector<16xi32>
    %swap3A_280 = arith.constant 304 : index
    %swap3A_281 = tpu.vector_load %arg6[%swap3A_280] {strides = array<i32>} : memref<25600xi32, #tpu.memory_space<vmem>>, vector<16xi32>,
    %swap3A_282 = vector.shape_cast %swap3A_281 : vector<16xi32> to vector<16xi32>
    %swap3A_283 = vector.shape_cast %add3A_279 : vector<16xi32> to vector<16xi32>
    tpu.vector_store %arg6[%swap3A_280], %swap3A_283 {strides = array<i32>} : memref<25600xi32, #tpu.memory_space<vmem>>, vector<16xi32>,
    %get3A_284 = arith.constant 320 : index
    %get3A_285 = tpu.vector_load %arg6[%get3A_284] {strides = array<i32>} : memref<25600xi32, #tpu.memory_space<vmem>>, vector<16xi32>,
    %get3A_286 = vector.shape_cast %get3A_285 : vector<16xi32> to vector<16xi32>
    %add3A_287 = arith.constant 64 : i32
    %add3A_288 = arith.addi %mul3A_231, %add3A_287 : i32
    %get3A_289 = arith.index_cast %add3A_288 : i32 to index
    %get3A_290 = tpu.vector_load %arg7[%get3A_289] {strides = array<i32>} : memref<3200xi32, #tpu.memory_space<vmem>>, vector<16xi32>,
    %get3A_291 = vector.shape_cast %get3A_290 : vector<16xi32> to vector<16xi32>
    %add3A_292 = arith.addi %get3A_286, %get3A_291 : vector<16xi32>
    %swap3A_293 = arith.constant 320 : index
    %swap3A_294 = tpu.vector_load %arg6[%swap3A_293] {strides = array<i32>} : memref<25600xi32, #tpu.memory_space<vmem>>, vector<16xi32>,
    %swap3A_295 = vector.shape_cast %swap3A_294 : vector<16xi32> to vector<16xi32>
    %swap3A_296 = vector.shape_cast %add3A_292 : vector<16xi32> to vector<16xi32>
    tpu.vector_store %arg6[%swap3A_293], %swap3A_296 {strides = array<i32>} : memref<25600xi32, #tpu.memory_space<vmem>>, vector<16xi32>,
    %get3A_297 = arith.constant 336 : index
    %get3A_298 = tpu.vector_load %arg6[%get3A_297] {strides = array<i32>} : memref<25600xi32, #tpu.memory_space<vmem>>, vector<16xi32>,
    %get3A_299 = vector.shape_cast %get3A_298 : vector<16xi32> to vector<16xi32>
    %add3A_300 = arith.constant 80 : i32
    %add3A_301 = arith.addi %mul3A_231, %add3A_300 : i32
    %get3A_302 = arith.index_cast %add3A_301 : i32 to index
    %get3A_303 = tpu.vector_load %arg7[%get3A_302] {strides = array<i32>} : memref<3200xi32, #tpu.memory_space<vmem>>, vector<16xi32>,
    %get3A_304 = vector.shape_cast %get3A_303 : vector<16xi32> to vector<16xi32>
    %add3A_305 = arith.addi %get3A_299, %get3A_304 : vector<16xi32>
    %swap3A_306 = arith.constant 336 : index
    %swap3A_307 = tpu.vector_load %arg6[%swap3A_306] {strides = array<i32>} : memref<25600xi32, #tpu.memory_space<vmem>>, vector<16xi32>,
    %swap3A_308 = vector.shape_cast %swap3A_307 : vector<16xi32> to vector<16xi32>
    %swap3A_309 = vector.shape_cast %add3A_305 : vector<16xi32> to vector<16xi32>
    tpu.vector_store %arg6[%swap3A_306], %swap3A_309 {strides = array<i32>} : memref<25600xi32, #tpu.memory_space<vmem>>, vector<16xi32>,
    %get3A_310 = arith.constant 352 : index
    %get3A_311 = tpu.vector_load %arg6[%get3A_310] {strides = array<i32>} : memref<25600xi32, #tpu.memory_space<vmem>>, vector<16xi32>,
    %get3A_312 = vector.shape_cast %get3A_311 : vector<16xi32> to vector<16xi32>
    %add3A_313 = arith.constant 96 : i32
    %add3A_314 = arith.addi %mul3A_231, %add3A_313 : i32
    %get3A_315 = arith.index_cast %add3A_314 : i32 to index
    %get3A_316 = tpu.vector_load %arg7[%get3A_315] {strides = array<i32>} : memref<3200xi32, #tpu.memory_space<vmem>>, vector<16xi32>,
    %get3A_317 = vector.shape_cast %get3A_316 : vector<16xi32> to vector<16xi32>
    %add3A_318 = arith.addi %get3A_312, %get3A_317 : vector<16xi32>
    %swap3A_319 = arith.constant 352 : index
    %swap3A_320 = tpu.vector_load %arg6[%swap3A_319] {strides = array<i32>} : memref<25600xi32, #tpu.memory_space<vmem>>, vector<16xi32>,
    %swap3A_321 = vector.shape_cast %swap3A_320 : vector<16xi32> to vector<16xi32>
    %swap3A_322 = vector.shape_cast %add3A_318 : vector<16xi32> to vector<16xi32>
    tpu.vector_store %arg6[%swap3A_319], %swap3A_322 {strides = array<i32>} : memref<25600xi32, #tpu.memory_space<vmem>>, vector<16xi32>,
    %get3A_323 = arith.constant 368 : index
    %get3A_324 = tpu.vector_load %arg6[%get3A_323] {strides = array<i32>} : memref<25600xi32, #tpu.memory_space<vmem>>, vector<16xi32>,
    %get3A_325 = vector.shape_cast %get3A_324 : vector<16xi32> to vector<16xi32>
    %add3A_326 = arith.constant 112 : i32
    %add3A_327 = arith.addi %mul3A_231, %add3A_326 : i32
    %get3A_328 = arith.index_cast %add3A_327 : i32 to index
    %get3A_329 = tpu.vector_load %arg7[%get3A_328] {strides = array<i32>} : memref<3200xi32, #tpu.memory_space<vmem>>, vector<16xi32>,
    %get3A_330 = vector.shape_cast %get3A_329 : vector<16xi32> to vector<16xi32>
    %add3A_331 = arith.addi %get3A_325, %get3A_330 : vector<16xi32>
    %swap3A_332 = arith.constant 368 : index
    %swap3A_333 = tpu.vector_load %arg6[%swap3A_332] {strides = array<i32>} : memref<25600xi32, #tpu.memory_space<vmem>>, vector<16xi32>,
    %swap3A_334 = vector.shape_cast %swap3A_333 : vector<16xi32> to vector<16xi32>
    %swap3A_335 = vector.shape_cast %add3A_331 : vector<16xi32> to vector<16xi32>
    tpu.vector_store %arg6[%swap3A_332], %swap3A_335 {strides = array<i32>} : memref<25600xi32, #tpu.memory_space<vmem>>, vector<16xi32>,
    %dma_start3A_336 = arith.constant 256 : i32
    %dma_start3A_337 = tpu.memref_slice %arg6[%dma_start3A_336] : memref<25600xi32, #tpu.memory_space<vmem>> -> memref<128xi32, #tpu.memory_space<vmem>>
    %dma_start3A_338 = arith.constant 0 : i32
    %dma_start3A_339 = arith.constant 0 : i32
    %dma_start3A_340 = tpu.memref_slice %arg3[%dma_start3A_338, %dma_start3A_339] : memref<27200x128xf32, #tpu.memory_space<hbm>> -> memref<27200x128xf32, #tpu.memory_space<hbm>>
    tpu.enqueue_indirect_dma source(%dma_start3A_340 : memref<27200x128xf32, #tpu.memory_space<hbm>>) target(%arg10 : memref<128x128xf32, #tpu.memory_space<vmem>>) offsets(%dma_start3A_337 : memref<128xi32, #tpu.memory_space<vmem>>) semaphore(%arg15 : memref<!tpu.dma_semaphore, #tpu.memory_space<semaphore_mem>>)
    %rem3A_341 = arith.constant 3 : i32
    %rem3A_342 = arith.constant 25 : i32
    %rem3A_343 = arith.remsi %rem3A_341, %rem3A_342 : i32
    %mul3A_344 = arith.constant 128 : i32
    %mul3A_345 = arith.muli %rem3A_343, %mul3A_344 : i32
    %get3A_346 = arith.constant 384 : index
    %get3A_347 = tpu.vector_load %arg6[%get3A_346] {strides = array<i32>} : memref<25600xi32, #tpu.memory_space<vmem>>, vector<16xi32>,
    %get3A_348 = vector.shape_cast %get3A_347 : vector<16xi32> to vector<16xi32>
    %add3A_349 = arith.constant 0 : i32
    %add3A_350 = arith.addi %mul3A_345, %add3A_349 : i32
    %get3A_351 = arith.index_cast %add3A_350 : i32 to index
    %get3A_352 = tpu.vector_load %arg7[%get3A_351] {strides = array<i32>} : memref<3200xi32, #tpu.memory_space<vmem>>, vector<16xi32>,
    %get3A_353 = vector.shape_cast %get3A_352 : vector<16xi32> to vector<16xi32>
    %add3A_354 = arith.addi %get3A_348, %get3A_353 : vector<16xi32>
    %swap3A_355 = arith.constant 384 : index
    %swap3A_356 = tpu.vector_load %arg6[%swap3A_355] {strides = array<i32>} : memref<25600xi32, #tpu.memory_space<vmem>>, vector<16xi32>,
    %swap3A_357 = vector.shape_cast %swap3A_356 : vector<16xi32> to vector<16xi32>
    %swap3A_358 = vector.shape_cast %add3A_354 : vector<16xi32> to vector<16xi32>
    tpu.vector_store %arg6[%swap3A_355], %swap3A_358 {strides = array<i32>} : memref<25600xi32, #tpu.memory_space<vmem>>, vector<16xi32>,
    %get3A_359 = arith.constant 400 : index
    %get3A_360 = tpu.vector_load %arg6[%get3A_359] {strides = array<i32>} : memref<25600xi32, #tpu.memory_space<vmem>>, vector<16xi32>,
    %get3A_361 = vector.shape_cast %get3A_360 : vector<16xi32> to vector<16xi32>
    %add3A_362 = arith.constant 16 : i32
    %add3A_363 = arith.addi %mul3A_345, %add3A_362 : i32
    %get3A_364 = arith.index_cast %add3A_363 : i32 to index
    %get3A_365 = tpu.vector_load %arg7[%get3A_364] {strides = array<i32>} : memref<3200xi32, #tpu.memory_space<vmem>>, vector<16xi32>,
    %get3A_366 = vector.shape_cast %get3A_365 : vector<16xi32> to vector<16xi32>
    %add3A_367 = arith.addi %get3A_361, %get3A_366 : vector<16xi32>
    %swap3A_368 = arith.constant 400 : index
    %swap3A_369 = tpu.vector_load %arg6[%swap3A_368] {strides = array<i32>} : memref<25600xi32, #tpu.memory_space<vmem>>, vector<16xi32>,
    %swap3A_370 = vector.shape_cast %swap3A_369 : vector<16xi32> to vector<16xi32>
    %swap3A_371 = vector.shape_cast %add3A_367 : vector<16xi32> to vector<16xi32>
    tpu.vector_store %arg6[%swap3A_368], %swap3A_371 {strides = array<i32>} : memref<25600xi32, #tpu.memory_space<vmem>>, vector<16xi32>,
    %get3A_372 = arith.constant 416 : index
    %get3A_373 = tpu.vector_load %arg6[%get3A_372] {strides = array<i32>} : memref<25600xi32, #tpu.memory_space<vmem>>, vector<16xi32>,
    %get3A_374 = vector.shape_cast %get3A_373 : vector<16xi32> to vector<16xi32>
    %add3A_375 = arith.constant 32 : i32
    %add3A_376 = arith.addi %mul3A_345, %add3A_375 : i32
    %get3A_377 = arith.index_cast %add3A_376 : i32 to index
    %get3A_378 = tpu.vector_load %arg7[%get3A_377] {strides = array<i32>} : memref<3200xi32, #tpu.memory_space<vmem>>, vector<16xi32>,
    %get3A_379 = vector.shape_cast %get3A_378 : vector<16xi32> to vector<16xi32>
    %add3A_380 = arith.addi %get3A_374, %get3A_379 : vector<16xi32>
    %swap3A_381 = arith.constant 416 : index
    %swap3A_382 = tpu.vector_load %arg6[%swap3A_381] {strides = array<i32>} : memref<25600xi32, #tpu.memory_space<vmem>>, vector<16xi32>,
    %swap3A_383 = vector.shape_cast %swap3A_382 : vector<16xi32> to vector<16xi32>
    %swap3A_384 = vector.shape_cast %add3A_380 : vector<16xi32> to vector<16xi32>
    tpu.vector_store %arg6[%swap3A_381], %swap3A_384 {strides = array<i32>} : memref<25600xi32, #tpu.memory_space<vmem>>, vector<16xi32>,
    %get3A_385 = arith.constant 432 : index
    %get3A_386 = tpu.vector_load %arg6[%get3A_385] {strides = array<i32>} : memref<25600xi32, #tpu.memory_space<vmem>>, vector<16xi32>,
    %get3A_387 = vector.shape_cast %get3A_386 : vector<16xi32> to vector<16xi32>
    %add3A_388 = arith.constant 48 : i32
    %add3A_389 = arith.addi %mul3A_345, %add3A_388 : i32
    %get3A_390 = arith.index_cast %add3A_389 : i32 to index
    %get3A_391 = tpu.vector_load %arg7[%get3A_390] {strides = array<i32>} : memref<3200xi32, #tpu.memory_space<vmem>>, vector<16xi32>,
    %get3A_392 = vector.shape_cast %get3A_391 : vector<16xi32> to vector<16xi32>
    %add3A_393 = arith.addi %get3A_387, %get3A_392 : vector<16xi32>
    %swap3A_394 = arith.constant 432 : index
    %swap3A_395 = tpu.vector_load %arg6[%swap3A_394] {strides = array<i32>} : memref<25600xi32, #tpu.memory_space<vmem>>, vector<16xi32>,
    %swap3A_396 = vector.shape_cast %swap3A_395 : vector<16xi32> to vector<16xi32>
    %swap3A_397 = vector.shape_cast %add3A_393 : vector<16xi32> to vector<16xi32>
    tpu.vector_store %arg6[%swap3A_394], %swap3A_397 {strides = array<i32>} : memref<25600xi32, #tpu.memory_space<vmem>>, vector<16xi32>,
    %get3A_398 = arith.constant 448 : index
    %get3A_399 = tpu.vector_load %arg6[%get3A_398] {strides = array<i32>} : memref<25600xi32, #tpu.memory_space<vmem>>, vector<16xi32>,
    %get3A_400 = vector.shape_cast %get3A_399 : vector<16xi32> to vector<16xi32>
    %add3A_401 = arith.constant 64 : i32
    %add3A_402 = arith.addi %mul3A_345, %add3A_401 : i32
    %get3A_403 = arith.index_cast %add3A_402 : i32 to index
    %get3A_404 = tpu.vector_load %arg7[%get3A_403] {strides = array<i32>} : memref<3200xi32, #tpu.memory_space<vmem>>, vector<16xi32>,
    %get3A_405 = vector.shape_cast %get3A_404 : vector<16xi32> to vector<16xi32>
    %add3A_406 = arith.addi %get3A_400, %get3A_405 : vector<16xi32>
    %swap3A_407 = arith.constant 448 : index
    %swap3A_408 = tpu.vector_load %arg6[%swap3A_407] {strides = array<i32>} : memref<25600xi32, #tpu.memory_space<vmem>>, vector<16xi32>,
    %swap3A_409 = vector.shape_cast %swap3A_408 : vector<16xi32> to vector<16xi32>
    %swap3A_410 = vector.shape_cast %add3A_406 : vector<16xi32> to vector<16xi32>
    tpu.vector_store %arg6[%swap3A_407], %swap3A_410 {strides = array<i32>} : memref<25600xi32, #tpu.memory_space<vmem>>, vector<16xi32>,
    %get3A_411 = arith.constant 464 : index
    %get3A_412 = tpu.vector_load %arg6[%get3A_411] {strides = array<i32>} : memref<25600xi32, #tpu.memory_space<vmem>>, vector<16xi32>,
    %get3A_413 = vector.shape_cast %get3A_412 : vector<16xi32> to vector<16xi32>
    %add3A_414 = arith.constant 80 : i32
    %add3A_415 = arith.addi %mul3A_345, %add3A_414 : i32
    %get3A_416 = arith.index_cast %add3A_415 : i32 to index
    %get3A_417 = tpu.vector_load %arg7[%get3A_416] {strides = array<i32>} : memref<3200xi32, #tpu.memory_space<vmem>>, vector<16xi32>,
    %get3A_418 = vector.shape_cast %get3A_417 : vector<16xi32> to vector<16xi32>
    %add3A_419 = arith.addi %get3A_413, %get3A_418 : vector<16xi32>
    %swap3A_420 = arith.constant 464 : index
    %swap3A_421 = tpu.vector_load %arg6[%swap3A_420] {strides = array<i32>} : memref<25600xi32, #tpu.memory_space<vmem>>, vector<16xi32>,
    %swap3A_422 = vector.shape_cast %swap3A_421 : vector<16xi32> to vector<16xi32>
    %swap3A_423 = vector.shape_cast %add3A_419 : vector<16xi32> to vector<16xi32>
    tpu.vector_store %arg6[%swap3A_420], %swap3A_423 {strides = array<i32>} : memref<25600xi32, #tpu.memory_space<vmem>>, vector<16xi32>,
    %get3A_424 = arith.constant 480 : index
    %get3A_425 = tpu.vector_load %arg6[%get3A_424] {strides = array<i32>} : memref<25600xi32, #tpu.memory_space<vmem>>, vector<16xi32>,
    %get3A_426 = vector.shape_cast %get3A_425 : vector<16xi32> to vector<16xi32>
    %add3A_427 = arith.constant 96 : i32
    %add3A_428 = arith.addi %mul3A_345, %add3A_427 : i32
    %get3A_429 = arith.index_cast %add3A_428 : i32 to index
    %get3A_430 = tpu.vector_load %arg7[%get3A_429] {strides = array<i32>} : memref<3200xi32, #tpu.memory_space<vmem>>, vector<16xi32>,
    %get3A_431 = vector.shape_cast %get3A_430 : vector<16xi32> to vector<16xi32>
    %add3A_432 = arith.addi %get3A_426, %get3A_431 : vector<16xi32>
    %swap3A_433 = arith.constant 480 : index
    %swap3A_434 = tpu.vector_load %arg6[%swap3A_433] {strides = array<i32>} : memref<25600xi32, #tpu.memory_space<vmem>>, vector<16xi32>,
    %swap3A_435 = vector.shape_cast %swap3A_434 : vector<16xi32> to vector<16xi32>
    %swap3A_436 = vector.shape_cast %add3A_432 : vector<16xi32> to vector<16xi32>
    tpu.vector_store %arg6[%swap3A_433], %swap3A_436 {strides = array<i32>} : memref<25600xi32, #tpu.memory_space<vmem>>, vector<16xi32>,
    %get3A_437 = arith.constant 496 : index
    %get3A_438 = tpu.vector_load %arg6[%get3A_437] {strides = array<i32>} : memref<25600xi32, #tpu.memory_space<vmem>>, vector<16xi32>,
    %get3A_439 = vector.shape_cast %get3A_438 : vector<16xi32> to vector<16xi32>
    %add3A_440 = arith.constant 112 : i32
    %add3A_441 = arith.addi %mul3A_345, %add3A_440 : i32
    %get3A_442 = arith.index_cast %add3A_441 : i32 to index
    %get3A_443 = tpu.vector_load %arg7[%get3A_442] {strides = array<i32>} : memref<3200xi32, #tpu.memory_space<vmem>>, vector<16xi32>,
    %get3A_444 = vector.shape_cast %get3A_443 : vector<16xi32> to vector<16xi32>
    %add3A_445 = arith.addi %get3A_439, %get3A_444 : vector<16xi32>
    %swap3A_446 = arith.constant 496 : index
    %swap3A_447 = tpu.vector_load %arg6[%swap3A_446] {strides = array<i32>} : memref<25600xi32, #tpu.memory_space<vmem>>, vector<16xi32>,
    %swap3A_448 = vector.shape_cast %swap3A_447 : vector<16xi32> to vector<16xi32>
    %swap3A_449 = vector.shape_cast %add3A_445 : vector<16xi32> to vector<16xi32>
    tpu.vector_store %arg6[%swap3A_446], %swap3A_449 {strides = array<i32>} : memref<25600xi32, #tpu.memory_space<vmem>>, vector<16xi32>,
    %dma_start3A_450 = arith.constant 384 : i32
    %dma_start3A_451 = tpu.memref_slice %arg6[%dma_start3A_450] : memref<25600xi32, #tpu.memory_space<vmem>> -> memref<128xi32, #tpu.memory_space<vmem>>
    %dma_start3A_452 = arith.constant 0 : i32
    %dma_start3A_453 = arith.constant 0 : i32
    %dma_start3A_454 = tpu.memref_slice %arg3[%dma_start3A_452, %dma_start3A_453] : memref<27200x128xf32, #tpu.memory_space<hbm>> -> memref<27200x128xf32, #tpu.memory_space<hbm>>
    tpu.enqueue_indirect_dma source(%dma_start3A_454 : memref<27200x128xf32, #tpu.memory_space<hbm>>) target(%arg11 : memref<128x128xf32, #tpu.memory_space<vmem>>) offsets(%dma_start3A_451 : memref<128xi32, #tpu.memory_space<vmem>>) semaphore(%arg16 : memref<!tpu.dma_semaphore, #tpu.memory_space<semaphore_mem>>)
    %rem3A_455 = arith.constant 4 : i32
    %rem3A_456 = arith.constant 25 : i32
    %rem3A_457 = arith.remsi %rem3A_455, %rem3A_456 : i32
    %mul3A_458 = arith.constant 128 : i32
    %mul3A_459 = arith.muli %rem3A_457, %mul3A_458 : i32
    %get3A_460 = arith.constant 512 : index
    %get3A_461 = tpu.vector_load %arg6[%get3A_460] {strides = array<i32>} : memref<25600xi32, #tpu.memory_space<vmem>>, vector<16xi32>,
    %get3A_462 = vector.shape_cast %get3A_461 : vector<16xi32> to vector<16xi32>
    %add3A_463 = arith.constant 0 : i32
    %add3A_464 = arith.addi %mul3A_459, %add3A_463 : i32
    %get3A_465 = arith.index_cast %add3A_464 : i32 to index
    %get3A_466 = tpu.vector_load %arg7[%get3A_465] {strides = array<i32>} : memref<3200xi32, #tpu.memory_space<vmem>>, vector<16xi32>,
    %get3A_467 = vector.shape_cast %get3A_466 : vector<16xi32> to vector<16xi32>
    %add3A_468 = arith.addi %get3A_462, %get3A_467 : vector<16xi32>
    %swap3A_469 = arith.constant 512 : index
    %swap3A_470 = tpu.vector_load %arg6[%swap3A_469] {strides = array<i32>} : memref<25600xi32, #tpu.memory_space<vmem>>, vector<16xi32>,
    %swap3A_471 = vector.shape_cast %swap3A_470 : vector<16xi32> to vector<16xi32>
    %swap3A_472 = vector.shape_cast %add3A_468 : vector<16xi32> to vector<16xi32>
    tpu.vector_store %arg6[%swap3A_469], %swap3A_472 {strides = array<i32>} : memref<25600xi32, #tpu.memory_space<vmem>>, vector<16xi32>,
    %get3A_473 = arith.constant 528 : index
    %get3A_474 = tpu.vector_load %arg6[%get3A_473] {strides = array<i32>} : memref<25600xi32, #tpu.memory_space<vmem>>, vector<16xi32>,
    %get3A_475 = vector.shape_cast %get3A_474 : vector<16xi32> to vector<16xi32>
    %add3A_476 = arith.constant 16 : i32
    %add3A_477 = arith.addi %mul3A_459, %add3A_476 : i32
    %get3A_478 = arith.index_cast %add3A_477 : i32 to index
    %get3A_479 = tpu.vector_load %arg7[%get3A_478] {strides = array<i32>} : memref<3200xi32, #tpu.memory_space<vmem>>, vector<16xi32>,
    %get3A_480 = vector.shape_cast %get3A_479 : vector<16xi32> to vector<16xi32>
    %add3A_481 = arith.addi %get3A_475, %get3A_480 : vector<16xi32>
    %swap3A_482 = arith.constant 528 : index
    %swap3A_483 = tpu.vector_load %arg6[%swap3A_482] {strides = array<i32>} : memref<25600xi32, #tpu.memory_space<vmem>>, vector<16xi32>,
    %swap3A_484 = vector.shape_cast %swap3A_483 : vector<16xi32> to vector<16xi32>
    %swap3A_485 = vector.shape_cast %add3A_481 : vector<16xi32> to vector<16xi32>
    tpu.vector_store %arg6[%swap3A_482], %swap3A_485 {strides = array<i32>} : memref<25600xi32, #tpu.memory_space<vmem>>, vector<16xi32>,
    %get3A_486 = arith.constant 544 : index
    %get3A_487 = tpu.vector_load %arg6[%get3A_486] {strides = array<i32>} : memref<25600xi32, #tpu.memory_space<vmem>>, vector<16xi32>,
    %get3A_488 = vector.shape_cast %get3A_487 : vector<16xi32> to vector<16xi32>
    %add3A_489 = arith.constant 32 : i32
    %add3A_490 = arith.addi %mul3A_459, %add3A_489 : i32
    %get3A_491 = arith.index_cast %add3A_490 : i32 to index
    %get3A_492 = tpu.vector_load %arg7[%get3A_491] {strides = array<i32>} : memref<3200xi32, #tpu.memory_space<vmem>>, vector<16xi32>,
    %get3A_493 = vector.shape_cast %get3A_492 : vector<16xi32> to vector<16xi32>
    %add3A_494 = arith.addi %get3A_488, %get3A_493 : vector<16xi32>
    %swap3A_495 = arith.constant 544 : index
    %swap3A_496 = tpu.vector_load %arg6[%swap3A_495] {strides = array<i32>} : memref<25600xi32, #tpu.memory_space<vmem>>, vector<16xi32>,
    %swap3A_497 = vector.shape_cast %swap3A_496 : vector<16xi32> to vector<16xi32>
    %swap3A_498 = vector.shape_cast %add3A_494 : vector<16xi32> to vector<16xi32>
    tpu.vector_store %arg6[%swap3A_495], %swap3A_498 {strides = array<i32>} : memref<25600xi32, #tpu.memory_space<vmem>>, vector<16xi32>,
    %get3A_499 = arith.constant 560 : index
    %get3A_500 = tpu.vector_load %arg6[%get3A_499] {strides = array<i32>} : memref<25600xi32, #tpu.memory_space<vmem>>, vector<16xi32>,
    %get3A_501 = vector.shape_cast %get3A_500 : vector<16xi32> to vector<16xi32>
    %add3A_502 = arith.constant 48 : i32
    %add3A_503 = arith.addi %mul3A_459, %add3A_502 : i32
    %get3A_504 = arith.index_cast %add3A_503 : i32 to index
    %get3A_505 = tpu.vector_load %arg7[%get3A_504] {strides = array<i32>} : memref<3200xi32, #tpu.memory_space<vmem>>, vector<16xi32>,
    %get3A_506 = vector.shape_cast %get3A_505 : vector<16xi32> to vector<16xi32>
    %add3A_507 = arith.addi %get3A_501, %get3A_506 : vector<16xi32>
    %swap3A_508 = arith.constant 560 : index
    %swap3A_509 = tpu.vector_load %arg6[%swap3A_508] {strides = array<i32>} : memref<25600xi32, #tpu.memory_space<vmem>>, vector<16xi32>,
    %swap3A_510 = vector.shape_cast %swap3A_509 : vector<16xi32> to vector<16xi32>
    %swap3A_511 = vector.shape_cast %add3A_507 : vector<16xi32> to vector<16xi32>
    tpu.vector_store %arg6[%swap3A_508], %swap3A_511 {strides = array<i32>} : memref<25600xi32, #tpu.memory_space<vmem>>, vector<16xi32>,
    %get3A_512 = arith.constant 576 : index
    %get3A_513 = tpu.vector_load %arg6[%get3A_512] {strides = array<i32>} : memref<25600xi32, #tpu.memory_space<vmem>>, vector<16xi32>,
    %get3A_514 = vector.shape_cast %get3A_513 : vector<16xi32> to vector<16xi32>
    %add3A_515 = arith.constant 64 : i32
    %add3A_516 = arith.addi %mul3A_459, %add3A_515 : i32
    %get3A_517 = arith.index_cast %add3A_516 : i32 to index
    %get3A_518 = tpu.vector_load %arg7[%get3A_517] {strides = array<i32>} : memref<3200xi32, #tpu.memory_space<vmem>>, vector<16xi32>,
    %get3A_519 = vector.shape_cast %get3A_518 : vector<16xi32> to vector<16xi32>
    %add3A_520 = arith.addi %get3A_514, %get3A_519 : vector<16xi32>
    %swap3A_521 = arith.constant 576 : index
    %swap3A_522 = tpu.vector_load %arg6[%swap3A_521] {strides = array<i32>} : memref<25600xi32, #tpu.memory_space<vmem>>, vector<16xi32>,
    %swap3A_523 = vector.shape_cast %swap3A_522 : vector<16xi32> to vector<16xi32>
    %swap3A_524 = vector.shape_cast %add3A_520 : vector<16xi32> to vector<16xi32>
    tpu.vector_store %arg6[%swap3A_521], %swap3A_524 {strides = array<i32>} : memref<25600xi32, #tpu.memory_space<vmem>>, vector<16xi32>,
    %get3A_525 = arith.constant 592 : index
    %get3A_526 = tpu.vector_load %arg6[%get3A_525] {strides = array<i32>} : memref<25600xi32, #tpu.memory_space<vmem>>, vector<16xi32>,
    %get3A_527 = vector.shape_cast %get3A_526 : vector<16xi32> to vector<16xi32>
    %add3A_528 = arith.constant 80 : i32
    %add3A_529 = arith.addi %mul3A_459, %add3A_528 : i32
    %get3A_530 = arith.index_cast %add3A_529 : i32 to index
    %get3A_531 = tpu.vector_load %arg7[%get3A_530] {strides = array<i32>} : memref<3200xi32, #tpu.memory_space<vmem>>, vector<16xi32>,
    %get3A_532 = vector.shape_cast %get3A_531 : vector<16xi32> to vector<16xi32>
    %add3A_533 = arith.addi %get3A_527, %get3A_532 : vector<16xi32>
    %swap3A_534 = arith.constant 592 : index
    %swap3A_535 = tpu.vector_load %arg6[%swap3A_534] {strides = array<i32>} : memref<25600xi32, #tpu.memory_space<vmem>>, vector<16xi32>,
    %swap3A_536 = vector.shape_cast %swap3A_535 : vector<16xi32> to vector<16xi32>
    %swap3A_537 = vector.shape_cast %add3A_533 : vector<16xi32> to vector<16xi32>
    tpu.vector_store %arg6[%swap3A_534], %swap3A_537 {strides = array<i32>} : memref<25600xi32, #tpu.memory_space<vmem>>, vector<16xi32>,
    %get3A_538 = arith.constant 608 : index
    %get3A_539 = tpu.vector_load %arg6[%get3A_538] {strides = array<i32>} : memref<25600xi32, #tpu.memory_space<vmem>>, vector<16xi32>,
    %get3A_540 = vector.shape_cast %get3A_539 : vector<16xi32> to vector<16xi32>
    %add3A_541 = arith.constant 96 : i32
    %add3A_542 = arith.addi %mul3A_459, %add3A_541 : i32
    %get3A_543 = arith.index_cast %add3A_542 : i32 to index
    %get3A_544 = tpu.vector_load %arg7[%get3A_543] {strides = array<i32>} : memref<3200xi32, #tpu.memory_space<vmem>>, vector<16xi32>,
    %get3A_545 = vector.shape_cast %get3A_544 : vector<16xi32> to vector<16xi32>
    %add3A_546 = arith.addi %get3A_540, %get3A_545 : vector<16xi32>
    %swap3A_547 = arith.constant 608 : index
    %swap3A_548 = tpu.vector_load %arg6[%swap3A_547] {strides = array<i32>} : memref<25600xi32, #tpu.memory_space<vmem>>, vector<16xi32>,
    %swap3A_549 = vector.shape_cast %swap3A_548 : vector<16xi32> to vector<16xi32>
    %swap3A_550 = vector.shape_cast %add3A_546 : vector<16xi32> to vector<16xi32>
    tpu.vector_store %arg6[%swap3A_547], %swap3A_550 {strides = array<i32>} : memref<25600xi32, #tpu.memory_space<vmem>>, vector<16xi32>,
    %get3A_551 = arith.constant 624 : index
    %get3A_552 = tpu.vector_load %arg6[%get3A_551] {strides = array<i32>} : memref<25600xi32, #tpu.memory_space<vmem>>, vector<16xi32>,
    %get3A_553 = vector.shape_cast %get3A_552 : vector<16xi32> to vector<16xi32>
    %add3A_554 = arith.constant 112 : i32
    %add3A_555 = arith.addi %mul3A_459, %add3A_554 : i32
    %get3A_556 = arith.index_cast %add3A_555 : i32 to index
    %get3A_557 = tpu.vector_load %arg7[%get3A_556] {strides = array<i32>} : memref<3200xi32, #tpu.memory_space<vmem>>, vector<16xi32>,
    %get3A_558 = vector.shape_cast %get3A_557 : vector<16xi32> to vector<16xi32>
    %add3A_559 = arith.addi %get3A_553, %get3A_558 : vector<16xi32>
    %swap3A_560 = arith.constant 624 : index
    %swap3A_561 = tpu.vector_load %arg6[%swap3A_560] {strides = array<i32>} : memref<25600xi32, #tpu.memory_space<vmem>>, vector<16xi32>,
    %swap3A_562 = vector.shape_cast %swap3A_561 : vector<16xi32> to vector<16xi32>
    %swap3A_563 = vector.shape_cast %add3A_559 : vector<16xi32> to vector<16xi32>
    tpu.vector_store %arg6[%swap3A_560], %swap3A_563 {strides = array<i32>} : memref<25600xi32, #tpu.memory_space<vmem>>, vector<16xi32>,
    %dma_start3A_564 = arith.constant 512 : i32
    %dma_start3A_565 = tpu.memref_slice %arg6[%dma_start3A_564] : memref<25600xi32, #tpu.memory_space<vmem>> -> memref<128xi32, #tpu.memory_space<vmem>>
    %dma_start3A_566 = arith.constant 0 : i32
    %dma_start3A_567 = arith.constant 0 : i32
    %dma_start3A_568 = tpu.memref_slice %arg3[%dma_start3A_566, %dma_start3A_567] : memref<27200x128xf32, #tpu.memory_space<hbm>> -> memref<27200x128xf32, #tpu.memory_space<hbm>>
    tpu.enqueue_indirect_dma source(%dma_start3A_568 : memref<27200x128xf32, #tpu.memory_space<hbm>>) target(%arg12 : memref<128x128xf32, #tpu.memory_space<vmem>>) offsets(%dma_start3A_565 : memref<128xi32, #tpu.memory_space<vmem>>) semaphore(%arg17 : memref<!tpu.dma_semaphore, #tpu.memory_space<semaphore_mem>>)
    %scan3A = arith.constant 0 : i32
    %scan3A_569 = arith.constant 0 : i32
    %scan3A_570 = arith.constant 40 : i32
    %scan3A_571 = arith.addi %scan3A_569, %scan3A_570 : i32
    %scan3A_572 = arith.constant 1 : i32
    scf.for %scan3A_603 = %scan3A_569 to %scan3A_571 step %scan3A_572  : i32 {
      %mul3A_604 = arith.constant 5 : i32
      %mul3A_605 = arith.muli %mul3A_604, %scan3A_603 : i32
      %add3A_606 = arith.constant 0 : i32
      %add3A_607 = arith.addi %mul3A_605, %add3A_606 : i32
      %mul3A_608 = arith.constant 128 : i32
      %mul3A_609 = arith.muli %add3A_607, %mul3A_608 : i32
      %dma_wait3A_610 = tpu.memref_slice %arg6[%mul3A_609] : memref<25600xi32, #tpu.memory_space<vmem>> -> memref<128xi32, #tpu.memory_space<vmem>>
      %dma_wait3A_611 = arith.constant 0 : i32
      %dma_wait3A_612 = arith.constant 0 : i32
      %dma_wait3A_613 = tpu.memref_slice %arg3[%dma_wait3A_611, %dma_wait3A_612] : memref<27200x128xf32, #tpu.memory_space<hbm>> -> memref<27200x128xf32, #tpu.memory_space<hbm>>
      tpu.wait_indirect_dma semaphore(%arg13 : memref<!tpu.dma_semaphore, #tpu.memory_space<semaphore_mem>>) src(%dma_wait3A_613 : memref<27200x128xf32, #tpu.memory_space<hbm>>) dst(%arg8 : memref<128x128xf32, #tpu.memory_space<vmem>>)
      %add3A_614 = arith.constant 0 : i32
      %add3A_615 = arith.addi %mul3A_605, %add3A_614 : i32
      %mul3A_616 = arith.constant 128 : i32
      %mul3A_617 = arith.muli %add3A_615, %mul3A_616 : i32
      %add3A_618 = arith.addi %mul3A_2, %mul3A_617 : i32
      %dma_start3A_619 = arith.constant 0 : i32
      %dma_start3A_620 = tpu.memref_slice %arg5[%add3A_618, %dma_start3A_619] : memref<819200x128xf32, #tpu.memory_space<hbm>> -> memref<128x128xf32, #tpu.memory_space<hbm>>
      %dma_start3A_621 = arith.constant 0 : i32
      %dma_start3A_622 = tpu.memref_slice %arg5[%add3A_618, %dma_start3A_621] : memref<819200x128xf32, #tpu.memory_space<hbm>> -> memref<128x128xf32, #tpu.memory_space<hbm>>
      tpu.enqueue_dma source(%arg8 : memref<128x128xf32, #tpu.memory_space<vmem>>) target(%dma_start3A_622 : memref<128x128xf32, #tpu.memory_space<hbm>>) target_semaphore(%arg18 : memref<!tpu.dma_semaphore, #tpu.memory_space<semaphore_mem>>)
      %add3A_623 = arith.constant 1 : i32
      %add3A_624 = arith.addi %mul3A_605, %add3A_623 : i32
      %mul3A_625 = arith.constant 128 : i32
      %mul3A_626 = arith.muli %add3A_624, %mul3A_625 : i32
      %dma_wait3A_627 = tpu.memref_slice %arg6[%mul3A_626] : memref<25600xi32, #tpu.memory_space<vmem>> -> memref<128xi32, #tpu.memory_space<vmem>>
      %dma_wait3A_628 = arith.constant 0 : i32
      %dma_wait3A_629 = arith.constant 0 : i32
      %dma_wait3A_630 = tpu.memref_slice %arg3[%dma_wait3A_628, %dma_wait3A_629] : memref<27200x128xf32, #tpu.memory_space<hbm>> -> memref<27200x128xf32, #tpu.memory_space<hbm>>
      tpu.wait_indirect_dma semaphore(%arg14 : memref<!tpu.dma_semaphore, #tpu.memory_space<semaphore_mem>>) src(%dma_wait3A_630 : memref<27200x128xf32, #tpu.memory_space<hbm>>) dst(%arg9 : memref<128x128xf32, #tpu.memory_space<vmem>>)
      %add3A_631 = arith.constant 1 : i32
      %add3A_632 = arith.addi %mul3A_605, %add3A_631 : i32
      %mul3A_633 = arith.constant 128 : i32
      %mul3A_634 = arith.muli %add3A_632, %mul3A_633 : i32
      %add3A_635 = arith.addi %mul3A_2, %mul3A_634 : i32
      %dma_start3A_636 = arith.constant 0 : i32
      %dma_start3A_637 = tpu.memref_slice %arg5[%add3A_635, %dma_start3A_636] : memref<819200x128xf32, #tpu.memory_space<hbm>> -> memref<128x128xf32, #tpu.memory_space<hbm>>
      %dma_start3A_638 = arith.constant 0 : i32
      %dma_start3A_639 = tpu.memref_slice %arg5[%add3A_635, %dma_start3A_638] : memref<819200x128xf32, #tpu.memory_space<hbm>> -> memref<128x128xf32, #tpu.memory_space<hbm>>
      tpu.enqueue_dma source(%arg9 : memref<128x128xf32, #tpu.memory_space<vmem>>) target(%dma_start3A_639 : memref<128x128xf32, #tpu.memory_space<hbm>>) target_semaphore(%arg19 : memref<!tpu.dma_semaphore, #tpu.memory_space<semaphore_mem>>)
      %add3A_640 = arith.constant 2 : i32
      %add3A_641 = arith.addi %mul3A_605, %add3A_640 : i32
      %mul3A_642 = arith.constant 128 : i32
      %mul3A_643 = arith.muli %add3A_641, %mul3A_642 : i32
      %dma_wait3A_644 = tpu.memref_slice %arg6[%mul3A_643] : memref<25600xi32, #tpu.memory_space<vmem>> -> memref<128xi32, #tpu.memory_space<vmem>>
      %dma_wait3A_645 = arith.constant 0 : i32
      %dma_wait3A_646 = arith.constant 0 : i32
      %dma_wait3A_647 = tpu.memref_slice %arg3[%dma_wait3A_645, %dma_wait3A_646] : memref<27200x128xf32, #tpu.memory_space<hbm>> -> memref<27200x128xf32, #tpu.memory_space<hbm>>
      tpu.wait_indirect_dma semaphore(%arg15 : memref<!tpu.dma_semaphore, #tpu.memory_space<semaphore_mem>>) src(%dma_wait3A_647 : memref<27200x128xf32, #tpu.memory_space<hbm>>) dst(%arg10 : memref<128x128xf32, #tpu.memory_space<vmem>>)
      %add3A_648 = arith.constant 2 : i32
      %add3A_649 = arith.addi %mul3A_605, %add3A_648 : i32
      %mul3A_650 = arith.constant 128 : i32
      %mul3A_651 = arith.muli %add3A_649, %mul3A_650 : i32
      %add3A_652 = arith.addi %mul3A_2, %mul3A_651 : i32
      %dma_start3A_653 = arith.constant 0 : i32
      %dma_start3A_654 = tpu.memref_slice %arg5[%add3A_652, %dma_start3A_653] : memref<819200x128xf32, #tpu.memory_space<hbm>> -> memref<128x128xf32, #tpu.memory_space<hbm>>
      %dma_start3A_655 = arith.constant 0 : i32
      %dma_start3A_656 = tpu.memref_slice %arg5[%add3A_652, %dma_start3A_655] : memref<819200x128xf32, #tpu.memory_space<hbm>> -> memref<128x128xf32, #tpu.memory_space<hbm>>
      tpu.enqueue_dma source(%arg10 : memref<128x128xf32, #tpu.memory_space<vmem>>) target(%dma_start3A_656 : memref<128x128xf32, #tpu.memory_space<hbm>>) target_semaphore(%arg20 : memref<!tpu.dma_semaphore, #tpu.memory_space<semaphore_mem>>)
      %add3A_657 = arith.constant 3 : i32
      %add3A_658 = arith.addi %mul3A_605, %add3A_657 : i32
      %mul3A_659 = arith.constant 128 : i32
      %mul3A_660 = arith.muli %add3A_658, %mul3A_659 : i32
      %dma_wait3A_661 = tpu.memref_slice %arg6[%mul3A_660] : memref<25600xi32, #tpu.memory_space<vmem>> -> memref<128xi32, #tpu.memory_space<vmem>>
      %dma_wait3A_662 = arith.constant 0 : i32
      %dma_wait3A_663 = arith.constant 0 : i32
      %dma_wait3A_664 = tpu.memref_slice %arg3[%dma_wait3A_662, %dma_wait3A_663] : memref<27200x128xf32, #tpu.memory_space<hbm>> -> memref<27200x128xf32, #tpu.memory_space<hbm>>
      tpu.wait_indirect_dma semaphore(%arg16 : memref<!tpu.dma_semaphore, #tpu.memory_space<semaphore_mem>>) src(%dma_wait3A_664 : memref<27200x128xf32, #tpu.memory_space<hbm>>) dst(%arg11 : memref<128x128xf32, #tpu.memory_space<vmem>>)
      %add3A_665 = arith.constant 3 : i32
      %add3A_666 = arith.addi %mul3A_605, %add3A_665 : i32
      %mul3A_667 = arith.constant 128 : i32
      %mul3A_668 = arith.muli %add3A_666, %mul3A_667 : i32
      %add3A_669 = arith.addi %mul3A_2, %mul3A_668 : i32
      %dma_start3A_670 = arith.constant 0 : i32
      %dma_start3A_671 = tpu.memref_slice %arg5[%add3A_669, %dma_start3A_670] : memref<819200x128xf32, #tpu.memory_space<hbm>> -> memref<128x128xf32, #tpu.memory_space<hbm>>
      %dma_start3A_672 = arith.constant 0 : i32
      %dma_start3A_673 = tpu.memref_slice %arg5[%add3A_669, %dma_start3A_672] : memref<819200x128xf32, #tpu.memory_space<hbm>> -> memref<128x128xf32, #tpu.memory_space<hbm>>
      tpu.enqueue_dma source(%arg11 : memref<128x128xf32, #tpu.memory_space<vmem>>) target(%dma_start3A_673 : memref<128x128xf32, #tpu.memory_space<hbm>>) target_semaphore(%arg21 : memref<!tpu.dma_semaphore, #tpu.memory_space<semaphore_mem>>)
      %add3A_674 = arith.constant 4 : i32
      %add3A_675 = arith.addi %mul3A_605, %add3A_674 : i32
      %mul3A_676 = arith.constant 128 : i32
      %mul3A_677 = arith.muli %add3A_675, %mul3A_676 : i32
      %dma_wait3A_678 = tpu.memref_slice %arg6[%mul3A_677] : memref<25600xi32, #tpu.memory_space<vmem>> -> memref<128xi32, #tpu.memory_space<vmem>>
      %dma_wait3A_679 = arith.constant 0 : i32
      %dma_wait3A_680 = arith.constant 0 : i32
      %dma_wait3A_681 = tpu.memref_slice %arg3[%dma_wait3A_679, %dma_wait3A_680] : memref<27200x128xf32, #tpu.memory_space<hbm>> -> memref<27200x128xf32, #tpu.memory_space<hbm>>
      tpu.wait_indirect_dma semaphore(%arg17 : memref<!tpu.dma_semaphore, #tpu.memory_space<semaphore_mem>>) src(%dma_wait3A_681 : memref<27200x128xf32, #tpu.memory_space<hbm>>) dst(%arg12 : memref<128x128xf32, #tpu.memory_space<vmem>>)
      %add3A_682 = arith.constant 4 : i32
      %add3A_683 = arith.addi %mul3A_605, %add3A_682 : i32
      %mul3A_684 = arith.constant 128 : i32
      %mul3A_685 = arith.muli %add3A_683, %mul3A_684 : i32
      %add3A_686 = arith.addi %mul3A_2, %mul3A_685 : i32
      %dma_start3A_687 = arith.constant 0 : i32
      %dma_start3A_688 = tpu.memref_slice %arg5[%add3A_686, %dma_start3A_687] : memref<819200x128xf32, #tpu.memory_space<hbm>> -> memref<128x128xf32, #tpu.memory_space<hbm>>
      %dma_start3A_689 = arith.constant 0 : i32
      %dma_start3A_690 = tpu.memref_slice %arg5[%add3A_686, %dma_start3A_689] : memref<819200x128xf32, #tpu.memory_space<hbm>> -> memref<128x128xf32, #tpu.memory_space<hbm>>
      tpu.enqueue_dma source(%arg12 : memref<128x128xf32, #tpu.memory_space<vmem>>) target(%dma_start3A_690 : memref<128x128xf32, #tpu.memory_space<hbm>>) target_semaphore(%arg22 : memref<!tpu.dma_semaphore, #tpu.memory_space<semaphore_mem>>)
      %lt3A = arith.constant 39 : i32
      %lt3A_691 = arith.cmpi slt, %scan3A_603, %lt3A : i32
      %convert_element_type3A = arith.extui %lt3A_691 : i1 to i32
      %cond3A = arith.constant 0 : i32
      %cond3A_692 = arith.cmpi ne, %convert_element_type3A, %cond3A : i32
      scf.if %cond3A_692 {
        %add3A_693 = arith.constant 0 : i32
        %add3A_694 = arith.addi %mul3A_605, %add3A_693 : i32
        %mul3A_695 = arith.constant 128 : i32
        %mul3A_696 = arith.muli %add3A_694, %mul3A_695 : i32
        %add3A_697 = arith.addi %mul3A_2, %mul3A_696 : i32
        %dma_wait3A_698 = arith.constant 0 : i32
        %dma_wait3A_699 = tpu.memref_slice %arg5[%add3A_697, %dma_wait3A_698] : memref<819200x128xf32, #tpu.memory_space<hbm>> -> memref<128x128xf32, #tpu.memory_space<hbm>>
        %dma_wait3A_700 = arith.constant 0 : i32
        %dma_wait3A_701 = tpu.memref_slice %arg5[%add3A_697, %dma_wait3A_700] : memref<819200x128xf32, #tpu.memory_space<hbm>> -> memref<128x128xf32, #tpu.memory_space<hbm>>
        tpu.wait_dma2 semaphore(%arg18 : memref<!tpu.dma_semaphore, #tpu.memory_space<semaphore_mem>>) src(%arg8 : memref<128x128xf32, #tpu.memory_space<vmem>>) dst(%dma_wait3A_701 : memref<128x128xf32, #tpu.memory_space<hbm>>)
        %add3A_702 = arith.constant 5 : i32
        %add3A_703 = arith.addi %mul3A_605, %add3A_702 : i32
        %add3A_704 = arith.constant 0 : i32
        %add3A_705 = arith.addi %add3A_703, %add3A_704 : i32
        %rem3A_706 = arith.constant 25 : i32
        %rem3A_707 = arith.remsi %add3A_705, %rem3A_706 : i32
        %mul3A_708 = arith.constant 128 : i32
        %mul3A_709 = arith.muli %rem3A_707, %mul3A_708 : i32
        %mul3A_710 = arith.constant 128 : i32
        %mul3A_711 = arith.muli %add3A_705, %mul3A_710 : i32
        %add3A_712 = arith.constant 0 : i32
        %add3A_713 = arith.addi %mul3A_711, %add3A_712 : i32
        %get3A_714 = arith.index_cast %add3A_713 : i32 to index
        %get3A_715 = tpu.vector_load %arg6[%get3A_714] {strides = array<i32>} : memref<25600xi32, #tpu.memory_space<vmem>>, vector<16xi32>,
        %get3A_716 = vector.shape_cast %get3A_715 : vector<16xi32> to vector<16xi32>
        %add3A_717 = arith.constant 0 : i32
        %add3A_718 = arith.addi %mul3A_709, %add3A_717 : i32
        %get3A_719 = arith.index_cast %add3A_718 : i32 to index
        %get3A_720 = tpu.vector_load %arg7[%get3A_719] {strides = array<i32>} : memref<3200xi32, #tpu.memory_space<vmem>>, vector<16xi32>,
        %get3A_721 = vector.shape_cast %get3A_720 : vector<16xi32> to vector<16xi32>
        %add3A_722 = arith.addi %get3A_716, %get3A_721 : vector<16xi32>
        %swap3A_723 = arith.index_cast %add3A_713 : i32 to index
        %swap3A_724 = tpu.vector_load %arg6[%swap3A_723] {strides = array<i32>} : memref<25600xi32, #tpu.memory_space<vmem>>, vector<16xi32>,
        %swap3A_725 = vector.shape_cast %swap3A_724 : vector<16xi32> to vector<16xi32>
        %swap3A_726 = vector.shape_cast %add3A_722 : vector<16xi32> to vector<16xi32>
        tpu.vector_store %arg6[%swap3A_723], %swap3A_726 {strides = array<i32>} : memref<25600xi32, #tpu.memory_space<vmem>>, vector<16xi32>,
        %add3A_727 = arith.constant 16 : i32
        %add3A_728 = arith.addi %mul3A_711, %add3A_727 : i32
        %get3A_729 = arith.index_cast %add3A_728 : i32 to index
        %get3A_730 = tpu.vector_load %arg6[%get3A_729] {strides = array<i32>} : memref<25600xi32, #tpu.memory_space<vmem>>, vector<16xi32>,
        %get3A_731 = vector.shape_cast %get3A_730 : vector<16xi32> to vector<16xi32>
        %add3A_732 = arith.constant 16 : i32
        %add3A_733 = arith.addi %mul3A_709, %add3A_732 : i32
        %get3A_734 = arith.index_cast %add3A_733 : i32 to index
        %get3A_735 = tpu.vector_load %arg7[%get3A_734] {strides = array<i32>} : memref<3200xi32, #tpu.memory_space<vmem>>, vector<16xi32>,
        %get3A_736 = vector.shape_cast %get3A_735 : vector<16xi32> to vector<16xi32>
        %add3A_737 = arith.addi %get3A_731, %get3A_736 : vector<16xi32>
        %swap3A_738 = arith.index_cast %add3A_728 : i32 to index
        %swap3A_739 = tpu.vector_load %arg6[%swap3A_738] {strides = array<i32>} : memref<25600xi32, #tpu.memory_space<vmem>>, vector<16xi32>,
        %swap3A_740 = vector.shape_cast %swap3A_739 : vector<16xi32> to vector<16xi32>
        %swap3A_741 = vector.shape_cast %add3A_737 : vector<16xi32> to vector<16xi32>
        tpu.vector_store %arg6[%swap3A_738], %swap3A_741 {strides = array<i32>} : memref<25600xi32, #tpu.memory_space<vmem>>, vector<16xi32>,
        %add3A_742 = arith.constant 32 : i32
        %add3A_743 = arith.addi %mul3A_711, %add3A_742 : i32
        %get3A_744 = arith.index_cast %add3A_743 : i32 to index
        %get3A_745 = tpu.vector_load %arg6[%get3A_744] {strides = array<i32>} : memref<25600xi32, #tpu.memory_space<vmem>>, vector<16xi32>,
        %get3A_746 = vector.shape_cast %get3A_745 : vector<16xi32> to vector<16xi32>
        %add3A_747 = arith.constant 32 : i32
        %add3A_748 = arith.addi %mul3A_709, %add3A_747 : i32
        %get3A_749 = arith.index_cast %add3A_748 : i32 to index
        %get3A_750 = tpu.vector_load %arg7[%get3A_749] {strides = array<i32>} : memref<3200xi32, #tpu.memory_space<vmem>>, vector<16xi32>,
        %get3A_751 = vector.shape_cast %get3A_750 : vector<16xi32> to vector<16xi32>
        %add3A_752 = arith.addi %get3A_746, %get3A_751 : vector<16xi32>
        %swap3A_753 = arith.index_cast %add3A_743 : i32 to index
        %swap3A_754 = tpu.vector_load %arg6[%swap3A_753] {strides = array<i32>} : memref<25600xi32, #tpu.memory_space<vmem>>, vector<16xi32>,
        %swap3A_755 = vector.shape_cast %swap3A_754 : vector<16xi32> to vector<16xi32>
        %swap3A_756 = vector.shape_cast %add3A_752 : vector<16xi32> to vector<16xi32>
        tpu.vector_store %arg6[%swap3A_753], %swap3A_756 {strides = array<i32>} : memref<25600xi32, #tpu.memory_space<vmem>>, vector<16xi32>,
        %add3A_757 = arith.constant 48 : i32
        %add3A_758 = arith.addi %mul3A_711, %add3A_757 : i32
        %get3A_759 = arith.index_cast %add3A_758 : i32 to index
        %get3A_760 = tpu.vector_load %arg6[%get3A_759] {strides = array<i32>} : memref<25600xi32, #tpu.memory_space<vmem>>, vector<16xi32>,
        %get3A_761 = vector.shape_cast %get3A_760 : vector<16xi32> to vector<16xi32>
        %add3A_762 = arith.constant 48 : i32
        %add3A_763 = arith.addi %mul3A_709, %add3A_762 : i32
        %get3A_764 = arith.index_cast %add3A_763 : i32 to index
        %get3A_765 = tpu.vector_load %arg7[%get3A_764] {strides = array<i32>} : memref<3200xi32, #tpu.memory_space<vmem>>, vector<16xi32>,
        %get3A_766 = vector.shape_cast %get3A_765 : vector<16xi32> to vector<16xi32>
        %add3A_767 = arith.addi %get3A_761, %get3A_766 : vector<16xi32>
        %swap3A_768 = arith.index_cast %add3A_758 : i32 to index
        %swap3A_769 = tpu.vector_load %arg6[%swap3A_768] {strides = array<i32>} : memref<25600xi32, #tpu.memory_space<vmem>>, vector<16xi32>,
        %swap3A_770 = vector.shape_cast %swap3A_769 : vector<16xi32> to vector<16xi32>
        %swap3A_771 = vector.shape_cast %add3A_767 : vector<16xi32> to vector<16xi32>
        tpu.vector_store %arg6[%swap3A_768], %swap3A_771 {strides = array<i32>} : memref<25600xi32, #tpu.memory_space<vmem>>, vector<16xi32>,
        %add3A_772 = arith.constant 64 : i32
        %add3A_773 = arith.addi %mul3A_711, %add3A_772 : i32
        %get3A_774 = arith.index_cast %add3A_773 : i32 to index
        %get3A_775 = tpu.vector_load %arg6[%get3A_774] {strides = array<i32>} : memref<25600xi32, #tpu.memory_space<vmem>>, vector<16xi32>,
        %get3A_776 = vector.shape_cast %get3A_775 : vector<16xi32> to vector<16xi32>
        %add3A_777 = arith.constant 64 : i32
        %add3A_778 = arith.addi %mul3A_709, %add3A_777 : i32
        %get3A_779 = arith.index_cast %add3A_778 : i32 to index
        %get3A_780 = tpu.vector_load %arg7[%get3A_779] {strides = array<i32>} : memref<3200xi32, #tpu.memory_space<vmem>>, vector<16xi32>,
        %get3A_781 = vector.shape_cast %get3A_780 : vector<16xi32> to vector<16xi32>
        %add3A_782 = arith.addi %get3A_776, %get3A_781 : vector<16xi32>
        %swap3A_783 = arith.index_cast %add3A_773 : i32 to index
        %swap3A_784 = tpu.vector_load %arg6[%swap3A_783] {strides = array<i32>} : memref<25600xi32, #tpu.memory_space<vmem>>, vector<16xi32>,
        %swap3A_785 = vector.shape_cast %swap3A_784 : vector<16xi32> to vector<16xi32>
        %swap3A_786 = vector.shape_cast %add3A_782 : vector<16xi32> to vector<16xi32>
        tpu.vector_store %arg6[%swap3A_783], %swap3A_786 {strides = array<i32>} : memref<25600xi32, #tpu.memory_space<vmem>>, vector<16xi32>,
        %add3A_787 = arith.constant 80 : i32
        %add3A_788 = arith.addi %mul3A_711, %add3A_787 : i32
        %get3A_789 = arith.index_cast %add3A_788 : i32 to index
        %get3A_790 = tpu.vector_load %arg6[%get3A_789] {strides = array<i32>} : memref<25600xi32, #tpu.memory_space<vmem>>, vector<16xi32>,
        %get3A_791 = vector.shape_cast %get3A_790 : vector<16xi32> to vector<16xi32>
        %add3A_792 = arith.constant 80 : i32
        %add3A_793 = arith.addi %mul3A_709, %add3A_792 : i32
        %get3A_794 = arith.index_cast %add3A_793 : i32 to index
        %get3A_795 = tpu.vector_load %arg7[%get3A_794] {strides = array<i32>} : memref<3200xi32, #tpu.memory_space<vmem>>, vector<16xi32>,
        %get3A_796 = vector.shape_cast %get3A_795 : vector<16xi32> to vector<16xi32>
        %add3A_797 = arith.addi %get3A_791, %get3A_796 : vector<16xi32>
        %swap3A_798 = arith.index_cast %add3A_788 : i32 to index
        %swap3A_799 = tpu.vector_load %arg6[%swap3A_798] {strides = array<i32>} : memref<25600xi32, #tpu.memory_space<vmem>>, vector<16xi32>,
        %swap3A_800 = vector.shape_cast %swap3A_799 : vector<16xi32> to vector<16xi32>
        %swap3A_801 = vector.shape_cast %add3A_797 : vector<16xi32> to vector<16xi32>
        tpu.vector_store %arg6[%swap3A_798], %swap3A_801 {strides = array<i32>} : memref<25600xi32, #tpu.memory_space<vmem>>, vector<16xi32>,
        %add3A_802 = arith.constant 96 : i32
        %add3A_803 = arith.addi %mul3A_711, %add3A_802 : i32
        %get3A_804 = arith.index_cast %add3A_803 : i32 to index
        %get3A_805 = tpu.vector_load %arg6[%get3A_804] {strides = array<i32>} : memref<25600xi32, #tpu.memory_space<vmem>>, vector<16xi32>,
        %get3A_806 = vector.shape_cast %get3A_805 : vector<16xi32> to vector<16xi32>
        %add3A_807 = arith.constant 96 : i32
        %add3A_808 = arith.addi %mul3A_709, %add3A_807 : i32
        %get3A_809 = arith.index_cast %add3A_808 : i32 to index
        %get3A_810 = tpu.vector_load %arg7[%get3A_809] {strides = array<i32>} : memref<3200xi32, #tpu.memory_space<vmem>>, vector<16xi32>,
        %get3A_811 = vector.shape_cast %get3A_810 : vector<16xi32> to vector<16xi32>
        %add3A_812 = arith.addi %get3A_806, %get3A_811 : vector<16xi32>
        %swap3A_813 = arith.index_cast %add3A_803 : i32 to index
        %swap3A_814 = tpu.vector_load %arg6[%swap3A_813] {strides = array<i32>} : memref<25600xi32, #tpu.memory_space<vmem>>, vector<16xi32>,
        %swap3A_815 = vector.shape_cast %swap3A_814 : vector<16xi32> to vector<16xi32>
        %swap3A_816 = vector.shape_cast %add3A_812 : vector<16xi32> to vector<16xi32>
        tpu.vector_store %arg6[%swap3A_813], %swap3A_816 {strides = array<i32>} : memref<25600xi32, #tpu.memory_space<vmem>>, vector<16xi32>,
        %add3A_817 = arith.constant 112 : i32
        %add3A_818 = arith.addi %mul3A_711, %add3A_817 : i32
        %get3A_819 = arith.index_cast %add3A_818 : i32 to index
        %get3A_820 = tpu.vector_load %arg6[%get3A_819] {strides = array<i32>} : memref<25600xi32, #tpu.memory_space<vmem>>, vector<16xi32>,
        %get3A_821 = vector.shape_cast %get3A_820 : vector<16xi32> to vector<16xi32>
        %add3A_822 = arith.constant 112 : i32
        %add3A_823 = arith.addi %mul3A_709, %add3A_822 : i32
        %get3A_824 = arith.index_cast %add3A_823 : i32 to index
        %get3A_825 = tpu.vector_load %arg7[%get3A_824] {strides = array<i32>} : memref<3200xi32, #tpu.memory_space<vmem>>, vector<16xi32>,
        %get3A_826 = vector.shape_cast %get3A_825 : vector<16xi32> to vector<16xi32>
        %add3A_827 = arith.addi %get3A_821, %get3A_826 : vector<16xi32>
        %swap3A_828 = arith.index_cast %add3A_818 : i32 to index
        %swap3A_829 = tpu.vector_load %arg6[%swap3A_828] {strides = array<i32>} : memref<25600xi32, #tpu.memory_space<vmem>>, vector<16xi32>,
        %swap3A_830 = vector.shape_cast %swap3A_829 : vector<16xi32> to vector<16xi32>
        %swap3A_831 = vector.shape_cast %add3A_827 : vector<16xi32> to vector<16xi32>
        tpu.vector_store %arg6[%swap3A_828], %swap3A_831 {strides = array<i32>} : memref<25600xi32, #tpu.memory_space<vmem>>, vector<16xi32>,
        %add3A_832 = arith.constant 5 : i32
        %add3A_833 = arith.addi %mul3A_605, %add3A_832 : i32
        %add3A_834 = arith.constant 0 : i32
        %add3A_835 = arith.addi %add3A_833, %add3A_834 : i32
        %mul3A_836 = arith.constant 128 : i32
        %mul3A_837 = arith.muli %add3A_835, %mul3A_836 : i32
        %dma_start3A_838 = tpu.memref_slice %arg6[%mul3A_837] : memref<25600xi32, #tpu.memory_space<vmem>> -> memref<128xi32, #tpu.memory_space<vmem>>
        %dma_start3A_839 = arith.constant 0 : i32
        %dma_start3A_840 = arith.constant 0 : i32
        %dma_start3A_841 = tpu.memref_slice %arg3[%dma_start3A_839, %dma_start3A_840] : memref<27200x128xf32, #tpu.memory_space<hbm>> -> memref<27200x128xf32, #tpu.memory_space<hbm>>
        tpu.enqueue_indirect_dma source(%dma_start3A_841 : memref<27200x128xf32, #tpu.memory_space<hbm>>) target(%arg8 : memref<128x128xf32, #tpu.memory_space<vmem>>) offsets(%dma_start3A_838 : memref<128xi32, #tpu.memory_space<vmem>>) semaphore(%arg13 : memref<!tpu.dma_semaphore, #tpu.memory_space<semaphore_mem>>)
        %add3A_842 = arith.constant 1 : i32
        %add3A_843 = arith.addi %mul3A_605, %add3A_842 : i32
        %mul3A_844 = arith.constant 128 : i32
        %mul3A_845 = arith.muli %add3A_843, %mul3A_844 : i32
        %add3A_846 = arith.addi %mul3A_2, %mul3A_845 : i32
        %dma_wait3A_847 = arith.constant 0 : i32
        %dma_wait3A_848 = tpu.memref_slice %arg5[%add3A_846, %dma_wait3A_847] : memref<819200x128xf32, #tpu.memory_space<hbm>> -> memref<128x128xf32, #tpu.memory_space<hbm>>
        %dma_wait3A_849 = arith.constant 0 : i32
        %dma_wait3A_850 = tpu.memref_slice %arg5[%add3A_846, %dma_wait3A_849] : memref<819200x128xf32, #tpu.memory_space<hbm>> -> memref<128x128xf32, #tpu.memory_space<hbm>>
        tpu.wait_dma2 semaphore(%arg19 : memref<!tpu.dma_semaphore, #tpu.memory_space<semaphore_mem>>) src(%arg9 : memref<128x128xf32, #tpu.memory_space<vmem>>) dst(%dma_wait3A_850 : memref<128x128xf32, #tpu.memory_space<hbm>>)
        %add3A_851 = arith.constant 5 : i32
        %add3A_852 = arith.addi %mul3A_605, %add3A_851 : i32
        %add3A_853 = arith.constant 1 : i32
        %add3A_854 = arith.addi %add3A_852, %add3A_853 : i32
        %rem3A_855 = arith.constant 25 : i32
        %rem3A_856 = arith.remsi %add3A_854, %rem3A_855 : i32
        %mul3A_857 = arith.constant 128 : i32
        %mul3A_858 = arith.muli %rem3A_856, %mul3A_857 : i32
        %mul3A_859 = arith.constant 128 : i32
        %mul3A_860 = arith.muli %add3A_854, %mul3A_859 : i32
        %add3A_861 = arith.constant 0 : i32
        %add3A_862 = arith.addi %mul3A_860, %add3A_861 : i32
        %get3A_863 = arith.index_cast %add3A_862 : i32 to index
        %get3A_864 = tpu.vector_load %arg6[%get3A_863] {strides = array<i32>} : memref<25600xi32, #tpu.memory_space<vmem>>, vector<16xi32>,
        %get3A_865 = vector.shape_cast %get3A_864 : vector<16xi32> to vector<16xi32>
        %add3A_866 = arith.constant 0 : i32
        %add3A_867 = arith.addi %mul3A_858, %add3A_866 : i32
        %get3A_868 = arith.index_cast %add3A_867 : i32 to index
        %get3A_869 = tpu.vector_load %arg7[%get3A_868] {strides = array<i32>} : memref<3200xi32, #tpu.memory_space<vmem>>, vector<16xi32>,
        %get3A_870 = vector.shape_cast %get3A_869 : vector<16xi32> to vector<16xi32>
        %add3A_871 = arith.addi %get3A_865, %get3A_870 : vector<16xi32>
        %swap3A_872 = arith.index_cast %add3A_862 : i32 to index
        %swap3A_873 = tpu.vector_load %arg6[%swap3A_872] {strides = array<i32>} : memref<25600xi32, #tpu.memory_space<vmem>>, vector<16xi32>,
        %swap3A_874 = vector.shape_cast %swap3A_873 : vector<16xi32> to vector<16xi32>
        %swap3A_875 = vector.shape_cast %add3A_871 : vector<16xi32> to vector<16xi32>
        tpu.vector_store %arg6[%swap3A_872], %swap3A_875 {strides = array<i32>} : memref<25600xi32, #tpu.memory_space<vmem>>, vector<16xi32>,
        %add3A_876 = arith.constant 16 : i32
        %add3A_877 = arith.addi %mul3A_860, %add3A_876 : i32
        %get3A_878 = arith.index_cast %add3A_877 : i32 to index
        %get3A_879 = tpu.vector_load %arg6[%get3A_878] {strides = array<i32>} : memref<25600xi32, #tpu.memory_space<vmem>>, vector<16xi32>,
        %get3A_880 = vector.shape_cast %get3A_879 : vector<16xi32> to vector<16xi32>
        %add3A_881 = arith.constant 16 : i32
        %add3A_882 = arith.addi %mul3A_858, %add3A_881 : i32
        %get3A_883 = arith.index_cast %add3A_882 : i32 to index
        %get3A_884 = tpu.vector_load %arg7[%get3A_883] {strides = array<i32>} : memref<3200xi32, #tpu.memory_space<vmem>>, vector<16xi32>,
        %get3A_885 = vector.shape_cast %get3A_884 : vector<16xi32> to vector<16xi32>
        %add3A_886 = arith.addi %get3A_880, %get3A_885 : vector<16xi32>
        %swap3A_887 = arith.index_cast %add3A_877 : i32 to index
        %swap3A_888 = tpu.vector_load %arg6[%swap3A_887] {strides = array<i32>} : memref<25600xi32, #tpu.memory_space<vmem>>, vector<16xi32>,
        %swap3A_889 = vector.shape_cast %swap3A_888 : vector<16xi32> to vector<16xi32>
        %swap3A_890 = vector.shape_cast %add3A_886 : vector<16xi32> to vector<16xi32>
        tpu.vector_store %arg6[%swap3A_887], %swap3A_890 {strides = array<i32>} : memref<25600xi32, #tpu.memory_space<vmem>>, vector<16xi32>,
        %add3A_891 = arith.constant 32 : i32
        %add3A_892 = arith.addi %mul3A_860, %add3A_891 : i32
        %get3A_893 = arith.index_cast %add3A_892 : i32 to index
        %get3A_894 = tpu.vector_load %arg6[%get3A_893] {strides = array<i32>} : memref<25600xi32, #tpu.memory_space<vmem>>, vector<16xi32>,
        %get3A_895 = vector.shape_cast %get3A_894 : vector<16xi32> to vector<16xi32>
        %add3A_896 = arith.constant 32 : i32
        %add3A_897 = arith.addi %mul3A_858, %add3A_896 : i32
        %get3A_898 = arith.index_cast %add3A_897 : i32 to index
        %get3A_899 = tpu.vector_load %arg7[%get3A_898] {strides = array<i32>} : memref<3200xi32, #tpu.memory_space<vmem>>, vector<16xi32>,
        %get3A_900 = vector.shape_cast %get3A_899 : vector<16xi32> to vector<16xi32>
        %add3A_901 = arith.addi %get3A_895, %get3A_900 : vector<16xi32>
        %swap3A_902 = arith.index_cast %add3A_892 : i32 to index
        %swap3A_903 = tpu.vector_load %arg6[%swap3A_902] {strides = array<i32>} : memref<25600xi32, #tpu.memory_space<vmem>>, vector<16xi32>,
        %swap3A_904 = vector.shape_cast %swap3A_903 : vector<16xi32> to vector<16xi32>
        %swap3A_905 = vector.shape_cast %add3A_901 : vector<16xi32> to vector<16xi32>
        tpu.vector_store %arg6[%swap3A_902], %swap3A_905 {strides = array<i32>} : memref<25600xi32, #tpu.memory_space<vmem>>, vector<16xi32>,
        %add3A_906 = arith.constant 48 : i32
        %add3A_907 = arith.addi %mul3A_860, %add3A_906 : i32
        %get3A_908 = arith.index_cast %add3A_907 : i32 to index
        %get3A_909 = tpu.vector_load %arg6[%get3A_908] {strides = array<i32>} : memref<25600xi32, #tpu.memory_space<vmem>>, vector<16xi32>,
        %get3A_910 = vector.shape_cast %get3A_909 : vector<16xi32> to vector<16xi32>
        %add3A_911 = arith.constant 48 : i32
        %add3A_912 = arith.addi %mul3A_858, %add3A_911 : i32
        %get3A_913 = arith.index_cast %add3A_912 : i32 to index
        %get3A_914 = tpu.vector_load %arg7[%get3A_913] {strides = array<i32>} : memref<3200xi32, #tpu.memory_space<vmem>>, vector<16xi32>,
        %get3A_915 = vector.shape_cast %get3A_914 : vector<16xi32> to vector<16xi32>
        %add3A_916 = arith.addi %get3A_910, %get3A_915 : vector<16xi32>
        %swap3A_917 = arith.index_cast %add3A_907 : i32 to index
        %swap3A_918 = tpu.vector_load %arg6[%swap3A_917] {strides = array<i32>} : memref<25600xi32, #tpu.memory_space<vmem>>, vector<16xi32>,
        %swap3A_919 = vector.shape_cast %swap3A_918 : vector<16xi32> to vector<16xi32>
        %swap3A_920 = vector.shape_cast %add3A_916 : vector<16xi32> to vector<16xi32>
        tpu.vector_store %arg6[%swap3A_917], %swap3A_920 {strides = array<i32>} : memref<25600xi32, #tpu.memory_space<vmem>>, vector<16xi32>,
        %add3A_921 = arith.constant 64 : i32
        %add3A_922 = arith.addi %mul3A_860, %add3A_921 : i32
        %get3A_923 = arith.index_cast %add3A_922 : i32 to index
        %get3A_924 = tpu.vector_load %arg6[%get3A_923] {strides = array<i32>} : memref<25600xi32, #tpu.memory_space<vmem>>, vector<16xi32>,
        %get3A_925 = vector.shape_cast %get3A_924 : vector<16xi32> to vector<16xi32>
        %add3A_926 = arith.constant 64 : i32
        %add3A_927 = arith.addi %mul3A_858, %add3A_926 : i32
        %get3A_928 = arith.index_cast %add3A_927 : i32 to index
        %get3A_929 = tpu.vector_load %arg7[%get3A_928] {strides = array<i32>} : memref<3200xi32, #tpu.memory_space<vmem>>, vector<16xi32>,
        %get3A_930 = vector.shape_cast %get3A_929 : vector<16xi32> to vector<16xi32>
        %add3A_931 = arith.addi %get3A_925, %get3A_930 : vector<16xi32>
        %swap3A_932 = arith.index_cast %add3A_922 : i32 to index
        %swap3A_933 = tpu.vector_load %arg6[%swap3A_932] {strides = array<i32>} : memref<25600xi32, #tpu.memory_space<vmem>>, vector<16xi32>,
        %swap3A_934 = vector.shape_cast %swap3A_933 : vector<16xi32> to vector<16xi32>
        %swap3A_935 = vector.shape_cast %add3A_931 : vector<16xi32> to vector<16xi32>
        tpu.vector_store %arg6[%swap3A_932], %swap3A_935 {strides = array<i32>} : memref<25600xi32, #tpu.memory_space<vmem>>, vector<16xi32>,
        %add3A_936 = arith.constant 80 : i32
        %add3A_937 = arith.addi %mul3A_860, %add3A_936 : i32
        %get3A_938 = arith.index_cast %add3A_937 : i32 to index
        %get3A_939 = tpu.vector_load %arg6[%get3A_938] {strides = array<i32>} : memref<25600xi32, #tpu.memory_space<vmem>>, vector<16xi32>,
        %get3A_940 = vector.shape_cast %get3A_939 : vector<16xi32> to vector<16xi32>
        %add3A_941 = arith.constant 80 : i32
        %add3A_942 = arith.addi %mul3A_858, %add3A_941 : i32
        %get3A_943 = arith.index_cast %add3A_942 : i32 to index
        %get3A_944 = tpu.vector_load %arg7[%get3A_943] {strides = array<i32>} : memref<3200xi32, #tpu.memory_space<vmem>>, vector<16xi32>,
        %get3A_945 = vector.shape_cast %get3A_944 : vector<16xi32> to vector<16xi32>
        %add3A_946 = arith.addi %get3A_940, %get3A_945 : vector<16xi32>
        %swap3A_947 = arith.index_cast %add3A_937 : i32 to index
        %swap3A_948 = tpu.vector_load %arg6[%swap3A_947] {strides = array<i32>} : memref<25600xi32, #tpu.memory_space<vmem>>, vector<16xi32>,
        %swap3A_949 = vector.shape_cast %swap3A_948 : vector<16xi32> to vector<16xi32>
        %swap3A_950 = vector.shape_cast %add3A_946 : vector<16xi32> to vector<16xi32>
        tpu.vector_store %arg6[%swap3A_947], %swap3A_950 {strides = array<i32>} : memref<25600xi32, #tpu.memory_space<vmem>>, vector<16xi32>,
        %add3A_951 = arith.constant 96 : i32
        %add3A_952 = arith.addi %mul3A_860, %add3A_951 : i32
        %get3A_953 = arith.index_cast %add3A_952 : i32 to index
        %get3A_954 = tpu.vector_load %arg6[%get3A_953] {strides = array<i32>} : memref<25600xi32, #tpu.memory_space<vmem>>, vector<16xi32>,
        %get3A_955 = vector.shape_cast %get3A_954 : vector<16xi32> to vector<16xi32>
        %add3A_956 = arith.constant 96 : i32
        %add3A_957 = arith.addi %mul3A_858, %add3A_956 : i32
        %get3A_958 = arith.index_cast %add3A_957 : i32 to index
        %get3A_959 = tpu.vector_load %arg7[%get3A_958] {strides = array<i32>} : memref<3200xi32, #tpu.memory_space<vmem>>, vector<16xi32>,
        %get3A_960 = vector.shape_cast %get3A_959 : vector<16xi32> to vector<16xi32>
        %add3A_961 = arith.addi %get3A_955, %get3A_960 : vector<16xi32>
        %swap3A_962 = arith.index_cast %add3A_952 : i32 to index
        %swap3A_963 = tpu.vector_load %arg6[%swap3A_962] {strides = array<i32>} : memref<25600xi32, #tpu.memory_space<vmem>>, vector<16xi32>,
        %swap3A_964 = vector.shape_cast %swap3A_963 : vector<16xi32> to vector<16xi32>
        %swap3A_965 = vector.shape_cast %add3A_961 : vector<16xi32> to vector<16xi32>
        tpu.vector_store %arg6[%swap3A_962], %swap3A_965 {strides = array<i32>} : memref<25600xi32, #tpu.memory_space<vmem>>, vector<16xi32>,
        %add3A_966 = arith.constant 112 : i32
        %add3A_967 = arith.addi %mul3A_860, %add3A_966 : i32
        %get3A_968 = arith.index_cast %add3A_967 : i32 to index
        %get3A_969 = tpu.vector_load %arg6[%get3A_968] {strides = array<i32>} : memref<25600xi32, #tpu.memory_space<vmem>>, vector<16xi32>,
        %get3A_970 = vector.shape_cast %get3A_969 : vector<16xi32> to vector<16xi32>
        %add3A_971 = arith.constant 112 : i32
        %add3A_972 = arith.addi %mul3A_858, %add3A_971 : i32
        %get3A_973 = arith.index_cast %add3A_972 : i32 to index
        %get3A_974 = tpu.vector_load %arg7[%get3A_973] {strides = array<i32>} : memref<3200xi32, #tpu.memory_space<vmem>>, vector<16xi32>,
        %get3A_975 = vector.shape_cast %get3A_974 : vector<16xi32> to vector<16xi32>
        %add3A_976 = arith.addi %get3A_970, %get3A_975 : vector<16xi32>
        %swap3A_977 = arith.index_cast %add3A_967 : i32 to index
        %swap3A_978 = tpu.vector_load %arg6[%swap3A_977] {strides = array<i32>} : memref<25600xi32, #tpu.memory_space<vmem>>, vector<16xi32>,
        %swap3A_979 = vector.shape_cast %swap3A_978 : vector<16xi32> to vector<16xi32>
        %swap3A_980 = vector.shape_cast %add3A_976 : vector<16xi32> to vector<16xi32>
        tpu.vector_store %arg6[%swap3A_977], %swap3A_980 {strides = array<i32>} : memref<25600xi32, #tpu.memory_space<vmem>>, vector<16xi32>,
        %add3A_981 = arith.constant 5 : i32
        %add3A_982 = arith.addi %mul3A_605, %add3A_981 : i32
        %add3A_983 = arith.constant 1 : i32
        %add3A_984 = arith.addi %add3A_982, %add3A_983 : i32
        %mul3A_985 = arith.constant 128 : i32
        %mul3A_986 = arith.muli %add3A_984, %mul3A_985 : i32
        %dma_start3A_987 = tpu.memref_slice %arg6[%mul3A_986] : memref<25600xi32, #tpu.memory_space<vmem>> -> memref<128xi32, #tpu.memory_space<vmem>>
        %dma_start3A_988 = arith.constant 0 : i32
        %dma_start3A_989 = arith.constant 0 : i32
        %dma_start3A_990 = tpu.memref_slice %arg3[%dma_start3A_988, %dma_start3A_989] : memref<27200x128xf32, #tpu.memory_space<hbm>> -> memref<27200x128xf32, #tpu.memory_space<hbm>>
        tpu.enqueue_indirect_dma source(%dma_start3A_990 : memref<27200x128xf32, #tpu.memory_space<hbm>>) target(%arg9 : memref<128x128xf32, #tpu.memory_space<vmem>>) offsets(%dma_start3A_987 : memref<128xi32, #tpu.memory_space<vmem>>) semaphore(%arg14 : memref<!tpu.dma_semaphore, #tpu.memory_space<semaphore_mem>>)
        %add3A_991 = arith.constant 2 : i32
        %add3A_992 = arith.addi %mul3A_605, %add3A_991 : i32
        %mul3A_993 = arith.constant 128 : i32
        %mul3A_994 = arith.muli %add3A_992, %mul3A_993 : i32
        %add3A_995 = arith.addi %mul3A_2, %mul3A_994 : i32
        %dma_wait3A_996 = arith.constant 0 : i32
        %dma_wait3A_997 = tpu.memref_slice %arg5[%add3A_995, %dma_wait3A_996] : memref<819200x128xf32, #tpu.memory_space<hbm>> -> memref<128x128xf32, #tpu.memory_space<hbm>>
        %dma_wait3A_998 = arith.constant 0 : i32
        %dma_wait3A_999 = tpu.memref_slice %arg5[%add3A_995, %dma_wait3A_998] : memref<819200x128xf32, #tpu.memory_space<hbm>> -> memref<128x128xf32, #tpu.memory_space<hbm>>
        tpu.wait_dma2 semaphore(%arg20 : memref<!tpu.dma_semaphore, #tpu.memory_space<semaphore_mem>>) src(%arg10 : memref<128x128xf32, #tpu.memory_space<vmem>>) dst(%dma_wait3A_999 : memref<128x128xf32, #tpu.memory_space<hbm>>)
        %add3A_1000 = arith.constant 5 : i32
        %add3A_1001 = arith.addi %mul3A_605, %add3A_1000 : i32
        %add3A_1002 = arith.constant 2 : i32
        %add3A_1003 = arith.addi %add3A_1001, %add3A_1002 : i32
        %rem3A_1004 = arith.constant 25 : i32
        %rem3A_1005 = arith.remsi %add3A_1003, %rem3A_1004 : i32
        %mul3A_1006 = arith.constant 128 : i32
        %mul3A_1007 = arith.muli %rem3A_1005, %mul3A_1006 : i32
        %mul3A_1008 = arith.constant 128 : i32
        %mul3A_1009 = arith.muli %add3A_1003, %mul3A_1008 : i32
        %add3A_1010 = arith.constant 0 : i32
        %add3A_1011 = arith.addi %mul3A_1009, %add3A_1010 : i32
        %get3A_1012 = arith.index_cast %add3A_1011 : i32 to index
        %get3A_1013 = tpu.vector_load %arg6[%get3A_1012] {strides = array<i32>} : memref<25600xi32, #tpu.memory_space<vmem>>, vector<16xi32>,
        %get3A_1014 = vector.shape_cast %get3A_1013 : vector<16xi32> to vector<16xi32>
        %add3A_1015 = arith.constant 0 : i32
        %add3A_1016 = arith.addi %mul3A_1007, %add3A_1015 : i32
        %get3A_1017 = arith.index_cast %add3A_1016 : i32 to index
        %get3A_1018 = tpu.vector_load %arg7[%get3A_1017] {strides = array<i32>} : memref<3200xi32, #tpu.memory_space<vmem>>, vector<16xi32>,
        %get3A_1019 = vector.shape_cast %get3A_1018 : vector<16xi32> to vector<16xi32>
        %add3A_1020 = arith.addi %get3A_1014, %get3A_1019 : vector<16xi32>
        %swap3A_1021 = arith.index_cast %add3A_1011 : i32 to index
        %swap3A_1022 = tpu.vector_load %arg6[%swap3A_1021] {strides = array<i32>} : memref<25600xi32, #tpu.memory_space<vmem>>, vector<16xi32>,
        %swap3A_1023 = vector.shape_cast %swap3A_1022 : vector<16xi32> to vector<16xi32>
        %swap3A_1024 = vector.shape_cast %add3A_1020 : vector<16xi32> to vector<16xi32>
        tpu.vector_store %arg6[%swap3A_1021], %swap3A_1024 {strides = array<i32>} : memref<25600xi32, #tpu.memory_space<vmem>>, vector<16xi32>,
        %add3A_1025 = arith.constant 16 : i32
        %add3A_1026 = arith.addi %mul3A_1009, %add3A_1025 : i32
        %get3A_1027 = arith.index_cast %add3A_1026 : i32 to index
        %get3A_1028 = tpu.vector_load %arg6[%get3A_1027] {strides = array<i32>} : memref<25600xi32, #tpu.memory_space<vmem>>, vector<16xi32>,
        %get3A_1029 = vector.shape_cast %get3A_1028 : vector<16xi32> to vector<16xi32>
        %add3A_1030 = arith.constant 16 : i32
        %add3A_1031 = arith.addi %mul3A_1007, %add3A_1030 : i32
        %get3A_1032 = arith.index_cast %add3A_1031 : i32 to index
        %get3A_1033 = tpu.vector_load %arg7[%get3A_1032] {strides = array<i32>} : memref<3200xi32, #tpu.memory_space<vmem>>, vector<16xi32>,
        %get3A_1034 = vector.shape_cast %get3A_1033 : vector<16xi32> to vector<16xi32>
        %add3A_1035 = arith.addi %get3A_1029, %get3A_1034 : vector<16xi32>
        %swap3A_1036 = arith.index_cast %add3A_1026 : i32 to index
        %swap3A_1037 = tpu.vector_load %arg6[%swap3A_1036] {strides = array<i32>} : memref<25600xi32, #tpu.memory_space<vmem>>, vector<16xi32>,
        %swap3A_1038 = vector.shape_cast %swap3A_1037 : vector<16xi32> to vector<16xi32>
        %swap3A_1039 = vector.shape_cast %add3A_1035 : vector<16xi32> to vector<16xi32>
        tpu.vector_store %arg6[%swap3A_1036], %swap3A_1039 {strides = array<i32>} : memref<25600xi32, #tpu.memory_space<vmem>>, vector<16xi32>,
        %add3A_1040 = arith.constant 32 : i32
        %add3A_1041 = arith.addi %mul3A_1009, %add3A_1040 : i32
        %get3A_1042 = arith.index_cast %add3A_1041 : i32 to index
        %get3A_1043 = tpu.vector_load %arg6[%get3A_1042] {strides = array<i32>} : memref<25600xi32, #tpu.memory_space<vmem>>, vector<16xi32>,
        %get3A_1044 = vector.shape_cast %get3A_1043 : vector<16xi32> to vector<16xi32>
        %add3A_1045 = arith.constant 32 : i32
        %add3A_1046 = arith.addi %mul3A_1007, %add3A_1045 : i32
        %get3A_1047 = arith.index_cast %add3A_1046 : i32 to index
        %get3A_1048 = tpu.vector_load %arg7[%get3A_1047] {strides = array<i32>} : memref<3200xi32, #tpu.memory_space<vmem>>, vector<16xi32>,
        %get3A_1049 = vector.shape_cast %get3A_1048 : vector<16xi32> to vector<16xi32>
        %add3A_1050 = arith.addi %get3A_1044, %get3A_1049 : vector<16xi32>
        %swap3A_1051 = arith.index_cast %add3A_1041 : i32 to index
        %swap3A_1052 = tpu.vector_load %arg6[%swap3A_1051] {strides = array<i32>} : memref<25600xi32, #tpu.memory_space<vmem>>, vector<16xi32>,
        %swap3A_1053 = vector.shape_cast %swap3A_1052 : vector<16xi32> to vector<16xi32>
        %swap3A_1054 = vector.shape_cast %add3A_1050 : vector<16xi32> to vector<16xi32>
        tpu.vector_store %arg6[%swap3A_1051], %swap3A_1054 {strides = array<i32>} : memref<25600xi32, #tpu.memory_space<vmem>>, vector<16xi32>,
        %add3A_1055 = arith.constant 48 : i32
        %add3A_1056 = arith.addi %mul3A_1009, %add3A_1055 : i32
        %get3A_1057 = arith.index_cast %add3A_1056 : i32 to index
        %get3A_1058 = tpu.vector_load %arg6[%get3A_1057] {strides = array<i32>} : memref<25600xi32, #tpu.memory_space<vmem>>, vector<16xi32>,
        %get3A_1059 = vector.shape_cast %get3A_1058 : vector<16xi32> to vector<16xi32>
        %add3A_1060 = arith.constant 48 : i32
        %add3A_1061 = arith.addi %mul3A_1007, %add3A_1060 : i32
        %get3A_1062 = arith.index_cast %add3A_1061 : i32 to index
        %get3A_1063 = tpu.vector_load %arg7[%get3A_1062] {strides = array<i32>} : memref<3200xi32, #tpu.memory_space<vmem>>, vector<16xi32>,
        %get3A_1064 = vector.shape_cast %get3A_1063 : vector<16xi32> to vector<16xi32>
        %add3A_1065 = arith.addi %get3A_1059, %get3A_1064 : vector<16xi32>
        %swap3A_1066 = arith.index_cast %add3A_1056 : i32 to index
        %swap3A_1067 = tpu.vector_load %arg6[%swap3A_1066] {strides = array<i32>} : memref<25600xi32, #tpu.memory_space<vmem>>, vector<16xi32>,
        %swap3A_1068 = vector.shape_cast %swap3A_1067 : vector<16xi32> to vector<16xi32>
        %swap3A_1069 = vector.shape_cast %add3A_1065 : vector<16xi32> to vector<16xi32>
        tpu.vector_store %arg6[%swap3A_1066], %swap3A_1069 {strides = array<i32>} : memref<25600xi32, #tpu.memory_space<vmem>>, vector<16xi32>,
        %add3A_1070 = arith.constant 64 : i32
        %add3A_1071 = arith.addi %mul3A_1009, %add3A_1070 : i32
        %get3A_1072 = arith.index_cast %add3A_1071 : i32 to index
        %get3A_1073 = tpu.vector_load %arg6[%get3A_1072] {strides = array<i32>} : memref<25600xi32, #tpu.memory_space<vmem>>, vector<16xi32>,
        %get3A_1074 = vector.shape_cast %get3A_1073 : vector<16xi32> to vector<16xi32>
        %add3A_1075 = arith.constant 64 : i32
        %add3A_1076 = arith.addi %mul3A_1007, %add3A_1075 : i32
        %get3A_1077 = arith.index_cast %add3A_1076 : i32 to index
        %get3A_1078 = tpu.vector_load %arg7[%get3A_1077] {strides = array<i32>} : memref<3200xi32, #tpu.memory_space<vmem>>, vector<16xi32>,
        %get3A_1079 = vector.shape_cast %get3A_1078 : vector<16xi32> to vector<16xi32>
        %add3A_1080 = arith.addi %get3A_1074, %get3A_1079 : vector<16xi32>
        %swap3A_1081 = arith.index_cast %add3A_1071 : i32 to index
        %swap3A_1082 = tpu.vector_load %arg6[%swap3A_1081] {strides = array<i32>} : memref<25600xi32, #tpu.memory_space<vmem>>, vector<16xi32>,
        %swap3A_1083 = vector.shape_cast %swap3A_1082 : vector<16xi32> to vector<16xi32>
        %swap3A_1084 = vector.shape_cast %add3A_1080 : vector<16xi32> to vector<16xi32>
        tpu.vector_store %arg6[%swap3A_1081], %swap3A_1084 {strides = array<i32>} : memref<25600xi32, #tpu.memory_space<vmem>>, vector<16xi32>,
        %add3A_1085 = arith.constant 80 : i32
        %add3A_1086 = arith.addi %mul3A_1009, %add3A_1085 : i32
        %get3A_1087 = arith.index_cast %add3A_1086 : i32 to index
        %get3A_1088 = tpu.vector_load %arg6[%get3A_1087] {strides = array<i32>} : memref<25600xi32, #tpu.memory_space<vmem>>, vector<16xi32>,
        %get3A_1089 = vector.shape_cast %get3A_1088 : vector<16xi32> to vector<16xi32>
        %add3A_1090 = arith.constant 80 : i32
        %add3A_1091 = arith.addi %mul3A_1007, %add3A_1090 : i32
        %get3A_1092 = arith.index_cast %add3A_1091 : i32 to index
        %get3A_1093 = tpu.vector_load %arg7[%get3A_1092] {strides = array<i32>} : memref<3200xi32, #tpu.memory_space<vmem>>, vector<16xi32>,
        %get3A_1094 = vector.shape_cast %get3A_1093 : vector<16xi32> to vector<16xi32>
        %add3A_1095 = arith.addi %get3A_1089, %get3A_1094 : vector<16xi32>
        %swap3A_1096 = arith.index_cast %add3A_1086 : i32 to index
        %swap3A_1097 = tpu.vector_load %arg6[%swap3A_1096] {strides = array<i32>} : memref<25600xi32, #tpu.memory_space<vmem>>, vector<16xi32>,
        %swap3A_1098 = vector.shape_cast %swap3A_1097 : vector<16xi32> to vector<16xi32>
        %swap3A_1099 = vector.shape_cast %add3A_1095 : vector<16xi32> to vector<16xi32>
        tpu.vector_store %arg6[%swap3A_1096], %swap3A_1099 {strides = array<i32>} : memref<25600xi32, #tpu.memory_space<vmem>>, vector<16xi32>,
        %add3A_1100 = arith.constant 96 : i32
        %add3A_1101 = arith.addi %mul3A_1009, %add3A_1100 : i32
        %get3A_1102 = arith.index_cast %add3A_1101 : i32 to index
        %get3A_1103 = tpu.vector_load %arg6[%get3A_1102] {strides = array<i32>} : memref<25600xi32, #tpu.memory_space<vmem>>, vector<16xi32>,
        %get3A_1104 = vector.shape_cast %get3A_1103 : vector<16xi32> to vector<16xi32>
        %add3A_1105 = arith.constant 96 : i32
        %add3A_1106 = arith.addi %mul3A_1007, %add3A_1105 : i32
        %get3A_1107 = arith.index_cast %add3A_1106 : i32 to index
        %get3A_1108 = tpu.vector_load %arg7[%get3A_1107] {strides = array<i32>} : memref<3200xi32, #tpu.memory_space<vmem>>, vector<16xi32>,
        %get3A_1109 = vector.shape_cast %get3A_1108 : vector<16xi32> to vector<16xi32>
        %add3A_1110 = arith.addi %get3A_1104, %get3A_1109 : vector<16xi32>
        %swap3A_1111 = arith.index_cast %add3A_1101 : i32 to index
        %swap3A_1112 = tpu.vector_load %arg6[%swap3A_1111] {strides = array<i32>} : memref<25600xi32, #tpu.memory_space<vmem>>, vector<16xi32>,
        %swap3A_1113 = vector.shape_cast %swap3A_1112 : vector<16xi32> to vector<16xi32>
        %swap3A_1114 = vector.shape_cast %add3A_1110 : vector<16xi32> to vector<16xi32>
        tpu.vector_store %arg6[%swap3A_1111], %swap3A_1114 {strides = array<i32>} : memref<25600xi32, #tpu.memory_space<vmem>>, vector<16xi32>,
        %add3A_1115 = arith.constant 112 : i32
        %add3A_1116 = arith.addi %mul3A_1009, %add3A_1115 : i32
        %get3A_1117 = arith.index_cast %add3A_1116 : i32 to index
        %get3A_1118 = tpu.vector_load %arg6[%get3A_1117] {strides = array<i32>} : memref<25600xi32, #tpu.memory_space<vmem>>, vector<16xi32>,
        %get3A_1119 = vector.shape_cast %get3A_1118 : vector<16xi32> to vector<16xi32>
        %add3A_1120 = arith.constant 112 : i32
        %add3A_1121 = arith.addi %mul3A_1007, %add3A_1120 : i32
        %get3A_1122 = arith.index_cast %add3A_1121 : i32 to index
        %get3A_1123 = tpu.vector_load %arg7[%get3A_1122] {strides = array<i32>} : memref<3200xi32, #tpu.memory_space<vmem>>, vector<16xi32>,
        %get3A_1124 = vector.shape_cast %get3A_1123 : vector<16xi32> to vector<16xi32>
        %add3A_1125 = arith.addi %get3A_1119, %get3A_1124 : vector<16xi32>
        %swap3A_1126 = arith.index_cast %add3A_1116 : i32 to index
        %swap3A_1127 = tpu.vector_load %arg6[%swap3A_1126] {strides = array<i32>} : memref<25600xi32, #tpu.memory_space<vmem>>, vector<16xi32>,
        %swap3A_1128 = vector.shape_cast %swap3A_1127 : vector<16xi32> to vector<16xi32>
        %swap3A_1129 = vector.shape_cast %add3A_1125 : vector<16xi32> to vector<16xi32>
        tpu.vector_store %arg6[%swap3A_1126], %swap3A_1129 {strides = array<i32>} : memref<25600xi32, #tpu.memory_space<vmem>>, vector<16xi32>,
        %add3A_1130 = arith.constant 5 : i32
        %add3A_1131 = arith.addi %mul3A_605, %add3A_1130 : i32
        %add3A_1132 = arith.constant 2 : i32
        %add3A_1133 = arith.addi %add3A_1131, %add3A_1132 : i32
        %mul3A_1134 = arith.constant 128 : i32
        %mul3A_1135 = arith.muli %add3A_1133, %mul3A_1134 : i32
        %dma_start3A_1136 = tpu.memref_slice %arg6[%mul3A_1135] : memref<25600xi32, #tpu.memory_space<vmem>> -> memref<128xi32, #tpu.memory_space<vmem>>
        %dma_start3A_1137 = arith.constant 0 : i32
        %dma_start3A_1138 = arith.constant 0 : i32
        %dma_start3A_1139 = tpu.memref_slice %arg3[%dma_start3A_1137, %dma_start3A_1138] : memref<27200x128xf32, #tpu.memory_space<hbm>> -> memref<27200x128xf32, #tpu.memory_space<hbm>>
        tpu.enqueue_indirect_dma source(%dma_start3A_1139 : memref<27200x128xf32, #tpu.memory_space<hbm>>) target(%arg10 : memref<128x128xf32, #tpu.memory_space<vmem>>) offsets(%dma_start3A_1136 : memref<128xi32, #tpu.memory_space<vmem>>) semaphore(%arg15 : memref<!tpu.dma_semaphore, #tpu.memory_space<semaphore_mem>>)
        %add3A_1140 = arith.constant 3 : i32
        %add3A_1141 = arith.addi %mul3A_605, %add3A_1140 : i32
        %mul3A_1142 = arith.constant 128 : i32
        %mul3A_1143 = arith.muli %add3A_1141, %mul3A_1142 : i32
        %add3A_1144 = arith.addi %mul3A_2, %mul3A_1143 : i32
        %dma_wait3A_1145 = arith.constant 0 : i32
        %dma_wait3A_1146 = tpu.memref_slice %arg5[%add3A_1144, %dma_wait3A_1145] : memref<819200x128xf32, #tpu.memory_space<hbm>> -> memref<128x128xf32, #tpu.memory_space<hbm>>
        %dma_wait3A_1147 = arith.constant 0 : i32
        %dma_wait3A_1148 = tpu.memref_slice %arg5[%add3A_1144, %dma_wait3A_1147] : memref<819200x128xf32, #tpu.memory_space<hbm>> -> memref<128x128xf32, #tpu.memory_space<hbm>>
        tpu.wait_dma2 semaphore(%arg21 : memref<!tpu.dma_semaphore, #tpu.memory_space<semaphore_mem>>) src(%arg11 : memref<128x128xf32, #tpu.memory_space<vmem>>) dst(%dma_wait3A_1148 : memref<128x128xf32, #tpu.memory_space<hbm>>)
        %add3A_1149 = arith.constant 5 : i32
        %add3A_1150 = arith.addi %mul3A_605, %add3A_1149 : i32
        %add3A_1151 = arith.constant 3 : i32
        %add3A_1152 = arith.addi %add3A_1150, %add3A_1151 : i32
        %rem3A_1153 = arith.constant 25 : i32
        %rem3A_1154 = arith.remsi %add3A_1152, %rem3A_1153 : i32
        %mul3A_1155 = arith.constant 128 : i32
        %mul3A_1156 = arith.muli %rem3A_1154, %mul3A_1155 : i32
        %mul3A_1157 = arith.constant 128 : i32
        %mul3A_1158 = arith.muli %add3A_1152, %mul3A_1157 : i32
        %add3A_1159 = arith.constant 0 : i32
        %add3A_1160 = arith.addi %mul3A_1158, %add3A_1159 : i32
        %get3A_1161 = arith.index_cast %add3A_1160 : i32 to index
        %get3A_1162 = tpu.vector_load %arg6[%get3A_1161] {strides = array<i32>} : memref<25600xi32, #tpu.memory_space<vmem>>, vector<16xi32>,
        %get3A_1163 = vector.shape_cast %get3A_1162 : vector<16xi32> to vector<16xi32>
        %add3A_1164 = arith.constant 0 : i32
        %add3A_1165 = arith.addi %mul3A_1156, %add3A_1164 : i32
        %get3A_1166 = arith.index_cast %add3A_1165 : i32 to index
        %get3A_1167 = tpu.vector_load %arg7[%get3A_1166] {strides = array<i32>} : memref<3200xi32, #tpu.memory_space<vmem>>, vector<16xi32>,
        %get3A_1168 = vector.shape_cast %get3A_1167 : vector<16xi32> to vector<16xi32>
        %add3A_1169 = arith.addi %get3A_1163, %get3A_1168 : vector<16xi32>
        %swap3A_1170 = arith.index_cast %add3A_1160 : i32 to index
        %swap3A_1171 = tpu.vector_load %arg6[%swap3A_1170] {strides = array<i32>} : memref<25600xi32, #tpu.memory_space<vmem>>, vector<16xi32>,
        %swap3A_1172 = vector.shape_cast %swap3A_1171 : vector<16xi32> to vector<16xi32>
        %swap3A_1173 = vector.shape_cast %add3A_1169 : vector<16xi32> to vector<16xi32>
        tpu.vector_store %arg6[%swap3A_1170], %swap3A_1173 {strides = array<i32>} : memref<25600xi32, #tpu.memory_space<vmem>>, vector<16xi32>,
        %add3A_1174 = arith.constant 16 : i32
        %add3A_1175 = arith.addi %mul3A_1158, %add3A_1174 : i32
        %get3A_1176 = arith.index_cast %add3A_1175 : i32 to index
        %get3A_1177 = tpu.vector_load %arg6[%get3A_1176] {strides = array<i32>} : memref<25600xi32, #tpu.memory_space<vmem>>, vector<16xi32>,
        %get3A_1178 = vector.shape_cast %get3A_1177 : vector<16xi32> to vector<16xi32>
        %add3A_1179 = arith.constant 16 : i32
        %add3A_1180 = arith.addi %mul3A_1156, %add3A_1179 : i32
        %get3A_1181 = arith.index_cast %add3A_1180 : i32 to index
        %get3A_1182 = tpu.vector_load %arg7[%get3A_1181] {strides = array<i32>} : memref<3200xi32, #tpu.memory_space<vmem>>, vector<16xi32>,
        %get3A_1183 = vector.shape_cast %get3A_1182 : vector<16xi32> to vector<16xi32>
        %add3A_1184 = arith.addi %get3A_1178, %get3A_1183 : vector<16xi32>
        %swap3A_1185 = arith.index_cast %add3A_1175 : i32 to index
        %swap3A_1186 = tpu.vector_load %arg6[%swap3A_1185] {strides = array<i32>} : memref<25600xi32, #tpu.memory_space<vmem>>, vector<16xi32>,
        %swap3A_1187 = vector.shape_cast %swap3A_1186 : vector<16xi32> to vector<16xi32>
        %swap3A_1188 = vector.shape_cast %add3A_1184 : vector<16xi32> to vector<16xi32>
        tpu.vector_store %arg6[%swap3A_1185], %swap3A_1188 {strides = array<i32>} : memref<25600xi32, #tpu.memory_space<vmem>>, vector<16xi32>,
        %add3A_1189 = arith.constant 32 : i32
        %add3A_1190 = arith.addi %mul3A_1158, %add3A_1189 : i32
        %get3A_1191 = arith.index_cast %add3A_1190 : i32 to index
        %get3A_1192 = tpu.vector_load %arg6[%get3A_1191] {strides = array<i32>} : memref<25600xi32, #tpu.memory_space<vmem>>, vector<16xi32>,
        %get3A_1193 = vector.shape_cast %get3A_1192 : vector<16xi32> to vector<16xi32>
        %add3A_1194 = arith.constant 32 : i32
        %add3A_1195 = arith.addi %mul3A_1156, %add3A_1194 : i32
        %get3A_1196 = arith.index_cast %add3A_1195 : i32 to index
        %get3A_1197 = tpu.vector_load %arg7[%get3A_1196] {strides = array<i32>} : memref<3200xi32, #tpu.memory_space<vmem>>, vector<16xi32>,
        %get3A_1198 = vector.shape_cast %get3A_1197 : vector<16xi32> to vector<16xi32>
        %add3A_1199 = arith.addi %get3A_1193, %get3A_1198 : vector<16xi32>
        %swap3A_1200 = arith.index_cast %add3A_1190 : i32 to index
        %swap3A_1201 = tpu.vector_load %arg6[%swap3A_1200] {strides = array<i32>} : memref<25600xi32, #tpu.memory_space<vmem>>, vector<16xi32>,
        %swap3A_1202 = vector.shape_cast %swap3A_1201 : vector<16xi32> to vector<16xi32>
        %swap3A_1203 = vector.shape_cast %add3A_1199 : vector<16xi32> to vector<16xi32>
        tpu.vector_store %arg6[%swap3A_1200], %swap3A_1203 {strides = array<i32>} : memref<25600xi32, #tpu.memory_space<vmem>>, vector<16xi32>,
        %add3A_1204 = arith.constant 48 : i32
        %add3A_1205 = arith.addi %mul3A_1158, %add3A_1204 : i32
        %get3A_1206 = arith.index_cast %add3A_1205 : i32 to index
        %get3A_1207 = tpu.vector_load %arg6[%get3A_1206] {strides = array<i32>} : memref<25600xi32, #tpu.memory_space<vmem>>, vector<16xi32>,
        %get3A_1208 = vector.shape_cast %get3A_1207 : vector<16xi32> to vector<16xi32>
        %add3A_1209 = arith.constant 48 : i32
        %add3A_1210 = arith.addi %mul3A_1156, %add3A_1209 : i32
        %get3A_1211 = arith.index_cast %add3A_1210 : i32 to index
        %get3A_1212 = tpu.vector_load %arg7[%get3A_1211] {strides = array<i32>} : memref<3200xi32, #tpu.memory_space<vmem>>, vector<16xi32>,
        %get3A_1213 = vector.shape_cast %get3A_1212 : vector<16xi32> to vector<16xi32>
        %add3A_1214 = arith.addi %get3A_1208, %get3A_1213 : vector<16xi32>
        %swap3A_1215 = arith.index_cast %add3A_1205 : i32 to index
        %swap3A_1216 = tpu.vector_load %arg6[%swap3A_1215] {strides = array<i32>} : memref<25600xi32, #tpu.memory_space<vmem>>, vector<16xi32>,
        %swap3A_1217 = vector.shape_cast %swap3A_1216 : vector<16xi32> to vector<16xi32>
        %swap3A_1218 = vector.shape_cast %add3A_1214 : vector<16xi32> to vector<16xi32>
        tpu.vector_store %arg6[%swap3A_1215], %swap3A_1218 {strides = array<i32>} : memref<25600xi32, #tpu.memory_space<vmem>>, vector<16xi32>,
        %add3A_1219 = arith.constant 64 : i32
        %add3A_1220 = arith.addi %mul3A_1158, %add3A_1219 : i32
        %get3A_1221 = arith.index_cast %add3A_1220 : i32 to index
        %get3A_1222 = tpu.vector_load %arg6[%get3A_1221] {strides = array<i32>} : memref<25600xi32, #tpu.memory_space<vmem>>, vector<16xi32>,
        %get3A_1223 = vector.shape_cast %get3A_1222 : vector<16xi32> to vector<16xi32>
        %add3A_1224 = arith.constant 64 : i32
        %add3A_1225 = arith.addi %mul3A_1156, %add3A_1224 : i32
        %get3A_1226 = arith.index_cast %add3A_1225 : i32 to index
        %get3A_1227 = tpu.vector_load %arg7[%get3A_1226] {strides = array<i32>} : memref<3200xi32, #tpu.memory_space<vmem>>, vector<16xi32>,
        %get3A_1228 = vector.shape_cast %get3A_1227 : vector<16xi32> to vector<16xi32>
        %add3A_1229 = arith.addi %get3A_1223, %get3A_1228 : vector<16xi32>
        %swap3A_1230 = arith.index_cast %add3A_1220 : i32 to index
        %swap3A_1231 = tpu.vector_load %arg6[%swap3A_1230] {strides = array<i32>} : memref<25600xi32, #tpu.memory_space<vmem>>, vector<16xi32>,
        %swap3A_1232 = vector.shape_cast %swap3A_1231 : vector<16xi32> to vector<16xi32>
        %swap3A_1233 = vector.shape_cast %add3A_1229 : vector<16xi32> to vector<16xi32>
        tpu.vector_store %arg6[%swap3A_1230], %swap3A_1233 {strides = array<i32>} : memref<25600xi32, #tpu.memory_space<vmem>>, vector<16xi32>,
        %add3A_1234 = arith.constant 80 : i32
        %add3A_1235 = arith.addi %mul3A_1158, %add3A_1234 : i32
        %get3A_1236 = arith.index_cast %add3A_1235 : i32 to index
        %get3A_1237 = tpu.vector_load %arg6[%get3A_1236] {strides = array<i32>} : memref<25600xi32, #tpu.memory_space<vmem>>, vector<16xi32>,
        %get3A_1238 = vector.shape_cast %get3A_1237 : vector<16xi32> to vector<16xi32>
        %add3A_1239 = arith.constant 80 : i32
        %add3A_1240 = arith.addi %mul3A_1156, %add3A_1239 : i32
        %get3A_1241 = arith.index_cast %add3A_1240 : i32 to index
        %get3A_1242 = tpu.vector_load %arg7[%get3A_1241] {strides = array<i32>} : memref<3200xi32, #tpu.memory_space<vmem>>, vector<16xi32>,
        %get3A_1243 = vector.shape_cast %get3A_1242 : vector<16xi32> to vector<16xi32>
        %add3A_1244 = arith.addi %get3A_1238, %get3A_1243 : vector<16xi32>
        %swap3A_1245 = arith.index_cast %add3A_1235 : i32 to index
        %swap3A_1246 = tpu.vector_load %arg6[%swap3A_1245] {strides = array<i32>} : memref<25600xi32, #tpu.memory_space<vmem>>, vector<16xi32>,
        %swap3A_1247 = vector.shape_cast %swap3A_1246 : vector<16xi32> to vector<16xi32>
        %swap3A_1248 = vector.shape_cast %add3A_1244 : vector<16xi32> to vector<16xi32>
        tpu.vector_store %arg6[%swap3A_1245], %swap3A_1248 {strides = array<i32>} : memref<25600xi32, #tpu.memory_space<vmem>>, vector<16xi32>,
        %add3A_1249 = arith.constant 96 : i32
        %add3A_1250 = arith.addi %mul3A_1158, %add3A_1249 : i32
        %get3A_1251 = arith.index_cast %add3A_1250 : i32 to index
        %get3A_1252 = tpu.vector_load %arg6[%get3A_1251] {strides = array<i32>} : memref<25600xi32, #tpu.memory_space<vmem>>, vector<16xi32>,
        %get3A_1253 = vector.shape_cast %get3A_1252 : vector<16xi32> to vector<16xi32>
        %add3A_1254 = arith.constant 96 : i32
        %add3A_1255 = arith.addi %mul3A_1156, %add3A_1254 : i32
        %get3A_1256 = arith.index_cast %add3A_1255 : i32 to index
        %get3A_1257 = tpu.vector_load %arg7[%get3A_1256] {strides = array<i32>} : memref<3200xi32, #tpu.memory_space<vmem>>, vector<16xi32>,
        %get3A_1258 = vector.shape_cast %get3A_1257 : vector<16xi32> to vector<16xi32>
        %add3A_1259 = arith.addi %get3A_1253, %get3A_1258 : vector<16xi32>
        %swap3A_1260 = arith.index_cast %add3A_1250 : i32 to index
        %swap3A_1261 = tpu.vector_load %arg6[%swap3A_1260] {strides = array<i32>} : memref<25600xi32, #tpu.memory_space<vmem>>, vector<16xi32>,
        %swap3A_1262 = vector.shape_cast %swap3A_1261 : vector<16xi32> to vector<16xi32>
        %swap3A_1263 = vector.shape_cast %add3A_1259 : vector<16xi32> to vector<16xi32>
        tpu.vector_store %arg6[%swap3A_1260], %swap3A_1263 {strides = array<i32>} : memref<25600xi32, #tpu.memory_space<vmem>>, vector<16xi32>,
        %add3A_1264 = arith.constant 112 : i32
        %add3A_1265 = arith.addi %mul3A_1158, %add3A_1264 : i32
        %get3A_1266 = arith.index_cast %add3A_1265 : i32 to index
        %get3A_1267 = tpu.vector_load %arg6[%get3A_1266] {strides = array<i32>} : memref<25600xi32, #tpu.memory_space<vmem>>, vector<16xi32>,
        %get3A_1268 = vector.shape_cast %get3A_1267 : vector<16xi32> to vector<16xi32>
        %add3A_1269 = arith.constant 112 : i32
        %add3A_1270 = arith.addi %mul3A_1156, %add3A_1269 : i32
        %get3A_1271 = arith.index_cast %add3A_1270 : i32 to index
        %get3A_1272 = tpu.vector_load %arg7[%get3A_1271] {strides = array<i32>} : memref<3200xi32, #tpu.memory_space<vmem>>, vector<16xi32>,
        %get3A_1273 = vector.shape_cast %get3A_1272 : vector<16xi32> to vector<16xi32>
        %add3A_1274 = arith.addi %get3A_1268, %get3A_1273 : vector<16xi32>
        %swap3A_1275 = arith.index_cast %add3A_1265 : i32 to index
        %swap3A_1276 = tpu.vector_load %arg6[%swap3A_1275] {strides = array<i32>} : memref<25600xi32, #tpu.memory_space<vmem>>, vector<16xi32>,
        %swap3A_1277 = vector.shape_cast %swap3A_1276 : vector<16xi32> to vector<16xi32>
        %swap3A_1278 = vector.shape_cast %add3A_1274 : vector<16xi32> to vector<16xi32>
        tpu.vector_store %arg6[%swap3A_1275], %swap3A_1278 {strides = array<i32>} : memref<25600xi32, #tpu.memory_space<vmem>>, vector<16xi32>,
        %add3A_1279 = arith.constant 5 : i32
        %add3A_1280 = arith.addi %mul3A_605, %add3A_1279 : i32
        %add3A_1281 = arith.constant 3 : i32
        %add3A_1282 = arith.addi %add3A_1280, %add3A_1281 : i32
        %mul3A_1283 = arith.constant 128 : i32
        %mul3A_1284 = arith.muli %add3A_1282, %mul3A_1283 : i32
        %dma_start3A_1285 = tpu.memref_slice %arg6[%mul3A_1284] : memref<25600xi32, #tpu.memory_space<vmem>> -> memref<128xi32, #tpu.memory_space<vmem>>
        %dma_start3A_1286 = arith.constant 0 : i32
        %dma_start3A_1287 = arith.constant 0 : i32
        %dma_start3A_1288 = tpu.memref_slice %arg3[%dma_start3A_1286, %dma_start3A_1287] : memref<27200x128xf32, #tpu.memory_space<hbm>> -> memref<27200x128xf32, #tpu.memory_space<hbm>>
        tpu.enqueue_indirect_dma source(%dma_start3A_1288 : memref<27200x128xf32, #tpu.memory_space<hbm>>) target(%arg11 : memref<128x128xf32, #tpu.memory_space<vmem>>) offsets(%dma_start3A_1285 : memref<128xi32, #tpu.memory_space<vmem>>) semaphore(%arg16 : memref<!tpu.dma_semaphore, #tpu.memory_space<semaphore_mem>>)
        %add3A_1289 = arith.constant 4 : i32
        %add3A_1290 = arith.addi %mul3A_605, %add3A_1289 : i32
        %mul3A_1291 = arith.constant 128 : i32
        %mul3A_1292 = arith.muli %add3A_1290, %mul3A_1291 : i32
        %add3A_1293 = arith.addi %mul3A_2, %mul3A_1292 : i32
        %dma_wait3A_1294 = arith.constant 0 : i32
        %dma_wait3A_1295 = tpu.memref_slice %arg5[%add3A_1293, %dma_wait3A_1294] : memref<819200x128xf32, #tpu.memory_space<hbm>> -> memref<128x128xf32, #tpu.memory_space<hbm>>
        %dma_wait3A_1296 = arith.constant 0 : i32
        %dma_wait3A_1297 = tpu.memref_slice %arg5[%add3A_1293, %dma_wait3A_1296] : memref<819200x128xf32, #tpu.memory_space<hbm>> -> memref<128x128xf32, #tpu.memory_space<hbm>>
        tpu.wait_dma2 semaphore(%arg22 : memref<!tpu.dma_semaphore, #tpu.memory_space<semaphore_mem>>) src(%arg12 : memref<128x128xf32, #tpu.memory_space<vmem>>) dst(%dma_wait3A_1297 : memref<128x128xf32, #tpu.memory_space<hbm>>)
        %add3A_1298 = arith.constant 5 : i32
        %add3A_1299 = arith.addi %mul3A_605, %add3A_1298 : i32
        %add3A_1300 = arith.constant 4 : i32
        %add3A_1301 = arith.addi %add3A_1299, %add3A_1300 : i32
        %rem3A_1302 = arith.constant 25 : i32
        %rem3A_1303 = arith.remsi %add3A_1301, %rem3A_1302 : i32
        %mul3A_1304 = arith.constant 128 : i32
        %mul3A_1305 = arith.muli %rem3A_1303, %mul3A_1304 : i32
        %mul3A_1306 = arith.constant 128 : i32
        %mul3A_1307 = arith.muli %add3A_1301, %mul3A_1306 : i32
        %add3A_1308 = arith.constant 0 : i32
        %add3A_1309 = arith.addi %mul3A_1307, %add3A_1308 : i32
        %get3A_1310 = arith.index_cast %add3A_1309 : i32 to index
        %get3A_1311 = tpu.vector_load %arg6[%get3A_1310] {strides = array<i32>} : memref<25600xi32, #tpu.memory_space<vmem>>, vector<16xi32>,
        %get3A_1312 = vector.shape_cast %get3A_1311 : vector<16xi32> to vector<16xi32>
        %add3A_1313 = arith.constant 0 : i32
        %add3A_1314 = arith.addi %mul3A_1305, %add3A_1313 : i32
        %get3A_1315 = arith.index_cast %add3A_1314 : i32 to index
        %get3A_1316 = tpu.vector_load %arg7[%get3A_1315] {strides = array<i32>} : memref<3200xi32, #tpu.memory_space<vmem>>, vector<16xi32>,
        %get3A_1317 = vector.shape_cast %get3A_1316 : vector<16xi32> to vector<16xi32>
        %add3A_1318 = arith.addi %get3A_1312, %get3A_1317 : vector<16xi32>
        %swap3A_1319 = arith.index_cast %add3A_1309 : i32 to index
        %swap3A_1320 = tpu.vector_load %arg6[%swap3A_1319] {strides = array<i32>} : memref<25600xi32, #tpu.memory_space<vmem>>, vector<16xi32>,
        %swap3A_1321 = vector.shape_cast %swap3A_1320 : vector<16xi32> to vector<16xi32>
        %swap3A_1322 = vector.shape_cast %add3A_1318 : vector<16xi32> to vector<16xi32>
        tpu.vector_store %arg6[%swap3A_1319], %swap3A_1322 {strides = array<i32>} : memref<25600xi32, #tpu.memory_space<vmem>>, vector<16xi32>,
        %add3A_1323 = arith.constant 16 : i32
        %add3A_1324 = arith.addi %mul3A_1307, %add3A_1323 : i32
        %get3A_1325 = arith.index_cast %add3A_1324 : i32 to index
        %get3A_1326 = tpu.vector_load %arg6[%get3A_1325] {strides = array<i32>} : memref<25600xi32, #tpu.memory_space<vmem>>, vector<16xi32>,
        %get3A_1327 = vector.shape_cast %get3A_1326 : vector<16xi32> to vector<16xi32>
        %add3A_1328 = arith.constant 16 : i32
        %add3A_1329 = arith.addi %mul3A_1305, %add3A_1328 : i32
        %get3A_1330 = arith.index_cast %add3A_1329 : i32 to index
        %get3A_1331 = tpu.vector_load %arg7[%get3A_1330] {strides = array<i32>} : memref<3200xi32, #tpu.memory_space<vmem>>, vector<16xi32>,
        %get3A_1332 = vector.shape_cast %get3A_1331 : vector<16xi32> to vector<16xi32>
        %add3A_1333 = arith.addi %get3A_1327, %get3A_1332 : vector<16xi32>
        %swap3A_1334 = arith.index_cast %add3A_1324 : i32 to index
        %swap3A_1335 = tpu.vector_load %arg6[%swap3A_1334] {strides = array<i32>} : memref<25600xi32, #tpu.memory_space<vmem>>, vector<16xi32>,
        %swap3A_1336 = vector.shape_cast %swap3A_1335 : vector<16xi32> to vector<16xi32>
        %swap3A_1337 = vector.shape_cast %add3A_1333 : vector<16xi32> to vector<16xi32>
        tpu.vector_store %arg6[%swap3A_1334], %swap3A_1337 {strides = array<i32>} : memref<25600xi32, #tpu.memory_space<vmem>>, vector<16xi32>,
        %add3A_1338 = arith.constant 32 : i32
        %add3A_1339 = arith.addi %mul3A_1307, %add3A_1338 : i32
        %get3A_1340 = arith.index_cast %add3A_1339 : i32 to index
        %get3A_1341 = tpu.vector_load %arg6[%get3A_1340] {strides = array<i32>} : memref<25600xi32, #tpu.memory_space<vmem>>, vector<16xi32>,
        %get3A_1342 = vector.shape_cast %get3A_1341 : vector<16xi32> to vector<16xi32>
        %add3A_1343 = arith.constant 32 : i32
        %add3A_1344 = arith.addi %mul3A_1305, %add3A_1343 : i32
        %get3A_1345 = arith.index_cast %add3A_1344 : i32 to index
        %get3A_1346 = tpu.vector_load %arg7[%get3A_1345] {strides = array<i32>} : memref<3200xi32, #tpu.memory_space<vmem>>, vector<16xi32>,
        %get3A_1347 = vector.shape_cast %get3A_1346 : vector<16xi32> to vector<16xi32>
        %add3A_1348 = arith.addi %get3A_1342, %get3A_1347 : vector<16xi32>
        %swap3A_1349 = arith.index_cast %add3A_1339 : i32 to index
        %swap3A_1350 = tpu.vector_load %arg6[%swap3A_1349] {strides = array<i32>} : memref<25600xi32, #tpu.memory_space<vmem>>, vector<16xi32>,
        %swap3A_1351 = vector.shape_cast %swap3A_1350 : vector<16xi32> to vector<16xi32>
        %swap3A_1352 = vector.shape_cast %add3A_1348 : vector<16xi32> to vector<16xi32>
        tpu.vector_store %arg6[%swap3A_1349], %swap3A_1352 {strides = array<i32>} : memref<25600xi32, #tpu.memory_space<vmem>>, vector<16xi32>,
        %add3A_1353 = arith.constant 48 : i32
        %add3A_1354 = arith.addi %mul3A_1307, %add3A_1353 : i32
        %get3A_1355 = arith.index_cast %add3A_1354 : i32 to index
        %get3A_1356 = tpu.vector_load %arg6[%get3A_1355] {strides = array<i32>} : memref<25600xi32, #tpu.memory_space<vmem>>, vector<16xi32>,
        %get3A_1357 = vector.shape_cast %get3A_1356 : vector<16xi32> to vector<16xi32>
        %add3A_1358 = arith.constant 48 : i32
        %add3A_1359 = arith.addi %mul3A_1305, %add3A_1358 : i32
        %get3A_1360 = arith.index_cast %add3A_1359 : i32 to index
        %get3A_1361 = tpu.vector_load %arg7[%get3A_1360] {strides = array<i32>} : memref<3200xi32, #tpu.memory_space<vmem>>, vector<16xi32>,
        %get3A_1362 = vector.shape_cast %get3A_1361 : vector<16xi32> to vector<16xi32>
        %add3A_1363 = arith.addi %get3A_1357, %get3A_1362 : vector<16xi32>
        %swap3A_1364 = arith.index_cast %add3A_1354 : i32 to index
        %swap3A_1365 = tpu.vector_load %arg6[%swap3A_1364] {strides = array<i32>} : memref<25600xi32, #tpu.memory_space<vmem>>, vector<16xi32>,
        %swap3A_1366 = vector.shape_cast %swap3A_1365 : vector<16xi32> to vector<16xi32>
        %swap3A_1367 = vector.shape_cast %add3A_1363 : vector<16xi32> to vector<16xi32>
        tpu.vector_store %arg6[%swap3A_1364], %swap3A_1367 {strides = array<i32>} : memref<25600xi32, #tpu.memory_space<vmem>>, vector<16xi32>,
        %add3A_1368 = arith.constant 64 : i32
        %add3A_1369 = arith.addi %mul3A_1307, %add3A_1368 : i32
        %get3A_1370 = arith.index_cast %add3A_1369 : i32 to index
        %get3A_1371 = tpu.vector_load %arg6[%get3A_1370] {strides = array<i32>} : memref<25600xi32, #tpu.memory_space<vmem>>, vector<16xi32>,
        %get3A_1372 = vector.shape_cast %get3A_1371 : vector<16xi32> to vector<16xi32>
        %add3A_1373 = arith.constant 64 : i32
        %add3A_1374 = arith.addi %mul3A_1305, %add3A_1373 : i32
        %get3A_1375 = arith.index_cast %add3A_1374 : i32 to index
        %get3A_1376 = tpu.vector_load %arg7[%get3A_1375] {strides = array<i32>} : memref<3200xi32, #tpu.memory_space<vmem>>, vector<16xi32>,
        %get3A_1377 = vector.shape_cast %get3A_1376 : vector<16xi32> to vector<16xi32>
        %add3A_1378 = arith.addi %get3A_1372, %get3A_1377 : vector<16xi32>
        %swap3A_1379 = arith.index_cast %add3A_1369 : i32 to index
        %swap3A_1380 = tpu.vector_load %arg6[%swap3A_1379] {strides = array<i32>} : memref<25600xi32, #tpu.memory_space<vmem>>, vector<16xi32>,
        %swap3A_1381 = vector.shape_cast %swap3A_1380 : vector<16xi32> to vector<16xi32>
        %swap3A_1382 = vector.shape_cast %add3A_1378 : vector<16xi32> to vector<16xi32>
        tpu.vector_store %arg6[%swap3A_1379], %swap3A_1382 {strides = array<i32>} : memref<25600xi32, #tpu.memory_space<vmem>>, vector<16xi32>,
        %add3A_1383 = arith.constant 80 : i32
        %add3A_1384 = arith.addi %mul3A_1307, %add3A_1383 : i32
        %get3A_1385 = arith.index_cast %add3A_1384 : i32 to index
        %get3A_1386 = tpu.vector_load %arg6[%get3A_1385] {strides = array<i32>} : memref<25600xi32, #tpu.memory_space<vmem>>, vector<16xi32>,
        %get3A_1387 = vector.shape_cast %get3A_1386 : vector<16xi32> to vector<16xi32>
        %add3A_1388 = arith.constant 80 : i32
        %add3A_1389 = arith.addi %mul3A_1305, %add3A_1388 : i32
        %get3A_1390 = arith.index_cast %add3A_1389 : i32 to index
        %get3A_1391 = tpu.vector_load %arg7[%get3A_1390] {strides = array<i32>} : memref<3200xi32, #tpu.memory_space<vmem>>, vector<16xi32>,
        %get3A_1392 = vector.shape_cast %get3A_1391 : vector<16xi32> to vector<16xi32>
        %add3A_1393 = arith.addi %get3A_1387, %get3A_1392 : vector<16xi32>
        %swap3A_1394 = arith.index_cast %add3A_1384 : i32 to index
        %swap3A_1395 = tpu.vector_load %arg6[%swap3A_1394] {strides = array<i32>} : memref<25600xi32, #tpu.memory_space<vmem>>, vector<16xi32>,
        %swap3A_1396 = vector.shape_cast %swap3A_1395 : vector<16xi32> to vector<16xi32>
        %swap3A_1397 = vector.shape_cast %add3A_1393 : vector<16xi32> to vector<16xi32>
        tpu.vector_store %arg6[%swap3A_1394], %swap3A_1397 {strides = array<i32>} : memref<25600xi32, #tpu.memory_space<vmem>>, vector<16xi32>,
        %add3A_1398 = arith.constant 96 : i32
        %add3A_1399 = arith.addi %mul3A_1307, %add3A_1398 : i32
        %get3A_1400 = arith.index_cast %add3A_1399 : i32 to index
        %get3A_1401 = tpu.vector_load %arg6[%get3A_1400] {strides = array<i32>} : memref<25600xi32, #tpu.memory_space<vmem>>, vector<16xi32>,
        %get3A_1402 = vector.shape_cast %get3A_1401 : vector<16xi32> to vector<16xi32>
        %add3A_1403 = arith.constant 96 : i32
        %add3A_1404 = arith.addi %mul3A_1305, %add3A_1403 : i32
        %get3A_1405 = arith.index_cast %add3A_1404 : i32 to index
        %get3A_1406 = tpu.vector_load %arg7[%get3A_1405] {strides = array<i32>} : memref<3200xi32, #tpu.memory_space<vmem>>, vector<16xi32>,
        %get3A_1407 = vector.shape_cast %get3A_1406 : vector<16xi32> to vector<16xi32>
        %add3A_1408 = arith.addi %get3A_1402, %get3A_1407 : vector<16xi32>
        %swap3A_1409 = arith.index_cast %add3A_1399 : i32 to index
        %swap3A_1410 = tpu.vector_load %arg6[%swap3A_1409] {strides = array<i32>} : memref<25600xi32, #tpu.memory_space<vmem>>, vector<16xi32>,
        %swap3A_1411 = vector.shape_cast %swap3A_1410 : vector<16xi32> to vector<16xi32>
        %swap3A_1412 = vector.shape_cast %add3A_1408 : vector<16xi32> to vector<16xi32>
        tpu.vector_store %arg6[%swap3A_1409], %swap3A_1412 {strides = array<i32>} : memref<25600xi32, #tpu.memory_space<vmem>>, vector<16xi32>,
        %add3A_1413 = arith.constant 112 : i32
        %add3A_1414 = arith.addi %mul3A_1307, %add3A_1413 : i32
        %get3A_1415 = arith.index_cast %add3A_1414 : i32 to index
        %get3A_1416 = tpu.vector_load %arg6[%get3A_1415] {strides = array<i32>} : memref<25600xi32, #tpu.memory_space<vmem>>, vector<16xi32>,
        %get3A_1417 = vector.shape_cast %get3A_1416 : vector<16xi32> to vector<16xi32>
        %add3A_1418 = arith.constant 112 : i32
        %add3A_1419 = arith.addi %mul3A_1305, %add3A_1418 : i32
        %get3A_1420 = arith.index_cast %add3A_1419 : i32 to index
        %get3A_1421 = tpu.vector_load %arg7[%get3A_1420] {strides = array<i32>} : memref<3200xi32, #tpu.memory_space<vmem>>, vector<16xi32>,
        %get3A_1422 = vector.shape_cast %get3A_1421 : vector<16xi32> to vector<16xi32>
        %add3A_1423 = arith.addi %get3A_1417, %get3A_1422 : vector<16xi32>
        %swap3A_1424 = arith.index_cast %add3A_1414 : i32 to index
        %swap3A_1425 = tpu.vector_load %arg6[%swap3A_1424] {strides = array<i32>} : memref<25600xi32, #tpu.memory_space<vmem>>, vector<16xi32>,
        %swap3A_1426 = vector.shape_cast %swap3A_1425 : vector<16xi32> to vector<16xi32>
        %swap3A_1427 = vector.shape_cast %add3A_1423 : vector<16xi32> to vector<16xi32>
        tpu.vector_store %arg6[%swap3A_1424], %swap3A_1427 {strides = array<i32>} : memref<25600xi32, #tpu.memory_space<vmem>>, vector<16xi32>,
        %add3A_1428 = arith.constant 5 : i32
        %add3A_1429 = arith.addi %mul3A_605, %add3A_1428 : i32
        %add3A_1430 = arith.constant 4 : i32
        %add3A_1431 = arith.addi %add3A_1429, %add3A_1430 : i32
        %mul3A_1432 = arith.constant 128 : i32
        %mul3A_1433 = arith.muli %add3A_1431, %mul3A_1432 : i32
        %dma_start3A_1434 = tpu.memref_slice %arg6[%mul3A_1433] : memref<25600xi32, #tpu.memory_space<vmem>> -> memref<128xi32, #tpu.memory_space<vmem>>
        %dma_start3A_1435 = arith.constant 0 : i32
        %dma_start3A_1436 = arith.constant 0 : i32
        %dma_start3A_1437 = tpu.memref_slice %arg3[%dma_start3A_1435, %dma_start3A_1436] : memref<27200x128xf32, #tpu.memory_space<hbm>> -> memref<27200x128xf32, #tpu.memory_space<hbm>>
        tpu.enqueue_indirect_dma source(%dma_start3A_1437 : memref<27200x128xf32, #tpu.memory_space<hbm>>) target(%arg12 : memref<128x128xf32, #tpu.memory_space<vmem>>) offsets(%dma_start3A_1434 : memref<128xi32, #tpu.memory_space<vmem>>) semaphore(%arg17 : memref<!tpu.dma_semaphore, #tpu.memory_space<semaphore_mem>>)
      } else {
      }
    }
    %scan3A_573 = arith.constant 40 : i32
    %add3A_574 = arith.constant 0 : i32
    %add3A_575 = arith.addi %mul3A_2, %add3A_574 : i32
    %dma_wait3A = arith.constant 0 : i32
    %dma_wait3A_576 = tpu.memref_slice %arg5[%add3A_575, %dma_wait3A] : memref<819200x128xf32, #tpu.memory_space<hbm>> -> memref<128x128xf32, #tpu.memory_space<hbm>>
    %dma_wait3A_577 = arith.constant 0 : i32
    %dma_wait3A_578 = tpu.memref_slice %arg5[%add3A_575, %dma_wait3A_577] : memref<819200x128xf32, #tpu.memory_space<hbm>> -> memref<128x128xf32, #tpu.memory_space<hbm>>
    tpu.wait_dma2 semaphore(%arg18 : memref<!tpu.dma_semaphore, #tpu.memory_space<semaphore_mem>>) src(%arg8 : memref<128x128xf32, #tpu.memory_space<vmem>>) dst(%dma_wait3A_578 : memref<128x128xf32, #tpu.memory_space<hbm>>)
    %add3A_579 = arith.constant 0 : i32
    %add3A_580 = arith.addi %mul3A_2, %add3A_579 : i32
    %dma_wait3A_581 = arith.constant 0 : i32
    %dma_wait3A_582 = tpu.memref_slice %arg5[%add3A_580, %dma_wait3A_581] : memref<819200x128xf32, #tpu.memory_space<hbm>> -> memref<128x128xf32, #tpu.memory_space<hbm>>
    %dma_wait3A_583 = arith.constant 0 : i32
    %dma_wait3A_584 = tpu.memref_slice %arg5[%add3A_580, %dma_wait3A_583] : memref<819200x128xf32, #tpu.memory_space<hbm>> -> memref<128x128xf32, #tpu.memory_space<hbm>>
    tpu.wait_dma2 semaphore(%arg19 : memref<!tpu.dma_semaphore, #tpu.memory_space<semaphore_mem>>) src(%arg9 : memref<128x128xf32, #tpu.memory_space<vmem>>) dst(%dma_wait3A_584 : memref<128x128xf32, #tpu.memory_space<hbm>>)
    %add3A_585 = arith.constant 0 : i32
    %add3A_586 = arith.addi %mul3A_2, %add3A_585 : i32
    %dma_wait3A_587 = arith.constant 0 : i32
    %dma_wait3A_588 = tpu.memref_slice %arg5[%add3A_586, %dma_wait3A_587] : memref<819200x128xf32, #tpu.memory_space<hbm>> -> memref<128x128xf32, #tpu.memory_space<hbm>>
    %dma_wait3A_589 = arith.constant 0 : i32
    %dma_wait3A_590 = tpu.memref_slice %arg5[%add3A_586, %dma_wait3A_589] : memref<819200x128xf32, #tpu.memory_space<hbm>> -> memref<128x128xf32, #tpu.memory_space<hbm>>
    tpu.wait_dma2 semaphore(%arg20 : memref<!tpu.dma_semaphore, #tpu.memory_space<semaphore_mem>>) src(%arg10 : memref<128x128xf32, #tpu.memory_space<vmem>>) dst(%dma_wait3A_590 : memref<128x128xf32, #tpu.memory_space<hbm>>)
    %add3A_591 = arith.constant 0 : i32
    %add3A_592 = arith.addi %mul3A_2, %add3A_591 : i32
    %dma_wait3A_593 = arith.constant 0 : i32
    %dma_wait3A_594 = tpu.memref_slice %arg5[%add3A_592, %dma_wait3A_593] : memref<819200x128xf32, #tpu.memory_space<hbm>> -> memref<128x128xf32, #tpu.memory_space<hbm>>
    %dma_wait3A_595 = arith.constant 0 : i32
    %dma_wait3A_596 = tpu.memref_slice %arg5[%add3A_592, %dma_wait3A_595] : memref<819200x128xf32, #tpu.memory_space<hbm>> -> memref<128x128xf32, #tpu.memory_space<hbm>>
    tpu.wait_dma2 semaphore(%arg21 : memref<!tpu.dma_semaphore, #tpu.memory_space<semaphore_mem>>) src(%arg11 : memref<128x128xf32, #tpu.memory_space<vmem>>) dst(%dma_wait3A_596 : memref<128x128xf32, #tpu.memory_space<hbm>>)
    %add3A_597 = arith.constant 0 : i32
    %add3A_598 = arith.addi %mul3A_2, %add3A_597 : i32
    %dma_wait3A_599 = arith.constant 0 : i32
    %dma_wait3A_600 = tpu.memref_slice %arg5[%add3A_598, %dma_wait3A_599] : memref<819200x128xf32, #tpu.memory_space<hbm>> -> memref<128x128xf32, #tpu.memory_space<hbm>>
    %dma_wait3A_601 = arith.constant 0 : i32
    %dma_wait3A_602 = tpu.memref_slice %arg5[%add3A_598, %dma_wait3A_601] : memref<819200x128xf32, #tpu.memory_space<hbm>> -> memref<128x128xf32, #tpu.memory_space<hbm>>
    tpu.wait_dma2 semaphore(%arg22 : memref<!tpu.dma_semaphore, #tpu.memory_space<semaphore_mem>>) src(%arg12 : memref<128x128xf32, #tpu.memory_space<vmem>>) dst(%dma_wait3A_602 : memref<128x128xf32, #tpu.memory_space<hbm>>)
    return
  }
}

module attributes {stable_mosaic.version = 14 : i64} {
  func.func @_build_body(%arg0: i32, %arg1: memref<129x128xf32, #tpu.memory_space<vmem>>, %arg2: memref<200x1x128xf32, #tpu.memory_space<vmem>>, %arg3: memref<27200x128xf32, #tpu.memory_space<vmem>>) attributes {dimension_semantics = [#tpu.dimension_semantics<arbitrary>], iteration_bounds = array<i64: 1>, scalar_prefetch = 0 : i64, scratch_operands = 0 : i64, tpu.core_type = #tpu.core_type<tc>, window_params = [{pipeline_mode = #tpu.pipeline_mode<synchronous>, transform_indices = @transform_0, window_bounds = array<i64: 129, 128>}, {pipeline_mode = #tpu.pipeline_mode<synchronous>, transform_indices = @transform_1, window_bounds = array<i64: 200, 1, 128>}, {pipeline_mode = #tpu.pipeline_mode<synchronous>, transform_indices = @transform_2, window_bounds = array<i64: 27200, 128>}]} {
    %get3A = arith.constant 0 : index
    %get3A_0 = arith.constant 0 : index
    %get3A_1 = vector.load %arg1[%get3A, %get3A_0] : memref<129x128xf32, #tpu.memory_space<vmem>>, vector<129x128xf32>
    %broadcast_in_dim3A = arith.constant 0.000000e+00 : f32
    %broadcast_in_dim3A_2 = vector.broadcast %broadcast_in_dim3A : f32 to vector<7x128xf32>
    %concatenate3A = tpu.concatenate %get3A_1, %broadcast_in_dim3A_2 in 0 : vector<129x128xf32>, vector<7x128xf32> -> vector<136x128xf32>
    %get3A_3 = arith.constant 0 : index
    %get3A_4 = arith.constant 0 : index
    %get3A_5 = arith.constant 0 : index
    %get3A_6 = vector.load %arg2[%get3A_3, %get3A_4, %get3A_5] : memref<200x1x128xf32, #tpu.memory_space<vmem>>, vector<1x1x128xf32>
    %get3A_7 = vector.shape_cast %get3A_6 : vector<1x1x128xf32> to vector<1x128xf32>
    %add3A = vector.broadcast %get3A_7 : vector<1x128xf32> to vector<136x128xf32>
    %add3A_8 = arith.addf %concatenate3A, %add3A : vector<136x128xf32>
    %swap3A = arith.constant 0 : index
    %swap3A_9 = arith.constant 0 : index
    %swap3A_10 = vector.load %arg3[%swap3A, %swap3A_9] : memref<27200x128xf32, #tpu.memory_space<vmem>>, vector<136x128xf32>
    tpu.vector_store %arg3[%swap3A, %swap3A_9], %add3A_8 {strides = array<i32>} : memref<27200x128xf32, #tpu.memory_space<vmem>>, vector<136x128xf32>,
    %get3A_11 = arith.constant 1 : index
    %get3A_12 = arith.constant 0 : index
    %get3A_13 = arith.constant 0 : index
    %get3A_14 = vector.load %arg2[%get3A_11, %get3A_12, %get3A_13] : memref<200x1x128xf32, #tpu.memory_space<vmem>>, vector<1x1x128xf32>
    %get3A_15 = vector.shape_cast %get3A_14 : vector<1x1x128xf32> to vector<1x128xf32>
    %add3A_16 = vector.broadcast %get3A_15 : vector<1x128xf32> to vector<136x128xf32>
    %add3A_17 = arith.addf %concatenate3A, %add3A_16 : vector<136x128xf32>
    %swap3A_18 = arith.constant 136 : index
    %swap3A_19 = arith.constant 0 : index
    %swap3A_20 = vector.load %arg3[%swap3A_18, %swap3A_19] : memref<27200x128xf32, #tpu.memory_space<vmem>>, vector<136x128xf32>
    tpu.vector_store %arg3[%swap3A_18, %swap3A_19], %add3A_17 {strides = array<i32>} : memref<27200x128xf32, #tpu.memory_space<vmem>>, vector<136x128xf32>,
    %get3A_21 = arith.constant 2 : index
    %get3A_22 = arith.constant 0 : index
    %get3A_23 = arith.constant 0 : index
    %get3A_24 = vector.load %arg2[%get3A_21, %get3A_22, %get3A_23] : memref<200x1x128xf32, #tpu.memory_space<vmem>>, vector<1x1x128xf32>
    %get3A_25 = vector.shape_cast %get3A_24 : vector<1x1x128xf32> to vector<1x128xf32>
    %add3A_26 = vector.broadcast %get3A_25 : vector<1x128xf32> to vector<136x128xf32>
    %add3A_27 = arith.addf %concatenate3A, %add3A_26 : vector<136x128xf32>
    %swap3A_28 = arith.constant 272 : index
    %swap3A_29 = arith.constant 0 : index
    %swap3A_30 = vector.load %arg3[%swap3A_28, %swap3A_29] : memref<27200x128xf32, #tpu.memory_space<vmem>>, vector<136x128xf32>
    tpu.vector_store %arg3[%swap3A_28, %swap3A_29], %add3A_27 {strides = array<i32>} : memref<27200x128xf32, #tpu.memory_space<vmem>>, vector<136x128xf32>,
    %get3A_31 = arith.constant 3 : index
    %get3A_32 = arith.constant 0 : index
    %get3A_33 = arith.constant 0 : index
    %get3A_34 = vector.load %arg2[%get3A_31, %get3A_32, %get3A_33] : memref<200x1x128xf32, #tpu.memory_space<vmem>>, vector<1x1x128xf32>
    %get3A_35 = vector.shape_cast %get3A_34 : vector<1x1x128xf32> to vector<1x128xf32>
    %add3A_36 = vector.broadcast %get3A_35 : vector<1x128xf32> to vector<136x128xf32>
    %add3A_37 = arith.addf %concatenate3A, %add3A_36 : vector<136x128xf32>
    %swap3A_38 = arith.constant 408 : index
    %swap3A_39 = arith.constant 0 : index
    %swap3A_40 = vector.load %arg3[%swap3A_38, %swap3A_39] : memref<27200x128xf32, #tpu.memory_space<vmem>>, vector<136x128xf32>
    tpu.vector_store %arg3[%swap3A_38, %swap3A_39], %add3A_37 {strides = array<i32>} : memref<27200x128xf32, #tpu.memory_space<vmem>>, vector<136x128xf32>,
    %get3A_41 = arith.constant 4 : index
    %get3A_42 = arith.constant 0 : index
    %get3A_43 = arith.constant 0 : index
    %get3A_44 = vector.load %arg2[%get3A_41, %get3A_42, %get3A_43] : memref<200x1x128xf32, #tpu.memory_space<vmem>>, vector<1x1x128xf32>
    %get3A_45 = vector.shape_cast %get3A_44 : vector<1x1x128xf32> to vector<1x128xf32>
    %add3A_46 = vector.broadcast %get3A_45 : vector<1x128xf32> to vector<136x128xf32>
    %add3A_47 = arith.addf %concatenate3A, %add3A_46 : vector<136x128xf32>
    %swap3A_48 = arith.constant 544 : index
    %swap3A_49 = arith.constant 0 : index
    %swap3A_50 = vector.load %arg3[%swap3A_48, %swap3A_49] : memref<27200x128xf32, #tpu.memory_space<vmem>>, vector<136x128xf32>
    tpu.vector_store %arg3[%swap3A_48, %swap3A_49], %add3A_47 {strides = array<i32>} : memref<27200x128xf32, #tpu.memory_space<vmem>>, vector<136x128xf32>,
    %get3A_51 = arith.constant 5 : index
    %get3A_52 = arith.constant 0 : index
    %get3A_53 = arith.constant 0 : index
    %get3A_54 = vector.load %arg2[%get3A_51, %get3A_52, %get3A_53] : memref<200x1x128xf32, #tpu.memory_space<vmem>>, vector<1x1x128xf32>
    %get3A_55 = vector.shape_cast %get3A_54 : vector<1x1x128xf32> to vector<1x128xf32>
    %add3A_56 = vector.broadcast %get3A_55 : vector<1x128xf32> to vector<136x128xf32>
    %add3A_57 = arith.addf %concatenate3A, %add3A_56 : vector<136x128xf32>
    %swap3A_58 = arith.constant 680 : index
    %swap3A_59 = arith.constant 0 : index
    %swap3A_60 = vector.load %arg3[%swap3A_58, %swap3A_59] : memref<27200x128xf32, #tpu.memory_space<vmem>>, vector<136x128xf32>
    tpu.vector_store %arg3[%swap3A_58, %swap3A_59], %add3A_57 {strides = array<i32>} : memref<27200x128xf32, #tpu.memory_space<vmem>>, vector<136x128xf32>,
    %get3A_61 = arith.constant 6 : index
    %get3A_62 = arith.constant 0 : index
    %get3A_63 = arith.constant 0 : index
    %get3A_64 = vector.load %arg2[%get3A_61, %get3A_62, %get3A_63] : memref<200x1x128xf32, #tpu.memory_space<vmem>>, vector<1x1x128xf32>
    %get3A_65 = vector.shape_cast %get3A_64 : vector<1x1x128xf32> to vector<1x128xf32>
    %add3A_66 = vector.broadcast %get3A_65 : vector<1x128xf32> to vector<136x128xf32>
    %add3A_67 = arith.addf %concatenate3A, %add3A_66 : vector<136x128xf32>
    %swap3A_68 = arith.constant 816 : index
    %swap3A_69 = arith.constant 0 : index
    %swap3A_70 = vector.load %arg3[%swap3A_68, %swap3A_69] : memref<27200x128xf32, #tpu.memory_space<vmem>>, vector<136x128xf32>
    tpu.vector_store %arg3[%swap3A_68, %swap3A_69], %add3A_67 {strides = array<i32>} : memref<27200x128xf32, #tpu.memory_space<vmem>>, vector<136x128xf32>,
    %get3A_71 = arith.constant 7 : index
    %get3A_72 = arith.constant 0 : index
    %get3A_73 = arith.constant 0 : index
    %get3A_74 = vector.load %arg2[%get3A_71, %get3A_72, %get3A_73] : memref<200x1x128xf32, #tpu.memory_space<vmem>>, vector<1x1x128xf32>
    %get3A_75 = vector.shape_cast %get3A_74 : vector<1x1x128xf32> to vector<1x128xf32>
    %add3A_76 = vector.broadcast %get3A_75 : vector<1x128xf32> to vector<136x128xf32>
    %add3A_77 = arith.addf %concatenate3A, %add3A_76 : vector<136x128xf32>
    %swap3A_78 = arith.constant 952 : index
    %swap3A_79 = arith.constant 0 : index
    %swap3A_80 = vector.load %arg3[%swap3A_78, %swap3A_79] : memref<27200x128xf32, #tpu.memory_space<vmem>>, vector<136x128xf32>
    tpu.vector_store %arg3[%swap3A_78, %swap3A_79], %add3A_77 {strides = array<i32>} : memref<27200x128xf32, #tpu.memory_space<vmem>>, vector<136x128xf32>,
    %get3A_81 = arith.constant 8 : index
    %get3A_82 = arith.constant 0 : index
    %get3A_83 = arith.constant 0 : index
    %get3A_84 = vector.load %arg2[%get3A_81, %get3A_82, %get3A_83] : memref<200x1x128xf32, #tpu.memory_space<vmem>>, vector<1x1x128xf32>
    %get3A_85 = vector.shape_cast %get3A_84 : vector<1x1x128xf32> to vector<1x128xf32>
    %add3A_86 = vector.broadcast %get3A_85 : vector<1x128xf32> to vector<136x128xf32>
    %add3A_87 = arith.addf %concatenate3A, %add3A_86 : vector<136x128xf32>
    %swap3A_88 = arith.constant 1088 : index
    %swap3A_89 = arith.constant 0 : index
    %swap3A_90 = vector.load %arg3[%swap3A_88, %swap3A_89] : memref<27200x128xf32, #tpu.memory_space<vmem>>, vector<136x128xf32>
    tpu.vector_store %arg3[%swap3A_88, %swap3A_89], %add3A_87 {strides = array<i32>} : memref<27200x128xf32, #tpu.memory_space<vmem>>, vector<136x128xf32>,
    %get3A_91 = arith.constant 9 : index
    %get3A_92 = arith.constant 0 : index
    %get3A_93 = arith.constant 0 : index
    %get3A_94 = vector.load %arg2[%get3A_91, %get3A_92, %get3A_93] : memref<200x1x128xf32, #tpu.memory_space<vmem>>, vector<1x1x128xf32>
    %get3A_95 = vector.shape_cast %get3A_94 : vector<1x1x128xf32> to vector<1x128xf32>
    %add3A_96 = vector.broadcast %get3A_95 : vector<1x128xf32> to vector<136x128xf32>
    %add3A_97 = arith.addf %concatenate3A, %add3A_96 : vector<136x128xf32>
    %swap3A_98 = arith.constant 1224 : index
    %swap3A_99 = arith.constant 0 : index
    %swap3A_100 = vector.load %arg3[%swap3A_98, %swap3A_99] : memref<27200x128xf32, #tpu.memory_space<vmem>>, vector<136x128xf32>
    tpu.vector_store %arg3[%swap3A_98, %swap3A_99], %add3A_97 {strides = array<i32>} : memref<27200x128xf32, #tpu.memory_space<vmem>>, vector<136x128xf32>,
    %get3A_101 = arith.constant 10 : index
    %get3A_102 = arith.constant 0 : index
    %get3A_103 = arith.constant 0 : index
    %get3A_104 = vector.load %arg2[%get3A_101, %get3A_102, %get3A_103] : memref<200x1x128xf32, #tpu.memory_space<vmem>>, vector<1x1x128xf32>
    %get3A_105 = vector.shape_cast %get3A_104 : vector<1x1x128xf32> to vector<1x128xf32>
    %add3A_106 = vector.broadcast %get3A_105 : vector<1x128xf32> to vector<136x128xf32>
    %add3A_107 = arith.addf %concatenate3A, %add3A_106 : vector<136x128xf32>
    %swap3A_108 = arith.constant 1360 : index
    %swap3A_109 = arith.constant 0 : index
    %swap3A_110 = vector.load %arg3[%swap3A_108, %swap3A_109] : memref<27200x128xf32, #tpu.memory_space<vmem>>, vector<136x128xf32>
    tpu.vector_store %arg3[%swap3A_108, %swap3A_109], %add3A_107 {strides = array<i32>} : memref<27200x128xf32, #tpu.memory_space<vmem>>, vector<136x128xf32>,
    %get3A_111 = arith.constant 11 : index
    %get3A_112 = arith.constant 0 : index
    %get3A_113 = arith.constant 0 : index
    %get3A_114 = vector.load %arg2[%get3A_111, %get3A_112, %get3A_113] : memref<200x1x128xf32, #tpu.memory_space<vmem>>, vector<1x1x128xf32>
    %get3A_115 = vector.shape_cast %get3A_114 : vector<1x1x128xf32> to vector<1x128xf32>
    %add3A_116 = vector.broadcast %get3A_115 : vector<1x128xf32> to vector<136x128xf32>
    %add3A_117 = arith.addf %concatenate3A, %add3A_116 : vector<136x128xf32>
    %swap3A_118 = arith.constant 1496 : index
    %swap3A_119 = arith.constant 0 : index
    %swap3A_120 = vector.load %arg3[%swap3A_118, %swap3A_119] : memref<27200x128xf32, #tpu.memory_space<vmem>>, vector<136x128xf32>
    tpu.vector_store %arg3[%swap3A_118, %swap3A_119], %add3A_117 {strides = array<i32>} : memref<27200x128xf32, #tpu.memory_space<vmem>>, vector<136x128xf32>,
    %get3A_121 = arith.constant 12 : index
    %get3A_122 = arith.constant 0 : index
    %get3A_123 = arith.constant 0 : index
    %get3A_124 = vector.load %arg2[%get3A_121, %get3A_122, %get3A_123] : memref<200x1x128xf32, #tpu.memory_space<vmem>>, vector<1x1x128xf32>
    %get3A_125 = vector.shape_cast %get3A_124 : vector<1x1x128xf32> to vector<1x128xf32>
    %add3A_126 = vector.broadcast %get3A_125 : vector<1x128xf32> to vector<136x128xf32>
    %add3A_127 = arith.addf %concatenate3A, %add3A_126 : vector<136x128xf32>
    %swap3A_128 = arith.constant 1632 : index
    %swap3A_129 = arith.constant 0 : index
    %swap3A_130 = vector.load %arg3[%swap3A_128, %swap3A_129] : memref<27200x128xf32, #tpu.memory_space<vmem>>, vector<136x128xf32>
    tpu.vector_store %arg3[%swap3A_128, %swap3A_129], %add3A_127 {strides = array<i32>} : memref<27200x128xf32, #tpu.memory_space<vmem>>, vector<136x128xf32>,
    %get3A_131 = arith.constant 13 : index
    %get3A_132 = arith.constant 0 : index
    %get3A_133 = arith.constant 0 : index
    %get3A_134 = vector.load %arg2[%get3A_131, %get3A_132, %get3A_133] : memref<200x1x128xf32, #tpu.memory_space<vmem>>, vector<1x1x128xf32>
    %get3A_135 = vector.shape_cast %get3A_134 : vector<1x1x128xf32> to vector<1x128xf32>
    %add3A_136 = vector.broadcast %get3A_135 : vector<1x128xf32> to vector<136x128xf32>
    %add3A_137 = arith.addf %concatenate3A, %add3A_136 : vector<136x128xf32>
    %swap3A_138 = arith.constant 1768 : index
    %swap3A_139 = arith.constant 0 : index
    %swap3A_140 = vector.load %arg3[%swap3A_138, %swap3A_139] : memref<27200x128xf32, #tpu.memory_space<vmem>>, vector<136x128xf32>
    tpu.vector_store %arg3[%swap3A_138, %swap3A_139], %add3A_137 {strides = array<i32>} : memref<27200x128xf32, #tpu.memory_space<vmem>>, vector<136x128xf32>,
    %get3A_141 = arith.constant 14 : index
    %get3A_142 = arith.constant 0 : index
    %get3A_143 = arith.constant 0 : index
    %get3A_144 = vector.load %arg2[%get3A_141, %get3A_142, %get3A_143] : memref<200x1x128xf32, #tpu.memory_space<vmem>>, vector<1x1x128xf32>
    %get3A_145 = vector.shape_cast %get3A_144 : vector<1x1x128xf32> to vector<1x128xf32>
    %add3A_146 = vector.broadcast %get3A_145 : vector<1x128xf32> to vector<136x128xf32>
    %add3A_147 = arith.addf %concatenate3A, %add3A_146 : vector<136x128xf32>
    %swap3A_148 = arith.constant 1904 : index
    %swap3A_149 = arith.constant 0 : index
    %swap3A_150 = vector.load %arg3[%swap3A_148, %swap3A_149] : memref<27200x128xf32, #tpu.memory_space<vmem>>, vector<136x128xf32>
    tpu.vector_store %arg3[%swap3A_148, %swap3A_149], %add3A_147 {strides = array<i32>} : memref<27200x128xf32, #tpu.memory_space<vmem>>, vector<136x128xf32>,
    %get3A_151 = arith.constant 15 : index
    %get3A_152 = arith.constant 0 : index
    %get3A_153 = arith.constant 0 : index
    %get3A_154 = vector.load %arg2[%get3A_151, %get3A_152, %get3A_153] : memref<200x1x128xf32, #tpu.memory_space<vmem>>, vector<1x1x128xf32>
    %get3A_155 = vector.shape_cast %get3A_154 : vector<1x1x128xf32> to vector<1x128xf32>
    %add3A_156 = vector.broadcast %get3A_155 : vector<1x128xf32> to vector<136x128xf32>
    %add3A_157 = arith.addf %concatenate3A, %add3A_156 : vector<136x128xf32>
    %swap3A_158 = arith.constant 2040 : index
    %swap3A_159 = arith.constant 0 : index
    %swap3A_160 = vector.load %arg3[%swap3A_158, %swap3A_159] : memref<27200x128xf32, #tpu.memory_space<vmem>>, vector<136x128xf32>
    tpu.vector_store %arg3[%swap3A_158, %swap3A_159], %add3A_157 {strides = array<i32>} : memref<27200x128xf32, #tpu.memory_space<vmem>>, vector<136x128xf32>,
    %get3A_161 = arith.constant 16 : index
    %get3A_162 = arith.constant 0 : index
    %get3A_163 = arith.constant 0 : index
    %get3A_164 = vector.load %arg2[%get3A_161, %get3A_162, %get3A_163] : memref<200x1x128xf32, #tpu.memory_space<vmem>>, vector<1x1x128xf32>
    %get3A_165 = vector.shape_cast %get3A_164 : vector<1x1x128xf32> to vector<1x128xf32>
    %add3A_166 = vector.broadcast %get3A_165 : vector<1x128xf32> to vector<136x128xf32>
    %add3A_167 = arith.addf %concatenate3A, %add3A_166 : vector<136x128xf32>
    %swap3A_168 = arith.constant 2176 : index
    %swap3A_169 = arith.constant 0 : index
    %swap3A_170 = vector.load %arg3[%swap3A_168, %swap3A_169] : memref<27200x128xf32, #tpu.memory_space<vmem>>, vector<136x128xf32>
    tpu.vector_store %arg3[%swap3A_168, %swap3A_169], %add3A_167 {strides = array<i32>} : memref<27200x128xf32, #tpu.memory_space<vmem>>, vector<136x128xf32>,
    %get3A_171 = arith.constant 17 : index
    %get3A_172 = arith.constant 0 : index
    %get3A_173 = arith.constant 0 : index
    %get3A_174 = vector.load %arg2[%get3A_171, %get3A_172, %get3A_173] : memref<200x1x128xf32, #tpu.memory_space<vmem>>, vector<1x1x128xf32>
    %get3A_175 = vector.shape_cast %get3A_174 : vector<1x1x128xf32> to vector<1x128xf32>
    %add3A_176 = vector.broadcast %get3A_175 : vector<1x128xf32> to vector<136x128xf32>
    %add3A_177 = arith.addf %concatenate3A, %add3A_176 : vector<136x128xf32>
    %swap3A_178 = arith.constant 2312 : index
    %swap3A_179 = arith.constant 0 : index
    %swap3A_180 = vector.load %arg3[%swap3A_178, %swap3A_179] : memref<27200x128xf32, #tpu.memory_space<vmem>>, vector<136x128xf32>
    tpu.vector_store %arg3[%swap3A_178, %swap3A_179], %add3A_177 {strides = array<i32>} : memref<27200x128xf32, #tpu.memory_space<vmem>>, vector<136x128xf32>,
    %get3A_181 = arith.constant 18 : index
    %get3A_182 = arith.constant 0 : index
    %get3A_183 = arith.constant 0 : index
    %get3A_184 = vector.load %arg2[%get3A_181, %get3A_182, %get3A_183] : memref<200x1x128xf32, #tpu.memory_space<vmem>>, vector<1x1x128xf32>
    %get3A_185 = vector.shape_cast %get3A_184 : vector<1x1x128xf32> to vector<1x128xf32>
    %add3A_186 = vector.broadcast %get3A_185 : vector<1x128xf32> to vector<136x128xf32>
    %add3A_187 = arith.addf %concatenate3A, %add3A_186 : vector<136x128xf32>
    %swap3A_188 = arith.constant 2448 : index
    %swap3A_189 = arith.constant 0 : index
    %swap3A_190 = vector.load %arg3[%swap3A_188, %swap3A_189] : memref<27200x128xf32, #tpu.memory_space<vmem>>, vector<136x128xf32>
    tpu.vector_store %arg3[%swap3A_188, %swap3A_189], %add3A_187 {strides = array<i32>} : memref<27200x128xf32, #tpu.memory_space<vmem>>, vector<136x128xf32>,
    %get3A_191 = arith.constant 19 : index
    %get3A_192 = arith.constant 0 : index
    %get3A_193 = arith.constant 0 : index
    %get3A_194 = vector.load %arg2[%get3A_191, %get3A_192, %get3A_193] : memref<200x1x128xf32, #tpu.memory_space<vmem>>, vector<1x1x128xf32>
    %get3A_195 = vector.shape_cast %get3A_194 : vector<1x1x128xf32> to vector<1x128xf32>
    %add3A_196 = vector.broadcast %get3A_195 : vector<1x128xf32> to vector<136x128xf32>
    %add3A_197 = arith.addf %concatenate3A, %add3A_196 : vector<136x128xf32>
    %swap3A_198 = arith.constant 2584 : index
    %swap3A_199 = arith.constant 0 : index
    %swap3A_200 = vector.load %arg3[%swap3A_198, %swap3A_199] : memref<27200x128xf32, #tpu.memory_space<vmem>>, vector<136x128xf32>
    tpu.vector_store %arg3[%swap3A_198, %swap3A_199], %add3A_197 {strides = array<i32>} : memref<27200x128xf32, #tpu.memory_space<vmem>>, vector<136x128xf32>,
    %get3A_201 = arith.constant 20 : index
    %get3A_202 = arith.constant 0 : index
    %get3A_203 = arith.constant 0 : index
    %get3A_204 = vector.load %arg2[%get3A_201, %get3A_202, %get3A_203] : memref<200x1x128xf32, #tpu.memory_space<vmem>>, vector<1x1x128xf32>
    %get3A_205 = vector.shape_cast %get3A_204 : vector<1x1x128xf32> to vector<1x128xf32>
    %add3A_206 = vector.broadcast %get3A_205 : vector<1x128xf32> to vector<136x128xf32>
    %add3A_207 = arith.addf %concatenate3A, %add3A_206 : vector<136x128xf32>
    %swap3A_208 = arith.constant 2720 : index
    %swap3A_209 = arith.constant 0 : index
    %swap3A_210 = vector.load %arg3[%swap3A_208, %swap3A_209] : memref<27200x128xf32, #tpu.memory_space<vmem>>, vector<136x128xf32>
    tpu.vector_store %arg3[%swap3A_208, %swap3A_209], %add3A_207 {strides = array<i32>} : memref<27200x128xf32, #tpu.memory_space<vmem>>, vector<136x128xf32>,
    %get3A_211 = arith.constant 21 : index
    %get3A_212 = arith.constant 0 : index
    %get3A_213 = arith.constant 0 : index
    %get3A_214 = vector.load %arg2[%get3A_211, %get3A_212, %get3A_213] : memref<200x1x128xf32, #tpu.memory_space<vmem>>, vector<1x1x128xf32>
    %get3A_215 = vector.shape_cast %get3A_214 : vector<1x1x128xf32> to vector<1x128xf32>
    %add3A_216 = vector.broadcast %get3A_215 : vector<1x128xf32> to vector<136x128xf32>
    %add3A_217 = arith.addf %concatenate3A, %add3A_216 : vector<136x128xf32>
    %swap3A_218 = arith.constant 2856 : index
    %swap3A_219 = arith.constant 0 : index
    %swap3A_220 = vector.load %arg3[%swap3A_218, %swap3A_219] : memref<27200x128xf32, #tpu.memory_space<vmem>>, vector<136x128xf32>
    tpu.vector_store %arg3[%swap3A_218, %swap3A_219], %add3A_217 {strides = array<i32>} : memref<27200x128xf32, #tpu.memory_space<vmem>>, vector<136x128xf32>,
    %get3A_221 = arith.constant 22 : index
    %get3A_222 = arith.constant 0 : index
    %get3A_223 = arith.constant 0 : index
    %get3A_224 = vector.load %arg2[%get3A_221, %get3A_222, %get3A_223] : memref<200x1x128xf32, #tpu.memory_space<vmem>>, vector<1x1x128xf32>
    %get3A_225 = vector.shape_cast %get3A_224 : vector<1x1x128xf32> to vector<1x128xf32>
    %add3A_226 = vector.broadcast %get3A_225 : vector<1x128xf32> to vector<136x128xf32>
    %add3A_227 = arith.addf %concatenate3A, %add3A_226 : vector<136x128xf32>
    %swap3A_228 = arith.constant 2992 : index
    %swap3A_229 = arith.constant 0 : index
    %swap3A_230 = vector.load %arg3[%swap3A_228, %swap3A_229] : memref<27200x128xf32, #tpu.memory_space<vmem>>, vector<136x128xf32>
    tpu.vector_store %arg3[%swap3A_228, %swap3A_229], %add3A_227 {strides = array<i32>} : memref<27200x128xf32, #tpu.memory_space<vmem>>, vector<136x128xf32>,
    %get3A_231 = arith.constant 23 : index
    %get3A_232 = arith.constant 0 : index
    %get3A_233 = arith.constant 0 : index
    %get3A_234 = vector.load %arg2[%get3A_231, %get3A_232, %get3A_233] : memref<200x1x128xf32, #tpu.memory_space<vmem>>, vector<1x1x128xf32>
    %get3A_235 = vector.shape_cast %get3A_234 : vector<1x1x128xf32> to vector<1x128xf32>
    %add3A_236 = vector.broadcast %get3A_235 : vector<1x128xf32> to vector<136x128xf32>
    %add3A_237 = arith.addf %concatenate3A, %add3A_236 : vector<136x128xf32>
    %swap3A_238 = arith.constant 3128 : index
    %swap3A_239 = arith.constant 0 : index
    %swap3A_240 = vector.load %arg3[%swap3A_238, %swap3A_239] : memref<27200x128xf32, #tpu.memory_space<vmem>>, vector<136x128xf32>
    tpu.vector_store %arg3[%swap3A_238, %swap3A_239], %add3A_237 {strides = array<i32>} : memref<27200x128xf32, #tpu.memory_space<vmem>>, vector<136x128xf32>,
    %get3A_241 = arith.constant 24 : index
    %get3A_242 = arith.constant 0 : index
    %get3A_243 = arith.constant 0 : index
    %get3A_244 = vector.load %arg2[%get3A_241, %get3A_242, %get3A_243] : memref<200x1x128xf32, #tpu.memory_space<vmem>>, vector<1x1x128xf32>
    %get3A_245 = vector.shape_cast %get3A_244 : vector<1x1x128xf32> to vector<1x128xf32>
    %add3A_246 = vector.broadcast %get3A_245 : vector<1x128xf32> to vector<136x128xf32>
    %add3A_247 = arith.addf %concatenate3A, %add3A_246 : vector<136x128xf32>
    %swap3A_248 = arith.constant 3264 : index
    %swap3A_249 = arith.constant 0 : index
    %swap3A_250 = vector.load %arg3[%swap3A_248, %swap3A_249] : memref<27200x128xf32, #tpu.memory_space<vmem>>, vector<136x128xf32>
    tpu.vector_store %arg3[%swap3A_248, %swap3A_249], %add3A_247 {strides = array<i32>} : memref<27200x128xf32, #tpu.memory_space<vmem>>, vector<136x128xf32>,
    %get3A_251 = arith.constant 25 : index
    %get3A_252 = arith.constant 0 : index
    %get3A_253 = arith.constant 0 : index
    %get3A_254 = vector.load %arg2[%get3A_251, %get3A_252, %get3A_253] : memref<200x1x128xf32, #tpu.memory_space<vmem>>, vector<1x1x128xf32>
    %get3A_255 = vector.shape_cast %get3A_254 : vector<1x1x128xf32> to vector<1x128xf32>
    %add3A_256 = vector.broadcast %get3A_255 : vector<1x128xf32> to vector<136x128xf32>
    %add3A_257 = arith.addf %concatenate3A, %add3A_256 : vector<136x128xf32>
    %swap3A_258 = arith.constant 3400 : index
    %swap3A_259 = arith.constant 0 : index
    %swap3A_260 = vector.load %arg3[%swap3A_258, %swap3A_259] : memref<27200x128xf32, #tpu.memory_space<vmem>>, vector<136x128xf32>
    tpu.vector_store %arg3[%swap3A_258, %swap3A_259], %add3A_257 {strides = array<i32>} : memref<27200x128xf32, #tpu.memory_space<vmem>>, vector<136x128xf32>,
    %get3A_261 = arith.constant 26 : index
    %get3A_262 = arith.constant 0 : index
    %get3A_263 = arith.constant 0 : index
    %get3A_264 = vector.load %arg2[%get3A_261, %get3A_262, %get3A_263] : memref<200x1x128xf32, #tpu.memory_space<vmem>>, vector<1x1x128xf32>
    %get3A_265 = vector.shape_cast %get3A_264 : vector<1x1x128xf32> to vector<1x128xf32>
    %add3A_266 = vector.broadcast %get3A_265 : vector<1x128xf32> to vector<136x128xf32>
    %add3A_267 = arith.addf %concatenate3A, %add3A_266 : vector<136x128xf32>
    %swap3A_268 = arith.constant 3536 : index
    %swap3A_269 = arith.constant 0 : index
    %swap3A_270 = vector.load %arg3[%swap3A_268, %swap3A_269] : memref<27200x128xf32, #tpu.memory_space<vmem>>, vector<136x128xf32>
    tpu.vector_store %arg3[%swap3A_268, %swap3A_269], %add3A_267 {strides = array<i32>} : memref<27200x128xf32, #tpu.memory_space<vmem>>, vector<136x128xf32>,
    %get3A_271 = arith.constant 27 : index
    %get3A_272 = arith.constant 0 : index
    %get3A_273 = arith.constant 0 : index
    %get3A_274 = vector.load %arg2[%get3A_271, %get3A_272, %get3A_273] : memref<200x1x128xf32, #tpu.memory_space<vmem>>, vector<1x1x128xf32>
    %get3A_275 = vector.shape_cast %get3A_274 : vector<1x1x128xf32> to vector<1x128xf32>
    %add3A_276 = vector.broadcast %get3A_275 : vector<1x128xf32> to vector<136x128xf32>
    %add3A_277 = arith.addf %concatenate3A, %add3A_276 : vector<136x128xf32>
    %swap3A_278 = arith.constant 3672 : index
    %swap3A_279 = arith.constant 0 : index
    %swap3A_280 = vector.load %arg3[%swap3A_278, %swap3A_279] : memref<27200x128xf32, #tpu.memory_space<vmem>>, vector<136x128xf32>
    tpu.vector_store %arg3[%swap3A_278, %swap3A_279], %add3A_277 {strides = array<i32>} : memref<27200x128xf32, #tpu.memory_space<vmem>>, vector<136x128xf32>,
    %get3A_281 = arith.constant 28 : index
    %get3A_282 = arith.constant 0 : index
    %get3A_283 = arith.constant 0 : index
    %get3A_284 = vector.load %arg2[%get3A_281, %get3A_282, %get3A_283] : memref<200x1x128xf32, #tpu.memory_space<vmem>>, vector<1x1x128xf32>
    %get3A_285 = vector.shape_cast %get3A_284 : vector<1x1x128xf32> to vector<1x128xf32>
    %add3A_286 = vector.broadcast %get3A_285 : vector<1x128xf32> to vector<136x128xf32>
    %add3A_287 = arith.addf %concatenate3A, %add3A_286 : vector<136x128xf32>
    %swap3A_288 = arith.constant 3808 : index
    %swap3A_289 = arith.constant 0 : index
    %swap3A_290 = vector.load %arg3[%swap3A_288, %swap3A_289] : memref<27200x128xf32, #tpu.memory_space<vmem>>, vector<136x128xf32>
    tpu.vector_store %arg3[%swap3A_288, %swap3A_289], %add3A_287 {strides = array<i32>} : memref<27200x128xf32, #tpu.memory_space<vmem>>, vector<136x128xf32>,
    %get3A_291 = arith.constant 29 : index
    %get3A_292 = arith.constant 0 : index
    %get3A_293 = arith.constant 0 : index
    %get3A_294 = vector.load %arg2[%get3A_291, %get3A_292, %get3A_293] : memref<200x1x128xf32, #tpu.memory_space<vmem>>, vector<1x1x128xf32>
    %get3A_295 = vector.shape_cast %get3A_294 : vector<1x1x128xf32> to vector<1x128xf32>
    %add3A_296 = vector.broadcast %get3A_295 : vector<1x128xf32> to vector<136x128xf32>
    %add3A_297 = arith.addf %concatenate3A, %add3A_296 : vector<136x128xf32>
    %swap3A_298 = arith.constant 3944 : index
    %swap3A_299 = arith.constant 0 : index
    %swap3A_300 = vector.load %arg3[%swap3A_298, %swap3A_299] : memref<27200x128xf32, #tpu.memory_space<vmem>>, vector<136x128xf32>
    tpu.vector_store %arg3[%swap3A_298, %swap3A_299], %add3A_297 {strides = array<i32>} : memref<27200x128xf32, #tpu.memory_space<vmem>>, vector<136x128xf32>,
    %get3A_301 = arith.constant 30 : index
    %get3A_302 = arith.constant 0 : index
    %get3A_303 = arith.constant 0 : index
    %get3A_304 = vector.load %arg2[%get3A_301, %get3A_302, %get3A_303] : memref<200x1x128xf32, #tpu.memory_space<vmem>>, vector<1x1x128xf32>
    %get3A_305 = vector.shape_cast %get3A_304 : vector<1x1x128xf32> to vector<1x128xf32>
    %add3A_306 = vector.broadcast %get3A_305 : vector<1x128xf32> to vector<136x128xf32>
    %add3A_307 = arith.addf %concatenate3A, %add3A_306 : vector<136x128xf32>
    %swap3A_308 = arith.constant 4080 : index
    %swap3A_309 = arith.constant 0 : index
    %swap3A_310 = vector.load %arg3[%swap3A_308, %swap3A_309] : memref<27200x128xf32, #tpu.memory_space<vmem>>, vector<136x128xf32>
    tpu.vector_store %arg3[%swap3A_308, %swap3A_309], %add3A_307 {strides = array<i32>} : memref<27200x128xf32, #tpu.memory_space<vmem>>, vector<136x128xf32>,
    %get3A_311 = arith.constant 31 : index
    %get3A_312 = arith.constant 0 : index
    %get3A_313 = arith.constant 0 : index
    %get3A_314 = vector.load %arg2[%get3A_311, %get3A_312, %get3A_313] : memref<200x1x128xf32, #tpu.memory_space<vmem>>, vector<1x1x128xf32>
    %get3A_315 = vector.shape_cast %get3A_314 : vector<1x1x128xf32> to vector<1x128xf32>
    %add3A_316 = vector.broadcast %get3A_315 : vector<1x128xf32> to vector<136x128xf32>
    %add3A_317 = arith.addf %concatenate3A, %add3A_316 : vector<136x128xf32>
    %swap3A_318 = arith.constant 4216 : index
    %swap3A_319 = arith.constant 0 : index
    %swap3A_320 = vector.load %arg3[%swap3A_318, %swap3A_319] : memref<27200x128xf32, #tpu.memory_space<vmem>>, vector<136x128xf32>
    tpu.vector_store %arg3[%swap3A_318, %swap3A_319], %add3A_317 {strides = array<i32>} : memref<27200x128xf32, #tpu.memory_space<vmem>>, vector<136x128xf32>,
    %get3A_321 = arith.constant 32 : index
    %get3A_322 = arith.constant 0 : index
    %get3A_323 = arith.constant 0 : index
    %get3A_324 = vector.load %arg2[%get3A_321, %get3A_322, %get3A_323] : memref<200x1x128xf32, #tpu.memory_space<vmem>>, vector<1x1x128xf32>
    %get3A_325 = vector.shape_cast %get3A_324 : vector<1x1x128xf32> to vector<1x128xf32>
    %add3A_326 = vector.broadcast %get3A_325 : vector<1x128xf32> to vector<136x128xf32>
    %add3A_327 = arith.addf %concatenate3A, %add3A_326 : vector<136x128xf32>
    %swap3A_328 = arith.constant 4352 : index
    %swap3A_329 = arith.constant 0 : index
    %swap3A_330 = vector.load %arg3[%swap3A_328, %swap3A_329] : memref<27200x128xf32, #tpu.memory_space<vmem>>, vector<136x128xf32>
    tpu.vector_store %arg3[%swap3A_328, %swap3A_329], %add3A_327 {strides = array<i32>} : memref<27200x128xf32, #tpu.memory_space<vmem>>, vector<136x128xf32>,
    %get3A_331 = arith.constant 33 : index
    %get3A_332 = arith.constant 0 : index
    %get3A_333 = arith.constant 0 : index
    %get3A_334 = vector.load %arg2[%get3A_331, %get3A_332, %get3A_333] : memref<200x1x128xf32, #tpu.memory_space<vmem>>, vector<1x1x128xf32>
    %get3A_335 = vector.shape_cast %get3A_334 : vector<1x1x128xf32> to vector<1x128xf32>
    %add3A_336 = vector.broadcast %get3A_335 : vector<1x128xf32> to vector<136x128xf32>
    %add3A_337 = arith.addf %concatenate3A, %add3A_336 : vector<136x128xf32>
    %swap3A_338 = arith.constant 4488 : index
    %swap3A_339 = arith.constant 0 : index
    %swap3A_340 = vector.load %arg3[%swap3A_338, %swap3A_339] : memref<27200x128xf32, #tpu.memory_space<vmem>>, vector<136x128xf32>
    tpu.vector_store %arg3[%swap3A_338, %swap3A_339], %add3A_337 {strides = array<i32>} : memref<27200x128xf32, #tpu.memory_space<vmem>>, vector<136x128xf32>,
    %get3A_341 = arith.constant 34 : index
    %get3A_342 = arith.constant 0 : index
    %get3A_343 = arith.constant 0 : index
    %get3A_344 = vector.load %arg2[%get3A_341, %get3A_342, %get3A_343] : memref<200x1x128xf32, #tpu.memory_space<vmem>>, vector<1x1x128xf32>
    %get3A_345 = vector.shape_cast %get3A_344 : vector<1x1x128xf32> to vector<1x128xf32>
    %add3A_346 = vector.broadcast %get3A_345 : vector<1x128xf32> to vector<136x128xf32>
    %add3A_347 = arith.addf %concatenate3A, %add3A_346 : vector<136x128xf32>
    %swap3A_348 = arith.constant 4624 : index
    %swap3A_349 = arith.constant 0 : index
    %swap3A_350 = vector.load %arg3[%swap3A_348, %swap3A_349] : memref<27200x128xf32, #tpu.memory_space<vmem>>, vector<136x128xf32>
    tpu.vector_store %arg3[%swap3A_348, %swap3A_349], %add3A_347 {strides = array<i32>} : memref<27200x128xf32, #tpu.memory_space<vmem>>, vector<136x128xf32>,
    %get3A_351 = arith.constant 35 : index
    %get3A_352 = arith.constant 0 : index
    %get3A_353 = arith.constant 0 : index
    %get3A_354 = vector.load %arg2[%get3A_351, %get3A_352, %get3A_353] : memref<200x1x128xf32, #tpu.memory_space<vmem>>, vector<1x1x128xf32>
    %get3A_355 = vector.shape_cast %get3A_354 : vector<1x1x128xf32> to vector<1x128xf32>
    %add3A_356 = vector.broadcast %get3A_355 : vector<1x128xf32> to vector<136x128xf32>
    %add3A_357 = arith.addf %concatenate3A, %add3A_356 : vector<136x128xf32>
    %swap3A_358 = arith.constant 4760 : index
    %swap3A_359 = arith.constant 0 : index
    %swap3A_360 = vector.load %arg3[%swap3A_358, %swap3A_359] : memref<27200x128xf32, #tpu.memory_space<vmem>>, vector<136x128xf32>
    tpu.vector_store %arg3[%swap3A_358, %swap3A_359], %add3A_357 {strides = array<i32>} : memref<27200x128xf32, #tpu.memory_space<vmem>>, vector<136x128xf32>,
    %get3A_361 = arith.constant 36 : index
    %get3A_362 = arith.constant 0 : index
    %get3A_363 = arith.constant 0 : index
    %get3A_364 = vector.load %arg2[%get3A_361, %get3A_362, %get3A_363] : memref<200x1x128xf32, #tpu.memory_space<vmem>>, vector<1x1x128xf32>
    %get3A_365 = vector.shape_cast %get3A_364 : vector<1x1x128xf32> to vector<1x128xf32>
    %add3A_366 = vector.broadcast %get3A_365 : vector<1x128xf32> to vector<136x128xf32>
    %add3A_367 = arith.addf %concatenate3A, %add3A_366 : vector<136x128xf32>
    %swap3A_368 = arith.constant 4896 : index
    %swap3A_369 = arith.constant 0 : index
    %swap3A_370 = vector.load %arg3[%swap3A_368, %swap3A_369] : memref<27200x128xf32, #tpu.memory_space<vmem>>, vector<136x128xf32>
    tpu.vector_store %arg3[%swap3A_368, %swap3A_369], %add3A_367 {strides = array<i32>} : memref<27200x128xf32, #tpu.memory_space<vmem>>, vector<136x128xf32>,
    %get3A_371 = arith.constant 37 : index
    %get3A_372 = arith.constant 0 : index
    %get3A_373 = arith.constant 0 : index
    %get3A_374 = vector.load %arg2[%get3A_371, %get3A_372, %get3A_373] : memref<200x1x128xf32, #tpu.memory_space<vmem>>, vector<1x1x128xf32>
    %get3A_375 = vector.shape_cast %get3A_374 : vector<1x1x128xf32> to vector<1x128xf32>
    %add3A_376 = vector.broadcast %get3A_375 : vector<1x128xf32> to vector<136x128xf32>
    %add3A_377 = arith.addf %concatenate3A, %add3A_376 : vector<136x128xf32>
    %swap3A_378 = arith.constant 5032 : index
    %swap3A_379 = arith.constant 0 : index
    %swap3A_380 = vector.load %arg3[%swap3A_378, %swap3A_379] : memref<27200x128xf32, #tpu.memory_space<vmem>>, vector<136x128xf32>
    tpu.vector_store %arg3[%swap3A_378, %swap3A_379], %add3A_377 {strides = array<i32>} : memref<27200x128xf32, #tpu.memory_space<vmem>>, vector<136x128xf32>,
    %get3A_381 = arith.constant 38 : index
    %get3A_382 = arith.constant 0 : index
    %get3A_383 = arith.constant 0 : index
    %get3A_384 = vector.load %arg2[%get3A_381, %get3A_382, %get3A_383] : memref<200x1x128xf32, #tpu.memory_space<vmem>>, vector<1x1x128xf32>
    %get3A_385 = vector.shape_cast %get3A_384 : vector<1x1x128xf32> to vector<1x128xf32>
    %add3A_386 = vector.broadcast %get3A_385 : vector<1x128xf32> to vector<136x128xf32>
    %add3A_387 = arith.addf %concatenate3A, %add3A_386 : vector<136x128xf32>
    %swap3A_388 = arith.constant 5168 : index
    %swap3A_389 = arith.constant 0 : index
    %swap3A_390 = vector.load %arg3[%swap3A_388, %swap3A_389] : memref<27200x128xf32, #tpu.memory_space<vmem>>, vector<136x128xf32>
    tpu.vector_store %arg3[%swap3A_388, %swap3A_389], %add3A_387 {strides = array<i32>} : memref<27200x128xf32, #tpu.memory_space<vmem>>, vector<136x128xf32>,
    %get3A_391 = arith.constant 39 : index
    %get3A_392 = arith.constant 0 : index
    %get3A_393 = arith.constant 0 : index
    %get3A_394 = vector.load %arg2[%get3A_391, %get3A_392, %get3A_393] : memref<200x1x128xf32, #tpu.memory_space<vmem>>, vector<1x1x128xf32>
    %get3A_395 = vector.shape_cast %get3A_394 : vector<1x1x128xf32> to vector<1x128xf32>
    %add3A_396 = vector.broadcast %get3A_395 : vector<1x128xf32> to vector<136x128xf32>
    %add3A_397 = arith.addf %concatenate3A, %add3A_396 : vector<136x128xf32>
    %swap3A_398 = arith.constant 5304 : index
    %swap3A_399 = arith.constant 0 : index
    %swap3A_400 = vector.load %arg3[%swap3A_398, %swap3A_399] : memref<27200x128xf32, #tpu.memory_space<vmem>>, vector<136x128xf32>
    tpu.vector_store %arg3[%swap3A_398, %swap3A_399], %add3A_397 {strides = array<i32>} : memref<27200x128xf32, #tpu.memory_space<vmem>>, vector<136x128xf32>,
    %get3A_401 = arith.constant 40 : index
    %get3A_402 = arith.constant 0 : index
    %get3A_403 = arith.constant 0 : index
    %get3A_404 = vector.load %arg2[%get3A_401, %get3A_402, %get3A_403] : memref<200x1x128xf32, #tpu.memory_space<vmem>>, vector<1x1x128xf32>
    %get3A_405 = vector.shape_cast %get3A_404 : vector<1x1x128xf32> to vector<1x128xf32>
    %add3A_406 = vector.broadcast %get3A_405 : vector<1x128xf32> to vector<136x128xf32>
    %add3A_407 = arith.addf %concatenate3A, %add3A_406 : vector<136x128xf32>
    %swap3A_408 = arith.constant 5440 : index
    %swap3A_409 = arith.constant 0 : index
    %swap3A_410 = vector.load %arg3[%swap3A_408, %swap3A_409] : memref<27200x128xf32, #tpu.memory_space<vmem>>, vector<136x128xf32>
    tpu.vector_store %arg3[%swap3A_408, %swap3A_409], %add3A_407 {strides = array<i32>} : memref<27200x128xf32, #tpu.memory_space<vmem>>, vector<136x128xf32>,
    %get3A_411 = arith.constant 41 : index
    %get3A_412 = arith.constant 0 : index
    %get3A_413 = arith.constant 0 : index
    %get3A_414 = vector.load %arg2[%get3A_411, %get3A_412, %get3A_413] : memref<200x1x128xf32, #tpu.memory_space<vmem>>, vector<1x1x128xf32>
    %get3A_415 = vector.shape_cast %get3A_414 : vector<1x1x128xf32> to vector<1x128xf32>
    %add3A_416 = vector.broadcast %get3A_415 : vector<1x128xf32> to vector<136x128xf32>
    %add3A_417 = arith.addf %concatenate3A, %add3A_416 : vector<136x128xf32>
    %swap3A_418 = arith.constant 5576 : index
    %swap3A_419 = arith.constant 0 : index
    %swap3A_420 = vector.load %arg3[%swap3A_418, %swap3A_419] : memref<27200x128xf32, #tpu.memory_space<vmem>>, vector<136x128xf32>
    tpu.vector_store %arg3[%swap3A_418, %swap3A_419], %add3A_417 {strides = array<i32>} : memref<27200x128xf32, #tpu.memory_space<vmem>>, vector<136x128xf32>,
    %get3A_421 = arith.constant 42 : index
    %get3A_422 = arith.constant 0 : index
    %get3A_423 = arith.constant 0 : index
    %get3A_424 = vector.load %arg2[%get3A_421, %get3A_422, %get3A_423] : memref<200x1x128xf32, #tpu.memory_space<vmem>>, vector<1x1x128xf32>
    %get3A_425 = vector.shape_cast %get3A_424 : vector<1x1x128xf32> to vector<1x128xf32>
    %add3A_426 = vector.broadcast %get3A_425 : vector<1x128xf32> to vector<136x128xf32>
    %add3A_427 = arith.addf %concatenate3A, %add3A_426 : vector<136x128xf32>
    %swap3A_428 = arith.constant 5712 : index
    %swap3A_429 = arith.constant 0 : index
    %swap3A_430 = vector.load %arg3[%swap3A_428, %swap3A_429] : memref<27200x128xf32, #tpu.memory_space<vmem>>, vector<136x128xf32>
    tpu.vector_store %arg3[%swap3A_428, %swap3A_429], %add3A_427 {strides = array<i32>} : memref<27200x128xf32, #tpu.memory_space<vmem>>, vector<136x128xf32>,
    %get3A_431 = arith.constant 43 : index
    %get3A_432 = arith.constant 0 : index
    %get3A_433 = arith.constant 0 : index
    %get3A_434 = vector.load %arg2[%get3A_431, %get3A_432, %get3A_433] : memref<200x1x128xf32, #tpu.memory_space<vmem>>, vector<1x1x128xf32>
    %get3A_435 = vector.shape_cast %get3A_434 : vector<1x1x128xf32> to vector<1x128xf32>
    %add3A_436 = vector.broadcast %get3A_435 : vector<1x128xf32> to vector<136x128xf32>
    %add3A_437 = arith.addf %concatenate3A, %add3A_436 : vector<136x128xf32>
    %swap3A_438 = arith.constant 5848 : index
    %swap3A_439 = arith.constant 0 : index
    %swap3A_440 = vector.load %arg3[%swap3A_438, %swap3A_439] : memref<27200x128xf32, #tpu.memory_space<vmem>>, vector<136x128xf32>
    tpu.vector_store %arg3[%swap3A_438, %swap3A_439], %add3A_437 {strides = array<i32>} : memref<27200x128xf32, #tpu.memory_space<vmem>>, vector<136x128xf32>,
    %get3A_441 = arith.constant 44 : index
    %get3A_442 = arith.constant 0 : index
    %get3A_443 = arith.constant 0 : index
    %get3A_444 = vector.load %arg2[%get3A_441, %get3A_442, %get3A_443] : memref<200x1x128xf32, #tpu.memory_space<vmem>>, vector<1x1x128xf32>
    %get3A_445 = vector.shape_cast %get3A_444 : vector<1x1x128xf32> to vector<1x128xf32>
    %add3A_446 = vector.broadcast %get3A_445 : vector<1x128xf32> to vector<136x128xf32>
    %add3A_447 = arith.addf %concatenate3A, %add3A_446 : vector<136x128xf32>
    %swap3A_448 = arith.constant 5984 : index
    %swap3A_449 = arith.constant 0 : index
    %swap3A_450 = vector.load %arg3[%swap3A_448, %swap3A_449] : memref<27200x128xf32, #tpu.memory_space<vmem>>, vector<136x128xf32>
    tpu.vector_store %arg3[%swap3A_448, %swap3A_449], %add3A_447 {strides = array<i32>} : memref<27200x128xf32, #tpu.memory_space<vmem>>, vector<136x128xf32>,
    %get3A_451 = arith.constant 45 : index
    %get3A_452 = arith.constant 0 : index
    %get3A_453 = arith.constant 0 : index
    %get3A_454 = vector.load %arg2[%get3A_451, %get3A_452, %get3A_453] : memref<200x1x128xf32, #tpu.memory_space<vmem>>, vector<1x1x128xf32>
    %get3A_455 = vector.shape_cast %get3A_454 : vector<1x1x128xf32> to vector<1x128xf32>
    %add3A_456 = vector.broadcast %get3A_455 : vector<1x128xf32> to vector<136x128xf32>
    %add3A_457 = arith.addf %concatenate3A, %add3A_456 : vector<136x128xf32>
    %swap3A_458 = arith.constant 6120 : index
    %swap3A_459 = arith.constant 0 : index
    %swap3A_460 = vector.load %arg3[%swap3A_458, %swap3A_459] : memref<27200x128xf32, #tpu.memory_space<vmem>>, vector<136x128xf32>
    tpu.vector_store %arg3[%swap3A_458, %swap3A_459], %add3A_457 {strides = array<i32>} : memref<27200x128xf32, #tpu.memory_space<vmem>>, vector<136x128xf32>,
    %get3A_461 = arith.constant 46 : index
    %get3A_462 = arith.constant 0 : index
    %get3A_463 = arith.constant 0 : index
    %get3A_464 = vector.load %arg2[%get3A_461, %get3A_462, %get3A_463] : memref<200x1x128xf32, #tpu.memory_space<vmem>>, vector<1x1x128xf32>
    %get3A_465 = vector.shape_cast %get3A_464 : vector<1x1x128xf32> to vector<1x128xf32>
    %add3A_466 = vector.broadcast %get3A_465 : vector<1x128xf32> to vector<136x128xf32>
    %add3A_467 = arith.addf %concatenate3A, %add3A_466 : vector<136x128xf32>
    %swap3A_468 = arith.constant 6256 : index
    %swap3A_469 = arith.constant 0 : index
    %swap3A_470 = vector.load %arg3[%swap3A_468, %swap3A_469] : memref<27200x128xf32, #tpu.memory_space<vmem>>, vector<136x128xf32>
    tpu.vector_store %arg3[%swap3A_468, %swap3A_469], %add3A_467 {strides = array<i32>} : memref<27200x128xf32, #tpu.memory_space<vmem>>, vector<136x128xf32>,
    %get3A_471 = arith.constant 47 : index
    %get3A_472 = arith.constant 0 : index
    %get3A_473 = arith.constant 0 : index
    %get3A_474 = vector.load %arg2[%get3A_471, %get3A_472, %get3A_473] : memref<200x1x128xf32, #tpu.memory_space<vmem>>, vector<1x1x128xf32>
    %get3A_475 = vector.shape_cast %get3A_474 : vector<1x1x128xf32> to vector<1x128xf32>
    %add3A_476 = vector.broadcast %get3A_475 : vector<1x128xf32> to vector<136x128xf32>
    %add3A_477 = arith.addf %concatenate3A, %add3A_476 : vector<136x128xf32>
    %swap3A_478 = arith.constant 6392 : index
    %swap3A_479 = arith.constant 0 : index
    %swap3A_480 = vector.load %arg3[%swap3A_478, %swap3A_479] : memref<27200x128xf32, #tpu.memory_space<vmem>>, vector<136x128xf32>
    tpu.vector_store %arg3[%swap3A_478, %swap3A_479], %add3A_477 {strides = array<i32>} : memref<27200x128xf32, #tpu.memory_space<vmem>>, vector<136x128xf32>,
    %get3A_481 = arith.constant 48 : index
    %get3A_482 = arith.constant 0 : index
    %get3A_483 = arith.constant 0 : index
    %get3A_484 = vector.load %arg2[%get3A_481, %get3A_482, %get3A_483] : memref<200x1x128xf32, #tpu.memory_space<vmem>>, vector<1x1x128xf32>
    %get3A_485 = vector.shape_cast %get3A_484 : vector<1x1x128xf32> to vector<1x128xf32>
    %add3A_486 = vector.broadcast %get3A_485 : vector<1x128xf32> to vector<136x128xf32>
    %add3A_487 = arith.addf %concatenate3A, %add3A_486 : vector<136x128xf32>
    %swap3A_488 = arith.constant 6528 : index
    %swap3A_489 = arith.constant 0 : index
    %swap3A_490 = vector.load %arg3[%swap3A_488, %swap3A_489] : memref<27200x128xf32, #tpu.memory_space<vmem>>, vector<136x128xf32>
    tpu.vector_store %arg3[%swap3A_488, %swap3A_489], %add3A_487 {strides = array<i32>} : memref<27200x128xf32, #tpu.memory_space<vmem>>, vector<136x128xf32>,
    %get3A_491 = arith.constant 49 : index
    %get3A_492 = arith.constant 0 : index
    %get3A_493 = arith.constant 0 : index
    %get3A_494 = vector.load %arg2[%get3A_491, %get3A_492, %get3A_493] : memref<200x1x128xf32, #tpu.memory_space<vmem>>, vector<1x1x128xf32>
    %get3A_495 = vector.shape_cast %get3A_494 : vector<1x1x128xf32> to vector<1x128xf32>
    %add3A_496 = vector.broadcast %get3A_495 : vector<1x128xf32> to vector<136x128xf32>
    %add3A_497 = arith.addf %concatenate3A, %add3A_496 : vector<136x128xf32>
    %swap3A_498 = arith.constant 6664 : index
    %swap3A_499 = arith.constant 0 : index
    %swap3A_500 = vector.load %arg3[%swap3A_498, %swap3A_499] : memref<27200x128xf32, #tpu.memory_space<vmem>>, vector<136x128xf32>
    tpu.vector_store %arg3[%swap3A_498, %swap3A_499], %add3A_497 {strides = array<i32>} : memref<27200x128xf32, #tpu.memory_space<vmem>>, vector<136x128xf32>,
    %get3A_501 = arith.constant 50 : index
    %get3A_502 = arith.constant 0 : index
    %get3A_503 = arith.constant 0 : index
    %get3A_504 = vector.load %arg2[%get3A_501, %get3A_502, %get3A_503] : memref<200x1x128xf32, #tpu.memory_space<vmem>>, vector<1x1x128xf32>
    %get3A_505 = vector.shape_cast %get3A_504 : vector<1x1x128xf32> to vector<1x128xf32>
    %add3A_506 = vector.broadcast %get3A_505 : vector<1x128xf32> to vector<136x128xf32>
    %add3A_507 = arith.addf %concatenate3A, %add3A_506 : vector<136x128xf32>
    %swap3A_508 = arith.constant 6800 : index
    %swap3A_509 = arith.constant 0 : index
    %swap3A_510 = vector.load %arg3[%swap3A_508, %swap3A_509] : memref<27200x128xf32, #tpu.memory_space<vmem>>, vector<136x128xf32>
    tpu.vector_store %arg3[%swap3A_508, %swap3A_509], %add3A_507 {strides = array<i32>} : memref<27200x128xf32, #tpu.memory_space<vmem>>, vector<136x128xf32>,
    %get3A_511 = arith.constant 51 : index
    %get3A_512 = arith.constant 0 : index
    %get3A_513 = arith.constant 0 : index
    %get3A_514 = vector.load %arg2[%get3A_511, %get3A_512, %get3A_513] : memref<200x1x128xf32, #tpu.memory_space<vmem>>, vector<1x1x128xf32>
    %get3A_515 = vector.shape_cast %get3A_514 : vector<1x1x128xf32> to vector<1x128xf32>
    %add3A_516 = vector.broadcast %get3A_515 : vector<1x128xf32> to vector<136x128xf32>
    %add3A_517 = arith.addf %concatenate3A, %add3A_516 : vector<136x128xf32>
    %swap3A_518 = arith.constant 6936 : index
    %swap3A_519 = arith.constant 0 : index
    %swap3A_520 = vector.load %arg3[%swap3A_518, %swap3A_519] : memref<27200x128xf32, #tpu.memory_space<vmem>>, vector<136x128xf32>
    tpu.vector_store %arg3[%swap3A_518, %swap3A_519], %add3A_517 {strides = array<i32>} : memref<27200x128xf32, #tpu.memory_space<vmem>>, vector<136x128xf32>,
    %get3A_521 = arith.constant 52 : index
    %get3A_522 = arith.constant 0 : index
    %get3A_523 = arith.constant 0 : index
    %get3A_524 = vector.load %arg2[%get3A_521, %get3A_522, %get3A_523] : memref<200x1x128xf32, #tpu.memory_space<vmem>>, vector<1x1x128xf32>
    %get3A_525 = vector.shape_cast %get3A_524 : vector<1x1x128xf32> to vector<1x128xf32>
    %add3A_526 = vector.broadcast %get3A_525 : vector<1x128xf32> to vector<136x128xf32>
    %add3A_527 = arith.addf %concatenate3A, %add3A_526 : vector<136x128xf32>
    %swap3A_528 = arith.constant 7072 : index
    %swap3A_529 = arith.constant 0 : index
    %swap3A_530 = vector.load %arg3[%swap3A_528, %swap3A_529] : memref<27200x128xf32, #tpu.memory_space<vmem>>, vector<136x128xf32>
    tpu.vector_store %arg3[%swap3A_528, %swap3A_529], %add3A_527 {strides = array<i32>} : memref<27200x128xf32, #tpu.memory_space<vmem>>, vector<136x128xf32>,
    %get3A_531 = arith.constant 53 : index
    %get3A_532 = arith.constant 0 : index
    %get3A_533 = arith.constant 0 : index
    %get3A_534 = vector.load %arg2[%get3A_531, %get3A_532, %get3A_533] : memref<200x1x128xf32, #tpu.memory_space<vmem>>, vector<1x1x128xf32>
    %get3A_535 = vector.shape_cast %get3A_534 : vector<1x1x128xf32> to vector<1x128xf32>
    %add3A_536 = vector.broadcast %get3A_535 : vector<1x128xf32> to vector<136x128xf32>
    %add3A_537 = arith.addf %concatenate3A, %add3A_536 : vector<136x128xf32>
    %swap3A_538 = arith.constant 7208 : index
    %swap3A_539 = arith.constant 0 : index
    %swap3A_540 = vector.load %arg3[%swap3A_538, %swap3A_539] : memref<27200x128xf32, #tpu.memory_space<vmem>>, vector<136x128xf32>
    tpu.vector_store %arg3[%swap3A_538, %swap3A_539], %add3A_537 {strides = array<i32>} : memref<27200x128xf32, #tpu.memory_space<vmem>>, vector<136x128xf32>,
    %get3A_541 = arith.constant 54 : index
    %get3A_542 = arith.constant 0 : index
    %get3A_543 = arith.constant 0 : index
    %get3A_544 = vector.load %arg2[%get3A_541, %get3A_542, %get3A_543] : memref<200x1x128xf32, #tpu.memory_space<vmem>>, vector<1x1x128xf32>
    %get3A_545 = vector.shape_cast %get3A_544 : vector<1x1x128xf32> to vector<1x128xf32>
    %add3A_546 = vector.broadcast %get3A_545 : vector<1x128xf32> to vector<136x128xf32>
    %add3A_547 = arith.addf %concatenate3A, %add3A_546 : vector<136x128xf32>
    %swap3A_548 = arith.constant 7344 : index
    %swap3A_549 = arith.constant 0 : index
    %swap3A_550 = vector.load %arg3[%swap3A_548, %swap3A_549] : memref<27200x128xf32, #tpu.memory_space<vmem>>, vector<136x128xf32>
    tpu.vector_store %arg3[%swap3A_548, %swap3A_549], %add3A_547 {strides = array<i32>} : memref<27200x128xf32, #tpu.memory_space<vmem>>, vector<136x128xf32>,
    %get3A_551 = arith.constant 55 : index
    %get3A_552 = arith.constant 0 : index
    %get3A_553 = arith.constant 0 : index
    %get3A_554 = vector.load %arg2[%get3A_551, %get3A_552, %get3A_553] : memref<200x1x128xf32, #tpu.memory_space<vmem>>, vector<1x1x128xf32>
    %get3A_555 = vector.shape_cast %get3A_554 : vector<1x1x128xf32> to vector<1x128xf32>
    %add3A_556 = vector.broadcast %get3A_555 : vector<1x128xf32> to vector<136x128xf32>
    %add3A_557 = arith.addf %concatenate3A, %add3A_556 : vector<136x128xf32>
    %swap3A_558 = arith.constant 7480 : index
    %swap3A_559 = arith.constant 0 : index
    %swap3A_560 = vector.load %arg3[%swap3A_558, %swap3A_559] : memref<27200x128xf32, #tpu.memory_space<vmem>>, vector<136x128xf32>
    tpu.vector_store %arg3[%swap3A_558, %swap3A_559], %add3A_557 {strides = array<i32>} : memref<27200x128xf32, #tpu.memory_space<vmem>>, vector<136x128xf32>,
    %get3A_561 = arith.constant 56 : index
    %get3A_562 = arith.constant 0 : index
    %get3A_563 = arith.constant 0 : index
    %get3A_564 = vector.load %arg2[%get3A_561, %get3A_562, %get3A_563] : memref<200x1x128xf32, #tpu.memory_space<vmem>>, vector<1x1x128xf32>
    %get3A_565 = vector.shape_cast %get3A_564 : vector<1x1x128xf32> to vector<1x128xf32>
    %add3A_566 = vector.broadcast %get3A_565 : vector<1x128xf32> to vector<136x128xf32>
    %add3A_567 = arith.addf %concatenate3A, %add3A_566 : vector<136x128xf32>
    %swap3A_568 = arith.constant 7616 : index
    %swap3A_569 = arith.constant 0 : index
    %swap3A_570 = vector.load %arg3[%swap3A_568, %swap3A_569] : memref<27200x128xf32, #tpu.memory_space<vmem>>, vector<136x128xf32>
    tpu.vector_store %arg3[%swap3A_568, %swap3A_569], %add3A_567 {strides = array<i32>} : memref<27200x128xf32, #tpu.memory_space<vmem>>, vector<136x128xf32>,
    %get3A_571 = arith.constant 57 : index
    %get3A_572 = arith.constant 0 : index
    %get3A_573 = arith.constant 0 : index
    %get3A_574 = vector.load %arg2[%get3A_571, %get3A_572, %get3A_573] : memref<200x1x128xf32, #tpu.memory_space<vmem>>, vector<1x1x128xf32>
    %get3A_575 = vector.shape_cast %get3A_574 : vector<1x1x128xf32> to vector<1x128xf32>
    %add3A_576 = vector.broadcast %get3A_575 : vector<1x128xf32> to vector<136x128xf32>
    %add3A_577 = arith.addf %concatenate3A, %add3A_576 : vector<136x128xf32>
    %swap3A_578 = arith.constant 7752 : index
    %swap3A_579 = arith.constant 0 : index
    %swap3A_580 = vector.load %arg3[%swap3A_578, %swap3A_579] : memref<27200x128xf32, #tpu.memory_space<vmem>>, vector<136x128xf32>
    tpu.vector_store %arg3[%swap3A_578, %swap3A_579], %add3A_577 {strides = array<i32>} : memref<27200x128xf32, #tpu.memory_space<vmem>>, vector<136x128xf32>,
    %get3A_581 = arith.constant 58 : index
    %get3A_582 = arith.constant 0 : index
    %get3A_583 = arith.constant 0 : index
    %get3A_584 = vector.load %arg2[%get3A_581, %get3A_582, %get3A_583] : memref<200x1x128xf32, #tpu.memory_space<vmem>>, vector<1x1x128xf32>
    %get3A_585 = vector.shape_cast %get3A_584 : vector<1x1x128xf32> to vector<1x128xf32>
    %add3A_586 = vector.broadcast %get3A_585 : vector<1x128xf32> to vector<136x128xf32>
    %add3A_587 = arith.addf %concatenate3A, %add3A_586 : vector<136x128xf32>
    %swap3A_588 = arith.constant 7888 : index
    %swap3A_589 = arith.constant 0 : index
    %swap3A_590 = vector.load %arg3[%swap3A_588, %swap3A_589] : memref<27200x128xf32, #tpu.memory_space<vmem>>, vector<136x128xf32>
    tpu.vector_store %arg3[%swap3A_588, %swap3A_589], %add3A_587 {strides = array<i32>} : memref<27200x128xf32, #tpu.memory_space<vmem>>, vector<136x128xf32>,
    %get3A_591 = arith.constant 59 : index
    %get3A_592 = arith.constant 0 : index
    %get3A_593 = arith.constant 0 : index
    %get3A_594 = vector.load %arg2[%get3A_591, %get3A_592, %get3A_593] : memref<200x1x128xf32, #tpu.memory_space<vmem>>, vector<1x1x128xf32>
    %get3A_595 = vector.shape_cast %get3A_594 : vector<1x1x128xf32> to vector<1x128xf32>
    %add3A_596 = vector.broadcast %get3A_595 : vector<1x128xf32> to vector<136x128xf32>
    %add3A_597 = arith.addf %concatenate3A, %add3A_596 : vector<136x128xf32>
    %swap3A_598 = arith.constant 8024 : index
    %swap3A_599 = arith.constant 0 : index
    %swap3A_600 = vector.load %arg3[%swap3A_598, %swap3A_599] : memref<27200x128xf32, #tpu.memory_space<vmem>>, vector<136x128xf32>
    tpu.vector_store %arg3[%swap3A_598, %swap3A_599], %add3A_597 {strides = array<i32>} : memref<27200x128xf32, #tpu.memory_space<vmem>>, vector<136x128xf32>,
    %get3A_601 = arith.constant 60 : index
    %get3A_602 = arith.constant 0 : index
    %get3A_603 = arith.constant 0 : index
    %get3A_604 = vector.load %arg2[%get3A_601, %get3A_602, %get3A_603] : memref<200x1x128xf32, #tpu.memory_space<vmem>>, vector<1x1x128xf32>
    %get3A_605 = vector.shape_cast %get3A_604 : vector<1x1x128xf32> to vector<1x128xf32>
    %add3A_606 = vector.broadcast %get3A_605 : vector<1x128xf32> to vector<136x128xf32>
    %add3A_607 = arith.addf %concatenate3A, %add3A_606 : vector<136x128xf32>
    %swap3A_608 = arith.constant 8160 : index
    %swap3A_609 = arith.constant 0 : index
    %swap3A_610 = vector.load %arg3[%swap3A_608, %swap3A_609] : memref<27200x128xf32, #tpu.memory_space<vmem>>, vector<136x128xf32>
    tpu.vector_store %arg3[%swap3A_608, %swap3A_609], %add3A_607 {strides = array<i32>} : memref<27200x128xf32, #tpu.memory_space<vmem>>, vector<136x128xf32>,
    %get3A_611 = arith.constant 61 : index
    %get3A_612 = arith.constant 0 : index
    %get3A_613 = arith.constant 0 : index
    %get3A_614 = vector.load %arg2[%get3A_611, %get3A_612, %get3A_613] : memref<200x1x128xf32, #tpu.memory_space<vmem>>, vector<1x1x128xf32>
    %get3A_615 = vector.shape_cast %get3A_614 : vector<1x1x128xf32> to vector<1x128xf32>
    %add3A_616 = vector.broadcast %get3A_615 : vector<1x128xf32> to vector<136x128xf32>
    %add3A_617 = arith.addf %concatenate3A, %add3A_616 : vector<136x128xf32>
    %swap3A_618 = arith.constant 8296 : index
    %swap3A_619 = arith.constant 0 : index
    %swap3A_620 = vector.load %arg3[%swap3A_618, %swap3A_619] : memref<27200x128xf32, #tpu.memory_space<vmem>>, vector<136x128xf32>
    tpu.vector_store %arg3[%swap3A_618, %swap3A_619], %add3A_617 {strides = array<i32>} : memref<27200x128xf32, #tpu.memory_space<vmem>>, vector<136x128xf32>,
    %get3A_621 = arith.constant 62 : index
    %get3A_622 = arith.constant 0 : index
    %get3A_623 = arith.constant 0 : index
    %get3A_624 = vector.load %arg2[%get3A_621, %get3A_622, %get3A_623] : memref<200x1x128xf32, #tpu.memory_space<vmem>>, vector<1x1x128xf32>
    %get3A_625 = vector.shape_cast %get3A_624 : vector<1x1x128xf32> to vector<1x128xf32>
    %add3A_626 = vector.broadcast %get3A_625 : vector<1x128xf32> to vector<136x128xf32>
    %add3A_627 = arith.addf %concatenate3A, %add3A_626 : vector<136x128xf32>
    %swap3A_628 = arith.constant 8432 : index
    %swap3A_629 = arith.constant 0 : index
    %swap3A_630 = vector.load %arg3[%swap3A_628, %swap3A_629] : memref<27200x128xf32, #tpu.memory_space<vmem>>, vector<136x128xf32>
    tpu.vector_store %arg3[%swap3A_628, %swap3A_629], %add3A_627 {strides = array<i32>} : memref<27200x128xf32, #tpu.memory_space<vmem>>, vector<136x128xf32>,
    %get3A_631 = arith.constant 63 : index
    %get3A_632 = arith.constant 0 : index
    %get3A_633 = arith.constant 0 : index
    %get3A_634 = vector.load %arg2[%get3A_631, %get3A_632, %get3A_633] : memref<200x1x128xf32, #tpu.memory_space<vmem>>, vector<1x1x128xf32>
    %get3A_635 = vector.shape_cast %get3A_634 : vector<1x1x128xf32> to vector<1x128xf32>
    %add3A_636 = vector.broadcast %get3A_635 : vector<1x128xf32> to vector<136x128xf32>
    %add3A_637 = arith.addf %concatenate3A, %add3A_636 : vector<136x128xf32>
    %swap3A_638 = arith.constant 8568 : index
    %swap3A_639 = arith.constant 0 : index
    %swap3A_640 = vector.load %arg3[%swap3A_638, %swap3A_639] : memref<27200x128xf32, #tpu.memory_space<vmem>>, vector<136x128xf32>
    tpu.vector_store %arg3[%swap3A_638, %swap3A_639], %add3A_637 {strides = array<i32>} : memref<27200x128xf32, #tpu.memory_space<vmem>>, vector<136x128xf32>,
    %get3A_641 = arith.constant 64 : index
    %get3A_642 = arith.constant 0 : index
    %get3A_643 = arith.constant 0 : index
    %get3A_644 = vector.load %arg2[%get3A_641, %get3A_642, %get3A_643] : memref<200x1x128xf32, #tpu.memory_space<vmem>>, vector<1x1x128xf32>
    %get3A_645 = vector.shape_cast %get3A_644 : vector<1x1x128xf32> to vector<1x128xf32>
    %add3A_646 = vector.broadcast %get3A_645 : vector<1x128xf32> to vector<136x128xf32>
    %add3A_647 = arith.addf %concatenate3A, %add3A_646 : vector<136x128xf32>
    %swap3A_648 = arith.constant 8704 : index
    %swap3A_649 = arith.constant 0 : index
    %swap3A_650 = vector.load %arg3[%swap3A_648, %swap3A_649] : memref<27200x128xf32, #tpu.memory_space<vmem>>, vector<136x128xf32>
    tpu.vector_store %arg3[%swap3A_648, %swap3A_649], %add3A_647 {strides = array<i32>} : memref<27200x128xf32, #tpu.memory_space<vmem>>, vector<136x128xf32>,
    %get3A_651 = arith.constant 65 : index
    %get3A_652 = arith.constant 0 : index
    %get3A_653 = arith.constant 0 : index
    %get3A_654 = vector.load %arg2[%get3A_651, %get3A_652, %get3A_653] : memref<200x1x128xf32, #tpu.memory_space<vmem>>, vector<1x1x128xf32>
    %get3A_655 = vector.shape_cast %get3A_654 : vector<1x1x128xf32> to vector<1x128xf32>
    %add3A_656 = vector.broadcast %get3A_655 : vector<1x128xf32> to vector<136x128xf32>
    %add3A_657 = arith.addf %concatenate3A, %add3A_656 : vector<136x128xf32>
    %swap3A_658 = arith.constant 8840 : index
    %swap3A_659 = arith.constant 0 : index
    %swap3A_660 = vector.load %arg3[%swap3A_658, %swap3A_659] : memref<27200x128xf32, #tpu.memory_space<vmem>>, vector<136x128xf32>
    tpu.vector_store %arg3[%swap3A_658, %swap3A_659], %add3A_657 {strides = array<i32>} : memref<27200x128xf32, #tpu.memory_space<vmem>>, vector<136x128xf32>,
    %get3A_661 = arith.constant 66 : index
    %get3A_662 = arith.constant 0 : index
    %get3A_663 = arith.constant 0 : index
    %get3A_664 = vector.load %arg2[%get3A_661, %get3A_662, %get3A_663] : memref<200x1x128xf32, #tpu.memory_space<vmem>>, vector<1x1x128xf32>
    %get3A_665 = vector.shape_cast %get3A_664 : vector<1x1x128xf32> to vector<1x128xf32>
    %add3A_666 = vector.broadcast %get3A_665 : vector<1x128xf32> to vector<136x128xf32>
    %add3A_667 = arith.addf %concatenate3A, %add3A_666 : vector<136x128xf32>
    %swap3A_668 = arith.constant 8976 : index
    %swap3A_669 = arith.constant 0 : index
    %swap3A_670 = vector.load %arg3[%swap3A_668, %swap3A_669] : memref<27200x128xf32, #tpu.memory_space<vmem>>, vector<136x128xf32>
    tpu.vector_store %arg3[%swap3A_668, %swap3A_669], %add3A_667 {strides = array<i32>} : memref<27200x128xf32, #tpu.memory_space<vmem>>, vector<136x128xf32>,
    %get3A_671 = arith.constant 67 : index
    %get3A_672 = arith.constant 0 : index
    %get3A_673 = arith.constant 0 : index
    %get3A_674 = vector.load %arg2[%get3A_671, %get3A_672, %get3A_673] : memref<200x1x128xf32, #tpu.memory_space<vmem>>, vector<1x1x128xf32>
    %get3A_675 = vector.shape_cast %get3A_674 : vector<1x1x128xf32> to vector<1x128xf32>
    %add3A_676 = vector.broadcast %get3A_675 : vector<1x128xf32> to vector<136x128xf32>
    %add3A_677 = arith.addf %concatenate3A, %add3A_676 : vector<136x128xf32>
    %swap3A_678 = arith.constant 9112 : index
    %swap3A_679 = arith.constant 0 : index
    %swap3A_680 = vector.load %arg3[%swap3A_678, %swap3A_679] : memref<27200x128xf32, #tpu.memory_space<vmem>>, vector<136x128xf32>
    tpu.vector_store %arg3[%swap3A_678, %swap3A_679], %add3A_677 {strides = array<i32>} : memref<27200x128xf32, #tpu.memory_space<vmem>>, vector<136x128xf32>,
    %get3A_681 = arith.constant 68 : index
    %get3A_682 = arith.constant 0 : index
    %get3A_683 = arith.constant 0 : index
    %get3A_684 = vector.load %arg2[%get3A_681, %get3A_682, %get3A_683] : memref<200x1x128xf32, #tpu.memory_space<vmem>>, vector<1x1x128xf32>
    %get3A_685 = vector.shape_cast %get3A_684 : vector<1x1x128xf32> to vector<1x128xf32>
    %add3A_686 = vector.broadcast %get3A_685 : vector<1x128xf32> to vector<136x128xf32>
    %add3A_687 = arith.addf %concatenate3A, %add3A_686 : vector<136x128xf32>
    %swap3A_688 = arith.constant 9248 : index
    %swap3A_689 = arith.constant 0 : index
    %swap3A_690 = vector.load %arg3[%swap3A_688, %swap3A_689] : memref<27200x128xf32, #tpu.memory_space<vmem>>, vector<136x128xf32>
    tpu.vector_store %arg3[%swap3A_688, %swap3A_689], %add3A_687 {strides = array<i32>} : memref<27200x128xf32, #tpu.memory_space<vmem>>, vector<136x128xf32>,
    %get3A_691 = arith.constant 69 : index
    %get3A_692 = arith.constant 0 : index
    %get3A_693 = arith.constant 0 : index
    %get3A_694 = vector.load %arg2[%get3A_691, %get3A_692, %get3A_693] : memref<200x1x128xf32, #tpu.memory_space<vmem>>, vector<1x1x128xf32>
    %get3A_695 = vector.shape_cast %get3A_694 : vector<1x1x128xf32> to vector<1x128xf32>
    %add3A_696 = vector.broadcast %get3A_695 : vector<1x128xf32> to vector<136x128xf32>
    %add3A_697 = arith.addf %concatenate3A, %add3A_696 : vector<136x128xf32>
    %swap3A_698 = arith.constant 9384 : index
    %swap3A_699 = arith.constant 0 : index
    %swap3A_700 = vector.load %arg3[%swap3A_698, %swap3A_699] : memref<27200x128xf32, #tpu.memory_space<vmem>>, vector<136x128xf32>
    tpu.vector_store %arg3[%swap3A_698, %swap3A_699], %add3A_697 {strides = array<i32>} : memref<27200x128xf32, #tpu.memory_space<vmem>>, vector<136x128xf32>,
    %get3A_701 = arith.constant 70 : index
    %get3A_702 = arith.constant 0 : index
    %get3A_703 = arith.constant 0 : index
    %get3A_704 = vector.load %arg2[%get3A_701, %get3A_702, %get3A_703] : memref<200x1x128xf32, #tpu.memory_space<vmem>>, vector<1x1x128xf32>
    %get3A_705 = vector.shape_cast %get3A_704 : vector<1x1x128xf32> to vector<1x128xf32>
    %add3A_706 = vector.broadcast %get3A_705 : vector<1x128xf32> to vector<136x128xf32>
    %add3A_707 = arith.addf %concatenate3A, %add3A_706 : vector<136x128xf32>
    %swap3A_708 = arith.constant 9520 : index
    %swap3A_709 = arith.constant 0 : index
    %swap3A_710 = vector.load %arg3[%swap3A_708, %swap3A_709] : memref<27200x128xf32, #tpu.memory_space<vmem>>, vector<136x128xf32>
    tpu.vector_store %arg3[%swap3A_708, %swap3A_709], %add3A_707 {strides = array<i32>} : memref<27200x128xf32, #tpu.memory_space<vmem>>, vector<136x128xf32>,
    %get3A_711 = arith.constant 71 : index
    %get3A_712 = arith.constant 0 : index
    %get3A_713 = arith.constant 0 : index
    %get3A_714 = vector.load %arg2[%get3A_711, %get3A_712, %get3A_713] : memref<200x1x128xf32, #tpu.memory_space<vmem>>, vector<1x1x128xf32>
    %get3A_715 = vector.shape_cast %get3A_714 : vector<1x1x128xf32> to vector<1x128xf32>
    %add3A_716 = vector.broadcast %get3A_715 : vector<1x128xf32> to vector<136x128xf32>
    %add3A_717 = arith.addf %concatenate3A, %add3A_716 : vector<136x128xf32>
    %swap3A_718 = arith.constant 9656 : index
    %swap3A_719 = arith.constant 0 : index
    %swap3A_720 = vector.load %arg3[%swap3A_718, %swap3A_719] : memref<27200x128xf32, #tpu.memory_space<vmem>>, vector<136x128xf32>
    tpu.vector_store %arg3[%swap3A_718, %swap3A_719], %add3A_717 {strides = array<i32>} : memref<27200x128xf32, #tpu.memory_space<vmem>>, vector<136x128xf32>,
    %get3A_721 = arith.constant 72 : index
    %get3A_722 = arith.constant 0 : index
    %get3A_723 = arith.constant 0 : index
    %get3A_724 = vector.load %arg2[%get3A_721, %get3A_722, %get3A_723] : memref<200x1x128xf32, #tpu.memory_space<vmem>>, vector<1x1x128xf32>
    %get3A_725 = vector.shape_cast %get3A_724 : vector<1x1x128xf32> to vector<1x128xf32>
    %add3A_726 = vector.broadcast %get3A_725 : vector<1x128xf32> to vector<136x128xf32>
    %add3A_727 = arith.addf %concatenate3A, %add3A_726 : vector<136x128xf32>
    %swap3A_728 = arith.constant 9792 : index
    %swap3A_729 = arith.constant 0 : index
    %swap3A_730 = vector.load %arg3[%swap3A_728, %swap3A_729] : memref<27200x128xf32, #tpu.memory_space<vmem>>, vector<136x128xf32>
    tpu.vector_store %arg3[%swap3A_728, %swap3A_729], %add3A_727 {strides = array<i32>} : memref<27200x128xf32, #tpu.memory_space<vmem>>, vector<136x128xf32>,
    %get3A_731 = arith.constant 73 : index
    %get3A_732 = arith.constant 0 : index
    %get3A_733 = arith.constant 0 : index
    %get3A_734 = vector.load %arg2[%get3A_731, %get3A_732, %get3A_733] : memref<200x1x128xf32, #tpu.memory_space<vmem>>, vector<1x1x128xf32>
    %get3A_735 = vector.shape_cast %get3A_734 : vector<1x1x128xf32> to vector<1x128xf32>
    %add3A_736 = vector.broadcast %get3A_735 : vector<1x128xf32> to vector<136x128xf32>
    %add3A_737 = arith.addf %concatenate3A, %add3A_736 : vector<136x128xf32>
    %swap3A_738 = arith.constant 9928 : index
    %swap3A_739 = arith.constant 0 : index
    %swap3A_740 = vector.load %arg3[%swap3A_738, %swap3A_739] : memref<27200x128xf32, #tpu.memory_space<vmem>>, vector<136x128xf32>
    tpu.vector_store %arg3[%swap3A_738, %swap3A_739], %add3A_737 {strides = array<i32>} : memref<27200x128xf32, #tpu.memory_space<vmem>>, vector<136x128xf32>,
    %get3A_741 = arith.constant 74 : index
    %get3A_742 = arith.constant 0 : index
    %get3A_743 = arith.constant 0 : index
    %get3A_744 = vector.load %arg2[%get3A_741, %get3A_742, %get3A_743] : memref<200x1x128xf32, #tpu.memory_space<vmem>>, vector<1x1x128xf32>
    %get3A_745 = vector.shape_cast %get3A_744 : vector<1x1x128xf32> to vector<1x128xf32>
    %add3A_746 = vector.broadcast %get3A_745 : vector<1x128xf32> to vector<136x128xf32>
    %add3A_747 = arith.addf %concatenate3A, %add3A_746 : vector<136x128xf32>
    %swap3A_748 = arith.constant 10064 : index
    %swap3A_749 = arith.constant 0 : index
    %swap3A_750 = vector.load %arg3[%swap3A_748, %swap3A_749] : memref<27200x128xf32, #tpu.memory_space<vmem>>, vector<136x128xf32>
    tpu.vector_store %arg3[%swap3A_748, %swap3A_749], %add3A_747 {strides = array<i32>} : memref<27200x128xf32, #tpu.memory_space<vmem>>, vector<136x128xf32>,
    %get3A_751 = arith.constant 75 : index
    %get3A_752 = arith.constant 0 : index
    %get3A_753 = arith.constant 0 : index
    %get3A_754 = vector.load %arg2[%get3A_751, %get3A_752, %get3A_753] : memref<200x1x128xf32, #tpu.memory_space<vmem>>, vector<1x1x128xf32>
    %get3A_755 = vector.shape_cast %get3A_754 : vector<1x1x128xf32> to vector<1x128xf32>
    %add3A_756 = vector.broadcast %get3A_755 : vector<1x128xf32> to vector<136x128xf32>
    %add3A_757 = arith.addf %concatenate3A, %add3A_756 : vector<136x128xf32>
    %swap3A_758 = arith.constant 10200 : index
    %swap3A_759 = arith.constant 0 : index
    %swap3A_760 = vector.load %arg3[%swap3A_758, %swap3A_759] : memref<27200x128xf32, #tpu.memory_space<vmem>>, vector<136x128xf32>
    tpu.vector_store %arg3[%swap3A_758, %swap3A_759], %add3A_757 {strides = array<i32>} : memref<27200x128xf32, #tpu.memory_space<vmem>>, vector<136x128xf32>,
    %get3A_761 = arith.constant 76 : index
    %get3A_762 = arith.constant 0 : index
    %get3A_763 = arith.constant 0 : index
    %get3A_764 = vector.load %arg2[%get3A_761, %get3A_762, %get3A_763] : memref<200x1x128xf32, #tpu.memory_space<vmem>>, vector<1x1x128xf32>
    %get3A_765 = vector.shape_cast %get3A_764 : vector<1x1x128xf32> to vector<1x128xf32>
    %add3A_766 = vector.broadcast %get3A_765 : vector<1x128xf32> to vector<136x128xf32>
    %add3A_767 = arith.addf %concatenate3A, %add3A_766 : vector<136x128xf32>
    %swap3A_768 = arith.constant 10336 : index
    %swap3A_769 = arith.constant 0 : index
    %swap3A_770 = vector.load %arg3[%swap3A_768, %swap3A_769] : memref<27200x128xf32, #tpu.memory_space<vmem>>, vector<136x128xf32>
    tpu.vector_store %arg3[%swap3A_768, %swap3A_769], %add3A_767 {strides = array<i32>} : memref<27200x128xf32, #tpu.memory_space<vmem>>, vector<136x128xf32>,
    %get3A_771 = arith.constant 77 : index
    %get3A_772 = arith.constant 0 : index
    %get3A_773 = arith.constant 0 : index
    %get3A_774 = vector.load %arg2[%get3A_771, %get3A_772, %get3A_773] : memref<200x1x128xf32, #tpu.memory_space<vmem>>, vector<1x1x128xf32>
    %get3A_775 = vector.shape_cast %get3A_774 : vector<1x1x128xf32> to vector<1x128xf32>
    %add3A_776 = vector.broadcast %get3A_775 : vector<1x128xf32> to vector<136x128xf32>
    %add3A_777 = arith.addf %concatenate3A, %add3A_776 : vector<136x128xf32>
    %swap3A_778 = arith.constant 10472 : index
    %swap3A_779 = arith.constant 0 : index
    %swap3A_780 = vector.load %arg3[%swap3A_778, %swap3A_779] : memref<27200x128xf32, #tpu.memory_space<vmem>>, vector<136x128xf32>
    tpu.vector_store %arg3[%swap3A_778, %swap3A_779], %add3A_777 {strides = array<i32>} : memref<27200x128xf32, #tpu.memory_space<vmem>>, vector<136x128xf32>,
    %get3A_781 = arith.constant 78 : index
    %get3A_782 = arith.constant 0 : index
    %get3A_783 = arith.constant 0 : index
    %get3A_784 = vector.load %arg2[%get3A_781, %get3A_782, %get3A_783] : memref<200x1x128xf32, #tpu.memory_space<vmem>>, vector<1x1x128xf32>
    %get3A_785 = vector.shape_cast %get3A_784 : vector<1x1x128xf32> to vector<1x128xf32>
    %add3A_786 = vector.broadcast %get3A_785 : vector<1x128xf32> to vector<136x128xf32>
    %add3A_787 = arith.addf %concatenate3A, %add3A_786 : vector<136x128xf32>
    %swap3A_788 = arith.constant 10608 : index
    %swap3A_789 = arith.constant 0 : index
    %swap3A_790 = vector.load %arg3[%swap3A_788, %swap3A_789] : memref<27200x128xf32, #tpu.memory_space<vmem>>, vector<136x128xf32>
    tpu.vector_store %arg3[%swap3A_788, %swap3A_789], %add3A_787 {strides = array<i32>} : memref<27200x128xf32, #tpu.memory_space<vmem>>, vector<136x128xf32>,
    %get3A_791 = arith.constant 79 : index
    %get3A_792 = arith.constant 0 : index
    %get3A_793 = arith.constant 0 : index
    %get3A_794 = vector.load %arg2[%get3A_791, %get3A_792, %get3A_793] : memref<200x1x128xf32, #tpu.memory_space<vmem>>, vector<1x1x128xf32>
    %get3A_795 = vector.shape_cast %get3A_794 : vector<1x1x128xf32> to vector<1x128xf32>
    %add3A_796 = vector.broadcast %get3A_795 : vector<1x128xf32> to vector<136x128xf32>
    %add3A_797 = arith.addf %concatenate3A, %add3A_796 : vector<136x128xf32>
    %swap3A_798 = arith.constant 10744 : index
    %swap3A_799 = arith.constant 0 : index
    %swap3A_800 = vector.load %arg3[%swap3A_798, %swap3A_799] : memref<27200x128xf32, #tpu.memory_space<vmem>>, vector<136x128xf32>
    tpu.vector_store %arg3[%swap3A_798, %swap3A_799], %add3A_797 {strides = array<i32>} : memref<27200x128xf32, #tpu.memory_space<vmem>>, vector<136x128xf32>,
    %get3A_801 = arith.constant 80 : index
    %get3A_802 = arith.constant 0 : index
    %get3A_803 = arith.constant 0 : index
    %get3A_804 = vector.load %arg2[%get3A_801, %get3A_802, %get3A_803] : memref<200x1x128xf32, #tpu.memory_space<vmem>>, vector<1x1x128xf32>
    %get3A_805 = vector.shape_cast %get3A_804 : vector<1x1x128xf32> to vector<1x128xf32>
    %add3A_806 = vector.broadcast %get3A_805 : vector<1x128xf32> to vector<136x128xf32>
    %add3A_807 = arith.addf %concatenate3A, %add3A_806 : vector<136x128xf32>
    %swap3A_808 = arith.constant 10880 : index
    %swap3A_809 = arith.constant 0 : index
    %swap3A_810 = vector.load %arg3[%swap3A_808, %swap3A_809] : memref<27200x128xf32, #tpu.memory_space<vmem>>, vector<136x128xf32>
    tpu.vector_store %arg3[%swap3A_808, %swap3A_809], %add3A_807 {strides = array<i32>} : memref<27200x128xf32, #tpu.memory_space<vmem>>, vector<136x128xf32>,
    %get3A_811 = arith.constant 81 : index
    %get3A_812 = arith.constant 0 : index
    %get3A_813 = arith.constant 0 : index
    %get3A_814 = vector.load %arg2[%get3A_811, %get3A_812, %get3A_813] : memref<200x1x128xf32, #tpu.memory_space<vmem>>, vector<1x1x128xf32>
    %get3A_815 = vector.shape_cast %get3A_814 : vector<1x1x128xf32> to vector<1x128xf32>
    %add3A_816 = vector.broadcast %get3A_815 : vector<1x128xf32> to vector<136x128xf32>
    %add3A_817 = arith.addf %concatenate3A, %add3A_816 : vector<136x128xf32>
    %swap3A_818 = arith.constant 11016 : index
    %swap3A_819 = arith.constant 0 : index
    %swap3A_820 = vector.load %arg3[%swap3A_818, %swap3A_819] : memref<27200x128xf32, #tpu.memory_space<vmem>>, vector<136x128xf32>
    tpu.vector_store %arg3[%swap3A_818, %swap3A_819], %add3A_817 {strides = array<i32>} : memref<27200x128xf32, #tpu.memory_space<vmem>>, vector<136x128xf32>,
    %get3A_821 = arith.constant 82 : index
    %get3A_822 = arith.constant 0 : index
    %get3A_823 = arith.constant 0 : index
    %get3A_824 = vector.load %arg2[%get3A_821, %get3A_822, %get3A_823] : memref<200x1x128xf32, #tpu.memory_space<vmem>>, vector<1x1x128xf32>
    %get3A_825 = vector.shape_cast %get3A_824 : vector<1x1x128xf32> to vector<1x128xf32>
    %add3A_826 = vector.broadcast %get3A_825 : vector<1x128xf32> to vector<136x128xf32>
    %add3A_827 = arith.addf %concatenate3A, %add3A_826 : vector<136x128xf32>
    %swap3A_828 = arith.constant 11152 : index
    %swap3A_829 = arith.constant 0 : index
    %swap3A_830 = vector.load %arg3[%swap3A_828, %swap3A_829] : memref<27200x128xf32, #tpu.memory_space<vmem>>, vector<136x128xf32>
    tpu.vector_store %arg3[%swap3A_828, %swap3A_829], %add3A_827 {strides = array<i32>} : memref<27200x128xf32, #tpu.memory_space<vmem>>, vector<136x128xf32>,
    %get3A_831 = arith.constant 83 : index
    %get3A_832 = arith.constant 0 : index
    %get3A_833 = arith.constant 0 : index
    %get3A_834 = vector.load %arg2[%get3A_831, %get3A_832, %get3A_833] : memref<200x1x128xf32, #tpu.memory_space<vmem>>, vector<1x1x128xf32>
    %get3A_835 = vector.shape_cast %get3A_834 : vector<1x1x128xf32> to vector<1x128xf32>
    %add3A_836 = vector.broadcast %get3A_835 : vector<1x128xf32> to vector<136x128xf32>
    %add3A_837 = arith.addf %concatenate3A, %add3A_836 : vector<136x128xf32>
    %swap3A_838 = arith.constant 11288 : index
    %swap3A_839 = arith.constant 0 : index
    %swap3A_840 = vector.load %arg3[%swap3A_838, %swap3A_839] : memref<27200x128xf32, #tpu.memory_space<vmem>>, vector<136x128xf32>
    tpu.vector_store %arg3[%swap3A_838, %swap3A_839], %add3A_837 {strides = array<i32>} : memref<27200x128xf32, #tpu.memory_space<vmem>>, vector<136x128xf32>,
    %get3A_841 = arith.constant 84 : index
    %get3A_842 = arith.constant 0 : index
    %get3A_843 = arith.constant 0 : index
    %get3A_844 = vector.load %arg2[%get3A_841, %get3A_842, %get3A_843] : memref<200x1x128xf32, #tpu.memory_space<vmem>>, vector<1x1x128xf32>
    %get3A_845 = vector.shape_cast %get3A_844 : vector<1x1x128xf32> to vector<1x128xf32>
    %add3A_846 = vector.broadcast %get3A_845 : vector<1x128xf32> to vector<136x128xf32>
    %add3A_847 = arith.addf %concatenate3A, %add3A_846 : vector<136x128xf32>
    %swap3A_848 = arith.constant 11424 : index
    %swap3A_849 = arith.constant 0 : index
    %swap3A_850 = vector.load %arg3[%swap3A_848, %swap3A_849] : memref<27200x128xf32, #tpu.memory_space<vmem>>, vector<136x128xf32>
    tpu.vector_store %arg3[%swap3A_848, %swap3A_849], %add3A_847 {strides = array<i32>} : memref<27200x128xf32, #tpu.memory_space<vmem>>, vector<136x128xf32>,
    %get3A_851 = arith.constant 85 : index
    %get3A_852 = arith.constant 0 : index
    %get3A_853 = arith.constant 0 : index
    %get3A_854 = vector.load %arg2[%get3A_851, %get3A_852, %get3A_853] : memref<200x1x128xf32, #tpu.memory_space<vmem>>, vector<1x1x128xf32>
    %get3A_855 = vector.shape_cast %get3A_854 : vector<1x1x128xf32> to vector<1x128xf32>
    %add3A_856 = vector.broadcast %get3A_855 : vector<1x128xf32> to vector<136x128xf32>
    %add3A_857 = arith.addf %concatenate3A, %add3A_856 : vector<136x128xf32>
    %swap3A_858 = arith.constant 11560 : index
    %swap3A_859 = arith.constant 0 : index
    %swap3A_860 = vector.load %arg3[%swap3A_858, %swap3A_859] : memref<27200x128xf32, #tpu.memory_space<vmem>>, vector<136x128xf32>
    tpu.vector_store %arg3[%swap3A_858, %swap3A_859], %add3A_857 {strides = array<i32>} : memref<27200x128xf32, #tpu.memory_space<vmem>>, vector<136x128xf32>,
    %get3A_861 = arith.constant 86 : index
    %get3A_862 = arith.constant 0 : index
    %get3A_863 = arith.constant 0 : index
    %get3A_864 = vector.load %arg2[%get3A_861, %get3A_862, %get3A_863] : memref<200x1x128xf32, #tpu.memory_space<vmem>>, vector<1x1x128xf32>
    %get3A_865 = vector.shape_cast %get3A_864 : vector<1x1x128xf32> to vector<1x128xf32>
    %add3A_866 = vector.broadcast %get3A_865 : vector<1x128xf32> to vector<136x128xf32>
    %add3A_867 = arith.addf %concatenate3A, %add3A_866 : vector<136x128xf32>
    %swap3A_868 = arith.constant 11696 : index
    %swap3A_869 = arith.constant 0 : index
    %swap3A_870 = vector.load %arg3[%swap3A_868, %swap3A_869] : memref<27200x128xf32, #tpu.memory_space<vmem>>, vector<136x128xf32>
    tpu.vector_store %arg3[%swap3A_868, %swap3A_869], %add3A_867 {strides = array<i32>} : memref<27200x128xf32, #tpu.memory_space<vmem>>, vector<136x128xf32>,
    %get3A_871 = arith.constant 87 : index
    %get3A_872 = arith.constant 0 : index
    %get3A_873 = arith.constant 0 : index
    %get3A_874 = vector.load %arg2[%get3A_871, %get3A_872, %get3A_873] : memref<200x1x128xf32, #tpu.memory_space<vmem>>, vector<1x1x128xf32>
    %get3A_875 = vector.shape_cast %get3A_874 : vector<1x1x128xf32> to vector<1x128xf32>
    %add3A_876 = vector.broadcast %get3A_875 : vector<1x128xf32> to vector<136x128xf32>
    %add3A_877 = arith.addf %concatenate3A, %add3A_876 : vector<136x128xf32>
    %swap3A_878 = arith.constant 11832 : index
    %swap3A_879 = arith.constant 0 : index
    %swap3A_880 = vector.load %arg3[%swap3A_878, %swap3A_879] : memref<27200x128xf32, #tpu.memory_space<vmem>>, vector<136x128xf32>
    tpu.vector_store %arg3[%swap3A_878, %swap3A_879], %add3A_877 {strides = array<i32>} : memref<27200x128xf32, #tpu.memory_space<vmem>>, vector<136x128xf32>,
    %get3A_881 = arith.constant 88 : index
    %get3A_882 = arith.constant 0 : index
    %get3A_883 = arith.constant 0 : index
    %get3A_884 = vector.load %arg2[%get3A_881, %get3A_882, %get3A_883] : memref<200x1x128xf32, #tpu.memory_space<vmem>>, vector<1x1x128xf32>
    %get3A_885 = vector.shape_cast %get3A_884 : vector<1x1x128xf32> to vector<1x128xf32>
    %add3A_886 = vector.broadcast %get3A_885 : vector<1x128xf32> to vector<136x128xf32>
    %add3A_887 = arith.addf %concatenate3A, %add3A_886 : vector<136x128xf32>
    %swap3A_888 = arith.constant 11968 : index
    %swap3A_889 = arith.constant 0 : index
    %swap3A_890 = vector.load %arg3[%swap3A_888, %swap3A_889] : memref<27200x128xf32, #tpu.memory_space<vmem>>, vector<136x128xf32>
    tpu.vector_store %arg3[%swap3A_888, %swap3A_889], %add3A_887 {strides = array<i32>} : memref<27200x128xf32, #tpu.memory_space<vmem>>, vector<136x128xf32>,
    %get3A_891 = arith.constant 89 : index
    %get3A_892 = arith.constant 0 : index
    %get3A_893 = arith.constant 0 : index
    %get3A_894 = vector.load %arg2[%get3A_891, %get3A_892, %get3A_893] : memref<200x1x128xf32, #tpu.memory_space<vmem>>, vector<1x1x128xf32>
    %get3A_895 = vector.shape_cast %get3A_894 : vector<1x1x128xf32> to vector<1x128xf32>
    %add3A_896 = vector.broadcast %get3A_895 : vector<1x128xf32> to vector<136x128xf32>
    %add3A_897 = arith.addf %concatenate3A, %add3A_896 : vector<136x128xf32>
    %swap3A_898 = arith.constant 12104 : index
    %swap3A_899 = arith.constant 0 : index
    %swap3A_900 = vector.load %arg3[%swap3A_898, %swap3A_899] : memref<27200x128xf32, #tpu.memory_space<vmem>>, vector<136x128xf32>
    tpu.vector_store %arg3[%swap3A_898, %swap3A_899], %add3A_897 {strides = array<i32>} : memref<27200x128xf32, #tpu.memory_space<vmem>>, vector<136x128xf32>,
    %get3A_901 = arith.constant 90 : index
    %get3A_902 = arith.constant 0 : index
    %get3A_903 = arith.constant 0 : index
    %get3A_904 = vector.load %arg2[%get3A_901, %get3A_902, %get3A_903] : memref<200x1x128xf32, #tpu.memory_space<vmem>>, vector<1x1x128xf32>
    %get3A_905 = vector.shape_cast %get3A_904 : vector<1x1x128xf32> to vector<1x128xf32>
    %add3A_906 = vector.broadcast %get3A_905 : vector<1x128xf32> to vector<136x128xf32>
    %add3A_907 = arith.addf %concatenate3A, %add3A_906 : vector<136x128xf32>
    %swap3A_908 = arith.constant 12240 : index
    %swap3A_909 = arith.constant 0 : index
    %swap3A_910 = vector.load %arg3[%swap3A_908, %swap3A_909] : memref<27200x128xf32, #tpu.memory_space<vmem>>, vector<136x128xf32>
    tpu.vector_store %arg3[%swap3A_908, %swap3A_909], %add3A_907 {strides = array<i32>} : memref<27200x128xf32, #tpu.memory_space<vmem>>, vector<136x128xf32>,
    %get3A_911 = arith.constant 91 : index
    %get3A_912 = arith.constant 0 : index
    %get3A_913 = arith.constant 0 : index
    %get3A_914 = vector.load %arg2[%get3A_911, %get3A_912, %get3A_913] : memref<200x1x128xf32, #tpu.memory_space<vmem>>, vector<1x1x128xf32>
    %get3A_915 = vector.shape_cast %get3A_914 : vector<1x1x128xf32> to vector<1x128xf32>
    %add3A_916 = vector.broadcast %get3A_915 : vector<1x128xf32> to vector<136x128xf32>
    %add3A_917 = arith.addf %concatenate3A, %add3A_916 : vector<136x128xf32>
    %swap3A_918 = arith.constant 12376 : index
    %swap3A_919 = arith.constant 0 : index
    %swap3A_920 = vector.load %arg3[%swap3A_918, %swap3A_919] : memref<27200x128xf32, #tpu.memory_space<vmem>>, vector<136x128xf32>
    tpu.vector_store %arg3[%swap3A_918, %swap3A_919], %add3A_917 {strides = array<i32>} : memref<27200x128xf32, #tpu.memory_space<vmem>>, vector<136x128xf32>,
    %get3A_921 = arith.constant 92 : index
    %get3A_922 = arith.constant 0 : index
    %get3A_923 = arith.constant 0 : index
    %get3A_924 = vector.load %arg2[%get3A_921, %get3A_922, %get3A_923] : memref<200x1x128xf32, #tpu.memory_space<vmem>>, vector<1x1x128xf32>
    %get3A_925 = vector.shape_cast %get3A_924 : vector<1x1x128xf32> to vector<1x128xf32>
    %add3A_926 = vector.broadcast %get3A_925 : vector<1x128xf32> to vector<136x128xf32>
    %add3A_927 = arith.addf %concatenate3A, %add3A_926 : vector<136x128xf32>
    %swap3A_928 = arith.constant 12512 : index
    %swap3A_929 = arith.constant 0 : index
    %swap3A_930 = vector.load %arg3[%swap3A_928, %swap3A_929] : memref<27200x128xf32, #tpu.memory_space<vmem>>, vector<136x128xf32>
    tpu.vector_store %arg3[%swap3A_928, %swap3A_929], %add3A_927 {strides = array<i32>} : memref<27200x128xf32, #tpu.memory_space<vmem>>, vector<136x128xf32>,
    %get3A_931 = arith.constant 93 : index
    %get3A_932 = arith.constant 0 : index
    %get3A_933 = arith.constant 0 : index
    %get3A_934 = vector.load %arg2[%get3A_931, %get3A_932, %get3A_933] : memref<200x1x128xf32, #tpu.memory_space<vmem>>, vector<1x1x128xf32>
    %get3A_935 = vector.shape_cast %get3A_934 : vector<1x1x128xf32> to vector<1x128xf32>
    %add3A_936 = vector.broadcast %get3A_935 : vector<1x128xf32> to vector<136x128xf32>
    %add3A_937 = arith.addf %concatenate3A, %add3A_936 : vector<136x128xf32>
    %swap3A_938 = arith.constant 12648 : index
    %swap3A_939 = arith.constant 0 : index
    %swap3A_940 = vector.load %arg3[%swap3A_938, %swap3A_939] : memref<27200x128xf32, #tpu.memory_space<vmem>>, vector<136x128xf32>
    tpu.vector_store %arg3[%swap3A_938, %swap3A_939], %add3A_937 {strides = array<i32>} : memref<27200x128xf32, #tpu.memory_space<vmem>>, vector<136x128xf32>,
    %get3A_941 = arith.constant 94 : index
    %get3A_942 = arith.constant 0 : index
    %get3A_943 = arith.constant 0 : index
    %get3A_944 = vector.load %arg2[%get3A_941, %get3A_942, %get3A_943] : memref<200x1x128xf32, #tpu.memory_space<vmem>>, vector<1x1x128xf32>
    %get3A_945 = vector.shape_cast %get3A_944 : vector<1x1x128xf32> to vector<1x128xf32>
    %add3A_946 = vector.broadcast %get3A_945 : vector<1x128xf32> to vector<136x128xf32>
    %add3A_947 = arith.addf %concatenate3A, %add3A_946 : vector<136x128xf32>
    %swap3A_948 = arith.constant 12784 : index
    %swap3A_949 = arith.constant 0 : index
    %swap3A_950 = vector.load %arg3[%swap3A_948, %swap3A_949] : memref<27200x128xf32, #tpu.memory_space<vmem>>, vector<136x128xf32>
    tpu.vector_store %arg3[%swap3A_948, %swap3A_949], %add3A_947 {strides = array<i32>} : memref<27200x128xf32, #tpu.memory_space<vmem>>, vector<136x128xf32>,
    %get3A_951 = arith.constant 95 : index
    %get3A_952 = arith.constant 0 : index
    %get3A_953 = arith.constant 0 : index
    %get3A_954 = vector.load %arg2[%get3A_951, %get3A_952, %get3A_953] : memref<200x1x128xf32, #tpu.memory_space<vmem>>, vector<1x1x128xf32>
    %get3A_955 = vector.shape_cast %get3A_954 : vector<1x1x128xf32> to vector<1x128xf32>
    %add3A_956 = vector.broadcast %get3A_955 : vector<1x128xf32> to vector<136x128xf32>
    %add3A_957 = arith.addf %concatenate3A, %add3A_956 : vector<136x128xf32>
    %swap3A_958 = arith.constant 12920 : index
    %swap3A_959 = arith.constant 0 : index
    %swap3A_960 = vector.load %arg3[%swap3A_958, %swap3A_959] : memref<27200x128xf32, #tpu.memory_space<vmem>>, vector<136x128xf32>
    tpu.vector_store %arg3[%swap3A_958, %swap3A_959], %add3A_957 {strides = array<i32>} : memref<27200x128xf32, #tpu.memory_space<vmem>>, vector<136x128xf32>,
    %get3A_961 = arith.constant 96 : index
    %get3A_962 = arith.constant 0 : index
    %get3A_963 = arith.constant 0 : index
    %get3A_964 = vector.load %arg2[%get3A_961, %get3A_962, %get3A_963] : memref<200x1x128xf32, #tpu.memory_space<vmem>>, vector<1x1x128xf32>
    %get3A_965 = vector.shape_cast %get3A_964 : vector<1x1x128xf32> to vector<1x128xf32>
    %add3A_966 = vector.broadcast %get3A_965 : vector<1x128xf32> to vector<136x128xf32>
    %add3A_967 = arith.addf %concatenate3A, %add3A_966 : vector<136x128xf32>
    %swap3A_968 = arith.constant 13056 : index
    %swap3A_969 = arith.constant 0 : index
    %swap3A_970 = vector.load %arg3[%swap3A_968, %swap3A_969] : memref<27200x128xf32, #tpu.memory_space<vmem>>, vector<136x128xf32>
    tpu.vector_store %arg3[%swap3A_968, %swap3A_969], %add3A_967 {strides = array<i32>} : memref<27200x128xf32, #tpu.memory_space<vmem>>, vector<136x128xf32>,
    %get3A_971 = arith.constant 97 : index
    %get3A_972 = arith.constant 0 : index
    %get3A_973 = arith.constant 0 : index
    %get3A_974 = vector.load %arg2[%get3A_971, %get3A_972, %get3A_973] : memref<200x1x128xf32, #tpu.memory_space<vmem>>, vector<1x1x128xf32>
    %get3A_975 = vector.shape_cast %get3A_974 : vector<1x1x128xf32> to vector<1x128xf32>
    %add3A_976 = vector.broadcast %get3A_975 : vector<1x128xf32> to vector<136x128xf32>
    %add3A_977 = arith.addf %concatenate3A, %add3A_976 : vector<136x128xf32>
    %swap3A_978 = arith.constant 13192 : index
    %swap3A_979 = arith.constant 0 : index
    %swap3A_980 = vector.load %arg3[%swap3A_978, %swap3A_979] : memref<27200x128xf32, #tpu.memory_space<vmem>>, vector<136x128xf32>
    tpu.vector_store %arg3[%swap3A_978, %swap3A_979], %add3A_977 {strides = array<i32>} : memref<27200x128xf32, #tpu.memory_space<vmem>>, vector<136x128xf32>,
    %get3A_981 = arith.constant 98 : index
    %get3A_982 = arith.constant 0 : index
    %get3A_983 = arith.constant 0 : index
    %get3A_984 = vector.load %arg2[%get3A_981, %get3A_982, %get3A_983] : memref<200x1x128xf32, #tpu.memory_space<vmem>>, vector<1x1x128xf32>
    %get3A_985 = vector.shape_cast %get3A_984 : vector<1x1x128xf32> to vector<1x128xf32>
    %add3A_986 = vector.broadcast %get3A_985 : vector<1x128xf32> to vector<136x128xf32>
    %add3A_987 = arith.addf %concatenate3A, %add3A_986 : vector<136x128xf32>
    %swap3A_988 = arith.constant 13328 : index
    %swap3A_989 = arith.constant 0 : index
    %swap3A_990 = vector.load %arg3[%swap3A_988, %swap3A_989] : memref<27200x128xf32, #tpu.memory_space<vmem>>, vector<136x128xf32>
    tpu.vector_store %arg3[%swap3A_988, %swap3A_989], %add3A_987 {strides = array<i32>} : memref<27200x128xf32, #tpu.memory_space<vmem>>, vector<136x128xf32>,
    %get3A_991 = arith.constant 99 : index
    %get3A_992 = arith.constant 0 : index
    %get3A_993 = arith.constant 0 : index
    %get3A_994 = vector.load %arg2[%get3A_991, %get3A_992, %get3A_993] : memref<200x1x128xf32, #tpu.memory_space<vmem>>, vector<1x1x128xf32>
    %get3A_995 = vector.shape_cast %get3A_994 : vector<1x1x128xf32> to vector<1x128xf32>
    %add3A_996 = vector.broadcast %get3A_995 : vector<1x128xf32> to vector<136x128xf32>
    %add3A_997 = arith.addf %concatenate3A, %add3A_996 : vector<136x128xf32>
    %swap3A_998 = arith.constant 13464 : index
    %swap3A_999 = arith.constant 0 : index
    %swap3A_1000 = vector.load %arg3[%swap3A_998, %swap3A_999] : memref<27200x128xf32, #tpu.memory_space<vmem>>, vector<136x128xf32>
    tpu.vector_store %arg3[%swap3A_998, %swap3A_999], %add3A_997 {strides = array<i32>} : memref<27200x128xf32, #tpu.memory_space<vmem>>, vector<136x128xf32>,
    %get3A_1001 = arith.constant 100 : index
    %get3A_1002 = arith.constant 0 : index
    %get3A_1003 = arith.constant 0 : index
    %get3A_1004 = vector.load %arg2[%get3A_1001, %get3A_1002, %get3A_1003] : memref<200x1x128xf32, #tpu.memory_space<vmem>>, vector<1x1x128xf32>
    %get3A_1005 = vector.shape_cast %get3A_1004 : vector<1x1x128xf32> to vector<1x128xf32>
    %add3A_1006 = vector.broadcast %get3A_1005 : vector<1x128xf32> to vector<136x128xf32>
    %add3A_1007 = arith.addf %concatenate3A, %add3A_1006 : vector<136x128xf32>
    %swap3A_1008 = arith.constant 13600 : index
    %swap3A_1009 = arith.constant 0 : index
    %swap3A_1010 = vector.load %arg3[%swap3A_1008, %swap3A_1009] : memref<27200x128xf32, #tpu.memory_space<vmem>>, vector<136x128xf32>
    tpu.vector_store %arg3[%swap3A_1008, %swap3A_1009], %add3A_1007 {strides = array<i32>} : memref<27200x128xf32, #tpu.memory_space<vmem>>, vector<136x128xf32>,
    %get3A_1011 = arith.constant 101 : index
    %get3A_1012 = arith.constant 0 : index
    %get3A_1013 = arith.constant 0 : index
    %get3A_1014 = vector.load %arg2[%get3A_1011, %get3A_1012, %get3A_1013] : memref<200x1x128xf32, #tpu.memory_space<vmem>>, vector<1x1x128xf32>
    %get3A_1015 = vector.shape_cast %get3A_1014 : vector<1x1x128xf32> to vector<1x128xf32>
    %add3A_1016 = vector.broadcast %get3A_1015 : vector<1x128xf32> to vector<136x128xf32>
    %add3A_1017 = arith.addf %concatenate3A, %add3A_1016 : vector<136x128xf32>
    %swap3A_1018 = arith.constant 13736 : index
    %swap3A_1019 = arith.constant 0 : index
    %swap3A_1020 = vector.load %arg3[%swap3A_1018, %swap3A_1019] : memref<27200x128xf32, #tpu.memory_space<vmem>>, vector<136x128xf32>
    tpu.vector_store %arg3[%swap3A_1018, %swap3A_1019], %add3A_1017 {strides = array<i32>} : memref<27200x128xf32, #tpu.memory_space<vmem>>, vector<136x128xf32>,
    %get3A_1021 = arith.constant 102 : index
    %get3A_1022 = arith.constant 0 : index
    %get3A_1023 = arith.constant 0 : index
    %get3A_1024 = vector.load %arg2[%get3A_1021, %get3A_1022, %get3A_1023] : memref<200x1x128xf32, #tpu.memory_space<vmem>>, vector<1x1x128xf32>
    %get3A_1025 = vector.shape_cast %get3A_1024 : vector<1x1x128xf32> to vector<1x128xf32>
    %add3A_1026 = vector.broadcast %get3A_1025 : vector<1x128xf32> to vector<136x128xf32>
    %add3A_1027 = arith.addf %concatenate3A, %add3A_1026 : vector<136x128xf32>
    %swap3A_1028 = arith.constant 13872 : index
    %swap3A_1029 = arith.constant 0 : index
    %swap3A_1030 = vector.load %arg3[%swap3A_1028, %swap3A_1029] : memref<27200x128xf32, #tpu.memory_space<vmem>>, vector<136x128xf32>
    tpu.vector_store %arg3[%swap3A_1028, %swap3A_1029], %add3A_1027 {strides = array<i32>} : memref<27200x128xf32, #tpu.memory_space<vmem>>, vector<136x128xf32>,
    %get3A_1031 = arith.constant 103 : index
    %get3A_1032 = arith.constant 0 : index
    %get3A_1033 = arith.constant 0 : index
    %get3A_1034 = vector.load %arg2[%get3A_1031, %get3A_1032, %get3A_1033] : memref<200x1x128xf32, #tpu.memory_space<vmem>>, vector<1x1x128xf32>
    %get3A_1035 = vector.shape_cast %get3A_1034 : vector<1x1x128xf32> to vector<1x128xf32>
    %add3A_1036 = vector.broadcast %get3A_1035 : vector<1x128xf32> to vector<136x128xf32>
    %add3A_1037 = arith.addf %concatenate3A, %add3A_1036 : vector<136x128xf32>
    %swap3A_1038 = arith.constant 14008 : index
    %swap3A_1039 = arith.constant 0 : index
    %swap3A_1040 = vector.load %arg3[%swap3A_1038, %swap3A_1039] : memref<27200x128xf32, #tpu.memory_space<vmem>>, vector<136x128xf32>
    tpu.vector_store %arg3[%swap3A_1038, %swap3A_1039], %add3A_1037 {strides = array<i32>} : memref<27200x128xf32, #tpu.memory_space<vmem>>, vector<136x128xf32>,
    %get3A_1041 = arith.constant 104 : index
    %get3A_1042 = arith.constant 0 : index
    %get3A_1043 = arith.constant 0 : index
    %get3A_1044 = vector.load %arg2[%get3A_1041, %get3A_1042, %get3A_1043] : memref<200x1x128xf32, #tpu.memory_space<vmem>>, vector<1x1x128xf32>
    %get3A_1045 = vector.shape_cast %get3A_1044 : vector<1x1x128xf32> to vector<1x128xf32>
    %add3A_1046 = vector.broadcast %get3A_1045 : vector<1x128xf32> to vector<136x128xf32>
    %add3A_1047 = arith.addf %concatenate3A, %add3A_1046 : vector<136x128xf32>
    %swap3A_1048 = arith.constant 14144 : index
    %swap3A_1049 = arith.constant 0 : index
    %swap3A_1050 = vector.load %arg3[%swap3A_1048, %swap3A_1049] : memref<27200x128xf32, #tpu.memory_space<vmem>>, vector<136x128xf32>
    tpu.vector_store %arg3[%swap3A_1048, %swap3A_1049], %add3A_1047 {strides = array<i32>} : memref<27200x128xf32, #tpu.memory_space<vmem>>, vector<136x128xf32>,
    %get3A_1051 = arith.constant 105 : index
    %get3A_1052 = arith.constant 0 : index
    %get3A_1053 = arith.constant 0 : index
    %get3A_1054 = vector.load %arg2[%get3A_1051, %get3A_1052, %get3A_1053] : memref<200x1x128xf32, #tpu.memory_space<vmem>>, vector<1x1x128xf32>
    %get3A_1055 = vector.shape_cast %get3A_1054 : vector<1x1x128xf32> to vector<1x128xf32>
    %add3A_1056 = vector.broadcast %get3A_1055 : vector<1x128xf32> to vector<136x128xf32>
    %add3A_1057 = arith.addf %concatenate3A, %add3A_1056 : vector<136x128xf32>
    %swap3A_1058 = arith.constant 14280 : index
    %swap3A_1059 = arith.constant 0 : index
    %swap3A_1060 = vector.load %arg3[%swap3A_1058, %swap3A_1059] : memref<27200x128xf32, #tpu.memory_space<vmem>>, vector<136x128xf32>
    tpu.vector_store %arg3[%swap3A_1058, %swap3A_1059], %add3A_1057 {strides = array<i32>} : memref<27200x128xf32, #tpu.memory_space<vmem>>, vector<136x128xf32>,
    %get3A_1061 = arith.constant 106 : index
    %get3A_1062 = arith.constant 0 : index
    %get3A_1063 = arith.constant 0 : index
    %get3A_1064 = vector.load %arg2[%get3A_1061, %get3A_1062, %get3A_1063] : memref<200x1x128xf32, #tpu.memory_space<vmem>>, vector<1x1x128xf32>
    %get3A_1065 = vector.shape_cast %get3A_1064 : vector<1x1x128xf32> to vector<1x128xf32>
    %add3A_1066 = vector.broadcast %get3A_1065 : vector<1x128xf32> to vector<136x128xf32>
    %add3A_1067 = arith.addf %concatenate3A, %add3A_1066 : vector<136x128xf32>
    %swap3A_1068 = arith.constant 14416 : index
    %swap3A_1069 = arith.constant 0 : index
    %swap3A_1070 = vector.load %arg3[%swap3A_1068, %swap3A_1069] : memref<27200x128xf32, #tpu.memory_space<vmem>>, vector<136x128xf32>
    tpu.vector_store %arg3[%swap3A_1068, %swap3A_1069], %add3A_1067 {strides = array<i32>} : memref<27200x128xf32, #tpu.memory_space<vmem>>, vector<136x128xf32>,
    %get3A_1071 = arith.constant 107 : index
    %get3A_1072 = arith.constant 0 : index
    %get3A_1073 = arith.constant 0 : index
    %get3A_1074 = vector.load %arg2[%get3A_1071, %get3A_1072, %get3A_1073] : memref<200x1x128xf32, #tpu.memory_space<vmem>>, vector<1x1x128xf32>
    %get3A_1075 = vector.shape_cast %get3A_1074 : vector<1x1x128xf32> to vector<1x128xf32>
    %add3A_1076 = vector.broadcast %get3A_1075 : vector<1x128xf32> to vector<136x128xf32>
    %add3A_1077 = arith.addf %concatenate3A, %add3A_1076 : vector<136x128xf32>
    %swap3A_1078 = arith.constant 14552 : index
    %swap3A_1079 = arith.constant 0 : index
    %swap3A_1080 = vector.load %arg3[%swap3A_1078, %swap3A_1079] : memref<27200x128xf32, #tpu.memory_space<vmem>>, vector<136x128xf32>
    tpu.vector_store %arg3[%swap3A_1078, %swap3A_1079], %add3A_1077 {strides = array<i32>} : memref<27200x128xf32, #tpu.memory_space<vmem>>, vector<136x128xf32>,
    %get3A_1081 = arith.constant 108 : index
    %get3A_1082 = arith.constant 0 : index
    %get3A_1083 = arith.constant 0 : index
    %get3A_1084 = vector.load %arg2[%get3A_1081, %get3A_1082, %get3A_1083] : memref<200x1x128xf32, #tpu.memory_space<vmem>>, vector<1x1x128xf32>
    %get3A_1085 = vector.shape_cast %get3A_1084 : vector<1x1x128xf32> to vector<1x128xf32>
    %add3A_1086 = vector.broadcast %get3A_1085 : vector<1x128xf32> to vector<136x128xf32>
    %add3A_1087 = arith.addf %concatenate3A, %add3A_1086 : vector<136x128xf32>
    %swap3A_1088 = arith.constant 14688 : index
    %swap3A_1089 = arith.constant 0 : index
    %swap3A_1090 = vector.load %arg3[%swap3A_1088, %swap3A_1089] : memref<27200x128xf32, #tpu.memory_space<vmem>>, vector<136x128xf32>
    tpu.vector_store %arg3[%swap3A_1088, %swap3A_1089], %add3A_1087 {strides = array<i32>} : memref<27200x128xf32, #tpu.memory_space<vmem>>, vector<136x128xf32>,
    %get3A_1091 = arith.constant 109 : index
    %get3A_1092 = arith.constant 0 : index
    %get3A_1093 = arith.constant 0 : index
    %get3A_1094 = vector.load %arg2[%get3A_1091, %get3A_1092, %get3A_1093] : memref<200x1x128xf32, #tpu.memory_space<vmem>>, vector<1x1x128xf32>
    %get3A_1095 = vector.shape_cast %get3A_1094 : vector<1x1x128xf32> to vector<1x128xf32>
    %add3A_1096 = vector.broadcast %get3A_1095 : vector<1x128xf32> to vector<136x128xf32>
    %add3A_1097 = arith.addf %concatenate3A, %add3A_1096 : vector<136x128xf32>
    %swap3A_1098 = arith.constant 14824 : index
    %swap3A_1099 = arith.constant 0 : index
    %swap3A_1100 = vector.load %arg3[%swap3A_1098, %swap3A_1099] : memref<27200x128xf32, #tpu.memory_space<vmem>>, vector<136x128xf32>
    tpu.vector_store %arg3[%swap3A_1098, %swap3A_1099], %add3A_1097 {strides = array<i32>} : memref<27200x128xf32, #tpu.memory_space<vmem>>, vector<136x128xf32>,
    %get3A_1101 = arith.constant 110 : index
    %get3A_1102 = arith.constant 0 : index
    %get3A_1103 = arith.constant 0 : index
    %get3A_1104 = vector.load %arg2[%get3A_1101, %get3A_1102, %get3A_1103] : memref<200x1x128xf32, #tpu.memory_space<vmem>>, vector<1x1x128xf32>
    %get3A_1105 = vector.shape_cast %get3A_1104 : vector<1x1x128xf32> to vector<1x128xf32>
    %add3A_1106 = vector.broadcast %get3A_1105 : vector<1x128xf32> to vector<136x128xf32>
    %add3A_1107 = arith.addf %concatenate3A, %add3A_1106 : vector<136x128xf32>
    %swap3A_1108 = arith.constant 14960 : index
    %swap3A_1109 = arith.constant 0 : index
    %swap3A_1110 = vector.load %arg3[%swap3A_1108, %swap3A_1109] : memref<27200x128xf32, #tpu.memory_space<vmem>>, vector<136x128xf32>
    tpu.vector_store %arg3[%swap3A_1108, %swap3A_1109], %add3A_1107 {strides = array<i32>} : memref<27200x128xf32, #tpu.memory_space<vmem>>, vector<136x128xf32>,
    %get3A_1111 = arith.constant 111 : index
    %get3A_1112 = arith.constant 0 : index
    %get3A_1113 = arith.constant 0 : index
    %get3A_1114 = vector.load %arg2[%get3A_1111, %get3A_1112, %get3A_1113] : memref<200x1x128xf32, #tpu.memory_space<vmem>>, vector<1x1x128xf32>
    %get3A_1115 = vector.shape_cast %get3A_1114 : vector<1x1x128xf32> to vector<1x128xf32>
    %add3A_1116 = vector.broadcast %get3A_1115 : vector<1x128xf32> to vector<136x128xf32>
    %add3A_1117 = arith.addf %concatenate3A, %add3A_1116 : vector<136x128xf32>
    %swap3A_1118 = arith.constant 15096 : index
    %swap3A_1119 = arith.constant 0 : index
    %swap3A_1120 = vector.load %arg3[%swap3A_1118, %swap3A_1119] : memref<27200x128xf32, #tpu.memory_space<vmem>>, vector<136x128xf32>
    tpu.vector_store %arg3[%swap3A_1118, %swap3A_1119], %add3A_1117 {strides = array<i32>} : memref<27200x128xf32, #tpu.memory_space<vmem>>, vector<136x128xf32>,
    %get3A_1121 = arith.constant 112 : index
    %get3A_1122 = arith.constant 0 : index
    %get3A_1123 = arith.constant 0 : index
    %get3A_1124 = vector.load %arg2[%get3A_1121, %get3A_1122, %get3A_1123] : memref<200x1x128xf32, #tpu.memory_space<vmem>>, vector<1x1x128xf32>
    %get3A_1125 = vector.shape_cast %get3A_1124 : vector<1x1x128xf32> to vector<1x128xf32>
    %add3A_1126 = vector.broadcast %get3A_1125 : vector<1x128xf32> to vector<136x128xf32>
    %add3A_1127 = arith.addf %concatenate3A, %add3A_1126 : vector<136x128xf32>
    %swap3A_1128 = arith.constant 15232 : index
    %swap3A_1129 = arith.constant 0 : index
    %swap3A_1130 = vector.load %arg3[%swap3A_1128, %swap3A_1129] : memref<27200x128xf32, #tpu.memory_space<vmem>>, vector<136x128xf32>
    tpu.vector_store %arg3[%swap3A_1128, %swap3A_1129], %add3A_1127 {strides = array<i32>} : memref<27200x128xf32, #tpu.memory_space<vmem>>, vector<136x128xf32>,
    %get3A_1131 = arith.constant 113 : index
    %get3A_1132 = arith.constant 0 : index
    %get3A_1133 = arith.constant 0 : index
    %get3A_1134 = vector.load %arg2[%get3A_1131, %get3A_1132, %get3A_1133] : memref<200x1x128xf32, #tpu.memory_space<vmem>>, vector<1x1x128xf32>
    %get3A_1135 = vector.shape_cast %get3A_1134 : vector<1x1x128xf32> to vector<1x128xf32>
    %add3A_1136 = vector.broadcast %get3A_1135 : vector<1x128xf32> to vector<136x128xf32>
    %add3A_1137 = arith.addf %concatenate3A, %add3A_1136 : vector<136x128xf32>
    %swap3A_1138 = arith.constant 15368 : index
    %swap3A_1139 = arith.constant 0 : index
    %swap3A_1140 = vector.load %arg3[%swap3A_1138, %swap3A_1139] : memref<27200x128xf32, #tpu.memory_space<vmem>>, vector<136x128xf32>
    tpu.vector_store %arg3[%swap3A_1138, %swap3A_1139], %add3A_1137 {strides = array<i32>} : memref<27200x128xf32, #tpu.memory_space<vmem>>, vector<136x128xf32>,
    %get3A_1141 = arith.constant 114 : index
    %get3A_1142 = arith.constant 0 : index
    %get3A_1143 = arith.constant 0 : index
    %get3A_1144 = vector.load %arg2[%get3A_1141, %get3A_1142, %get3A_1143] : memref<200x1x128xf32, #tpu.memory_space<vmem>>, vector<1x1x128xf32>
    %get3A_1145 = vector.shape_cast %get3A_1144 : vector<1x1x128xf32> to vector<1x128xf32>
    %add3A_1146 = vector.broadcast %get3A_1145 : vector<1x128xf32> to vector<136x128xf32>
    %add3A_1147 = arith.addf %concatenate3A, %add3A_1146 : vector<136x128xf32>
    %swap3A_1148 = arith.constant 15504 : index
    %swap3A_1149 = arith.constant 0 : index
    %swap3A_1150 = vector.load %arg3[%swap3A_1148, %swap3A_1149] : memref<27200x128xf32, #tpu.memory_space<vmem>>, vector<136x128xf32>
    tpu.vector_store %arg3[%swap3A_1148, %swap3A_1149], %add3A_1147 {strides = array<i32>} : memref<27200x128xf32, #tpu.memory_space<vmem>>, vector<136x128xf32>,
    %get3A_1151 = arith.constant 115 : index
    %get3A_1152 = arith.constant 0 : index
    %get3A_1153 = arith.constant 0 : index
    %get3A_1154 = vector.load %arg2[%get3A_1151, %get3A_1152, %get3A_1153] : memref<200x1x128xf32, #tpu.memory_space<vmem>>, vector<1x1x128xf32>
    %get3A_1155 = vector.shape_cast %get3A_1154 : vector<1x1x128xf32> to vector<1x128xf32>
    %add3A_1156 = vector.broadcast %get3A_1155 : vector<1x128xf32> to vector<136x128xf32>
    %add3A_1157 = arith.addf %concatenate3A, %add3A_1156 : vector<136x128xf32>
    %swap3A_1158 = arith.constant 15640 : index
    %swap3A_1159 = arith.constant 0 : index
    %swap3A_1160 = vector.load %arg3[%swap3A_1158, %swap3A_1159] : memref<27200x128xf32, #tpu.memory_space<vmem>>, vector<136x128xf32>
    tpu.vector_store %arg3[%swap3A_1158, %swap3A_1159], %add3A_1157 {strides = array<i32>} : memref<27200x128xf32, #tpu.memory_space<vmem>>, vector<136x128xf32>,
    %get3A_1161 = arith.constant 116 : index
    %get3A_1162 = arith.constant 0 : index
    %get3A_1163 = arith.constant 0 : index
    %get3A_1164 = vector.load %arg2[%get3A_1161, %get3A_1162, %get3A_1163] : memref<200x1x128xf32, #tpu.memory_space<vmem>>, vector<1x1x128xf32>
    %get3A_1165 = vector.shape_cast %get3A_1164 : vector<1x1x128xf32> to vector<1x128xf32>
    %add3A_1166 = vector.broadcast %get3A_1165 : vector<1x128xf32> to vector<136x128xf32>
    %add3A_1167 = arith.addf %concatenate3A, %add3A_1166 : vector<136x128xf32>
    %swap3A_1168 = arith.constant 15776 : index
    %swap3A_1169 = arith.constant 0 : index
    %swap3A_1170 = vector.load %arg3[%swap3A_1168, %swap3A_1169] : memref<27200x128xf32, #tpu.memory_space<vmem>>, vector<136x128xf32>
    tpu.vector_store %arg3[%swap3A_1168, %swap3A_1169], %add3A_1167 {strides = array<i32>} : memref<27200x128xf32, #tpu.memory_space<vmem>>, vector<136x128xf32>,
    %get3A_1171 = arith.constant 117 : index
    %get3A_1172 = arith.constant 0 : index
    %get3A_1173 = arith.constant 0 : index
    %get3A_1174 = vector.load %arg2[%get3A_1171, %get3A_1172, %get3A_1173] : memref<200x1x128xf32, #tpu.memory_space<vmem>>, vector<1x1x128xf32>
    %get3A_1175 = vector.shape_cast %get3A_1174 : vector<1x1x128xf32> to vector<1x128xf32>
    %add3A_1176 = vector.broadcast %get3A_1175 : vector<1x128xf32> to vector<136x128xf32>
    %add3A_1177 = arith.addf %concatenate3A, %add3A_1176 : vector<136x128xf32>
    %swap3A_1178 = arith.constant 15912 : index
    %swap3A_1179 = arith.constant 0 : index
    %swap3A_1180 = vector.load %arg3[%swap3A_1178, %swap3A_1179] : memref<27200x128xf32, #tpu.memory_space<vmem>>, vector<136x128xf32>
    tpu.vector_store %arg3[%swap3A_1178, %swap3A_1179], %add3A_1177 {strides = array<i32>} : memref<27200x128xf32, #tpu.memory_space<vmem>>, vector<136x128xf32>,
    %get3A_1181 = arith.constant 118 : index
    %get3A_1182 = arith.constant 0 : index
    %get3A_1183 = arith.constant 0 : index
    %get3A_1184 = vector.load %arg2[%get3A_1181, %get3A_1182, %get3A_1183] : memref<200x1x128xf32, #tpu.memory_space<vmem>>, vector<1x1x128xf32>
    %get3A_1185 = vector.shape_cast %get3A_1184 : vector<1x1x128xf32> to vector<1x128xf32>
    %add3A_1186 = vector.broadcast %get3A_1185 : vector<1x128xf32> to vector<136x128xf32>
    %add3A_1187 = arith.addf %concatenate3A, %add3A_1186 : vector<136x128xf32>
    %swap3A_1188 = arith.constant 16048 : index
    %swap3A_1189 = arith.constant 0 : index
    %swap3A_1190 = vector.load %arg3[%swap3A_1188, %swap3A_1189] : memref<27200x128xf32, #tpu.memory_space<vmem>>, vector<136x128xf32>
    tpu.vector_store %arg3[%swap3A_1188, %swap3A_1189], %add3A_1187 {strides = array<i32>} : memref<27200x128xf32, #tpu.memory_space<vmem>>, vector<136x128xf32>,
    %get3A_1191 = arith.constant 119 : index
    %get3A_1192 = arith.constant 0 : index
    %get3A_1193 = arith.constant 0 : index
    %get3A_1194 = vector.load %arg2[%get3A_1191, %get3A_1192, %get3A_1193] : memref<200x1x128xf32, #tpu.memory_space<vmem>>, vector<1x1x128xf32>
    %get3A_1195 = vector.shape_cast %get3A_1194 : vector<1x1x128xf32> to vector<1x128xf32>
    %add3A_1196 = vector.broadcast %get3A_1195 : vector<1x128xf32> to vector<136x128xf32>
    %add3A_1197 = arith.addf %concatenate3A, %add3A_1196 : vector<136x128xf32>
    %swap3A_1198 = arith.constant 16184 : index
    %swap3A_1199 = arith.constant 0 : index
    %swap3A_1200 = vector.load %arg3[%swap3A_1198, %swap3A_1199] : memref<27200x128xf32, #tpu.memory_space<vmem>>, vector<136x128xf32>
    tpu.vector_store %arg3[%swap3A_1198, %swap3A_1199], %add3A_1197 {strides = array<i32>} : memref<27200x128xf32, #tpu.memory_space<vmem>>, vector<136x128xf32>,
    %get3A_1201 = arith.constant 120 : index
    %get3A_1202 = arith.constant 0 : index
    %get3A_1203 = arith.constant 0 : index
    %get3A_1204 = vector.load %arg2[%get3A_1201, %get3A_1202, %get3A_1203] : memref<200x1x128xf32, #tpu.memory_space<vmem>>, vector<1x1x128xf32>
    %get3A_1205 = vector.shape_cast %get3A_1204 : vector<1x1x128xf32> to vector<1x128xf32>
    %add3A_1206 = vector.broadcast %get3A_1205 : vector<1x128xf32> to vector<136x128xf32>
    %add3A_1207 = arith.addf %concatenate3A, %add3A_1206 : vector<136x128xf32>
    %swap3A_1208 = arith.constant 16320 : index
    %swap3A_1209 = arith.constant 0 : index
    %swap3A_1210 = vector.load %arg3[%swap3A_1208, %swap3A_1209] : memref<27200x128xf32, #tpu.memory_space<vmem>>, vector<136x128xf32>
    tpu.vector_store %arg3[%swap3A_1208, %swap3A_1209], %add3A_1207 {strides = array<i32>} : memref<27200x128xf32, #tpu.memory_space<vmem>>, vector<136x128xf32>,
    %get3A_1211 = arith.constant 121 : index
    %get3A_1212 = arith.constant 0 : index
    %get3A_1213 = arith.constant 0 : index
    %get3A_1214 = vector.load %arg2[%get3A_1211, %get3A_1212, %get3A_1213] : memref<200x1x128xf32, #tpu.memory_space<vmem>>, vector<1x1x128xf32>
    %get3A_1215 = vector.shape_cast %get3A_1214 : vector<1x1x128xf32> to vector<1x128xf32>
    %add3A_1216 = vector.broadcast %get3A_1215 : vector<1x128xf32> to vector<136x128xf32>
    %add3A_1217 = arith.addf %concatenate3A, %add3A_1216 : vector<136x128xf32>
    %swap3A_1218 = arith.constant 16456 : index
    %swap3A_1219 = arith.constant 0 : index
    %swap3A_1220 = vector.load %arg3[%swap3A_1218, %swap3A_1219] : memref<27200x128xf32, #tpu.memory_space<vmem>>, vector<136x128xf32>
    tpu.vector_store %arg3[%swap3A_1218, %swap3A_1219], %add3A_1217 {strides = array<i32>} : memref<27200x128xf32, #tpu.memory_space<vmem>>, vector<136x128xf32>,
    %get3A_1221 = arith.constant 122 : index
    %get3A_1222 = arith.constant 0 : index
    %get3A_1223 = arith.constant 0 : index
    %get3A_1224 = vector.load %arg2[%get3A_1221, %get3A_1222, %get3A_1223] : memref<200x1x128xf32, #tpu.memory_space<vmem>>, vector<1x1x128xf32>
    %get3A_1225 = vector.shape_cast %get3A_1224 : vector<1x1x128xf32> to vector<1x128xf32>
    %add3A_1226 = vector.broadcast %get3A_1225 : vector<1x128xf32> to vector<136x128xf32>
    %add3A_1227 = arith.addf %concatenate3A, %add3A_1226 : vector<136x128xf32>
    %swap3A_1228 = arith.constant 16592 : index
    %swap3A_1229 = arith.constant 0 : index
    %swap3A_1230 = vector.load %arg3[%swap3A_1228, %swap3A_1229] : memref<27200x128xf32, #tpu.memory_space<vmem>>, vector<136x128xf32>
    tpu.vector_store %arg3[%swap3A_1228, %swap3A_1229], %add3A_1227 {strides = array<i32>} : memref<27200x128xf32, #tpu.memory_space<vmem>>, vector<136x128xf32>,
    %get3A_1231 = arith.constant 123 : index
    %get3A_1232 = arith.constant 0 : index
    %get3A_1233 = arith.constant 0 : index
    %get3A_1234 = vector.load %arg2[%get3A_1231, %get3A_1232, %get3A_1233] : memref<200x1x128xf32, #tpu.memory_space<vmem>>, vector<1x1x128xf32>
    %get3A_1235 = vector.shape_cast %get3A_1234 : vector<1x1x128xf32> to vector<1x128xf32>
    %add3A_1236 = vector.broadcast %get3A_1235 : vector<1x128xf32> to vector<136x128xf32>
    %add3A_1237 = arith.addf %concatenate3A, %add3A_1236 : vector<136x128xf32>
    %swap3A_1238 = arith.constant 16728 : index
    %swap3A_1239 = arith.constant 0 : index
    %swap3A_1240 = vector.load %arg3[%swap3A_1238, %swap3A_1239] : memref<27200x128xf32, #tpu.memory_space<vmem>>, vector<136x128xf32>
    tpu.vector_store %arg3[%swap3A_1238, %swap3A_1239], %add3A_1237 {strides = array<i32>} : memref<27200x128xf32, #tpu.memory_space<vmem>>, vector<136x128xf32>,
    %get3A_1241 = arith.constant 124 : index
    %get3A_1242 = arith.constant 0 : index
    %get3A_1243 = arith.constant 0 : index
    %get3A_1244 = vector.load %arg2[%get3A_1241, %get3A_1242, %get3A_1243] : memref<200x1x128xf32, #tpu.memory_space<vmem>>, vector<1x1x128xf32>
    %get3A_1245 = vector.shape_cast %get3A_1244 : vector<1x1x128xf32> to vector<1x128xf32>
    %add3A_1246 = vector.broadcast %get3A_1245 : vector<1x128xf32> to vector<136x128xf32>
    %add3A_1247 = arith.addf %concatenate3A, %add3A_1246 : vector<136x128xf32>
    %swap3A_1248 = arith.constant 16864 : index
    %swap3A_1249 = arith.constant 0 : index
    %swap3A_1250 = vector.load %arg3[%swap3A_1248, %swap3A_1249] : memref<27200x128xf32, #tpu.memory_space<vmem>>, vector<136x128xf32>
    tpu.vector_store %arg3[%swap3A_1248, %swap3A_1249], %add3A_1247 {strides = array<i32>} : memref<27200x128xf32, #tpu.memory_space<vmem>>, vector<136x128xf32>,
    %get3A_1251 = arith.constant 125 : index
    %get3A_1252 = arith.constant 0 : index
    %get3A_1253 = arith.constant 0 : index
    %get3A_1254 = vector.load %arg2[%get3A_1251, %get3A_1252, %get3A_1253] : memref<200x1x128xf32, #tpu.memory_space<vmem>>, vector<1x1x128xf32>
    %get3A_1255 = vector.shape_cast %get3A_1254 : vector<1x1x128xf32> to vector<1x128xf32>
    %add3A_1256 = vector.broadcast %get3A_1255 : vector<1x128xf32> to vector<136x128xf32>
    %add3A_1257 = arith.addf %concatenate3A, %add3A_1256 : vector<136x128xf32>
    %swap3A_1258 = arith.constant 17000 : index
    %swap3A_1259 = arith.constant 0 : index
    %swap3A_1260 = vector.load %arg3[%swap3A_1258, %swap3A_1259] : memref<27200x128xf32, #tpu.memory_space<vmem>>, vector<136x128xf32>
    tpu.vector_store %arg3[%swap3A_1258, %swap3A_1259], %add3A_1257 {strides = array<i32>} : memref<27200x128xf32, #tpu.memory_space<vmem>>, vector<136x128xf32>,
    %get3A_1261 = arith.constant 126 : index
    %get3A_1262 = arith.constant 0 : index
    %get3A_1263 = arith.constant 0 : index
    %get3A_1264 = vector.load %arg2[%get3A_1261, %get3A_1262, %get3A_1263] : memref<200x1x128xf32, #tpu.memory_space<vmem>>, vector<1x1x128xf32>
    %get3A_1265 = vector.shape_cast %get3A_1264 : vector<1x1x128xf32> to vector<1x128xf32>
    %add3A_1266 = vector.broadcast %get3A_1265 : vector<1x128xf32> to vector<136x128xf32>
    %add3A_1267 = arith.addf %concatenate3A, %add3A_1266 : vector<136x128xf32>
    %swap3A_1268 = arith.constant 17136 : index
    %swap3A_1269 = arith.constant 0 : index
    %swap3A_1270 = vector.load %arg3[%swap3A_1268, %swap3A_1269] : memref<27200x128xf32, #tpu.memory_space<vmem>>, vector<136x128xf32>
    tpu.vector_store %arg3[%swap3A_1268, %swap3A_1269], %add3A_1267 {strides = array<i32>} : memref<27200x128xf32, #tpu.memory_space<vmem>>, vector<136x128xf32>,
    %get3A_1271 = arith.constant 127 : index
    %get3A_1272 = arith.constant 0 : index
    %get3A_1273 = arith.constant 0 : index
    %get3A_1274 = vector.load %arg2[%get3A_1271, %get3A_1272, %get3A_1273] : memref<200x1x128xf32, #tpu.memory_space<vmem>>, vector<1x1x128xf32>
    %get3A_1275 = vector.shape_cast %get3A_1274 : vector<1x1x128xf32> to vector<1x128xf32>
    %add3A_1276 = vector.broadcast %get3A_1275 : vector<1x128xf32> to vector<136x128xf32>
    %add3A_1277 = arith.addf %concatenate3A, %add3A_1276 : vector<136x128xf32>
    %swap3A_1278 = arith.constant 17272 : index
    %swap3A_1279 = arith.constant 0 : index
    %swap3A_1280 = vector.load %arg3[%swap3A_1278, %swap3A_1279] : memref<27200x128xf32, #tpu.memory_space<vmem>>, vector<136x128xf32>
    tpu.vector_store %arg3[%swap3A_1278, %swap3A_1279], %add3A_1277 {strides = array<i32>} : memref<27200x128xf32, #tpu.memory_space<vmem>>, vector<136x128xf32>,
    %get3A_1281 = arith.constant 128 : index
    %get3A_1282 = arith.constant 0 : index
    %get3A_1283 = arith.constant 0 : index
    %get3A_1284 = vector.load %arg2[%get3A_1281, %get3A_1282, %get3A_1283] : memref<200x1x128xf32, #tpu.memory_space<vmem>>, vector<1x1x128xf32>
    %get3A_1285 = vector.shape_cast %get3A_1284 : vector<1x1x128xf32> to vector<1x128xf32>
    %add3A_1286 = vector.broadcast %get3A_1285 : vector<1x128xf32> to vector<136x128xf32>
    %add3A_1287 = arith.addf %concatenate3A, %add3A_1286 : vector<136x128xf32>
    %swap3A_1288 = arith.constant 17408 : index
    %swap3A_1289 = arith.constant 0 : index
    %swap3A_1290 = vector.load %arg3[%swap3A_1288, %swap3A_1289] : memref<27200x128xf32, #tpu.memory_space<vmem>>, vector<136x128xf32>
    tpu.vector_store %arg3[%swap3A_1288, %swap3A_1289], %add3A_1287 {strides = array<i32>} : memref<27200x128xf32, #tpu.memory_space<vmem>>, vector<136x128xf32>,
    %get3A_1291 = arith.constant 129 : index
    %get3A_1292 = arith.constant 0 : index
    %get3A_1293 = arith.constant 0 : index
    %get3A_1294 = vector.load %arg2[%get3A_1291, %get3A_1292, %get3A_1293] : memref<200x1x128xf32, #tpu.memory_space<vmem>>, vector<1x1x128xf32>
    %get3A_1295 = vector.shape_cast %get3A_1294 : vector<1x1x128xf32> to vector<1x128xf32>
    %add3A_1296 = vector.broadcast %get3A_1295 : vector<1x128xf32> to vector<136x128xf32>
    %add3A_1297 = arith.addf %concatenate3A, %add3A_1296 : vector<136x128xf32>
    %swap3A_1298 = arith.constant 17544 : index
    %swap3A_1299 = arith.constant 0 : index
    %swap3A_1300 = vector.load %arg3[%swap3A_1298, %swap3A_1299] : memref<27200x128xf32, #tpu.memory_space<vmem>>, vector<136x128xf32>
    tpu.vector_store %arg3[%swap3A_1298, %swap3A_1299], %add3A_1297 {strides = array<i32>} : memref<27200x128xf32, #tpu.memory_space<vmem>>, vector<136x128xf32>,
    %get3A_1301 = arith.constant 130 : index
    %get3A_1302 = arith.constant 0 : index
    %get3A_1303 = arith.constant 0 : index
    %get3A_1304 = vector.load %arg2[%get3A_1301, %get3A_1302, %get3A_1303] : memref<200x1x128xf32, #tpu.memory_space<vmem>>, vector<1x1x128xf32>
    %get3A_1305 = vector.shape_cast %get3A_1304 : vector<1x1x128xf32> to vector<1x128xf32>
    %add3A_1306 = vector.broadcast %get3A_1305 : vector<1x128xf32> to vector<136x128xf32>
    %add3A_1307 = arith.addf %concatenate3A, %add3A_1306 : vector<136x128xf32>
    %swap3A_1308 = arith.constant 17680 : index
    %swap3A_1309 = arith.constant 0 : index
    %swap3A_1310 = vector.load %arg3[%swap3A_1308, %swap3A_1309] : memref<27200x128xf32, #tpu.memory_space<vmem>>, vector<136x128xf32>
    tpu.vector_store %arg3[%swap3A_1308, %swap3A_1309], %add3A_1307 {strides = array<i32>} : memref<27200x128xf32, #tpu.memory_space<vmem>>, vector<136x128xf32>,
    %get3A_1311 = arith.constant 131 : index
    %get3A_1312 = arith.constant 0 : index
    %get3A_1313 = arith.constant 0 : index
    %get3A_1314 = vector.load %arg2[%get3A_1311, %get3A_1312, %get3A_1313] : memref<200x1x128xf32, #tpu.memory_space<vmem>>, vector<1x1x128xf32>
    %get3A_1315 = vector.shape_cast %get3A_1314 : vector<1x1x128xf32> to vector<1x128xf32>
    %add3A_1316 = vector.broadcast %get3A_1315 : vector<1x128xf32> to vector<136x128xf32>
    %add3A_1317 = arith.addf %concatenate3A, %add3A_1316 : vector<136x128xf32>
    %swap3A_1318 = arith.constant 17816 : index
    %swap3A_1319 = arith.constant 0 : index
    %swap3A_1320 = vector.load %arg3[%swap3A_1318, %swap3A_1319] : memref<27200x128xf32, #tpu.memory_space<vmem>>, vector<136x128xf32>
    tpu.vector_store %arg3[%swap3A_1318, %swap3A_1319], %add3A_1317 {strides = array<i32>} : memref<27200x128xf32, #tpu.memory_space<vmem>>, vector<136x128xf32>,
    %get3A_1321 = arith.constant 132 : index
    %get3A_1322 = arith.constant 0 : index
    %get3A_1323 = arith.constant 0 : index
    %get3A_1324 = vector.load %arg2[%get3A_1321, %get3A_1322, %get3A_1323] : memref<200x1x128xf32, #tpu.memory_space<vmem>>, vector<1x1x128xf32>
    %get3A_1325 = vector.shape_cast %get3A_1324 : vector<1x1x128xf32> to vector<1x128xf32>
    %add3A_1326 = vector.broadcast %get3A_1325 : vector<1x128xf32> to vector<136x128xf32>
    %add3A_1327 = arith.addf %concatenate3A, %add3A_1326 : vector<136x128xf32>
    %swap3A_1328 = arith.constant 17952 : index
    %swap3A_1329 = arith.constant 0 : index
    %swap3A_1330 = vector.load %arg3[%swap3A_1328, %swap3A_1329] : memref<27200x128xf32, #tpu.memory_space<vmem>>, vector<136x128xf32>
    tpu.vector_store %arg3[%swap3A_1328, %swap3A_1329], %add3A_1327 {strides = array<i32>} : memref<27200x128xf32, #tpu.memory_space<vmem>>, vector<136x128xf32>,
    %get3A_1331 = arith.constant 133 : index
    %get3A_1332 = arith.constant 0 : index
    %get3A_1333 = arith.constant 0 : index
    %get3A_1334 = vector.load %arg2[%get3A_1331, %get3A_1332, %get3A_1333] : memref<200x1x128xf32, #tpu.memory_space<vmem>>, vector<1x1x128xf32>
    %get3A_1335 = vector.shape_cast %get3A_1334 : vector<1x1x128xf32> to vector<1x128xf32>
    %add3A_1336 = vector.broadcast %get3A_1335 : vector<1x128xf32> to vector<136x128xf32>
    %add3A_1337 = arith.addf %concatenate3A, %add3A_1336 : vector<136x128xf32>
    %swap3A_1338 = arith.constant 18088 : index
    %swap3A_1339 = arith.constant 0 : index
    %swap3A_1340 = vector.load %arg3[%swap3A_1338, %swap3A_1339] : memref<27200x128xf32, #tpu.memory_space<vmem>>, vector<136x128xf32>
    tpu.vector_store %arg3[%swap3A_1338, %swap3A_1339], %add3A_1337 {strides = array<i32>} : memref<27200x128xf32, #tpu.memory_space<vmem>>, vector<136x128xf32>,
    %get3A_1341 = arith.constant 134 : index
    %get3A_1342 = arith.constant 0 : index
    %get3A_1343 = arith.constant 0 : index
    %get3A_1344 = vector.load %arg2[%get3A_1341, %get3A_1342, %get3A_1343] : memref<200x1x128xf32, #tpu.memory_space<vmem>>, vector<1x1x128xf32>
    %get3A_1345 = vector.shape_cast %get3A_1344 : vector<1x1x128xf32> to vector<1x128xf32>
    %add3A_1346 = vector.broadcast %get3A_1345 : vector<1x128xf32> to vector<136x128xf32>
    %add3A_1347 = arith.addf %concatenate3A, %add3A_1346 : vector<136x128xf32>
    %swap3A_1348 = arith.constant 18224 : index
    %swap3A_1349 = arith.constant 0 : index
    %swap3A_1350 = vector.load %arg3[%swap3A_1348, %swap3A_1349] : memref<27200x128xf32, #tpu.memory_space<vmem>>, vector<136x128xf32>
    tpu.vector_store %arg3[%swap3A_1348, %swap3A_1349], %add3A_1347 {strides = array<i32>} : memref<27200x128xf32, #tpu.memory_space<vmem>>, vector<136x128xf32>,
    %get3A_1351 = arith.constant 135 : index
    %get3A_1352 = arith.constant 0 : index
    %get3A_1353 = arith.constant 0 : index
    %get3A_1354 = vector.load %arg2[%get3A_1351, %get3A_1352, %get3A_1353] : memref<200x1x128xf32, #tpu.memory_space<vmem>>, vector<1x1x128xf32>
    %get3A_1355 = vector.shape_cast %get3A_1354 : vector<1x1x128xf32> to vector<1x128xf32>
    %add3A_1356 = vector.broadcast %get3A_1355 : vector<1x128xf32> to vector<136x128xf32>
    %add3A_1357 = arith.addf %concatenate3A, %add3A_1356 : vector<136x128xf32>
    %swap3A_1358 = arith.constant 18360 : index
    %swap3A_1359 = arith.constant 0 : index
    %swap3A_1360 = vector.load %arg3[%swap3A_1358, %swap3A_1359] : memref<27200x128xf32, #tpu.memory_space<vmem>>, vector<136x128xf32>
    tpu.vector_store %arg3[%swap3A_1358, %swap3A_1359], %add3A_1357 {strides = array<i32>} : memref<27200x128xf32, #tpu.memory_space<vmem>>, vector<136x128xf32>,
    %get3A_1361 = arith.constant 136 : index
    %get3A_1362 = arith.constant 0 : index
    %get3A_1363 = arith.constant 0 : index
    %get3A_1364 = vector.load %arg2[%get3A_1361, %get3A_1362, %get3A_1363] : memref<200x1x128xf32, #tpu.memory_space<vmem>>, vector<1x1x128xf32>
    %get3A_1365 = vector.shape_cast %get3A_1364 : vector<1x1x128xf32> to vector<1x128xf32>
    %add3A_1366 = vector.broadcast %get3A_1365 : vector<1x128xf32> to vector<136x128xf32>
    %add3A_1367 = arith.addf %concatenate3A, %add3A_1366 : vector<136x128xf32>
    %swap3A_1368 = arith.constant 18496 : index
    %swap3A_1369 = arith.constant 0 : index
    %swap3A_1370 = vector.load %arg3[%swap3A_1368, %swap3A_1369] : memref<27200x128xf32, #tpu.memory_space<vmem>>, vector<136x128xf32>
    tpu.vector_store %arg3[%swap3A_1368, %swap3A_1369], %add3A_1367 {strides = array<i32>} : memref<27200x128xf32, #tpu.memory_space<vmem>>, vector<136x128xf32>,
    %get3A_1371 = arith.constant 137 : index
    %get3A_1372 = arith.constant 0 : index
    %get3A_1373 = arith.constant 0 : index
    %get3A_1374 = vector.load %arg2[%get3A_1371, %get3A_1372, %get3A_1373] : memref<200x1x128xf32, #tpu.memory_space<vmem>>, vector<1x1x128xf32>
    %get3A_1375 = vector.shape_cast %get3A_1374 : vector<1x1x128xf32> to vector<1x128xf32>
    %add3A_1376 = vector.broadcast %get3A_1375 : vector<1x128xf32> to vector<136x128xf32>
    %add3A_1377 = arith.addf %concatenate3A, %add3A_1376 : vector<136x128xf32>
    %swap3A_1378 = arith.constant 18632 : index
    %swap3A_1379 = arith.constant 0 : index
    %swap3A_1380 = vector.load %arg3[%swap3A_1378, %swap3A_1379] : memref<27200x128xf32, #tpu.memory_space<vmem>>, vector<136x128xf32>
    tpu.vector_store %arg3[%swap3A_1378, %swap3A_1379], %add3A_1377 {strides = array<i32>} : memref<27200x128xf32, #tpu.memory_space<vmem>>, vector<136x128xf32>,
    %get3A_1381 = arith.constant 138 : index
    %get3A_1382 = arith.constant 0 : index
    %get3A_1383 = arith.constant 0 : index
    %get3A_1384 = vector.load %arg2[%get3A_1381, %get3A_1382, %get3A_1383] : memref<200x1x128xf32, #tpu.memory_space<vmem>>, vector<1x1x128xf32>
    %get3A_1385 = vector.shape_cast %get3A_1384 : vector<1x1x128xf32> to vector<1x128xf32>
    %add3A_1386 = vector.broadcast %get3A_1385 : vector<1x128xf32> to vector<136x128xf32>
    %add3A_1387 = arith.addf %concatenate3A, %add3A_1386 : vector<136x128xf32>
    %swap3A_1388 = arith.constant 18768 : index
    %swap3A_1389 = arith.constant 0 : index
    %swap3A_1390 = vector.load %arg3[%swap3A_1388, %swap3A_1389] : memref<27200x128xf32, #tpu.memory_space<vmem>>, vector<136x128xf32>
    tpu.vector_store %arg3[%swap3A_1388, %swap3A_1389], %add3A_1387 {strides = array<i32>} : memref<27200x128xf32, #tpu.memory_space<vmem>>, vector<136x128xf32>,
    %get3A_1391 = arith.constant 139 : index
    %get3A_1392 = arith.constant 0 : index
    %get3A_1393 = arith.constant 0 : index
    %get3A_1394 = vector.load %arg2[%get3A_1391, %get3A_1392, %get3A_1393] : memref<200x1x128xf32, #tpu.memory_space<vmem>>, vector<1x1x128xf32>
    %get3A_1395 = vector.shape_cast %get3A_1394 : vector<1x1x128xf32> to vector<1x128xf32>
    %add3A_1396 = vector.broadcast %get3A_1395 : vector<1x128xf32> to vector<136x128xf32>
    %add3A_1397 = arith.addf %concatenate3A, %add3A_1396 : vector<136x128xf32>
    %swap3A_1398 = arith.constant 18904 : index
    %swap3A_1399 = arith.constant 0 : index
    %swap3A_1400 = vector.load %arg3[%swap3A_1398, %swap3A_1399] : memref<27200x128xf32, #tpu.memory_space<vmem>>, vector<136x128xf32>
    tpu.vector_store %arg3[%swap3A_1398, %swap3A_1399], %add3A_1397 {strides = array<i32>} : memref<27200x128xf32, #tpu.memory_space<vmem>>, vector<136x128xf32>,
    %get3A_1401 = arith.constant 140 : index
    %get3A_1402 = arith.constant 0 : index
    %get3A_1403 = arith.constant 0 : index
    %get3A_1404 = vector.load %arg2[%get3A_1401, %get3A_1402, %get3A_1403] : memref<200x1x128xf32, #tpu.memory_space<vmem>>, vector<1x1x128xf32>
    %get3A_1405 = vector.shape_cast %get3A_1404 : vector<1x1x128xf32> to vector<1x128xf32>
    %add3A_1406 = vector.broadcast %get3A_1405 : vector<1x128xf32> to vector<136x128xf32>
    %add3A_1407 = arith.addf %concatenate3A, %add3A_1406 : vector<136x128xf32>
    %swap3A_1408 = arith.constant 19040 : index
    %swap3A_1409 = arith.constant 0 : index
    %swap3A_1410 = vector.load %arg3[%swap3A_1408, %swap3A_1409] : memref<27200x128xf32, #tpu.memory_space<vmem>>, vector<136x128xf32>
    tpu.vector_store %arg3[%swap3A_1408, %swap3A_1409], %add3A_1407 {strides = array<i32>} : memref<27200x128xf32, #tpu.memory_space<vmem>>, vector<136x128xf32>,
    %get3A_1411 = arith.constant 141 : index
    %get3A_1412 = arith.constant 0 : index
    %get3A_1413 = arith.constant 0 : index
    %get3A_1414 = vector.load %arg2[%get3A_1411, %get3A_1412, %get3A_1413] : memref<200x1x128xf32, #tpu.memory_space<vmem>>, vector<1x1x128xf32>
    %get3A_1415 = vector.shape_cast %get3A_1414 : vector<1x1x128xf32> to vector<1x128xf32>
    %add3A_1416 = vector.broadcast %get3A_1415 : vector<1x128xf32> to vector<136x128xf32>
    %add3A_1417 = arith.addf %concatenate3A, %add3A_1416 : vector<136x128xf32>
    %swap3A_1418 = arith.constant 19176 : index
    %swap3A_1419 = arith.constant 0 : index
    %swap3A_1420 = vector.load %arg3[%swap3A_1418, %swap3A_1419] : memref<27200x128xf32, #tpu.memory_space<vmem>>, vector<136x128xf32>
    tpu.vector_store %arg3[%swap3A_1418, %swap3A_1419], %add3A_1417 {strides = array<i32>} : memref<27200x128xf32, #tpu.memory_space<vmem>>, vector<136x128xf32>,
    %get3A_1421 = arith.constant 142 : index
    %get3A_1422 = arith.constant 0 : index
    %get3A_1423 = arith.constant 0 : index
    %get3A_1424 = vector.load %arg2[%get3A_1421, %get3A_1422, %get3A_1423] : memref<200x1x128xf32, #tpu.memory_space<vmem>>, vector<1x1x128xf32>
    %get3A_1425 = vector.shape_cast %get3A_1424 : vector<1x1x128xf32> to vector<1x128xf32>
    %add3A_1426 = vector.broadcast %get3A_1425 : vector<1x128xf32> to vector<136x128xf32>
    %add3A_1427 = arith.addf %concatenate3A, %add3A_1426 : vector<136x128xf32>
    %swap3A_1428 = arith.constant 19312 : index
    %swap3A_1429 = arith.constant 0 : index
    %swap3A_1430 = vector.load %arg3[%swap3A_1428, %swap3A_1429] : memref<27200x128xf32, #tpu.memory_space<vmem>>, vector<136x128xf32>
    tpu.vector_store %arg3[%swap3A_1428, %swap3A_1429], %add3A_1427 {strides = array<i32>} : memref<27200x128xf32, #tpu.memory_space<vmem>>, vector<136x128xf32>,
    %get3A_1431 = arith.constant 143 : index
    %get3A_1432 = arith.constant 0 : index
    %get3A_1433 = arith.constant 0 : index
    %get3A_1434 = vector.load %arg2[%get3A_1431, %get3A_1432, %get3A_1433] : memref<200x1x128xf32, #tpu.memory_space<vmem>>, vector<1x1x128xf32>
    %get3A_1435 = vector.shape_cast %get3A_1434 : vector<1x1x128xf32> to vector<1x128xf32>
    %add3A_1436 = vector.broadcast %get3A_1435 : vector<1x128xf32> to vector<136x128xf32>
    %add3A_1437 = arith.addf %concatenate3A, %add3A_1436 : vector<136x128xf32>
    %swap3A_1438 = arith.constant 19448 : index
    %swap3A_1439 = arith.constant 0 : index
    %swap3A_1440 = vector.load %arg3[%swap3A_1438, %swap3A_1439] : memref<27200x128xf32, #tpu.memory_space<vmem>>, vector<136x128xf32>
    tpu.vector_store %arg3[%swap3A_1438, %swap3A_1439], %add3A_1437 {strides = array<i32>} : memref<27200x128xf32, #tpu.memory_space<vmem>>, vector<136x128xf32>,
    %get3A_1441 = arith.constant 144 : index
    %get3A_1442 = arith.constant 0 : index
    %get3A_1443 = arith.constant 0 : index
    %get3A_1444 = vector.load %arg2[%get3A_1441, %get3A_1442, %get3A_1443] : memref<200x1x128xf32, #tpu.memory_space<vmem>>, vector<1x1x128xf32>
    %get3A_1445 = vector.shape_cast %get3A_1444 : vector<1x1x128xf32> to vector<1x128xf32>
    %add3A_1446 = vector.broadcast %get3A_1445 : vector<1x128xf32> to vector<136x128xf32>
    %add3A_1447 = arith.addf %concatenate3A, %add3A_1446 : vector<136x128xf32>
    %swap3A_1448 = arith.constant 19584 : index
    %swap3A_1449 = arith.constant 0 : index
    %swap3A_1450 = vector.load %arg3[%swap3A_1448, %swap3A_1449] : memref<27200x128xf32, #tpu.memory_space<vmem>>, vector<136x128xf32>
    tpu.vector_store %arg3[%swap3A_1448, %swap3A_1449], %add3A_1447 {strides = array<i32>} : memref<27200x128xf32, #tpu.memory_space<vmem>>, vector<136x128xf32>,
    %get3A_1451 = arith.constant 145 : index
    %get3A_1452 = arith.constant 0 : index
    %get3A_1453 = arith.constant 0 : index
    %get3A_1454 = vector.load %arg2[%get3A_1451, %get3A_1452, %get3A_1453] : memref<200x1x128xf32, #tpu.memory_space<vmem>>, vector<1x1x128xf32>
    %get3A_1455 = vector.shape_cast %get3A_1454 : vector<1x1x128xf32> to vector<1x128xf32>
    %add3A_1456 = vector.broadcast %get3A_1455 : vector<1x128xf32> to vector<136x128xf32>
    %add3A_1457 = arith.addf %concatenate3A, %add3A_1456 : vector<136x128xf32>
    %swap3A_1458 = arith.constant 19720 : index
    %swap3A_1459 = arith.constant 0 : index
    %swap3A_1460 = vector.load %arg3[%swap3A_1458, %swap3A_1459] : memref<27200x128xf32, #tpu.memory_space<vmem>>, vector<136x128xf32>
    tpu.vector_store %arg3[%swap3A_1458, %swap3A_1459], %add3A_1457 {strides = array<i32>} : memref<27200x128xf32, #tpu.memory_space<vmem>>, vector<136x128xf32>,
    %get3A_1461 = arith.constant 146 : index
    %get3A_1462 = arith.constant 0 : index
    %get3A_1463 = arith.constant 0 : index
    %get3A_1464 = vector.load %arg2[%get3A_1461, %get3A_1462, %get3A_1463] : memref<200x1x128xf32, #tpu.memory_space<vmem>>, vector<1x1x128xf32>
    %get3A_1465 = vector.shape_cast %get3A_1464 : vector<1x1x128xf32> to vector<1x128xf32>
    %add3A_1466 = vector.broadcast %get3A_1465 : vector<1x128xf32> to vector<136x128xf32>
    %add3A_1467 = arith.addf %concatenate3A, %add3A_1466 : vector<136x128xf32>
    %swap3A_1468 = arith.constant 19856 : index
    %swap3A_1469 = arith.constant 0 : index
    %swap3A_1470 = vector.load %arg3[%swap3A_1468, %swap3A_1469] : memref<27200x128xf32, #tpu.memory_space<vmem>>, vector<136x128xf32>
    tpu.vector_store %arg3[%swap3A_1468, %swap3A_1469], %add3A_1467 {strides = array<i32>} : memref<27200x128xf32, #tpu.memory_space<vmem>>, vector<136x128xf32>,
    %get3A_1471 = arith.constant 147 : index
    %get3A_1472 = arith.constant 0 : index
    %get3A_1473 = arith.constant 0 : index
    %get3A_1474 = vector.load %arg2[%get3A_1471, %get3A_1472, %get3A_1473] : memref<200x1x128xf32, #tpu.memory_space<vmem>>, vector<1x1x128xf32>
    %get3A_1475 = vector.shape_cast %get3A_1474 : vector<1x1x128xf32> to vector<1x128xf32>
    %add3A_1476 = vector.broadcast %get3A_1475 : vector<1x128xf32> to vector<136x128xf32>
    %add3A_1477 = arith.addf %concatenate3A, %add3A_1476 : vector<136x128xf32>
    %swap3A_1478 = arith.constant 19992 : index
    %swap3A_1479 = arith.constant 0 : index
    %swap3A_1480 = vector.load %arg3[%swap3A_1478, %swap3A_1479] : memref<27200x128xf32, #tpu.memory_space<vmem>>, vector<136x128xf32>
    tpu.vector_store %arg3[%swap3A_1478, %swap3A_1479], %add3A_1477 {strides = array<i32>} : memref<27200x128xf32, #tpu.memory_space<vmem>>, vector<136x128xf32>,
    %get3A_1481 = arith.constant 148 : index
    %get3A_1482 = arith.constant 0 : index
    %get3A_1483 = arith.constant 0 : index
    %get3A_1484 = vector.load %arg2[%get3A_1481, %get3A_1482, %get3A_1483] : memref<200x1x128xf32, #tpu.memory_space<vmem>>, vector<1x1x128xf32>
    %get3A_1485 = vector.shape_cast %get3A_1484 : vector<1x1x128xf32> to vector<1x128xf32>
    %add3A_1486 = vector.broadcast %get3A_1485 : vector<1x128xf32> to vector<136x128xf32>
    %add3A_1487 = arith.addf %concatenate3A, %add3A_1486 : vector<136x128xf32>
    %swap3A_1488 = arith.constant 20128 : index
    %swap3A_1489 = arith.constant 0 : index
    %swap3A_1490 = vector.load %arg3[%swap3A_1488, %swap3A_1489] : memref<27200x128xf32, #tpu.memory_space<vmem>>, vector<136x128xf32>
    tpu.vector_store %arg3[%swap3A_1488, %swap3A_1489], %add3A_1487 {strides = array<i32>} : memref<27200x128xf32, #tpu.memory_space<vmem>>, vector<136x128xf32>,
    %get3A_1491 = arith.constant 149 : index
    %get3A_1492 = arith.constant 0 : index
    %get3A_1493 = arith.constant 0 : index
    %get3A_1494 = vector.load %arg2[%get3A_1491, %get3A_1492, %get3A_1493] : memref<200x1x128xf32, #tpu.memory_space<vmem>>, vector<1x1x128xf32>
    %get3A_1495 = vector.shape_cast %get3A_1494 : vector<1x1x128xf32> to vector<1x128xf32>
    %add3A_1496 = vector.broadcast %get3A_1495 : vector<1x128xf32> to vector<136x128xf32>
    %add3A_1497 = arith.addf %concatenate3A, %add3A_1496 : vector<136x128xf32>
    %swap3A_1498 = arith.constant 20264 : index
    %swap3A_1499 = arith.constant 0 : index
    %swap3A_1500 = vector.load %arg3[%swap3A_1498, %swap3A_1499] : memref<27200x128xf32, #tpu.memory_space<vmem>>, vector<136x128xf32>
    tpu.vector_store %arg3[%swap3A_1498, %swap3A_1499], %add3A_1497 {strides = array<i32>} : memref<27200x128xf32, #tpu.memory_space<vmem>>, vector<136x128xf32>,
    %get3A_1501 = arith.constant 150 : index
    %get3A_1502 = arith.constant 0 : index
    %get3A_1503 = arith.constant 0 : index
    %get3A_1504 = vector.load %arg2[%get3A_1501, %get3A_1502, %get3A_1503] : memref<200x1x128xf32, #tpu.memory_space<vmem>>, vector<1x1x128xf32>
    %get3A_1505 = vector.shape_cast %get3A_1504 : vector<1x1x128xf32> to vector<1x128xf32>
    %add3A_1506 = vector.broadcast %get3A_1505 : vector<1x128xf32> to vector<136x128xf32>
    %add3A_1507 = arith.addf %concatenate3A, %add3A_1506 : vector<136x128xf32>
    %swap3A_1508 = arith.constant 20400 : index
    %swap3A_1509 = arith.constant 0 : index
    %swap3A_1510 = vector.load %arg3[%swap3A_1508, %swap3A_1509] : memref<27200x128xf32, #tpu.memory_space<vmem>>, vector<136x128xf32>
    tpu.vector_store %arg3[%swap3A_1508, %swap3A_1509], %add3A_1507 {strides = array<i32>} : memref<27200x128xf32, #tpu.memory_space<vmem>>, vector<136x128xf32>,
    %get3A_1511 = arith.constant 151 : index
    %get3A_1512 = arith.constant 0 : index
    %get3A_1513 = arith.constant 0 : index
    %get3A_1514 = vector.load %arg2[%get3A_1511, %get3A_1512, %get3A_1513] : memref<200x1x128xf32, #tpu.memory_space<vmem>>, vector<1x1x128xf32>
    %get3A_1515 = vector.shape_cast %get3A_1514 : vector<1x1x128xf32> to vector<1x128xf32>
    %add3A_1516 = vector.broadcast %get3A_1515 : vector<1x128xf32> to vector<136x128xf32>
    %add3A_1517 = arith.addf %concatenate3A, %add3A_1516 : vector<136x128xf32>
    %swap3A_1518 = arith.constant 20536 : index
    %swap3A_1519 = arith.constant 0 : index
    %swap3A_1520 = vector.load %arg3[%swap3A_1518, %swap3A_1519] : memref<27200x128xf32, #tpu.memory_space<vmem>>, vector<136x128xf32>
    tpu.vector_store %arg3[%swap3A_1518, %swap3A_1519], %add3A_1517 {strides = array<i32>} : memref<27200x128xf32, #tpu.memory_space<vmem>>, vector<136x128xf32>,
    %get3A_1521 = arith.constant 152 : index
    %get3A_1522 = arith.constant 0 : index
    %get3A_1523 = arith.constant 0 : index
    %get3A_1524 = vector.load %arg2[%get3A_1521, %get3A_1522, %get3A_1523] : memref<200x1x128xf32, #tpu.memory_space<vmem>>, vector<1x1x128xf32>
    %get3A_1525 = vector.shape_cast %get3A_1524 : vector<1x1x128xf32> to vector<1x128xf32>
    %add3A_1526 = vector.broadcast %get3A_1525 : vector<1x128xf32> to vector<136x128xf32>
    %add3A_1527 = arith.addf %concatenate3A, %add3A_1526 : vector<136x128xf32>
    %swap3A_1528 = arith.constant 20672 : index
    %swap3A_1529 = arith.constant 0 : index
    %swap3A_1530 = vector.load %arg3[%swap3A_1528, %swap3A_1529] : memref<27200x128xf32, #tpu.memory_space<vmem>>, vector<136x128xf32>
    tpu.vector_store %arg3[%swap3A_1528, %swap3A_1529], %add3A_1527 {strides = array<i32>} : memref<27200x128xf32, #tpu.memory_space<vmem>>, vector<136x128xf32>,
    %get3A_1531 = arith.constant 153 : index
    %get3A_1532 = arith.constant 0 : index
    %get3A_1533 = arith.constant 0 : index
    %get3A_1534 = vector.load %arg2[%get3A_1531, %get3A_1532, %get3A_1533] : memref<200x1x128xf32, #tpu.memory_space<vmem>>, vector<1x1x128xf32>
    %get3A_1535 = vector.shape_cast %get3A_1534 : vector<1x1x128xf32> to vector<1x128xf32>
    %add3A_1536 = vector.broadcast %get3A_1535 : vector<1x128xf32> to vector<136x128xf32>
    %add3A_1537 = arith.addf %concatenate3A, %add3A_1536 : vector<136x128xf32>
    %swap3A_1538 = arith.constant 20808 : index
    %swap3A_1539 = arith.constant 0 : index
    %swap3A_1540 = vector.load %arg3[%swap3A_1538, %swap3A_1539] : memref<27200x128xf32, #tpu.memory_space<vmem>>, vector<136x128xf32>
    tpu.vector_store %arg3[%swap3A_1538, %swap3A_1539], %add3A_1537 {strides = array<i32>} : memref<27200x128xf32, #tpu.memory_space<vmem>>, vector<136x128xf32>,
    %get3A_1541 = arith.constant 154 : index
    %get3A_1542 = arith.constant 0 : index
    %get3A_1543 = arith.constant 0 : index
    %get3A_1544 = vector.load %arg2[%get3A_1541, %get3A_1542, %get3A_1543] : memref<200x1x128xf32, #tpu.memory_space<vmem>>, vector<1x1x128xf32>
    %get3A_1545 = vector.shape_cast %get3A_1544 : vector<1x1x128xf32> to vector<1x128xf32>
    %add3A_1546 = vector.broadcast %get3A_1545 : vector<1x128xf32> to vector<136x128xf32>
    %add3A_1547 = arith.addf %concatenate3A, %add3A_1546 : vector<136x128xf32>
    %swap3A_1548 = arith.constant 20944 : index
    %swap3A_1549 = arith.constant 0 : index
    %swap3A_1550 = vector.load %arg3[%swap3A_1548, %swap3A_1549] : memref<27200x128xf32, #tpu.memory_space<vmem>>, vector<136x128xf32>
    tpu.vector_store %arg3[%swap3A_1548, %swap3A_1549], %add3A_1547 {strides = array<i32>} : memref<27200x128xf32, #tpu.memory_space<vmem>>, vector<136x128xf32>,
    %get3A_1551 = arith.constant 155 : index
    %get3A_1552 = arith.constant 0 : index
    %get3A_1553 = arith.constant 0 : index
    %get3A_1554 = vector.load %arg2[%get3A_1551, %get3A_1552, %get3A_1553] : memref<200x1x128xf32, #tpu.memory_space<vmem>>, vector<1x1x128xf32>
    %get3A_1555 = vector.shape_cast %get3A_1554 : vector<1x1x128xf32> to vector<1x128xf32>
    %add3A_1556 = vector.broadcast %get3A_1555 : vector<1x128xf32> to vector<136x128xf32>
    %add3A_1557 = arith.addf %concatenate3A, %add3A_1556 : vector<136x128xf32>
    %swap3A_1558 = arith.constant 21080 : index
    %swap3A_1559 = arith.constant 0 : index
    %swap3A_1560 = vector.load %arg3[%swap3A_1558, %swap3A_1559] : memref<27200x128xf32, #tpu.memory_space<vmem>>, vector<136x128xf32>
    tpu.vector_store %arg3[%swap3A_1558, %swap3A_1559], %add3A_1557 {strides = array<i32>} : memref<27200x128xf32, #tpu.memory_space<vmem>>, vector<136x128xf32>,
    %get3A_1561 = arith.constant 156 : index
    %get3A_1562 = arith.constant 0 : index
    %get3A_1563 = arith.constant 0 : index
    %get3A_1564 = vector.load %arg2[%get3A_1561, %get3A_1562, %get3A_1563] : memref<200x1x128xf32, #tpu.memory_space<vmem>>, vector<1x1x128xf32>
    %get3A_1565 = vector.shape_cast %get3A_1564 : vector<1x1x128xf32> to vector<1x128xf32>
    %add3A_1566 = vector.broadcast %get3A_1565 : vector<1x128xf32> to vector<136x128xf32>
    %add3A_1567 = arith.addf %concatenate3A, %add3A_1566 : vector<136x128xf32>
    %swap3A_1568 = arith.constant 21216 : index
    %swap3A_1569 = arith.constant 0 : index
    %swap3A_1570 = vector.load %arg3[%swap3A_1568, %swap3A_1569] : memref<27200x128xf32, #tpu.memory_space<vmem>>, vector<136x128xf32>
    tpu.vector_store %arg3[%swap3A_1568, %swap3A_1569], %add3A_1567 {strides = array<i32>} : memref<27200x128xf32, #tpu.memory_space<vmem>>, vector<136x128xf32>,
    %get3A_1571 = arith.constant 157 : index
    %get3A_1572 = arith.constant 0 : index
    %get3A_1573 = arith.constant 0 : index
    %get3A_1574 = vector.load %arg2[%get3A_1571, %get3A_1572, %get3A_1573] : memref<200x1x128xf32, #tpu.memory_space<vmem>>, vector<1x1x128xf32>
    %get3A_1575 = vector.shape_cast %get3A_1574 : vector<1x1x128xf32> to vector<1x128xf32>
    %add3A_1576 = vector.broadcast %get3A_1575 : vector<1x128xf32> to vector<136x128xf32>
    %add3A_1577 = arith.addf %concatenate3A, %add3A_1576 : vector<136x128xf32>
    %swap3A_1578 = arith.constant 21352 : index
    %swap3A_1579 = arith.constant 0 : index
    %swap3A_1580 = vector.load %arg3[%swap3A_1578, %swap3A_1579] : memref<27200x128xf32, #tpu.memory_space<vmem>>, vector<136x128xf32>
    tpu.vector_store %arg3[%swap3A_1578, %swap3A_1579], %add3A_1577 {strides = array<i32>} : memref<27200x128xf32, #tpu.memory_space<vmem>>, vector<136x128xf32>,
    %get3A_1581 = arith.constant 158 : index
    %get3A_1582 = arith.constant 0 : index
    %get3A_1583 = arith.constant 0 : index
    %get3A_1584 = vector.load %arg2[%get3A_1581, %get3A_1582, %get3A_1583] : memref<200x1x128xf32, #tpu.memory_space<vmem>>, vector<1x1x128xf32>
    %get3A_1585 = vector.shape_cast %get3A_1584 : vector<1x1x128xf32> to vector<1x128xf32>
    %add3A_1586 = vector.broadcast %get3A_1585 : vector<1x128xf32> to vector<136x128xf32>
    %add3A_1587 = arith.addf %concatenate3A, %add3A_1586 : vector<136x128xf32>
    %swap3A_1588 = arith.constant 21488 : index
    %swap3A_1589 = arith.constant 0 : index
    %swap3A_1590 = vector.load %arg3[%swap3A_1588, %swap3A_1589] : memref<27200x128xf32, #tpu.memory_space<vmem>>, vector<136x128xf32>
    tpu.vector_store %arg3[%swap3A_1588, %swap3A_1589], %add3A_1587 {strides = array<i32>} : memref<27200x128xf32, #tpu.memory_space<vmem>>, vector<136x128xf32>,
    %get3A_1591 = arith.constant 159 : index
    %get3A_1592 = arith.constant 0 : index
    %get3A_1593 = arith.constant 0 : index
    %get3A_1594 = vector.load %arg2[%get3A_1591, %get3A_1592, %get3A_1593] : memref<200x1x128xf32, #tpu.memory_space<vmem>>, vector<1x1x128xf32>
    %get3A_1595 = vector.shape_cast %get3A_1594 : vector<1x1x128xf32> to vector<1x128xf32>
    %add3A_1596 = vector.broadcast %get3A_1595 : vector<1x128xf32> to vector<136x128xf32>
    %add3A_1597 = arith.addf %concatenate3A, %add3A_1596 : vector<136x128xf32>
    %swap3A_1598 = arith.constant 21624 : index
    %swap3A_1599 = arith.constant 0 : index
    %swap3A_1600 = vector.load %arg3[%swap3A_1598, %swap3A_1599] : memref<27200x128xf32, #tpu.memory_space<vmem>>, vector<136x128xf32>
    tpu.vector_store %arg3[%swap3A_1598, %swap3A_1599], %add3A_1597 {strides = array<i32>} : memref<27200x128xf32, #tpu.memory_space<vmem>>, vector<136x128xf32>,
    %get3A_1601 = arith.constant 160 : index
    %get3A_1602 = arith.constant 0 : index
    %get3A_1603 = arith.constant 0 : index
    %get3A_1604 = vector.load %arg2[%get3A_1601, %get3A_1602, %get3A_1603] : memref<200x1x128xf32, #tpu.memory_space<vmem>>, vector<1x1x128xf32>
    %get3A_1605 = vector.shape_cast %get3A_1604 : vector<1x1x128xf32> to vector<1x128xf32>
    %add3A_1606 = vector.broadcast %get3A_1605 : vector<1x128xf32> to vector<136x128xf32>
    %add3A_1607 = arith.addf %concatenate3A, %add3A_1606 : vector<136x128xf32>
    %swap3A_1608 = arith.constant 21760 : index
    %swap3A_1609 = arith.constant 0 : index
    %swap3A_1610 = vector.load %arg3[%swap3A_1608, %swap3A_1609] : memref<27200x128xf32, #tpu.memory_space<vmem>>, vector<136x128xf32>
    tpu.vector_store %arg3[%swap3A_1608, %swap3A_1609], %add3A_1607 {strides = array<i32>} : memref<27200x128xf32, #tpu.memory_space<vmem>>, vector<136x128xf32>,
    %get3A_1611 = arith.constant 161 : index
    %get3A_1612 = arith.constant 0 : index
    %get3A_1613 = arith.constant 0 : index
    %get3A_1614 = vector.load %arg2[%get3A_1611, %get3A_1612, %get3A_1613] : memref<200x1x128xf32, #tpu.memory_space<vmem>>, vector<1x1x128xf32>
    %get3A_1615 = vector.shape_cast %get3A_1614 : vector<1x1x128xf32> to vector<1x128xf32>
    %add3A_1616 = vector.broadcast %get3A_1615 : vector<1x128xf32> to vector<136x128xf32>
    %add3A_1617 = arith.addf %concatenate3A, %add3A_1616 : vector<136x128xf32>
    %swap3A_1618 = arith.constant 21896 : index
    %swap3A_1619 = arith.constant 0 : index
    %swap3A_1620 = vector.load %arg3[%swap3A_1618, %swap3A_1619] : memref<27200x128xf32, #tpu.memory_space<vmem>>, vector<136x128xf32>
    tpu.vector_store %arg3[%swap3A_1618, %swap3A_1619], %add3A_1617 {strides = array<i32>} : memref<27200x128xf32, #tpu.memory_space<vmem>>, vector<136x128xf32>,
    %get3A_1621 = arith.constant 162 : index
    %get3A_1622 = arith.constant 0 : index
    %get3A_1623 = arith.constant 0 : index
    %get3A_1624 = vector.load %arg2[%get3A_1621, %get3A_1622, %get3A_1623] : memref<200x1x128xf32, #tpu.memory_space<vmem>>, vector<1x1x128xf32>
    %get3A_1625 = vector.shape_cast %get3A_1624 : vector<1x1x128xf32> to vector<1x128xf32>
    %add3A_1626 = vector.broadcast %get3A_1625 : vector<1x128xf32> to vector<136x128xf32>
    %add3A_1627 = arith.addf %concatenate3A, %add3A_1626 : vector<136x128xf32>
    %swap3A_1628 = arith.constant 22032 : index
    %swap3A_1629 = arith.constant 0 : index
    %swap3A_1630 = vector.load %arg3[%swap3A_1628, %swap3A_1629] : memref<27200x128xf32, #tpu.memory_space<vmem>>, vector<136x128xf32>
    tpu.vector_store %arg3[%swap3A_1628, %swap3A_1629], %add3A_1627 {strides = array<i32>} : memref<27200x128xf32, #tpu.memory_space<vmem>>, vector<136x128xf32>,
    %get3A_1631 = arith.constant 163 : index
    %get3A_1632 = arith.constant 0 : index
    %get3A_1633 = arith.constant 0 : index
    %get3A_1634 = vector.load %arg2[%get3A_1631, %get3A_1632, %get3A_1633] : memref<200x1x128xf32, #tpu.memory_space<vmem>>, vector<1x1x128xf32>
    %get3A_1635 = vector.shape_cast %get3A_1634 : vector<1x1x128xf32> to vector<1x128xf32>
    %add3A_1636 = vector.broadcast %get3A_1635 : vector<1x128xf32> to vector<136x128xf32>
    %add3A_1637 = arith.addf %concatenate3A, %add3A_1636 : vector<136x128xf32>
    %swap3A_1638 = arith.constant 22168 : index
    %swap3A_1639 = arith.constant 0 : index
    %swap3A_1640 = vector.load %arg3[%swap3A_1638, %swap3A_1639] : memref<27200x128xf32, #tpu.memory_space<vmem>>, vector<136x128xf32>
    tpu.vector_store %arg3[%swap3A_1638, %swap3A_1639], %add3A_1637 {strides = array<i32>} : memref<27200x128xf32, #tpu.memory_space<vmem>>, vector<136x128xf32>,
    %get3A_1641 = arith.constant 164 : index
    %get3A_1642 = arith.constant 0 : index
    %get3A_1643 = arith.constant 0 : index
    %get3A_1644 = vector.load %arg2[%get3A_1641, %get3A_1642, %get3A_1643] : memref<200x1x128xf32, #tpu.memory_space<vmem>>, vector<1x1x128xf32>
    %get3A_1645 = vector.shape_cast %get3A_1644 : vector<1x1x128xf32> to vector<1x128xf32>
    %add3A_1646 = vector.broadcast %get3A_1645 : vector<1x128xf32> to vector<136x128xf32>
    %add3A_1647 = arith.addf %concatenate3A, %add3A_1646 : vector<136x128xf32>
    %swap3A_1648 = arith.constant 22304 : index
    %swap3A_1649 = arith.constant 0 : index
    %swap3A_1650 = vector.load %arg3[%swap3A_1648, %swap3A_1649] : memref<27200x128xf32, #tpu.memory_space<vmem>>, vector<136x128xf32>
    tpu.vector_store %arg3[%swap3A_1648, %swap3A_1649], %add3A_1647 {strides = array<i32>} : memref<27200x128xf32, #tpu.memory_space<vmem>>, vector<136x128xf32>,
    %get3A_1651 = arith.constant 165 : index
    %get3A_1652 = arith.constant 0 : index
    %get3A_1653 = arith.constant 0 : index
    %get3A_1654 = vector.load %arg2[%get3A_1651, %get3A_1652, %get3A_1653] : memref<200x1x128xf32, #tpu.memory_space<vmem>>, vector<1x1x128xf32>
    %get3A_1655 = vector.shape_cast %get3A_1654 : vector<1x1x128xf32> to vector<1x128xf32>
    %add3A_1656 = vector.broadcast %get3A_1655 : vector<1x128xf32> to vector<136x128xf32>
    %add3A_1657 = arith.addf %concatenate3A, %add3A_1656 : vector<136x128xf32>
    %swap3A_1658 = arith.constant 22440 : index
    %swap3A_1659 = arith.constant 0 : index
    %swap3A_1660 = vector.load %arg3[%swap3A_1658, %swap3A_1659] : memref<27200x128xf32, #tpu.memory_space<vmem>>, vector<136x128xf32>
    tpu.vector_store %arg3[%swap3A_1658, %swap3A_1659], %add3A_1657 {strides = array<i32>} : memref<27200x128xf32, #tpu.memory_space<vmem>>, vector<136x128xf32>,
    %get3A_1661 = arith.constant 166 : index
    %get3A_1662 = arith.constant 0 : index
    %get3A_1663 = arith.constant 0 : index
    %get3A_1664 = vector.load %arg2[%get3A_1661, %get3A_1662, %get3A_1663] : memref<200x1x128xf32, #tpu.memory_space<vmem>>, vector<1x1x128xf32>
    %get3A_1665 = vector.shape_cast %get3A_1664 : vector<1x1x128xf32> to vector<1x128xf32>
    %add3A_1666 = vector.broadcast %get3A_1665 : vector<1x128xf32> to vector<136x128xf32>
    %add3A_1667 = arith.addf %concatenate3A, %add3A_1666 : vector<136x128xf32>
    %swap3A_1668 = arith.constant 22576 : index
    %swap3A_1669 = arith.constant 0 : index
    %swap3A_1670 = vector.load %arg3[%swap3A_1668, %swap3A_1669] : memref<27200x128xf32, #tpu.memory_space<vmem>>, vector<136x128xf32>
    tpu.vector_store %arg3[%swap3A_1668, %swap3A_1669], %add3A_1667 {strides = array<i32>} : memref<27200x128xf32, #tpu.memory_space<vmem>>, vector<136x128xf32>,
    %get3A_1671 = arith.constant 167 : index
    %get3A_1672 = arith.constant 0 : index
    %get3A_1673 = arith.constant 0 : index
    %get3A_1674 = vector.load %arg2[%get3A_1671, %get3A_1672, %get3A_1673] : memref<200x1x128xf32, #tpu.memory_space<vmem>>, vector<1x1x128xf32>
    %get3A_1675 = vector.shape_cast %get3A_1674 : vector<1x1x128xf32> to vector<1x128xf32>
    %add3A_1676 = vector.broadcast %get3A_1675 : vector<1x128xf32> to vector<136x128xf32>
    %add3A_1677 = arith.addf %concatenate3A, %add3A_1676 : vector<136x128xf32>
    %swap3A_1678 = arith.constant 22712 : index
    %swap3A_1679 = arith.constant 0 : index
    %swap3A_1680 = vector.load %arg3[%swap3A_1678, %swap3A_1679] : memref<27200x128xf32, #tpu.memory_space<vmem>>, vector<136x128xf32>
    tpu.vector_store %arg3[%swap3A_1678, %swap3A_1679], %add3A_1677 {strides = array<i32>} : memref<27200x128xf32, #tpu.memory_space<vmem>>, vector<136x128xf32>,
    %get3A_1681 = arith.constant 168 : index
    %get3A_1682 = arith.constant 0 : index
    %get3A_1683 = arith.constant 0 : index
    %get3A_1684 = vector.load %arg2[%get3A_1681, %get3A_1682, %get3A_1683] : memref<200x1x128xf32, #tpu.memory_space<vmem>>, vector<1x1x128xf32>
    %get3A_1685 = vector.shape_cast %get3A_1684 : vector<1x1x128xf32> to vector<1x128xf32>
    %add3A_1686 = vector.broadcast %get3A_1685 : vector<1x128xf32> to vector<136x128xf32>
    %add3A_1687 = arith.addf %concatenate3A, %add3A_1686 : vector<136x128xf32>
    %swap3A_1688 = arith.constant 22848 : index
    %swap3A_1689 = arith.constant 0 : index
    %swap3A_1690 = vector.load %arg3[%swap3A_1688, %swap3A_1689] : memref<27200x128xf32, #tpu.memory_space<vmem>>, vector<136x128xf32>
    tpu.vector_store %arg3[%swap3A_1688, %swap3A_1689], %add3A_1687 {strides = array<i32>} : memref<27200x128xf32, #tpu.memory_space<vmem>>, vector<136x128xf32>,
    %get3A_1691 = arith.constant 169 : index
    %get3A_1692 = arith.constant 0 : index
    %get3A_1693 = arith.constant 0 : index
    %get3A_1694 = vector.load %arg2[%get3A_1691, %get3A_1692, %get3A_1693] : memref<200x1x128xf32, #tpu.memory_space<vmem>>, vector<1x1x128xf32>
    %get3A_1695 = vector.shape_cast %get3A_1694 : vector<1x1x128xf32> to vector<1x128xf32>
    %add3A_1696 = vector.broadcast %get3A_1695 : vector<1x128xf32> to vector<136x128xf32>
    %add3A_1697 = arith.addf %concatenate3A, %add3A_1696 : vector<136x128xf32>
    %swap3A_1698 = arith.constant 22984 : index
    %swap3A_1699 = arith.constant 0 : index
    %swap3A_1700 = vector.load %arg3[%swap3A_1698, %swap3A_1699] : memref<27200x128xf32, #tpu.memory_space<vmem>>, vector<136x128xf32>
    tpu.vector_store %arg3[%swap3A_1698, %swap3A_1699], %add3A_1697 {strides = array<i32>} : memref<27200x128xf32, #tpu.memory_space<vmem>>, vector<136x128xf32>,
    %get3A_1701 = arith.constant 170 : index
    %get3A_1702 = arith.constant 0 : index
    %get3A_1703 = arith.constant 0 : index
    %get3A_1704 = vector.load %arg2[%get3A_1701, %get3A_1702, %get3A_1703] : memref<200x1x128xf32, #tpu.memory_space<vmem>>, vector<1x1x128xf32>
    %get3A_1705 = vector.shape_cast %get3A_1704 : vector<1x1x128xf32> to vector<1x128xf32>
    %add3A_1706 = vector.broadcast %get3A_1705 : vector<1x128xf32> to vector<136x128xf32>
    %add3A_1707 = arith.addf %concatenate3A, %add3A_1706 : vector<136x128xf32>
    %swap3A_1708 = arith.constant 23120 : index
    %swap3A_1709 = arith.constant 0 : index
    %swap3A_1710 = vector.load %arg3[%swap3A_1708, %swap3A_1709] : memref<27200x128xf32, #tpu.memory_space<vmem>>, vector<136x128xf32>
    tpu.vector_store %arg3[%swap3A_1708, %swap3A_1709], %add3A_1707 {strides = array<i32>} : memref<27200x128xf32, #tpu.memory_space<vmem>>, vector<136x128xf32>,
    %get3A_1711 = arith.constant 171 : index
    %get3A_1712 = arith.constant 0 : index
    %get3A_1713 = arith.constant 0 : index
    %get3A_1714 = vector.load %arg2[%get3A_1711, %get3A_1712, %get3A_1713] : memref<200x1x128xf32, #tpu.memory_space<vmem>>, vector<1x1x128xf32>
    %get3A_1715 = vector.shape_cast %get3A_1714 : vector<1x1x128xf32> to vector<1x128xf32>
    %add3A_1716 = vector.broadcast %get3A_1715 : vector<1x128xf32> to vector<136x128xf32>
    %add3A_1717 = arith.addf %concatenate3A, %add3A_1716 : vector<136x128xf32>
    %swap3A_1718 = arith.constant 23256 : index
    %swap3A_1719 = arith.constant 0 : index
    %swap3A_1720 = vector.load %arg3[%swap3A_1718, %swap3A_1719] : memref<27200x128xf32, #tpu.memory_space<vmem>>, vector<136x128xf32>
    tpu.vector_store %arg3[%swap3A_1718, %swap3A_1719], %add3A_1717 {strides = array<i32>} : memref<27200x128xf32, #tpu.memory_space<vmem>>, vector<136x128xf32>,
    %get3A_1721 = arith.constant 172 : index
    %get3A_1722 = arith.constant 0 : index
    %get3A_1723 = arith.constant 0 : index
    %get3A_1724 = vector.load %arg2[%get3A_1721, %get3A_1722, %get3A_1723] : memref<200x1x128xf32, #tpu.memory_space<vmem>>, vector<1x1x128xf32>
    %get3A_1725 = vector.shape_cast %get3A_1724 : vector<1x1x128xf32> to vector<1x128xf32>
    %add3A_1726 = vector.broadcast %get3A_1725 : vector<1x128xf32> to vector<136x128xf32>
    %add3A_1727 = arith.addf %concatenate3A, %add3A_1726 : vector<136x128xf32>
    %swap3A_1728 = arith.constant 23392 : index
    %swap3A_1729 = arith.constant 0 : index
    %swap3A_1730 = vector.load %arg3[%swap3A_1728, %swap3A_1729] : memref<27200x128xf32, #tpu.memory_space<vmem>>, vector<136x128xf32>
    tpu.vector_store %arg3[%swap3A_1728, %swap3A_1729], %add3A_1727 {strides = array<i32>} : memref<27200x128xf32, #tpu.memory_space<vmem>>, vector<136x128xf32>,
    %get3A_1731 = arith.constant 173 : index
    %get3A_1732 = arith.constant 0 : index
    %get3A_1733 = arith.constant 0 : index
    %get3A_1734 = vector.load %arg2[%get3A_1731, %get3A_1732, %get3A_1733] : memref<200x1x128xf32, #tpu.memory_space<vmem>>, vector<1x1x128xf32>
    %get3A_1735 = vector.shape_cast %get3A_1734 : vector<1x1x128xf32> to vector<1x128xf32>
    %add3A_1736 = vector.broadcast %get3A_1735 : vector<1x128xf32> to vector<136x128xf32>
    %add3A_1737 = arith.addf %concatenate3A, %add3A_1736 : vector<136x128xf32>
    %swap3A_1738 = arith.constant 23528 : index
    %swap3A_1739 = arith.constant 0 : index
    %swap3A_1740 = vector.load %arg3[%swap3A_1738, %swap3A_1739] : memref<27200x128xf32, #tpu.memory_space<vmem>>, vector<136x128xf32>
    tpu.vector_store %arg3[%swap3A_1738, %swap3A_1739], %add3A_1737 {strides = array<i32>} : memref<27200x128xf32, #tpu.memory_space<vmem>>, vector<136x128xf32>,
    %get3A_1741 = arith.constant 174 : index
    %get3A_1742 = arith.constant 0 : index
    %get3A_1743 = arith.constant 0 : index
    %get3A_1744 = vector.load %arg2[%get3A_1741, %get3A_1742, %get3A_1743] : memref<200x1x128xf32, #tpu.memory_space<vmem>>, vector<1x1x128xf32>
    %get3A_1745 = vector.shape_cast %get3A_1744 : vector<1x1x128xf32> to vector<1x128xf32>
    %add3A_1746 = vector.broadcast %get3A_1745 : vector<1x128xf32> to vector<136x128xf32>
    %add3A_1747 = arith.addf %concatenate3A, %add3A_1746 : vector<136x128xf32>
    %swap3A_1748 = arith.constant 23664 : index
    %swap3A_1749 = arith.constant 0 : index
    %swap3A_1750 = vector.load %arg3[%swap3A_1748, %swap3A_1749] : memref<27200x128xf32, #tpu.memory_space<vmem>>, vector<136x128xf32>
    tpu.vector_store %arg3[%swap3A_1748, %swap3A_1749], %add3A_1747 {strides = array<i32>} : memref<27200x128xf32, #tpu.memory_space<vmem>>, vector<136x128xf32>,
    %get3A_1751 = arith.constant 175 : index
    %get3A_1752 = arith.constant 0 : index
    %get3A_1753 = arith.constant 0 : index
    %get3A_1754 = vector.load %arg2[%get3A_1751, %get3A_1752, %get3A_1753] : memref<200x1x128xf32, #tpu.memory_space<vmem>>, vector<1x1x128xf32>
    %get3A_1755 = vector.shape_cast %get3A_1754 : vector<1x1x128xf32> to vector<1x128xf32>
    %add3A_1756 = vector.broadcast %get3A_1755 : vector<1x128xf32> to vector<136x128xf32>
    %add3A_1757 = arith.addf %concatenate3A, %add3A_1756 : vector<136x128xf32>
    %swap3A_1758 = arith.constant 23800 : index
    %swap3A_1759 = arith.constant 0 : index
    %swap3A_1760 = vector.load %arg3[%swap3A_1758, %swap3A_1759] : memref<27200x128xf32, #tpu.memory_space<vmem>>, vector<136x128xf32>
    tpu.vector_store %arg3[%swap3A_1758, %swap3A_1759], %add3A_1757 {strides = array<i32>} : memref<27200x128xf32, #tpu.memory_space<vmem>>, vector<136x128xf32>,
    %get3A_1761 = arith.constant 176 : index
    %get3A_1762 = arith.constant 0 : index
    %get3A_1763 = arith.constant 0 : index
    %get3A_1764 = vector.load %arg2[%get3A_1761, %get3A_1762, %get3A_1763] : memref<200x1x128xf32, #tpu.memory_space<vmem>>, vector<1x1x128xf32>
    %get3A_1765 = vector.shape_cast %get3A_1764 : vector<1x1x128xf32> to vector<1x128xf32>
    %add3A_1766 = vector.broadcast %get3A_1765 : vector<1x128xf32> to vector<136x128xf32>
    %add3A_1767 = arith.addf %concatenate3A, %add3A_1766 : vector<136x128xf32>
    %swap3A_1768 = arith.constant 23936 : index
    %swap3A_1769 = arith.constant 0 : index
    %swap3A_1770 = vector.load %arg3[%swap3A_1768, %swap3A_1769] : memref<27200x128xf32, #tpu.memory_space<vmem>>, vector<136x128xf32>
    tpu.vector_store %arg3[%swap3A_1768, %swap3A_1769], %add3A_1767 {strides = array<i32>} : memref<27200x128xf32, #tpu.memory_space<vmem>>, vector<136x128xf32>,
    %get3A_1771 = arith.constant 177 : index
    %get3A_1772 = arith.constant 0 : index
    %get3A_1773 = arith.constant 0 : index
    %get3A_1774 = vector.load %arg2[%get3A_1771, %get3A_1772, %get3A_1773] : memref<200x1x128xf32, #tpu.memory_space<vmem>>, vector<1x1x128xf32>
    %get3A_1775 = vector.shape_cast %get3A_1774 : vector<1x1x128xf32> to vector<1x128xf32>
    %add3A_1776 = vector.broadcast %get3A_1775 : vector<1x128xf32> to vector<136x128xf32>
    %add3A_1777 = arith.addf %concatenate3A, %add3A_1776 : vector<136x128xf32>
    %swap3A_1778 = arith.constant 24072 : index
    %swap3A_1779 = arith.constant 0 : index
    %swap3A_1780 = vector.load %arg3[%swap3A_1778, %swap3A_1779] : memref<27200x128xf32, #tpu.memory_space<vmem>>, vector<136x128xf32>
    tpu.vector_store %arg3[%swap3A_1778, %swap3A_1779], %add3A_1777 {strides = array<i32>} : memref<27200x128xf32, #tpu.memory_space<vmem>>, vector<136x128xf32>,
    %get3A_1781 = arith.constant 178 : index
    %get3A_1782 = arith.constant 0 : index
    %get3A_1783 = arith.constant 0 : index
    %get3A_1784 = vector.load %arg2[%get3A_1781, %get3A_1782, %get3A_1783] : memref<200x1x128xf32, #tpu.memory_space<vmem>>, vector<1x1x128xf32>
    %get3A_1785 = vector.shape_cast %get3A_1784 : vector<1x1x128xf32> to vector<1x128xf32>
    %add3A_1786 = vector.broadcast %get3A_1785 : vector<1x128xf32> to vector<136x128xf32>
    %add3A_1787 = arith.addf %concatenate3A, %add3A_1786 : vector<136x128xf32>
    %swap3A_1788 = arith.constant 24208 : index
    %swap3A_1789 = arith.constant 0 : index
    %swap3A_1790 = vector.load %arg3[%swap3A_1788, %swap3A_1789] : memref<27200x128xf32, #tpu.memory_space<vmem>>, vector<136x128xf32>
    tpu.vector_store %arg3[%swap3A_1788, %swap3A_1789], %add3A_1787 {strides = array<i32>} : memref<27200x128xf32, #tpu.memory_space<vmem>>, vector<136x128xf32>,
    %get3A_1791 = arith.constant 179 : index
    %get3A_1792 = arith.constant 0 : index
    %get3A_1793 = arith.constant 0 : index
    %get3A_1794 = vector.load %arg2[%get3A_1791, %get3A_1792, %get3A_1793] : memref<200x1x128xf32, #tpu.memory_space<vmem>>, vector<1x1x128xf32>
    %get3A_1795 = vector.shape_cast %get3A_1794 : vector<1x1x128xf32> to vector<1x128xf32>
    %add3A_1796 = vector.broadcast %get3A_1795 : vector<1x128xf32> to vector<136x128xf32>
    %add3A_1797 = arith.addf %concatenate3A, %add3A_1796 : vector<136x128xf32>
    %swap3A_1798 = arith.constant 24344 : index
    %swap3A_1799 = arith.constant 0 : index
    %swap3A_1800 = vector.load %arg3[%swap3A_1798, %swap3A_1799] : memref<27200x128xf32, #tpu.memory_space<vmem>>, vector<136x128xf32>
    tpu.vector_store %arg3[%swap3A_1798, %swap3A_1799], %add3A_1797 {strides = array<i32>} : memref<27200x128xf32, #tpu.memory_space<vmem>>, vector<136x128xf32>,
    %get3A_1801 = arith.constant 180 : index
    %get3A_1802 = arith.constant 0 : index
    %get3A_1803 = arith.constant 0 : index
    %get3A_1804 = vector.load %arg2[%get3A_1801, %get3A_1802, %get3A_1803] : memref<200x1x128xf32, #tpu.memory_space<vmem>>, vector<1x1x128xf32>
    %get3A_1805 = vector.shape_cast %get3A_1804 : vector<1x1x128xf32> to vector<1x128xf32>
    %add3A_1806 = vector.broadcast %get3A_1805 : vector<1x128xf32> to vector<136x128xf32>
    %add3A_1807 = arith.addf %concatenate3A, %add3A_1806 : vector<136x128xf32>
    %swap3A_1808 = arith.constant 24480 : index
    %swap3A_1809 = arith.constant 0 : index
    %swap3A_1810 = vector.load %arg3[%swap3A_1808, %swap3A_1809] : memref<27200x128xf32, #tpu.memory_space<vmem>>, vector<136x128xf32>
    tpu.vector_store %arg3[%swap3A_1808, %swap3A_1809], %add3A_1807 {strides = array<i32>} : memref<27200x128xf32, #tpu.memory_space<vmem>>, vector<136x128xf32>,
    %get3A_1811 = arith.constant 181 : index
    %get3A_1812 = arith.constant 0 : index
    %get3A_1813 = arith.constant 0 : index
    %get3A_1814 = vector.load %arg2[%get3A_1811, %get3A_1812, %get3A_1813] : memref<200x1x128xf32, #tpu.memory_space<vmem>>, vector<1x1x128xf32>
    %get3A_1815 = vector.shape_cast %get3A_1814 : vector<1x1x128xf32> to vector<1x128xf32>
    %add3A_1816 = vector.broadcast %get3A_1815 : vector<1x128xf32> to vector<136x128xf32>
    %add3A_1817 = arith.addf %concatenate3A, %add3A_1816 : vector<136x128xf32>
    %swap3A_1818 = arith.constant 24616 : index
    %swap3A_1819 = arith.constant 0 : index
    %swap3A_1820 = vector.load %arg3[%swap3A_1818, %swap3A_1819] : memref<27200x128xf32, #tpu.memory_space<vmem>>, vector<136x128xf32>
    tpu.vector_store %arg3[%swap3A_1818, %swap3A_1819], %add3A_1817 {strides = array<i32>} : memref<27200x128xf32, #tpu.memory_space<vmem>>, vector<136x128xf32>,
    %get3A_1821 = arith.constant 182 : index
    %get3A_1822 = arith.constant 0 : index
    %get3A_1823 = arith.constant 0 : index
    %get3A_1824 = vector.load %arg2[%get3A_1821, %get3A_1822, %get3A_1823] : memref<200x1x128xf32, #tpu.memory_space<vmem>>, vector<1x1x128xf32>
    %get3A_1825 = vector.shape_cast %get3A_1824 : vector<1x1x128xf32> to vector<1x128xf32>
    %add3A_1826 = vector.broadcast %get3A_1825 : vector<1x128xf32> to vector<136x128xf32>
    %add3A_1827 = arith.addf %concatenate3A, %add3A_1826 : vector<136x128xf32>
    %swap3A_1828 = arith.constant 24752 : index
    %swap3A_1829 = arith.constant 0 : index
    %swap3A_1830 = vector.load %arg3[%swap3A_1828, %swap3A_1829] : memref<27200x128xf32, #tpu.memory_space<vmem>>, vector<136x128xf32>
    tpu.vector_store %arg3[%swap3A_1828, %swap3A_1829], %add3A_1827 {strides = array<i32>} : memref<27200x128xf32, #tpu.memory_space<vmem>>, vector<136x128xf32>,
    %get3A_1831 = arith.constant 183 : index
    %get3A_1832 = arith.constant 0 : index
    %get3A_1833 = arith.constant 0 : index
    %get3A_1834 = vector.load %arg2[%get3A_1831, %get3A_1832, %get3A_1833] : memref<200x1x128xf32, #tpu.memory_space<vmem>>, vector<1x1x128xf32>
    %get3A_1835 = vector.shape_cast %get3A_1834 : vector<1x1x128xf32> to vector<1x128xf32>
    %add3A_1836 = vector.broadcast %get3A_1835 : vector<1x128xf32> to vector<136x128xf32>
    %add3A_1837 = arith.addf %concatenate3A, %add3A_1836 : vector<136x128xf32>
    %swap3A_1838 = arith.constant 24888 : index
    %swap3A_1839 = arith.constant 0 : index
    %swap3A_1840 = vector.load %arg3[%swap3A_1838, %swap3A_1839] : memref<27200x128xf32, #tpu.memory_space<vmem>>, vector<136x128xf32>
    tpu.vector_store %arg3[%swap3A_1838, %swap3A_1839], %add3A_1837 {strides = array<i32>} : memref<27200x128xf32, #tpu.memory_space<vmem>>, vector<136x128xf32>,
    %get3A_1841 = arith.constant 184 : index
    %get3A_1842 = arith.constant 0 : index
    %get3A_1843 = arith.constant 0 : index
    %get3A_1844 = vector.load %arg2[%get3A_1841, %get3A_1842, %get3A_1843] : memref<200x1x128xf32, #tpu.memory_space<vmem>>, vector<1x1x128xf32>
    %get3A_1845 = vector.shape_cast %get3A_1844 : vector<1x1x128xf32> to vector<1x128xf32>
    %add3A_1846 = vector.broadcast %get3A_1845 : vector<1x128xf32> to vector<136x128xf32>
    %add3A_1847 = arith.addf %concatenate3A, %add3A_1846 : vector<136x128xf32>
    %swap3A_1848 = arith.constant 25024 : index
    %swap3A_1849 = arith.constant 0 : index
    %swap3A_1850 = vector.load %arg3[%swap3A_1848, %swap3A_1849] : memref<27200x128xf32, #tpu.memory_space<vmem>>, vector<136x128xf32>
    tpu.vector_store %arg3[%swap3A_1848, %swap3A_1849], %add3A_1847 {strides = array<i32>} : memref<27200x128xf32, #tpu.memory_space<vmem>>, vector<136x128xf32>,
    %get3A_1851 = arith.constant 185 : index
    %get3A_1852 = arith.constant 0 : index
    %get3A_1853 = arith.constant 0 : index
    %get3A_1854 = vector.load %arg2[%get3A_1851, %get3A_1852, %get3A_1853] : memref<200x1x128xf32, #tpu.memory_space<vmem>>, vector<1x1x128xf32>
    %get3A_1855 = vector.shape_cast %get3A_1854 : vector<1x1x128xf32> to vector<1x128xf32>
    %add3A_1856 = vector.broadcast %get3A_1855 : vector<1x128xf32> to vector<136x128xf32>
    %add3A_1857 = arith.addf %concatenate3A, %add3A_1856 : vector<136x128xf32>
    %swap3A_1858 = arith.constant 25160 : index
    %swap3A_1859 = arith.constant 0 : index
    %swap3A_1860 = vector.load %arg3[%swap3A_1858, %swap3A_1859] : memref<27200x128xf32, #tpu.memory_space<vmem>>, vector<136x128xf32>
    tpu.vector_store %arg3[%swap3A_1858, %swap3A_1859], %add3A_1857 {strides = array<i32>} : memref<27200x128xf32, #tpu.memory_space<vmem>>, vector<136x128xf32>,
    %get3A_1861 = arith.constant 186 : index
    %get3A_1862 = arith.constant 0 : index
    %get3A_1863 = arith.constant 0 : index
    %get3A_1864 = vector.load %arg2[%get3A_1861, %get3A_1862, %get3A_1863] : memref<200x1x128xf32, #tpu.memory_space<vmem>>, vector<1x1x128xf32>
    %get3A_1865 = vector.shape_cast %get3A_1864 : vector<1x1x128xf32> to vector<1x128xf32>
    %add3A_1866 = vector.broadcast %get3A_1865 : vector<1x128xf32> to vector<136x128xf32>
    %add3A_1867 = arith.addf %concatenate3A, %add3A_1866 : vector<136x128xf32>
    %swap3A_1868 = arith.constant 25296 : index
    %swap3A_1869 = arith.constant 0 : index
    %swap3A_1870 = vector.load %arg3[%swap3A_1868, %swap3A_1869] : memref<27200x128xf32, #tpu.memory_space<vmem>>, vector<136x128xf32>
    tpu.vector_store %arg3[%swap3A_1868, %swap3A_1869], %add3A_1867 {strides = array<i32>} : memref<27200x128xf32, #tpu.memory_space<vmem>>, vector<136x128xf32>,
    %get3A_1871 = arith.constant 187 : index
    %get3A_1872 = arith.constant 0 : index
    %get3A_1873 = arith.constant 0 : index
    %get3A_1874 = vector.load %arg2[%get3A_1871, %get3A_1872, %get3A_1873] : memref<200x1x128xf32, #tpu.memory_space<vmem>>, vector<1x1x128xf32>
    %get3A_1875 = vector.shape_cast %get3A_1874 : vector<1x1x128xf32> to vector<1x128xf32>
    %add3A_1876 = vector.broadcast %get3A_1875 : vector<1x128xf32> to vector<136x128xf32>
    %add3A_1877 = arith.addf %concatenate3A, %add3A_1876 : vector<136x128xf32>
    %swap3A_1878 = arith.constant 25432 : index
    %swap3A_1879 = arith.constant 0 : index
    %swap3A_1880 = vector.load %arg3[%swap3A_1878, %swap3A_1879] : memref<27200x128xf32, #tpu.memory_space<vmem>>, vector<136x128xf32>
    tpu.vector_store %arg3[%swap3A_1878, %swap3A_1879], %add3A_1877 {strides = array<i32>} : memref<27200x128xf32, #tpu.memory_space<vmem>>, vector<136x128xf32>,
    %get3A_1881 = arith.constant 188 : index
    %get3A_1882 = arith.constant 0 : index
    %get3A_1883 = arith.constant 0 : index
    %get3A_1884 = vector.load %arg2[%get3A_1881, %get3A_1882, %get3A_1883] : memref<200x1x128xf32, #tpu.memory_space<vmem>>, vector<1x1x128xf32>
    %get3A_1885 = vector.shape_cast %get3A_1884 : vector<1x1x128xf32> to vector<1x128xf32>
    %add3A_1886 = vector.broadcast %get3A_1885 : vector<1x128xf32> to vector<136x128xf32>
    %add3A_1887 = arith.addf %concatenate3A, %add3A_1886 : vector<136x128xf32>
    %swap3A_1888 = arith.constant 25568 : index
    %swap3A_1889 = arith.constant 0 : index
    %swap3A_1890 = vector.load %arg3[%swap3A_1888, %swap3A_1889] : memref<27200x128xf32, #tpu.memory_space<vmem>>, vector<136x128xf32>
    tpu.vector_store %arg3[%swap3A_1888, %swap3A_1889], %add3A_1887 {strides = array<i32>} : memref<27200x128xf32, #tpu.memory_space<vmem>>, vector<136x128xf32>,
    %get3A_1891 = arith.constant 189 : index
    %get3A_1892 = arith.constant 0 : index
    %get3A_1893 = arith.constant 0 : index
    %get3A_1894 = vector.load %arg2[%get3A_1891, %get3A_1892, %get3A_1893] : memref<200x1x128xf32, #tpu.memory_space<vmem>>, vector<1x1x128xf32>
    %get3A_1895 = vector.shape_cast %get3A_1894 : vector<1x1x128xf32> to vector<1x128xf32>
    %add3A_1896 = vector.broadcast %get3A_1895 : vector<1x128xf32> to vector<136x128xf32>
    %add3A_1897 = arith.addf %concatenate3A, %add3A_1896 : vector<136x128xf32>
    %swap3A_1898 = arith.constant 25704 : index
    %swap3A_1899 = arith.constant 0 : index
    %swap3A_1900 = vector.load %arg3[%swap3A_1898, %swap3A_1899] : memref<27200x128xf32, #tpu.memory_space<vmem>>, vector<136x128xf32>
    tpu.vector_store %arg3[%swap3A_1898, %swap3A_1899], %add3A_1897 {strides = array<i32>} : memref<27200x128xf32, #tpu.memory_space<vmem>>, vector<136x128xf32>,
    %get3A_1901 = arith.constant 190 : index
    %get3A_1902 = arith.constant 0 : index
    %get3A_1903 = arith.constant 0 : index
    %get3A_1904 = vector.load %arg2[%get3A_1901, %get3A_1902, %get3A_1903] : memref<200x1x128xf32, #tpu.memory_space<vmem>>, vector<1x1x128xf32>
    %get3A_1905 = vector.shape_cast %get3A_1904 : vector<1x1x128xf32> to vector<1x128xf32>
    %add3A_1906 = vector.broadcast %get3A_1905 : vector<1x128xf32> to vector<136x128xf32>
    %add3A_1907 = arith.addf %concatenate3A, %add3A_1906 : vector<136x128xf32>
    %swap3A_1908 = arith.constant 25840 : index
    %swap3A_1909 = arith.constant 0 : index
    %swap3A_1910 = vector.load %arg3[%swap3A_1908, %swap3A_1909] : memref<27200x128xf32, #tpu.memory_space<vmem>>, vector<136x128xf32>
    tpu.vector_store %arg3[%swap3A_1908, %swap3A_1909], %add3A_1907 {strides = array<i32>} : memref<27200x128xf32, #tpu.memory_space<vmem>>, vector<136x128xf32>,
    %get3A_1911 = arith.constant 191 : index
    %get3A_1912 = arith.constant 0 : index
    %get3A_1913 = arith.constant 0 : index
    %get3A_1914 = vector.load %arg2[%get3A_1911, %get3A_1912, %get3A_1913] : memref<200x1x128xf32, #tpu.memory_space<vmem>>, vector<1x1x128xf32>
    %get3A_1915 = vector.shape_cast %get3A_1914 : vector<1x1x128xf32> to vector<1x128xf32>
    %add3A_1916 = vector.broadcast %get3A_1915 : vector<1x128xf32> to vector<136x128xf32>
    %add3A_1917 = arith.addf %concatenate3A, %add3A_1916 : vector<136x128xf32>
    %swap3A_1918 = arith.constant 25976 : index
    %swap3A_1919 = arith.constant 0 : index
    %swap3A_1920 = vector.load %arg3[%swap3A_1918, %swap3A_1919] : memref<27200x128xf32, #tpu.memory_space<vmem>>, vector<136x128xf32>
    tpu.vector_store %arg3[%swap3A_1918, %swap3A_1919], %add3A_1917 {strides = array<i32>} : memref<27200x128xf32, #tpu.memory_space<vmem>>, vector<136x128xf32>,
    %get3A_1921 = arith.constant 192 : index
    %get3A_1922 = arith.constant 0 : index
    %get3A_1923 = arith.constant 0 : index
    %get3A_1924 = vector.load %arg2[%get3A_1921, %get3A_1922, %get3A_1923] : memref<200x1x128xf32, #tpu.memory_space<vmem>>, vector<1x1x128xf32>
    %get3A_1925 = vector.shape_cast %get3A_1924 : vector<1x1x128xf32> to vector<1x128xf32>
    %add3A_1926 = vector.broadcast %get3A_1925 : vector<1x128xf32> to vector<136x128xf32>
    %add3A_1927 = arith.addf %concatenate3A, %add3A_1926 : vector<136x128xf32>
    %swap3A_1928 = arith.constant 26112 : index
    %swap3A_1929 = arith.constant 0 : index
    %swap3A_1930 = vector.load %arg3[%swap3A_1928, %swap3A_1929] : memref<27200x128xf32, #tpu.memory_space<vmem>>, vector<136x128xf32>
    tpu.vector_store %arg3[%swap3A_1928, %swap3A_1929], %add3A_1927 {strides = array<i32>} : memref<27200x128xf32, #tpu.memory_space<vmem>>, vector<136x128xf32>,
    %get3A_1931 = arith.constant 193 : index
    %get3A_1932 = arith.constant 0 : index
    %get3A_1933 = arith.constant 0 : index
    %get3A_1934 = vector.load %arg2[%get3A_1931, %get3A_1932, %get3A_1933] : memref<200x1x128xf32, #tpu.memory_space<vmem>>, vector<1x1x128xf32>
    %get3A_1935 = vector.shape_cast %get3A_1934 : vector<1x1x128xf32> to vector<1x128xf32>
    %add3A_1936 = vector.broadcast %get3A_1935 : vector<1x128xf32> to vector<136x128xf32>
    %add3A_1937 = arith.addf %concatenate3A, %add3A_1936 : vector<136x128xf32>
    %swap3A_1938 = arith.constant 26248 : index
    %swap3A_1939 = arith.constant 0 : index
    %swap3A_1940 = vector.load %arg3[%swap3A_1938, %swap3A_1939] : memref<27200x128xf32, #tpu.memory_space<vmem>>, vector<136x128xf32>
    tpu.vector_store %arg3[%swap3A_1938, %swap3A_1939], %add3A_1937 {strides = array<i32>} : memref<27200x128xf32, #tpu.memory_space<vmem>>, vector<136x128xf32>,
    %get3A_1941 = arith.constant 194 : index
    %get3A_1942 = arith.constant 0 : index
    %get3A_1943 = arith.constant 0 : index
    %get3A_1944 = vector.load %arg2[%get3A_1941, %get3A_1942, %get3A_1943] : memref<200x1x128xf32, #tpu.memory_space<vmem>>, vector<1x1x128xf32>
    %get3A_1945 = vector.shape_cast %get3A_1944 : vector<1x1x128xf32> to vector<1x128xf32>
    %add3A_1946 = vector.broadcast %get3A_1945 : vector<1x128xf32> to vector<136x128xf32>
    %add3A_1947 = arith.addf %concatenate3A, %add3A_1946 : vector<136x128xf32>
    %swap3A_1948 = arith.constant 26384 : index
    %swap3A_1949 = arith.constant 0 : index
    %swap3A_1950 = vector.load %arg3[%swap3A_1948, %swap3A_1949] : memref<27200x128xf32, #tpu.memory_space<vmem>>, vector<136x128xf32>
    tpu.vector_store %arg3[%swap3A_1948, %swap3A_1949], %add3A_1947 {strides = array<i32>} : memref<27200x128xf32, #tpu.memory_space<vmem>>, vector<136x128xf32>,
    %get3A_1951 = arith.constant 195 : index
    %get3A_1952 = arith.constant 0 : index
    %get3A_1953 = arith.constant 0 : index
    %get3A_1954 = vector.load %arg2[%get3A_1951, %get3A_1952, %get3A_1953] : memref<200x1x128xf32, #tpu.memory_space<vmem>>, vector<1x1x128xf32>
    %get3A_1955 = vector.shape_cast %get3A_1954 : vector<1x1x128xf32> to vector<1x128xf32>
    %add3A_1956 = vector.broadcast %get3A_1955 : vector<1x128xf32> to vector<136x128xf32>
    %add3A_1957 = arith.addf %concatenate3A, %add3A_1956 : vector<136x128xf32>
    %swap3A_1958 = arith.constant 26520 : index
    %swap3A_1959 = arith.constant 0 : index
    %swap3A_1960 = vector.load %arg3[%swap3A_1958, %swap3A_1959] : memref<27200x128xf32, #tpu.memory_space<vmem>>, vector<136x128xf32>
    tpu.vector_store %arg3[%swap3A_1958, %swap3A_1959], %add3A_1957 {strides = array<i32>} : memref<27200x128xf32, #tpu.memory_space<vmem>>, vector<136x128xf32>,
    %get3A_1961 = arith.constant 196 : index
    %get3A_1962 = arith.constant 0 : index
    %get3A_1963 = arith.constant 0 : index
    %get3A_1964 = vector.load %arg2[%get3A_1961, %get3A_1962, %get3A_1963] : memref<200x1x128xf32, #tpu.memory_space<vmem>>, vector<1x1x128xf32>
    %get3A_1965 = vector.shape_cast %get3A_1964 : vector<1x1x128xf32> to vector<1x128xf32>
    %add3A_1966 = vector.broadcast %get3A_1965 : vector<1x128xf32> to vector<136x128xf32>
    %add3A_1967 = arith.addf %concatenate3A, %add3A_1966 : vector<136x128xf32>
    %swap3A_1968 = arith.constant 26656 : index
    %swap3A_1969 = arith.constant 0 : index
    %swap3A_1970 = vector.load %arg3[%swap3A_1968, %swap3A_1969] : memref<27200x128xf32, #tpu.memory_space<vmem>>, vector<136x128xf32>
    tpu.vector_store %arg3[%swap3A_1968, %swap3A_1969], %add3A_1967 {strides = array<i32>} : memref<27200x128xf32, #tpu.memory_space<vmem>>, vector<136x128xf32>,
    %get3A_1971 = arith.constant 197 : index
    %get3A_1972 = arith.constant 0 : index
    %get3A_1973 = arith.constant 0 : index
    %get3A_1974 = vector.load %arg2[%get3A_1971, %get3A_1972, %get3A_1973] : memref<200x1x128xf32, #tpu.memory_space<vmem>>, vector<1x1x128xf32>
    %get3A_1975 = vector.shape_cast %get3A_1974 : vector<1x1x128xf32> to vector<1x128xf32>
    %add3A_1976 = vector.broadcast %get3A_1975 : vector<1x128xf32> to vector<136x128xf32>
    %add3A_1977 = arith.addf %concatenate3A, %add3A_1976 : vector<136x128xf32>
    %swap3A_1978 = arith.constant 26792 : index
    %swap3A_1979 = arith.constant 0 : index
    %swap3A_1980 = vector.load %arg3[%swap3A_1978, %swap3A_1979] : memref<27200x128xf32, #tpu.memory_space<vmem>>, vector<136x128xf32>
    tpu.vector_store %arg3[%swap3A_1978, %swap3A_1979], %add3A_1977 {strides = array<i32>} : memref<27200x128xf32, #tpu.memory_space<vmem>>, vector<136x128xf32>,
    %get3A_1981 = arith.constant 198 : index
    %get3A_1982 = arith.constant 0 : index
    %get3A_1983 = arith.constant 0 : index
    %get3A_1984 = vector.load %arg2[%get3A_1981, %get3A_1982, %get3A_1983] : memref<200x1x128xf32, #tpu.memory_space<vmem>>, vector<1x1x128xf32>
    %get3A_1985 = vector.shape_cast %get3A_1984 : vector<1x1x128xf32> to vector<1x128xf32>
    %add3A_1986 = vector.broadcast %get3A_1985 : vector<1x128xf32> to vector<136x128xf32>
    %add3A_1987 = arith.addf %concatenate3A, %add3A_1986 : vector<136x128xf32>
    %swap3A_1988 = arith.constant 26928 : index
    %swap3A_1989 = arith.constant 0 : index
    %swap3A_1990 = vector.load %arg3[%swap3A_1988, %swap3A_1989] : memref<27200x128xf32, #tpu.memory_space<vmem>>, vector<136x128xf32>
    tpu.vector_store %arg3[%swap3A_1988, %swap3A_1989], %add3A_1987 {strides = array<i32>} : memref<27200x128xf32, #tpu.memory_space<vmem>>, vector<136x128xf32>,
    %get3A_1991 = arith.constant 199 : index
    %get3A_1992 = arith.constant 0 : index
    %get3A_1993 = arith.constant 0 : index
    %get3A_1994 = vector.load %arg2[%get3A_1991, %get3A_1992, %get3A_1993] : memref<200x1x128xf32, #tpu.memory_space<vmem>>, vector<1x1x128xf32>
    %get3A_1995 = vector.shape_cast %get3A_1994 : vector<1x1x128xf32> to vector<1x128xf32>
    %add3A_1996 = vector.broadcast %get3A_1995 : vector<1x128xf32> to vector<136x128xf32>
    %add3A_1997 = arith.addf %concatenate3A, %add3A_1996 : vector<136x128xf32>
    %swap3A_1998 = arith.constant 27064 : index
    %swap3A_1999 = arith.constant 0 : index
    %swap3A_2000 = vector.load %arg3[%swap3A_1998, %swap3A_1999] : memref<27200x128xf32, #tpu.memory_space<vmem>>, vector<136x128xf32>
    tpu.vector_store %arg3[%swap3A_1998, %swap3A_1999], %add3A_1997 {strides = array<i32>} : memref<27200x128xf32, #tpu.memory_space<vmem>>, vector<136x128xf32>,
    return
  }
  func.func @transform_0(%arg0: i32) -> (i32, i32) {
    %c0_i32 = arith.constant 0 : i32
    %c0_i32_0 = arith.constant 0 : i32
    %c0_i32_1 = arith.constant 0 : i32
    return %c0_i32, %c0_i32_0 : i32, i32
  }
  func.func @transform_1(%arg0: i32) -> (i32, i32, i32) {
    %c0_i32 = arith.constant 0 : i32
    %c0_i32_0 = arith.constant 0 : i32
    %c0_i32_1 = arith.constant 0 : i32
    %c0_i32_2 = arith.constant 0 : i32
    return %c0_i32, %c0_i32_0, %c0_i32_1 : i32, i32, i32
  }
  func.func @transform_2(%arg0: i32) -> (i32, i32) {
    %c0_i32 = arith.constant 0 : i32
    %c0_i32_0 = arith.constant 0 : i32
    %c0_i32_1 = arith.constant 0 : i32
    return %c0_i32, %c0_i32_0 : i32, i32
  }
}

</mosaic_0001>

<sc_bundles>
// kernel: kernel.4.cloned.1.call-start
scs
__scs_entry_jumppad:
0x0: {  	(pc) =	sbr.rel $0x88, $3  }
0x1: {  	(tag) =	ssettag $0x0;
	lr =	simm.s32 $0x1  }
0x2: {  	[smem:$0x3F9E] =	sst lr;
	_ =	strace $0xD0000000  }
0x3: {  	_ = 	snop  }
0x4: {  	_ = 	snop  }
0x5: {  	_ = 	snop  }
0x6: {  	_ = 	snop  }
0x7: {  	_ = 	snop  }
__scs_overlays_trampoline_lowered:
0x8: {  	[smem:$0x3FAD] =	sst s0  }
0x9: {  	[smem:$0x3FAE] =	sst s1  }
0xa: {  	[smem:$0x3FAF] =	sst s2  }
0xb: {  	[smem:$0x3FB0] =	sst s3  }
0xc: {  	[smem:$0x3FB1] =	sst s4  }
0xd: {  	[smem:$0x3FB2] =	sst s5  }
0xe: {  	[smem:$0x3FB3] =	sst s6  }
0xf: {  	[smem:$0x3FB4] =	sst s7  }
0x10: {  	[smem:$0x3FB5] =	sst s8  }
0x11: {  	[smem:$0x3FB6] =	sst s9;
	s0 =	simm.s32 @!p0 $0x0  }
0x12: {  	s1 =	sld [smem:$0x3F9C];
	s0 =	simm.s32 @p0 $0x1  }
0x13: {  	[smem:$0x3FB7] =	sst s0;
	s0 =	simm.s32 @!p1 $0x0  }
0x14: {  	s2 =	sld [smem:$0x3F9B];
	s0 =	simm.s32 @p1 $0x1  }
0x15: {  	[smem:$0x3FB8] =	sst s0;
	s0 =	simm.s32 @!p2 $0x0  }
0x16: {  	s3 =	sld [smem:$0x3FDB];
	s0 =	simm.s32 @p2 $0x1  }
0x17: {  	s4 =	simm.s32 $0x1BF5;
	[smem:$0x3FBA] =	sst s0  }
0x18: {  	s0 =	sld [smem:$0x3F9D];
	_ =	swait.ge [sflag:s4], $0x0  }
0x19: {  	s7 =	sld [smem:$0x3F9E]  }
0x1a: {  	s8 =	sadd.s32 $0xFFFFE003, lr  }
0x1b: {  	s9 =	sadd.s32 $0xFFFFFEF7, lr;
	s5 =	simm.s32 $0xFFFFFFFF;
	p2 =	slt.u32 s8, $0xFFFFF086  }
0x1c: {  	p1 =	slt.u32 s9, $0xF7A;
	s5 =	simm.s32 @!p2 $0x0  }
0x1d: {  	s5 =	simm.s32 @p1 $0x1;
	p0 =	seq.s32 s7, s2  }
0x1e: {  	s7 =	smul.u32 @!p0 $0xF7A, s2;
	p2 =	seq.s32 @!p0 s5, $0x0  }
0x1f: {  	s9 =	smul.u32 $0xF7A, s1;
	s8 =	simm.s32 @!p0 $0x1BF5;
	p2 =	por !p2, p0  }
0x20: {  	[sflag:s8] =	ssyncset.s32 @!p0 $0xFFFFF086;
	s6 =	sadd.s32 @!p0 s3, s7;
	s7 =	simm.s32 @!p0 $0x108  }
0x21: {  	s3 =	sadd.s32 s3, s9;
	s6 =	sadd.s32 @!p0 $0x88, s6;
	s7 =	simm.s32 @p2 $0x1082  }
0x22: {  	[simem:s7], [sflag:s8] =	dma.local @!p0 [hbm:s6], $0xF7A  }
0x23: {  	s9 =	sor.u32 $0xD0000000, s2;
	s6 =	simm.s32 $0x108;
	_ =	swait.ge @!p0 [sflag:s8], $0x0  }
0x24: {  	s3 =	sadd.s32 $0x88, s3;
	s6 =	simm.s32 @!p1 $0x1082;
	[sflag:s4] =	ssyncset.s32 $0xFFFFF086  }
0x25: {  	[simem:s6], [sflag:s4] =	dma.local [hbm:s3], $0xF7A  }
0x26: {  	[smem:$0x3F9E] =	sst s1;
	(tag) =	ssettag s2;
	_ =	strace s9  }
0x27: {  	s1 =	sld [smem:$0x3FAE]  }
0x28: {  	s2 =	sld [smem:$0x3FAF]  }
0x29: {  	s4 =	sld [smem:$0x3FB1]  }
0x2a: {  	p0 =	seq.s32 s5, $0x0;
	s5 =	sld [smem:$0x3FB2]  }
0x2b: {  	s6 =	sld [smem:$0x3FB3]  }
0x2c: {  	s7 =	sld [smem:$0x3FB4]  }
0x2d: {  	s3 =	simm.s32 $0x108;
	s8 =	sld [smem:$0x3FB5]  }
0x2e: {  	s3 =	simm.s32 @!p0 $0x1082;
	s9 =	sld [smem:$0x3FB6]  }
0x2f: {  	lr =	sadd.s32 s0, s3;
	s0 =	sld [smem:$0x3FAD]  }
0x30: {  	s3 =	sld [smem:$0x3FB0]  }
0x31: {  	[smem:$0x3FB9] =	sst s10  }
0x32: {  	s10 =	sld [smem:$0x3FB7];
	_ =	sdelay $0x3  }
0x33: {  	p0 =	seq.s32 s10, $0x1;
	s10 =	sld [smem:$0x3FB9];
	_ =	sdelay $0x3  }
0x34: {  	[smem:$0x3FB9] =	sst s10  }
0x35: {  	s10 =	sld [smem:$0x3FB8];
	_ =	sdelay $0x3  }
0x36: {  	p1 =	seq.s32 s10, $0x1;
	s10 =	sld [smem:$0x3FB9];
	_ =	sdelay $0x3  }
0x37: {  	[smem:$0x3FB9] =	sst s10  }
0x38: {  	s10 =	sld [smem:$0x3FBA]  }
0x39: {  	_ = 	snop;
	(pc) =	sbr.ind lr, $3  }
0x3a: {  	_ = 	snop  }
0x3b: {  	_ = 	snop  }
0x3c: {  	p2 =	seq.s32 s10, $0x1;
	s10 =	sld [smem:$0x3FB9]  }
0x3d: {  	_ =	shalt  }
0x3e: {  	_ =	shalt  }
0x3f: {  	_ =	shalt  }
0x40: {  	_ =	shalt  }
0x41: {  	_ =	shalt  }
0x42: {  	_ =	shalt  }
0x43: {  	_ =	shalt  }
0x44: {  	_ =	shalt  }
0x45: {  	_ =	shalt  }
0x46: {  	_ =	shalt  }
0x47: {  	_ =	shalt  }
0x48: {  	_ =	shalt  }
0x49: {  	_ =	shalt  }
0x4a: {  	_ =	shalt  }
0x4b: {  	_ =	shalt  }
0x4c: {  	_ =	shalt  }
0x4d: {  	_ =	shalt  }
0x4e: {  	_ =	shalt  }
0x4f: {  	_ =	shalt  }
0x50: {  	_ =	shalt  }
0x51: {  	_ =	shalt  }
0x52: {  	_ =	shalt  }
0x53: {  	_ =	shalt  }
0x54: {  	_ =	shalt  }
0x55: {  	_ =	shalt  }
0x56: {  	_ =	shalt  }
0x57: {  	_ =	shalt  }
0x58: {  	_ =	shalt  }
0x59: {  	_ =	shalt  }
0x5a: {  	_ =	shalt  }
0x5b: {  	_ =	shalt  }
0x5c: {  	_ =	shalt  }
0x5d: {  	_ =	shalt  }
0x5e: {  	_ =	shalt  }
0x5f: {  	_ =	shalt  }
0x60: {  	_ =	shalt  }
0x61: {  	_ =	shalt  }
0x62: {  	_ =	shalt  }
0x63: {  	_ =	shalt  }
0x64: {  	_ =	shalt  }
0x65: {  	_ =	shalt  }
0x66: {  	_ =	shalt  }
0x67: {  	_ =	shalt  }
0x68: {  	_ =	shalt  }
0x69: {  	_ =	shalt  }
0x6a: {  	_ =	shalt  }
0x6b: {  	_ =	shalt  }
0x6c: {  	_ =	shalt  }
0x6d: {  	_ =	shalt  }
0x6e: {  	_ =	shalt  }
0x6f: {  	_ =	shalt  }
0x70: {  	_ =	shalt  }
0x71: {  	_ =	shalt  }
0x72: {  	_ =	shalt  }
0x73: {  	_ =	shalt  }
0x74: {  	_ =	shalt  }
0x75: {  	_ =	shalt  }
0x76: {  	_ =	shalt  }
0x77: {  	_ =	shalt  }
0x78: {  	_ =	shalt  }
0x79: {  	_ =	shalt  }
0x7a: {  	_ =	shalt  }
0x7b: {  	_ =	shalt  }
0x7c: {  	_ =	shalt  }
0x7d: {  	_ =	shalt  }
0x7e: {  	_ =	shalt  }
0x7f: {  	_ =	shalt  }
0x80: {  	_ =	shalt  }
0x81: {  	_ =	shalt  }
0x82: {  	_ =	shalt  }
0x83: {  	_ =	shalt  }
0x84: {  	_ =	shalt  }
0x85: {  	_ =	shalt  }
0x86: {  	_ =	shalt  }
0x87: {  	_ =	shalt  }
.Lfunc_end0:
.L_simem_size_0:
called_computation_lowered:
.L_overlay_start_0:
0x88: {  	s2 =	sld [smem:$0x3FD9]  }
0x89: {  	s3 =	sld [smem:$0x3FFE];
	_ =	sdelay $0x1  }
0x8a: {  	s1 =	srdreg.scid  }
0x8b: {  	s0 =	sand.u32 $0x1, s1  }
0x8c: {  	s17 =	sshll.u32 s0, $0xA;
	s2 =	sadd.s32 s3, s2  }
0x8d: {  	s2 =	sadd.s32 s2, s17  }
0x8e: {  	[smem:$0x3FC5] =	sst s2  }
0x8f: {  	_ = 	snop  }
0x90: {  	s2 =	sld [smem:$0x3FD0];
	(tm) =	ssettm $0x1  }
0x91: {  	s18 =	sld [smem:$0x3FFB];
	_ =	sdelay $0x3  }
0x92: {  	_ =	strace s18  }
0x93: {  	s3 =	sld [smem:$0x3FFC];
	_ =	sdelay $0x3  }
0x94: {  	_ =	strace s3  }
0x95: {  	s3 =	sld [smem:$0x3FFD];
	_ =	sdelay $0x3  }
0x96: {  	_ =	strace s3  }
0x97: {  	_ =	strace $0x8FFFFFFF  }
0x98: {  	s19 =	sld [smem:$0x3FDB];
	_ =	sdelay $0x1  }
0x99: {  	s4 =	simm.s32 $_scs_section_size  }
0x9a: {  	s5 =	simm.s32 $_size__tile_overlayer_lowered;
	s6 =	simm.s32 $_tile_overlayer_lowered  }
0x9b: {  	s22 =	simm.s32 $0x1BFF;
	s21 =	sshll.u32 s6, $0x1;
	s3 =	sadd.s32 s4, s19  }
0x9c: {  	s7 =	simm.s32 $0x0;
	s20 =	sshll.u32 s5, $0x1;
	s5 =	sadd.s32 s21, s3  }
0x9d: {  	[timem:s7], [sflag:s22] =	dma.local [hbm:s5], s20  }
0x9e: {  	_ =	swait.ge [sflag:s22], s20  }
0x9f: {  	s4 =	ssub.s32 $0x0, s20;
	[sflag:s22] =	ssyncset.done $0x0  }
0xa0: {  	[sflag:s22] =	ssyncadd.s32 s4;
	_ =	sdelay $0x1  }
0xa1: {  	s23 =	simm.s32 $0x1B8B  }
0xa2: {  	_ =	swait.ge [sflag:s23], $0x1  }
0xa3: {  	[sflag:s23] =	ssyncset.done $0x0  }
0xa4: {  	s25 =	simm.s32 $0x1B8E;
	s24 =	sld [smem:$0x3FFE];
	[sflag:s23] =	ssyncadd.s32 $0xFFFFFFFF  }
0xa5: {  	s26 =	simm.s32 $execute0_lowered;
	[smem:$0x3FD2] =	sst s25  }
0xa6: {  	s5 =	sshll.u32 s26, $0x1;
	_ =	strace $0x80000046;
	[dreg:$0x1] =	wrdreg $0xFFFFFFFF  }
0xa7: {  	s28 =	simm.s32 $_size_execute0_lowered;
	s3 =	sadd.s32 s3, s5;
	[dreg:$0x0] =	wrdreg $0x0  }
0xa8: {  	s5 =	sshll.u32 s28, $0x1;
	[dreg:$0x2] =	wrdreg s3  }
0xa9: {  	[dreg:$0x3] =	wrdreg s5  }
0xaa: {  	[dreg:$0x4] =	wrdreg $0xC0  }
0xab: {  	_ =	task [dreg:s7], $0x5FFFF  }
0xac: {  	[dreg:$0x1] =	wrdreg $0xFFFFFFFF  }
0xad: {  	[dreg:$0x0] =	wrdreg $0x60  }
0xae: {  	[dreg:$0x2] =	wrdreg s24  }
0xaf: {  	[dreg:$0x3] =	wrdreg s2  }
0xb0: {  	[dreg:$0x4] =	wrdreg $0x9  }
0xb1: {  	_ =	task.clear_ibuf [dreg:s7], $0x5FFFF;
	_ =	strace $0x90000046  }
0xb2: {  	s29 =	simm.s32 $0x9;
	_ =	strace $0x80000048  }
0xb3: {  	_ =	swait.ge [sflag:s29], $0x1  }
0xb4: {  	[sflag:s29] =	ssyncadd.s32 $0xFFFFFFFF  }
0xb5: {  	_ =	strace $0x90000048  }
0xb6: {  	_ =	sfence  }
0xb7: {  	s30 =	sld [smem:$0x0];
	_ =	sdelay $0x2  }
0xb8: {  	s31 =	sshll.u32 s1, $0xD;
	s1 =	sshrl.u32 s1, $0x2  }
0xb9: {  	s3 =	sand.u32 $0x4000, s31;
	s1 =	sadd.s32 s1, s30  }
0xba: {  	s0 =	sor.u32 s3, s0;
	s1 =	sshll.u32 s1, $0x11  }
0xbb: {  	s0 =	sor.u32 s1, s0  }
0xbc: {  	s0 =	sadd.s32 $0x8F2B, s0  }
0xbd: {  	[sflag:s0] =	ssyncadd.remote.s32 $0x1  }
0xbe: {  	_ =	sfence.sel $0xFFFF  }
0xbf: {  	[dreg:$0x0] =	wrdreg $0xFFFFFFFF;
	(pc) =	sbr.abs _section_cstart, $3  }
0xc0: {  	[dreg:$0x1] =	wrdreg $0xFFFFFFFF  }
0xc1: {  	_ =	task.clear_ibuf [dreg:s7], $0x2FFFF;
	_ =	strace $0x9FFFFFFF  }
0xc2: {  	(tm) =	ssettm $0x7FFFFFFF  }
0xc3: {  	_ =	shalt  }
tec
execute0_lowered:
.L_overlay_start_1:
0x0: {  	(tag) =	ssettag $0x1  }
0x1: {  	s0 =	srdreg.scid;
	s4 =	rddreg [dreg:$0x0]  }
0x2: {  	s3 =	stileid.u32;
	s5 =	rddreg [dreg:$0x1];
	s2 =	simm.s32 $0x0  }
0x3: {  	s10 =	simm.s32 $0x80;
	s11 =	simm.s32 $0x7080;
	s12 =	simm.s32 $0xB080  }
0x4: {  	s14 =	simm.s32 $0xF080;
	s16 =	simm.s32 $0x13080;
	s18 =	simm.s32 $0x17080  }
0x5: {  	s19 =	simm.s32 $0x1;
	s20 =	simm.s32 $0x2;
	s21 =	simm.s32 $0x3  }
0x6: {  	s22 =	simm.s32 $0x4;
	s23 =	simm.s32 $0x5;
	s24 =	simm.s32 $0x6  }
0x7: {  	s25 =	simm.s32 $0x7;
	s26 =	simm.s32 $0x8;
	s28 =	simm.s32 $0x9  }
0x8: {  	s0 =	sand.u32 $0x1, s0;
	s1 =	sshll.u32 s3, $0x1;
	s6 =	smul.u32 $0xC8000, s3  }
0x9: {  	s1 =	sor.u32 s0, s1;
	s7 =	ssub.s32 $0x2, s0;
	s0 =	smul.u32 $0x64000, s0  }
0xa: {  	s29 =	simm.s32 $0xA;
	s30 =	simm.s32 $0x0;
	s1 =	smul.u32 $0x6400, s1  }
.Ltmp0:
0xb: {  	[smem:$0x7FF] =	sst s2;
	s3 =	sadd.s32 $0x19A00, s4;
	(pc) =	sbr.rel .LBB2_1-.Ltmp0, $4  }
0xc: {  	_ =	strace $0x80000047;
	s8 =	sshrl.u32 s7, $0x1;
	s6 =	sadd.s32 s6, s5  }
0xd: {  	s7 =	ssub.s32 s7, s8;
	s0 =	sadd.s32 s0, s6;
	s1 =	sshrl.u32 s1, $0x3  }
0xe: {  	s8 =	simm.s32 $0xB;
	s6 =	smax.u32 s7, $0x1;
	s1 =	sadd.s32 s1, s4  }
0xf: {  	s4 =	sadd.s32 $0x800, s4;
	s5 =	sadd.s32 $0xA00, s1;
	s1 =	sadd.s32 $0x2000, s0  }
.LBB2_4:
0x10: {  	_ =	swait.ge [sflag:s24], $0x4000  }
0x11: {  	[sflag:s24] =	ssyncset.done $0x0  }
0x12: {  	[sflag:s24] =	ssyncadd.s32 $0xFFFFC000  }
0x13: {  	_ =	swait.ge [sflag:s25], $0x4000  }
0x14: {  	[sflag:s25] =	ssyncset.done $0x0  }
0x15: {  	[sflag:s25] =	ssyncadd.s32 $0xFFFFC000  }
0x16: {  	_ =	swait.ge [sflag:s26], $0x4000  }
0x17: {  	[sflag:s26] =	ssyncset.done $0x0  }
0x18: {  	s30 =	sadd.s32 $0x1, s30;
	[sflag:s26] =	ssyncadd.s32 $0xFFFFC000  }
0x19: {  	p0 =	sne.s32 s30, s6;
	_ =	swait.ge [sflag:s28], $0x4000  }
.Ltmp1:
0x1a: {  	[sflag:s28] =	ssyncset.done $0x0;
	(pc) =	sbr.rel @!p0 .LBB2_5-.Ltmp1, $4  }
0x1b: {  	[sflag:s28] =	ssyncadd.s32 $0xFFFFC000  }
0x1c: {  	_ =	swait.ge [sflag:s29], $0x4000  }
0x1d: {  	[sflag:s29] =	ssyncset.done $0x0  }
0x1e: {  	[sflag:s29] =	ssyncadd.s32 $0xFFFFC000  }
.LBB2_1:
0x1f: {  	[tilespmem:s2], [sflag:$0xB] =	stream.linear.gather [hbm4b:s5+s2], $0x6400, $0x38;
	[tilespmem:$0x1B080] =	vst v63  }
0x20: {  	_ =	swait.ge [sflag:s8], $0x6400  }
0x21: {  	[sflag:s8] =	ssyncset.done $0x0  }
0x22: {  	s0 =	simm.s32 $0x6400;
	[sflag:s8] =	ssyncadd.s32 $0xFFFF9C00  }
0x23: {  	[tilespmem:s0], [sflag:$0xB] =	stream.linear.gather [hbm4b:s4+s2], $0xC80, $0x38;
	[tilespmem:$0x1B080] =	vst v63  }
0x24: {  	_ =	swait.ge [sflag:s8], $0xC80  }
0x25: {  	[sflag:s8] =	ssyncset.done $0x0  }
0x26: {  	[sflag:s8] =	ssyncadd.s32 $0xFFFFF380  }
0x27: {  	v0 =	vld [tilespmem:$0x0]  }
0x28: {  	v1 =	vld [tilespmem:$0x6400]  }
0x29: {  	v2 =	vld [tilespmem:$0x10]  }
0x2a: {  	v3 =	vld [tilespmem:$0x6410]  }
0x2b: {  	v4 =	vld [tilespmem:$0x20]  }
0x2c: {  	v5 =	vld [tilespmem:$0x6420]  }
0x2d: {  	v6 =	vld [tilespmem:$0x30]  }
0x2e: {  	v7 =	vld [tilespmem:$0x6430]  }
0x2f: {  	v8 =	vld [tilespmem:$0x40]  }
0x30: {  	v9 =	vld [tilespmem:$0x6440]  }
0x31: {  	v10 =	vld [tilespmem:$0x50]  }
0x32: {  	v11 =	vld [tilespmem:$0x6450]  }
0x33: {  	v12 =	vld [tilespmem:$0x60]  }
0x34: {  	v13 =	vld [tilespmem:$0x6460];
	v0 =	vadd.s32 v0, v1  }
0x35: {  	v15 =	vld [tilespmem:$0x70];
	v14 =	vadd.s32 v2, v3;
	[tilespmem:$0x0] =	vst v0  }
0x36: {  	v17 =	vld [tilespmem:$0x6470];
	v16 =	vadd.s32 v4, v5;
	[tilespmem:$0x10] =	vst v14  }
0x37: {  	v18 =	vadd.s32 v6, v7;
	[tilespmem:$0x20] =	vst v16  }
0x38: {  	v19 =	vadd.s32 v8, v9;
	[tilespmem:$0x30] =	vst v18  }
0x39: {  	v20 =	vadd.s32 v10, v11;
	[tilespmem:$0x40] =	vst v19  }
0x3a: {  	v21 =	vadd.s32 v12, v13;
	[tilespmem:$0x50] =	vst v20  }
0x3b: {  	v22 =	vadd.s32 v15, v17;
	[tilespmem:$0x60] =	vst v21  }
0x3c: {  	[tilespmem:$0x70] =	vst v22  }
0x3d: {  	[tilespmem:s11], [sflag:$0x1] =	stream.indirect.gather [hbm4b:s3+s10], $0x80, s2, s10, $0xb8;
	[tilespmem:$0x1B080] =	vst v63  }
0x3e: {  	v23 =	vld [tilespmem:$0x80]  }
0x3f: {  	v24 =	vld [tilespmem:$0x6480]  }
0x40: {  	v25 =	vld [tilespmem:$0x90]  }
0x41: {  	v26 =	vld [tilespmem:$0x6490]  }
0x42: {  	v27 =	vld [tilespmem:$0xA0]  }
0x43: {  	v28 =	vld [tilespmem:$0x64A0]  }
0x44: {  	v29 =	vld [tilespmem:$0xB0]  }
0x45: {  	v30 =	vld [tilespmem:$0x64B0]  }
0x46: {  	v31 =	vld [tilespmem:$0xC0]  }
0x47: {  	v32 =	vld [tilespmem:$0x64C0]  }
0x48: {  	v33 =	vld [tilespmem:$0xD0]  }
0x49: {  	v34 =	vld [tilespmem:$0x64D0]  }
0x4a: {  	v35 =	vld [tilespmem:$0xE0]  }
0x4b: {  	v36 =	vld [tilespmem:$0x64E0];
	v0 =	vadd.s32 v23, v24  }
0x4c: {  	v38 =	vld [tilespmem:$0xF0];
	v37 =	vadd.s32 v25, v26;
	[tilespmem:$0x80] =	vst v0  }
0x4d: {  	v40 =	vld [tilespmem:$0x64F0];
	v39 =	vadd.s32 v27, v28;
	[tilespmem:$0x90] =	vst v37  }
0x4e: {  	v41 =	vadd.s32 v29, v30;
	[tilespmem:$0xA0] =	vst v39  }
0x4f: {  	v42 =	vadd.s32 v31, v32;
	[tilespmem:$0xB0] =	vst v41  }
0x50: {  	v43 =	vadd.s32 v33, v34;
	[tilespmem:$0xC0] =	vst v42  }
0x51: {  	v44 =	vadd.s32 v35, v36;
	[tilespmem:$0xD0] =	vst v43  }
0x52: {  	v45 =	vadd.s32 v38, v40;
	[tilespmem:$0xE0] =	vst v44  }
0x53: {  	[tilespmem:$0xF0] =	vst v45  }
0x54: {  	[tilespmem:s12], [sflag:$0x2] =	stream.indirect.gather [hbm4b:s3+s10], $0x80, s10, s10, $0xb8;
	[tilespmem:$0x1B080] =	vst v63  }
0x55: {  	v46 =	vld [tilespmem:$0x100]  }
0x56: {  	v47 =	vld [tilespmem:$0x6500]  }
0x57: {  	v48 =	vld [tilespmem:$0x110]  }
0x58: {  	v49 =	vld [tilespmem:$0x6510]  }
0x59: {  	v50 =	vld [tilespmem:$0x120]  }
0x5a: {  	v51 =	vld [tilespmem:$0x6520]  }
0x5b: {  	v52 =	vld [tilespmem:$0x130]  }
0x5c: {  	v53 =	vld [tilespmem:$0x6530]  }
0x5d: {  	v54 =	vld [tilespmem:$0x140]  }
0x5e: {  	v55 =	vld [tilespmem:$0x6540]  }
0x5f: {  	v56 =	vld [tilespmem:$0x150]  }
0x60: {  	v57 =	vld [tilespmem:$0x6550]  }
0x61: {  	v58 =	vld [tilespmem:$0x160]  }
0x62: {  	v59 =	vld [tilespmem:$0x6560];
	v0 =	vadd.s32 v46, v47  }
0x63: {  	v61 =	vld [tilespmem:$0x170];
	v60 =	vadd.s32 v48, v49;
	[tilespmem:$0x100] =	vst v0  }
0x64: {  	v63 =	vld [tilespmem:$0x6570];
	v62 =	vadd.s32 v50, v51;
	[tilespmem:$0x110] =	vst v60  }
0x65: {  	v13 =	vadd.s32 v52, v53;
	[tilespmem:$0x120] =	vst v62  }
0x66: {  	v14 =	vadd.s32 v54, v55;
	[tilespmem:$0x130] =	vst v13  }
0x67: {  	v15 =	vadd.s32 v56, v57;
	[tilespmem:$0x140] =	vst v14  }
0x68: {  	v16 =	vadd.s32 v58, v59;
	[tilespmem:$0x150] =	vst v15  }
0x69: {  	v17 =	vadd.s32 v61, v63;
	[tilespmem:$0x160] =	vst v16  }
0x6a: {  	s13 =	simm.s32 $0x100;
	[tilespmem:$0x170] =	vst v17  }
0x6b: {  	[tilespmem:s14], [sflag:$0x3] =	stream.indirect.gather [hbm4b:s3+s10], $0x80, s13, s10, $0xb8;
	[tilespmem:$0x1B080] =	vst v63  }
0x6c: {  	v18 =	vld [tilespmem:$0x180]  }
0x6d: {  	v19 =	vld [tilespmem:$0x6580]  }
0x6e: {  	v20 =	vld [tilespmem:$0x190]  }
0x6f: {  	v21 =	vld [tilespmem:$0x6590]  }
0x70: {  	v22 =	vld [tilespmem:$0x1A0]  }
0x71: {  	v23 =	vld [tilespmem:$0x65A0]  }
0x72: {  	v24 =	vld [tilespmem:$0x1B0]  }
0x73: {  	v25 =	vld [tilespmem:$0x65B0]  }
0x74: {  	v26 =	vld [tilespmem:$0x1C0]  }
0x75: {  	v27 =	vld [tilespmem:$0x65C0]  }
0x76: {  	v28 =	vld [tilespmem:$0x1D0]  }
0x77: {  	v29 =	vld [tilespmem:$0x65D0]  }
0x78: {  	v30 =	vld [tilespmem:$0x1E0]  }
0x79: {  	v31 =	vld [tilespmem:$0x65E0];
	v0 =	vadd.s32 v18, v19  }
0x7a: {  	v33 =	vld [tilespmem:$0x1F0];
	v32 =	vadd.s32 v20, v21;
	[tilespmem:$0x180] =	vst v0  }
0x7b: {  	v35 =	vld [tilespmem:$0x65F0];
	v34 =	vadd.s32 v22, v23;
	[tilespmem:$0x190] =	vst v32  }
0x7c: {  	v36 =	vadd.s32 v24, v25;
	[tilespmem:$0x1A0] =	vst v34  }
0x7d: {  	v37 =	vadd.s32 v26, v27;
	[tilespmem:$0x1B0] =	vst v36  }
0x7e: {  	v38 =	vadd.s32 v28, v29;
	[tilespmem:$0x1C0] =	vst v37  }
0x7f: {  	v39 =	vadd.s32 v30, v31;
	[tilespmem:$0x1D0] =	vst v38  }
0x80: {  	v40 =	vadd.s32 v33, v35;
	[tilespmem:$0x1E0] =	vst v39  }
0x81: {  	s15 =	simm.s32 $0x180;
	[tilespmem:$0x1F0] =	vst v40  }
0x82: {  	[tilespmem:s16], [sflag:$0x4] =	stream.indirect.gather [hbm4b:s3+s10], $0x80, s15, s10, $0xb8;
	[tilespmem:$0x1B080] =	vst v63  }
0x83: {  	v41 =	vld [tilespmem:$0x200]  }
0x84: {  	v42 =	vld [tilespmem:$0x6600]  }
0x85: {  	v43 =	vld [tilespmem:$0x210]  }
0x86: {  	v44 =	vld [tilespmem:$0x6610]  }
0x87: {  	v45 =	vld [tilespmem:$0x220]  }
0x88: {  	v46 =	vld [tilespmem:$0x6620]  }
0x89: {  	v47 =	vld [tilespmem:$0x230]  }
0x8a: {  	v48 =	vld [tilespmem:$0x6630]  }
0x8b: {  	v49 =	vld [tilespmem:$0x240]  }
0x8c: {  	v50 =	vld [tilespmem:$0x6640]  }
0x8d: {  	v51 =	vld [tilespmem:$0x250]  }
0x8e: {  	v52 =	vld [tilespmem:$0x6650]  }
0x8f: {  	v53 =	vld [tilespmem:$0x260]  }
0x90: {  	v54 =	vld [tilespmem:$0x6660];
	v0 =	vadd.s32 v41, v42  }
0x91: {  	v56 =	vld [tilespmem:$0x270];
	v55 =	vadd.s32 v43, v44;
	[tilespmem:$0x200] =	vst v0  }
0x92: {  	v58 =	vld [tilespmem:$0x6670];
	v57 =	vadd.s32 v45, v46;
	[tilespmem:$0x210] =	vst v55  }
0x93: {  	v59 =	vadd.s32 v47, v48;
	[tilespmem:$0x220] =	vst v57  }
0x94: {  	v60 =	vadd.s32 v49, v50;
	[tilespmem:$0x230] =	vst v59  }
0x95: {  	v61 =	vadd.s32 v51, v52;
	[tilespmem:$0x240] =	vst v60  }
0x96: {  	v62 =	vadd.s32 v53, v54;
	[tilespmem:$0x250] =	vst v61  }
0x97: {  	s17 =	simm.s32 $0x200;
	v63 =	vadd.s32 v56, v58;
	[tilespmem:$0x260] =	vst v62  }
0x98: {  	s31 =	simm.s32 $0x0;
	s7 =	smov.u32 s1;
	s0 =	simm.s32 $0x9;
	[tilespmem:$0x270] =	vst v63  }
0x99: {  	[tilespmem:s18], [sflag:$0x5] =	stream.indirect.gather [hbm4b:s3+s10], $0x80, s17, s10, $0xb8;
	[tilespmem:$0x1B080] =	vst v63  }
.LBB2_2:
0x9a: {  	_ =	swait.ge [sflag:s19], $0x4000  }
0x9b: {  	[sflag:s19] =	ssyncset.done $0x0  }
0x9c: {  	s9 =	sadd.s32 $0xFFFFE000, s7;
	[sflag:s19] =	ssyncadd.s32 $0xFFFFC000  }
0x9d: {  	[hbm4b:s9+s2] =	stream.linear.scatter [tilespmem:s11], [sflag:$0x6], $0x4000, $0x38;
	[tilespmem:$0x1B080] =	vst v63  }
0x9e: {  	_ =	swait.ge [sflag:s20], $0x4000  }
0x9f: {  	[sflag:s20] =	ssyncset.done $0x0  }
0xa0: {  	s13 =	sadd.s32 $0xFFFFE800, s7;
	[sflag:s20] =	ssyncadd.s32 $0xFFFFC000  }
0xa1: {  	[hbm4b:s13+s2] =	stream.linear.scatter [tilespmem:s12], [sflag:$0x7], $0x4000, $0x38;
	[tilespmem:$0x1B080] =	vst v63  }
0xa2: {  	_ =	swait.ge [sflag:s21], $0x4000  }
0xa3: {  	[sflag:s21] =	ssyncset.done $0x0  }
0xa4: {  	s15 =	sadd.s32 $0xFFFFF000, s7;
	[sflag:s21] =	ssyncadd.s32 $0xFFFFC000  }
0xa5: {  	[hbm4b:s15+s2] =	stream.linear.scatter [tilespmem:s14], [sflag:$0x8], $0x4000, $0x38;
	[tilespmem:$0x1B080] =	vst v63  }
0xa6: {  	_ =	swait.ge [sflag:s22], $0x4000  }
0xa7: {  	[sflag:s22] =	ssyncset.done $0x0  }
0xa8: {  	s17 =	sadd.s32 $0xFFFFF800, s7;
	p0 =	seq.s32 s31, $0x18600;
	[sflag:s22] =	ssyncadd.s32 $0xFFFFC000  }
0xa9: {  	[hbm4b:s17+s2] =	stream.linear.scatter [tilespmem:s16], [sflag:$0x9], $0x4000, $0x38;
	[tilespmem:$0x1B080] =	vst v63  }
.Ltmp2:
0xaa: {  	_ = 	snop;
	(pc) =	sbr.rel @p0 .LBB2_4-.Ltmp2, $4  }
0xab: {  	_ =	swait.ge [sflag:s23], $0x4000  }
0xac: {  	[sflag:s23] =	ssyncset.done $0x0  }
0xad: {  	[sflag:s23] =	ssyncadd.s32 $0xFFFFC000  }
0xae: {  	[hbm4b:s7+s2] =	stream.linear.scatter [tilespmem:s18], [sflag:$0xA], $0x4000, $0x38;
	[tilespmem:$0x1B080] =	vst v63  }
0xaf: {  	s9 =	sadd.s32 $0xFFFFFFFC, s0  }
0xb0: {  	s13 =	sand.u32 $0xFF, s9  }
0xb1: {  	s13 =	smul.u32 $0x29, s13;
	_ =	sdelay $0x1  }
0xb2: {  	s13 =	sshrl.u32 s13, $0xA  }
0xb3: {  	s13 =	smul.u32 $0x19, s13  }
0xb4: {  	_ =	swait.ge [sflag:s24], $0x4000  }
0xb5: {  	[sflag:s24] =	ssyncset.done $0x0;
	s9 =	ssub.s32 s9, s13  }
0xb6: {  	[sflag:s24] =	ssyncadd.s32 $0xFFFFC000;
	s13 =	sand.u32 $0xFF, s9;
	s9 =	sshra.s32 s31, $0x2  }
0xb7: {  	v0 =	vld [tilespmem:s9+$0x280];
	s13 =	sshll.u32 s13, $0x7  }
0xb8: {  	v1 =	vld [tilespmem:s13+$0x6400];
	_ =	sdelay $0x4  }
0xb9: {  	v0 =	vadd.s32 v0, v1  }
0xba: {  	v46 =	vld [tilespmem:s9+$0x290];
	[tilespmem:s9+$0x280] =	vst v0  }
0xbb: {  	v47 =	vld [tilespmem:s13+$0x6410];
	_ =	sdelay $0x4  }
0xbc: {  	v0 =	vadd.s32 v46, v47  }
0xbd: {  	v48 =	vld [tilespmem:s9+$0x2A0];
	[tilespmem:s9+$0x290] =	vst v0  }
0xbe: {  	v49 =	vld [tilespmem:s13+$0x6420];
	_ =	sdelay $0x4  }
0xbf: {  	v0 =	vadd.s32 v48, v49  }
0xc0: {  	v50 =	vld [tilespmem:s9+$0x2B0];
	[tilespmem:s9+$0x2A0] =	vst v0  }
0xc1: {  	v51 =	vld [tilespmem:s13+$0x6430];
	_ =	sdelay $0x4  }
0xc2: {  	v0 =	vadd.s32 v50, v51  }
0xc3: {  	v52 =	vld [tilespmem:s9+$0x2C0];
	[tilespmem:s9+$0x2B0] =	vst v0  }
0xc4: {  	v53 =	vld [tilespmem:s13+$0x6440];
	_ =	sdelay $0x4  }
0xc5: {  	v0 =	vadd.s32 v52, v53  }
0xc6: {  	v54 =	vld [tilespmem:s9+$0x2D0];
	[tilespmem:s9+$0x2C0] =	vst v0  }
0xc7: {  	v55 =	vld [tilespmem:s13+$0x6450];
	_ =	sdelay $0x4  }
0xc8: {  	v0 =	vadd.s32 v54, v55  }
0xc9: {  	v56 =	vld [tilespmem:s9+$0x2E0];
	[tilespmem:s9+$0x2D0] =	vst v0  }
0xca: {  	v57 =	vld [tilespmem:s13+$0x6460];
	_ =	sdelay $0x4  }
0xcb: {  	v0 =	vadd.s32 v56, v57  }
0xcc: {  	v58 =	vld [tilespmem:s9+$0x2F0];
	[tilespmem:s9+$0x2E0] =	vst v0  }
0xcd: {  	v59 =	vld [tilespmem:s13+$0x6470]  }
0xce: {  	s13 =	sadd.s32 $0xFFFFFFFD, s0  }
0xcf: {  	s15 =	sand.u32 $0xFF, s13  }
0xd0: {  	s15 =	smul.u32 $0x29, s15;
	_ =	sdelay $0x1  }
0xd1: {  	s15 =	sshrl.u32 s15, $0xA;
	v0 =	vadd.s32 v58, v59  }
0xd2: {  	s17 =	sadd.s32 $0x280, s9;
	s15 =	smul.u32 $0x19, s15;
	[tilespmem:s9+$0x2F0] =	vst v0  }
0xd3: {  	[tilespmem:s11], [sflag:$0x1] =	stream.indirect.gather [hbm4b:s3+s10], $0x80, s17, s10, $0xb8;
	[tilespmem:$0x1B080] =	vst v63  }
0xd4: {  	_ =	swait.ge [sflag:s25], $0x4000  }
0xd5: {  	s13 =	ssub.s32 s13, s15;
	[sflag:s25] =	ssyncset.done $0x0  }
0xd6: {  	s13 =	sand.u32 $0xFF, s13;
	[sflag:s25] =	ssyncadd.s32 $0xFFFFC000  }
0xd7: {  	s13 =	sshll.u32 s13, $0x7;
	v60 =	vld [tilespmem:s9+$0x300]  }
0xd8: {  	v61 =	vld [tilespmem:s13+$0x6400];
	_ =	sdelay $0x4  }
0xd9: {  	v0 =	vadd.s32 v60, v61  }
0xda: {  	v62 =	vld [tilespmem:s9+$0x310];
	[tilespmem:s9+$0x300] =	vst v0  }
0xdb: {  	v63 =	vld [tilespmem:s13+$0x6410];
	_ =	sdelay $0x4  }
0xdc: {  	v0 =	vadd.s32 v62, v63  }
0xdd: {  	v4 =	vld [tilespmem:s9+$0x320];
	[tilespmem:s9+$0x310] =	vst v0  }
0xde: {  	v5 =	vld [tilespmem:s13+$0x6420];
	_ =	sdelay $0x4  }
0xdf: {  	v0 =	vadd.s32 v4, v5  }
0xe0: {  	v6 =	vld [tilespmem:s9+$0x330];
	[tilespmem:s9+$0x320] =	vst v0  }
0xe1: {  	v7 =	vld [tilespmem:s13+$0x6430];
	_ =	sdelay $0x4  }
0xe2: {  	v0 =	vadd.s32 v6, v7  }
0xe3: {  	v8 =	vld [tilespmem:s9+$0x340];
	[tilespmem:s9+$0x330] =	vst v0  }
0xe4: {  	v9 =	vld [tilespmem:s13+$0x6440];
	_ =	sdelay $0x4  }
0xe5: {  	v0 =	vadd.s32 v8, v9  }
0xe6: {  	v10 =	vld [tilespmem:s9+$0x350];
	[tilespmem:s9+$0x340] =	vst v0  }
0xe7: {  	v11 =	vld [tilespmem:s13+$0x6450];
	_ =	sdelay $0x4  }
0xe8: {  	v0 =	vadd.s32 v10, v11  }
0xe9: {  	v12 =	vld [tilespmem:s9+$0x360];
	[tilespmem:s9+$0x350] =	vst v0  }
0xea: {  	v13 =	vld [tilespmem:s13+$0x6460];
	_ =	sdelay $0x4  }
0xeb: {  	v0 =	vadd.s32 v12, v13  }
0xec: {  	v14 =	vld [tilespmem:s9+$0x370];
	[tilespmem:s9+$0x360] =	vst v0  }
0xed: {  	v15 =	vld [tilespmem:s13+$0x6470]  }
0xee: {  	s13 =	sadd.s32 $0xFFFFFFFE, s0  }
0xef: {  	s15 =	sand.u32 $0xFF, s13  }
0xf0: {  	s15 =	smul.u32 $0x29, s15;
	_ =	sdelay $0x1  }
0xf1: {  	s15 =	sshrl.u32 s15, $0xA;
	v0 =	vadd.s32 v14, v15  }
0xf2: {  	s17 =	sadd.s32 $0x300, s9;
	s15 =	smul.u32 $0x19, s15;
	[tilespmem:s9+$0x370] =	vst v0  }
0xf3: {  	[tilespmem:s12], [sflag:$0x2] =	stream.indirect.gather [hbm4b:s3+s10], $0x80, s17, s10, $0xb8;
	[tilespmem:$0x1B080] =	vst v63  }
0xf4: {  	_ =	swait.ge [sflag:s26], $0x4000  }
0xf5: {  	s13 =	ssub.s32 s13, s15;
	[sflag:s26] =	ssyncset.done $0x0  }
0xf6: {  	s13 =	sand.u32 $0xFF, s13;
	[sflag:s26] =	ssyncadd.s32 $0xFFFFC000  }
0xf7: {  	s13 =	sshll.u32 s13, $0x7;
	v16 =	vld [tilespmem:s9+$0x380]  }
0xf8: {  	v17 =	vld [tilespmem:s13+$0x6400];
	_ =	sdelay $0x4  }
0xf9: {  	v0 =	vadd.s32 v16, v17  }
0xfa: {  	v18 =	vld [tilespmem:s9+$0x390];
	[tilespmem:s9+$0x380] =	vst v0  }
0xfb: {  	v19 =	vld [tilespmem:s13+$0x6410];
	_ =	sdelay $0x4  }
0xfc: {  	v0 =	vadd.s32 v18, v19  }
0xfd: {  	v20 =	vld [tilespmem:s9+$0x3A0];
	[tilespmem:s9+$0x390] =	vst v0  }
0xfe: {  	v21 =	vld [tilespmem:s13+$0x6420];
	_ =	sdelay $0x4  }
0xff: {  	v0 =	vadd.s32 v20, v21  }
0x100: {  	v22 =	vld [tilespmem:s9+$0x3B0];
	[tilespmem:s9+$0x3A0] =	vst v0  }
0x101: {  	v23 =	vld [tilespmem:s13+$0x6430];
	_ =	sdelay $0x4  }
0x102: {  	v0 =	vadd.s32 v22, v23  }
0x103: {  	v24 =	vld [tilespmem:s9+$0x3C0];
	[tilespmem:s9+$0x3B0] =	vst v0  }
0x104: {  	v25 =	vld [tilespmem:s13+$0x6440];
	_ =	sdelay $0x4  }
0x105: {  	v0 =	vadd.s32 v24, v25  }
0x106: {  	v26 =	vld [tilespmem:s9+$0x3D0];
	[tilespmem:s9+$0x3C0] =	vst v0  }
0x107: {  	v27 =	vld [tilespmem:s13+$0x6450];
	_ =	sdelay $0x4  }
0x108: {  	v0 =	vadd.s32 v26, v27  }
0x109: {  	v28 =	vld [tilespmem:s9+$0x3E0];
	[tilespmem:s9+$0x3D0] =	vst v0  }
0x10a: {  	v29 =	vld [tilespmem:s13+$0x6460];
	_ =	sdelay $0x4  }
0x10b: {  	v0 =	vadd.s32 v28, v29  }
0x10c: {  	v30 =	vld [tilespmem:s9+$0x3F0];
	[tilespmem:s9+$0x3E0] =	vst v0  }
0x10d: {  	v31 =	vld [tilespmem:s13+$0x6470]  }
0x10e: {  	s13 =	sadd.s32 $0xFFFFFFFF, s0  }
0x10f: {  	s15 =	sand.u32 $0xFF, s13  }
0x110: {  	s15 =	smul.u32 $0x29, s15;
	_ =	sdelay $0x1  }
0x111: {  	s15 =	sshrl.u32 s15, $0xA;
	v0 =	vadd.s32 v30, v31  }
0x112: {  	s17 =	sadd.s32 $0x380, s9;
	s15 =	smul.u32 $0x19, s15;
	[tilespmem:s9+$0x3F0] =	vst v0  }
0x113: {  	[tilespmem:s14], [sflag:$0x3] =	stream.indirect.gather [hbm4b:s3+s10], $0x80, s17, s10, $0xb8;
	[tilespmem:$0x1B080] =	vst v63  }
0x114: {  	_ =	swait.ge [sflag:s28], $0x4000  }
0x115: {  	s13 =	ssub.s32 s13, s15;
	[sflag:s28] =	ssyncset.done $0x0  }
0x116: {  	s13 =	sand.u32 $0xFF, s13;
	[sflag:s28] =	ssyncadd.s32 $0xFFFFC000  }
0x117: {  	s13 =	sshll.u32 s13, $0x7;
	v32 =	vld [tilespmem:s9+$0x400]  }
0x118: {  	v33 =	vld [tilespmem:s13+$0x6400];
	_ =	sdelay $0x4  }
0x119: {  	v0 =	vadd.s32 v32, v33  }
0x11a: {  	v34 =	vld [tilespmem:s9+$0x410];
	[tilespmem:s9+$0x400] =	vst v0  }
0x11b: {  	v35 =	vld [tilespmem:s13+$0x6410];
	_ =	sdelay $0x4  }
0x11c: {  	v0 =	vadd.s32 v34, v35  }
0x11d: {  	v36 =	vld [tilespmem:s9+$0x420];
	[tilespmem:s9+$0x410] =	vst v0  }
0x11e: {  	v37 =	vld [tilespmem:s13+$0x6420];
	_ =	sdelay $0x4  }
0x11f: {  	v0 =	vadd.s32 v36, v37  }
0x120: {  	v38 =	vld [tilespmem:s9+$0x430];
	[tilespmem:s9+$0x420] =	vst v0  }
0x121: {  	v39 =	vld [tilespmem:s13+$0x6430];
	_ =	sdelay $0x4  }
0x122: {  	v0 =	vadd.s32 v38, v39  }
0x123: {  	v40 =	vld [tilespmem:s9+$0x440];
	[tilespmem:s9+$0x430] =	vst v0  }
0x124: {  	v41 =	vld [tilespmem:s13+$0x6440];
	_ =	sdelay $0x4  }
0x125: {  	v0 =	vadd.s32 v40, v41  }
0x126: {  	v42 =	vld [tilespmem:s9+$0x450];
	[tilespmem:s9+$0x440] =	vst v0  }
0x127: {  	v43 =	vld [tilespmem:s13+$0x6450];
	_ =	sdelay $0x4  }
0x128: {  	v0 =	vadd.s32 v42, v43  }
0x129: {  	v44 =	vld [tilespmem:s9+$0x460];
	[tilespmem:s9+$0x450] =	vst v0  }
0x12a: {  	v45 =	vld [tilespmem:s13+$0x6460];
	_ =	sdelay $0x4  }
0x12b: {  	v0 =	vadd.s32 v44, v45  }
0x12c: {  	v46 =	vld [tilespmem:s9+$0x470];
	[tilespmem:s9+$0x460] =	vst v0  }
0x12d: {  	v47 =	vld [tilespmem:s13+$0x6470];
	_ =	sdelay $0x1  }
0x12e: {  	s15 =	sand.u32 $0xFF, s0  }
0x12f: {  	s13 =	smul.u32 $0x29, s15;
	_ =	sdelay $0x1  }
0x130: {  	s13 =	sshrl.u32 s13, $0xA;
	v0 =	vadd.s32 v46, v47  }
0x131: {  	s17 =	sadd.s32 $0x400, s9;
	s13 =	smul.u32 $0x19, s13;
	[tilespmem:s9+$0x470] =	vst v0  }
0x132: {  	[tilespmem:s16], [sflag:$0x4] =	stream.indirect.gather [hbm4b:s3+s10], $0x80, s17, s10, $0xb8;
	[tilespmem:$0x1B080] =	vst v63  }
0x133: {  	_ =	swait.ge [sflag:s29], $0x4000  }
0x134: {  	s13 =	ssub.s32 s0, s13;
	[sflag:s29] =	ssyncset.done $0x0  }
0x135: {  	s13 =	sand.u32 $0xFF, s13;
	[sflag:s29] =	ssyncadd.s32 $0xFFFFC000  }
0x136: {  	s13 =	sshll.u32 s13, $0x7;
	v48 =	vld [tilespmem:s9+$0x480]  }
0x137: {  	v49 =	vld [tilespmem:s13+$0x6400];
	_ =	sdelay $0x4  }
0x138: {  	v0 =	vadd.s32 v48, v49  }
0x139: {  	v50 =	vld [tilespmem:s9+$0x490];
	[tilespmem:s9+$0x480] =	vst v0  }
0x13a: {  	v51 =	vld [tilespmem:s13+$0x6410];
	_ =	sdelay $0x4  }
0x13b: {  	v0 =	vadd.s32 v50, v51  }
0x13c: {  	v52 =	vld [tilespmem:s9+$0x4A0];
	[tilespmem:s9+$0x490] =	vst v0  }
0x13d: {  	v53 =	vld [tilespmem:s13+$0x6420];
	_ =	sdelay $0x4  }
0x13e: {  	v0 =	vadd.s32 v52, v53  }
0x13f: {  	v54 =	vld [tilespmem:s9+$0x4B0];
	[tilespmem:s9+$0x4A0] =	vst v0  }
0x140: {  	v55 =	vld [tilespmem:s13+$0x6430];
	_ =	sdelay $0x4  }
0x141: {  	v0 =	vadd.s32 v54, v55  }
0x142: {  	v56 =	vld [tilespmem:s9+$0x4C0];
	[tilespmem:s9+$0x4B0] =	vst v0  }
0x143: {  	v57 =	vld [tilespmem:s13+$0x6440];
	_ =	sdelay $0x4  }
0x144: {  	v0 =	vadd.s32 v56, v57  }
0x145: {  	v58 =	vld [tilespmem:s9+$0x4D0];
	[tilespmem:s9+$0x4C0] =	vst v0  }
0x146: {  	v59 =	vld [tilespmem:s13+$0x6450];
	_ =	sdelay $0x4  }
0x147: {  	v0 =	vadd.s32 v58, v59  }
0x148: {  	v60 =	vld [tilespmem:s9+$0x4E0];
	[tilespmem:s9+$0x4D0] =	vst v0  }
0x149: {  	v61 =	vld [tilespmem:s13+$0x6460];
	_ =	sdelay $0x4  }
0x14a: {  	v0 =	vadd.s32 v60, v61  }
0x14b: {  	v62 =	vld [tilespmem:s9+$0x4F0];
	[tilespmem:s9+$0x4E0] =	vst v0  }
0x14c: {  	v63 =	vld [tilespmem:s13+$0x6470];
	_ =	sdelay $0x2  }
.Ltmp3:
0x14d: {  	_ = 	snop;
	(pc) =	sbr.rel .LBB2_2-.Ltmp3, $4  }
0x14e: {  	_ = 	snop  }
0x14f: {  	s7 =	sadd.s32 $0x2800, s7;
	v0 =	vadd.s32 v62, v63  }
0x150: {  	s31 =	sadd.s32 $0xA00, s31;
	s0 =	sadd.s32 $0x5, s0;
	s17 =	sadd.s32 $0x480, s9;
	[tilespmem:s9+$0x4F0] =	vst v0  }
0x151: {  	[tilespmem:s18], [sflag:$0x5] =	stream.indirect.gather [hbm4b:s3+s10], $0x80, s17, s10, $0xb8;
	[tilespmem:$0x1B080] =	vst v63  }
.LBB2_5:
0x152: {  	_ =	sfence.sel $0x180000  }
0x153: {  	[bflag:$0x0] =	sbarrier.arrive $0xFFFF  }
0x154: {  	_ =	strace $0x90000047  }
0x155: {  	s0 =	stileid.u32;
	[bflag:$0x2] =	sbarrier.arrive $0xFFFF  }
0x156: {  	p0 =	sne.s32 s0, $0x0;
	s0 =	rddreg [dreg:$0x2]  }
0x157: {  	s0 =	sadd.s32 @!p0 $0x100000, s0  }
0x158: {  	[sflag:s0] =	ssyncadd.tile.s32 @!p0 $0x1;
	_ =	shalt  }
.Lfunc_end2:
_tile_overlayer_lowered:
.L_overlay_start_2:
0x159: {  	(tag) =	ssettag $0x2  }
0x15a: {  	s0 =	rddreg [dreg:$0x0];
	s2 =	stileid.u32  }
0x15b: {  	s1 =	rddreg [dreg:$0x1];
	p0 =	sne.s32 s2, $0x0  }
0x15c: {  	s3 =	rddreg [dreg:$0x2];
	[bflag:$0x3] =	sbarrier.arrive $0xFFFF;
	s2 =	simm.s32 @!p0 $0x1C0B  }
0x15d: {  	[timem:s3], [sflag:s2] =	dma.local @!p0 [hbm:s0], s1  }
0x15e: {  	s0 =	simm.s32 @!p0 $0xB  }
0x15f: {  	_ =	swait.ge @!p0 [sflag:s0], s1  }
0x160: {  	s1 =	ssub.s32 @!p0 $0x0, s1;
	[sflag:s0] =	ssyncset.done @!p0 $0x0  }
0x161: {  	[sflag:s0] =	ssyncadd.s32 @!p0 s1  }
0x162: {  	[bflag:$0x3] =	sbarrier.arrive $0xFFFF  }
0x163: {  	_ =	shalt  }

</sc_bundles>
